<compile_context>
chip_gen: v7x
topology: tpu7x:2x2x1
jax: 0.10.2.dev20260603
libtpu: 0.0.44.dev20260713+nightly
codegen_flags: <defaults>
</compile_context>

<pallas_src>
import jax
import jax.numpy as jnp
from jax import lax
from jax.experimental import pallas as pl
from jax.experimental.pallas import tpu as pltpu
from jax.experimental.pallas import tpu_sc as plsc

NC = 2
NS = 16
NW = NC * NS

IDXW = 128


def _retile_values(values, F, BL, H):
    RPF = BL // IDXW

    def body(in_ref, out_ref):
        v = in_ref[...].reshape(F * RPF, IDXW)
        out_ref[...] = jnp.where(v < H, v * 4, (v - H) * 4 + 1)

    return pl.pallas_call(
        body,
        out_shape=jax.ShapeDtypeStruct((F * RPF, IDXW), jnp.int32),
    )(values)


def _pad_tables(tables, F, V, D, f0, nf):
    tt = jnp.transpose(tables, (0, 2, 1))
    VC = 2176
    NJ = 23
    H = NJ * VC
    bp = jnp.transpose(
        jnp.pad(tables[:, H + (NJ - 1) * VC:, :],
                ((0, 0), (0, 2 * H - V), (0, 0))),
        (0, 2, 1))

    def body(in_ref, b_ref, out_ref):
        j = pl.program_id(1)
        xa = in_ref[0, :, pl.ds(j * VC, VC)]
        out_ref[:, pl.ds(0, D)] = xa.T

        @pl.when(j < NJ - 1)
        def _():
            xb = in_ref[0, :, pl.ds(H + j * VC, VC)]
            out_ref[:, pl.ds(D, D)] = xb.T

        @pl.when(j == NJ - 1)
        def _():
            out_ref[:, pl.ds(D, D)] = b_ref[0].T

    padded = pl.pallas_call(
        body,
        grid=(nf, NJ),
        in_specs=[
            pl.BlockSpec((1, D, V), lambda f, j: (f0 + f, 0, 0)),
            pl.BlockSpec((1, D, VC), lambda f, j: (f0 + f, 0, 0)),
        ],
        out_specs=pl.BlockSpec((VC, 128), lambda f, j: (f * NJ + j, 0)),
        out_shape=jax.ShapeDtypeStruct((nf * H, 128), jnp.float32),
    )(tt, bp)
    return padded.reshape(nf, (128 // D) * H, D)


def _make_kernel(F, B, L, V, D, F0):
    CB = 64
    CHUNKS = (F * B) // CB
    PER_W = CHUNKS // NW
    CPB = B // CB
    RPC = (CB * L) // IDXW
    assert CHUNKS % NW == 0 and (CB * L) % IDXW == 0

    mesh = plsc.VectorSubcoreMesh(core_axis_name="c", subcore_axis_name="s")

    def run(vals2d, tables):
        @pl.kernel(
            out_type=jax.ShapeDtypeStruct((F * B, D), jnp.float32),
            mesh=mesh,
            scratch_types=[
                pltpu.VMEM((RPC, IDXW), jnp.int32),
                pltpu.VMEM((CB * L, D), jnp.float32),
                pltpu.VMEM((CB, D), jnp.float32),
                pltpu.SemaphoreType.DMA,
            ],
            compiler_params=pltpu.CompilerParams(use_tc_tiling_on_sc=False),
        )
        def body(vals_hbm, tab_hbm, out_hbm, idx_v, rows_v, out_v, gsem):
            wid = lax.axis_index("s") * NC + lax.axis_index("c")

            def chunk_body(g, carry):
                c = wid * PER_W + g
                f = c // CPB
                pltpu.sync_copy(
                    vals_hbm.at[pl.ds((F0 * CPB + c) * RPC, RPC)], idx_v)
                copies = [
                    pltpu.async_copy(
                        tab_hbm.at[f].at[idx_v.at[j]],
                        rows_v.at[pl.ds(j * IDXW, IDXW)],
                        gsem,
                    )
                    for j in range(RPC)
                ]
                for cp in copies:
                    cp.wait()

                def bag(i, carry2):
                    r0 = i * L
                    acc0 = rows_v[r0, pl.ds(0, 16)]
                    acc1 = rows_v[r0, pl.ds(16, 16)]
                    for l in range(1, L):
                        acc0 += rows_v[r0 + l, pl.ds(0, 16)]
                        acc1 += rows_v[r0 + l, pl.ds(16, 16)]
                    out_v[i, pl.ds(0, 16)] = acc0
                    out_v[i, pl.ds(16, 16)] = acc1
                    return carry2

                lax.fori_loop(0, CB, bag, 0)
                pltpu.sync_copy(out_v, out_hbm.at[pl.ds(c * CB, CB)])
                return carry

            lax.fori_loop(0, PER_W, chunk_body, 0)

        return body(vals2d, tables)

    return run


def kernel(values, offsets, tables):
    F, BL = values.shape
    Fv, V, D = tables.shape
    B = offsets.shape[0] - 1
    L = BL // B
    vals2d = _retile_values(values, F, BL, 23 * 2176)
    bounds = [0, 7, 14, 20, 26] if F == 26 else [0, F]
    pieces = []
    for f0, f1 in zip(bounds[:-1], bounds[1:]):
        tlin = _pad_tables(tables, F, V, D, f0, f1 - f0)
        run = _make_kernel(f1 - f0, B, L, tlin.shape[1], D, f0)
        pieces.append(run(vals2d, tlin))
    pooled = jnp.concatenate(pieces, axis=0)
    return pooled.reshape(F, B, D).transpose(1, 0, 2).reshape(B, F * D)

# --- scband reference (transcript-rebuilt; emitter-appended) ---
"""Pipeline reference for scband-embedding-bag-collection-15676630630539 (READ-ONLY COPY).

The authoritative reference and input builder live on the scoring server;
editing this copy changes nothing except your own understanding.
"""

import jax, jax.numpy as jnp
import numpy as np

F = 26   # number of features / tables
B = 4096 # batch size
L = 20   # bag length (uniform jagged lengths)
V = 100000  # vocab per table
D = 32   # embedding dim


def setup_inputs(seed: int = 0) -> dict:
    key = jax.random.key(seed)
    k1, k2 = jax.random.split(key)
    # KJT values flattened per feature: [F, B*L]
    values = jax.random.randint(k1, (F, B * L), 0, V, dtype=jnp.int32)
    # include_last_offset=True style offsets, shared across features (uniform L)
    offsets = jnp.arange(B + 1, dtype=jnp.int32) * L
    # one embedding table per EmbeddingBagConfig: [F, V, D]
    tables = jax.random.normal(k2, (F, V, D), dtype=jnp.float32) * 0.01
    return {"values": values, "offsets": offsets, "tables": tables}


def reference(values, offsets, tables):
    # EmbeddingBagCollection.forward: for each table/feature, EmbeddingBag
    # with mode='sum' and include_last_offset=True, then concat along dim 1.
    Fn, Vn, Dn = tables.shape
    Bn = offsets.shape[0] - 1
    lengths = offsets[1:] - offsets[:-1]
    seg_ids = jnp.repeat(jnp.arange(Bn), lengths, total_repeat_length=values.shape[1])

    def pool_one(tbl, vals):
        gathered = jnp.take(tbl, vals, axis=0)            # [B*L, D] gather
        return jax.ops.segment_sum(gathered, seg_ids, num_segments=Bn)  # [B, D] pooled

    pooled = jax.vmap(pool_one)(tables, values)  # [F, B, D]
    # KeyedTensor values: concat per-feature pooled embeddings -> [B, F*D]
    data = jnp.transpose(pooled, (1, 0, 2)).reshape(Bn, Fn * Dn)
    return data

if __name__ == "__main__":
    import jax
    _d = setup_inputs()
    print(jax.jit(kernel)(*tuple(_d.values())))

</pallas_src>

<mosaic_0001>
#map = affine_map<(d0, d1) -> (0, 0)>
#map1 = affine_map<(d0, d1) -> (0, 0, 0)>
module attributes {stable_mosaic.version = 14 : i64} {
  func.func @body(%arg0: i32, %arg1: i32, %arg2: memref<16640x128xi32, #tpu.memory_space<hbm>>, %arg3: memref<7x200192x32xf32, #tpu.memory_space<hbm>>, %arg4: memref<28672x32xf32, #tpu.memory_space<hbm>>, %arg5: memref<10x128xi32, #tpu.memory_space<vmem>>, %arg6: memref<1280x32xf32, #tpu.memory_space<vmem>>, %arg7: memref<64x32xf32, #tpu.memory_space<vmem>>, %arg8: memref<!tpu.dma_semaphore, #tpu.memory_space<semaphore_mem>>) attributes {dimension_semantics = [#tpu.dimension_semantics<core_parallel>, #tpu.dimension_semantics<subcore_parallel>], iteration_bounds = array<i64: 2, 16>, scalar_prefetch = 0 : i64, scratch_operands = 4 : i64, tpu.core_type = #tpu.core_type<sc_vector_subcore>, window_params = [{transform_indices = #map}, {transform_indices = #map1}, {transform_indices = #map}]} {
    %mul3A = arith.constant 2 : i32
    %mul3A_0 = arith.muli %arg1, %mul3A : i32
    %add3A = arith.addi %mul3A_0, %arg0 : i32
    %scan3A = arith.constant 0 : i32
    %scan3A_1 = arith.constant 0 : i32
    %scan3A_2 = arith.constant 14 : i32
    %scan3A_3 = arith.addi %scan3A_1, %scan3A_2 : i32
    %scan3A_4 = arith.constant 1 : i32
    scf.for %scan3A_6 = %scan3A_1 to %scan3A_3 step %scan3A_4  : i32 {
      %mul3A_7 = arith.constant 14 : i32
      %mul3A_8 = arith.muli %add3A, %mul3A_7 : i32
      %add3A_9 = arith.addi %mul3A_8, %scan3A_6 : i32
      %jit3A = arith.constant 64 : i32
      %div3A = arith.divsi %add3A_9, %jit3A : i32
      %sign3A = arith.constant 0 : i32
      %sign3A_10 = arith.cmpi sgt, %add3A_9, %sign3A : i32
      %sign3A_11 = arith.extui %sign3A_10 : i1 to i32
      %sign3A_12 = arith.constant 0 : i32
      %sign3A_13 = arith.cmpi slt, %add3A_9, %sign3A_12 : i32
      %sign3A_14 = arith.extui %sign3A_13 : i1 to i32
      %sign3A_15 = arith.subi %sign3A_11, %sign3A_14 : i32
      %sign3A_16 = arith.constant 0 : i32
      %sign3A_17 = arith.cmpi sgt, %jit3A, %sign3A_16 : i32
      %sign3A_18 = arith.extui %sign3A_17 : i1 to i32
      %sign3A_19 = arith.constant 0 : i32
      %sign3A_20 = arith.cmpi slt, %jit3A, %sign3A_19 : i32
      %sign3A_21 = arith.extui %sign3A_20 : i1 to i32
      %sign3A_22 = arith.subi %sign3A_18, %sign3A_21 : i32
      %ne3A = arith.cmpi ne, %sign3A_15, %sign3A_22 : i32
      %rem3A = arith.remsi %add3A_9, %jit3A : i32
      %ne3A_23 = arith.constant 0 : i32
      %ne3A_24 = arith.cmpi ne, %rem3A, %ne3A_23 : i32
      %and3A = arith.andi %ne3A, %ne3A_24 : i1
      %sub3A = arith.constant 1 : i32
      %sub3A_25 = arith.subi %div3A, %sub3A : i32
      %select_n3A = arith.select %and3A, %sub3A_25, %div3A : i32
      %add3A_26 = arith.constant 0 : i32
      %add3A_27 = arith.addi %add3A_26, %add3A_9 : i32
      %mul3A_28 = arith.constant 10 : i32
      %mul3A_29 = arith.muli %add3A_27, %mul3A_28 : i32
      "tpu.region"() ({
        %run_scoped3A = tpu.sem_alloc : memref<!tpu.dma_semaphore, #tpu.memory_space<semaphore_mem>>
        %dma_start3A_316 = arith.constant 0 : i32
        %dma_start3A_317 = tpu.memref_slice %arg2[%mul3A_29, %dma_start3A_316] : memref<16640x128xi32, #tpu.memory_space<hbm>> -> memref<10x128xi32, #tpu.memory_space<hbm>>
        %dma_start3A_318 = arith.constant 0 : i32
        %dma_start3A_319 = tpu.memref_slice %arg2[%mul3A_29, %dma_start3A_318] : memref<16640x128xi32, #tpu.memory_space<hbm>> -> memref<10x128xi32, #tpu.memory_space<hbm>>
        tpu.enqueue_dma source(%dma_start3A_319 : memref<10x128xi32, #tpu.memory_space<hbm>>) target(%arg5 : memref<10x128xi32, #tpu.memory_space<vmem>>) target_semaphore(%run_scoped3A : memref<!tpu.dma_semaphore, #tpu.memory_space<semaphore_mem>>)
        %dma_wait3A_320 = arith.constant 0 : i32
        %dma_wait3A_321 = tpu.memref_slice %arg2[%mul3A_29, %dma_wait3A_320] : memref<16640x128xi32, #tpu.memory_space<hbm>> -> memref<10x128xi32, #tpu.memory_space<hbm>>
        %dma_wait3A_322 = arith.constant 0 : i32
        %dma_wait3A_323 = tpu.memref_slice %arg2[%mul3A_29, %dma_wait3A_322] : memref<16640x128xi32, #tpu.memory_space<hbm>> -> memref<10x128xi32, #tpu.memory_space<hbm>>
        tpu.wait_dma2 semaphore(%run_scoped3A : memref<!tpu.dma_semaphore, #tpu.memory_space<semaphore_mem>>) src(%dma_wait3A_323 : memref<10x128xi32, #tpu.memory_space<hbm>>) dst(%arg5 : memref<10x128xi32, #tpu.memory_space<vmem>>)
        tpu.yield
      }) : () -> ()
      %dma_start3A = arith.constant 0 : i32
      %dma_start3A_30 = arith.constant 0 : i32
      %dma_start3A_31 = arith.constant 0 : i32
      %dma_start3A_32 = tpu.memref_slice %arg6[%dma_start3A_30, %dma_start3A_31] : memref<1280x32xf32, #tpu.memory_space<vmem>> -> memref<128x32xf32, #tpu.memory_space<vmem>>
      %dma_start3A_33 = arith.constant 0 : i32
      %dma_start3A_34 = tpu.memref_slice %arg5[%dma_start3A, %dma_start3A_33] : memref<10x128xi32, #tpu.memory_space<vmem>> -> memref<1x128xi32, #tpu.memory_space<vmem>>
      %dma_start3A_35 = tpu.memref_squeeze %dma_start3A_34 : memref<1x128xi32, #tpu.memory_space<vmem>> -> memref<128xi32, #tpu.memory_space<vmem>>
      %dma_start3A_36 = arith.constant 0 : i32
      %dma_start3A_37 = arith.constant 0 : i32
      %dma_start3A_38 = tpu.memref_slice %arg3[%select_n3A, %dma_start3A_36, %dma_start3A_37] : memref<7x200192x32xf32, #tpu.memory_space<hbm>> -> memref<1x200192x32xf32, #tpu.memory_space<hbm>>
      %dma_start3A_39 = tpu.memref_squeeze %dma_start3A_38 : memref<1x200192x32xf32, #tpu.memory_space<hbm>> -> memref<200192x32xf32, #tpu.memory_space<hbm>>
      %dma_start3A_40 = arith.constant 0 : i32
      %dma_start3A_41 = arith.constant 0 : i32
      %dma_start3A_42 = tpu.memref_slice %dma_start3A_39[%dma_start3A_40, %dma_start3A_41] : memref<200192x32xf32, #tpu.memory_space<hbm>> -> memref<200192x32xf32, #tpu.memory_space<hbm>>
      tpu.enqueue_indirect_dma source(%dma_start3A_42 : memref<200192x32xf32, #tpu.memory_space<hbm>>) target(%dma_start3A_32 : memref<128x32xf32, #tpu.memory_space<vmem>>) offsets(%dma_start3A_35 : memref<128xi32, #tpu.memory_space<vmem>>) semaphore(%arg8 : memref<!tpu.dma_semaphore, #tpu.memory_space<semaphore_mem>>)
      %dma_start3A_43 = arith.constant 1 : i32
      %dma_start3A_44 = arith.constant 128 : i32
      %dma_start3A_45 = arith.constant 0 : i32
      %dma_start3A_46 = tpu.memref_slice %arg6[%dma_start3A_44, %dma_start3A_45] : memref<1280x32xf32, #tpu.memory_space<vmem>> -> memref<128x32xf32, #tpu.memory_space<vmem>>
      %dma_start3A_47 = arith.constant 0 : i32
      %dma_start3A_48 = tpu.memref_slice %arg5[%dma_start3A_43, %dma_start3A_47] : memref<10x128xi32, #tpu.memory_space<vmem>> -> memref<1x128xi32, #tpu.memory_space<vmem>>
      %dma_start3A_49 = tpu.memref_squeeze %dma_start3A_48 : memref<1x128xi32, #tpu.memory_space<vmem>> -> memref<128xi32, #tpu.memory_space<vmem>>
      %dma_start3A_50 = arith.constant 0 : i32
      %dma_start3A_51 = arith.constant 0 : i32
      %dma_start3A_52 = tpu.memref_slice %arg3[%select_n3A, %dma_start3A_50, %dma_start3A_51] : memref<7x200192x32xf32, #tpu.memory_space<hbm>> -> memref<1x200192x32xf32, #tpu.memory_space<hbm>>
      %dma_start3A_53 = tpu.memref_squeeze %dma_start3A_52 : memref<1x200192x32xf32, #tpu.memory_space<hbm>> -> memref<200192x32xf32, #tpu.memory_space<hbm>>
      %dma_start3A_54 = arith.constant 0 : i32
      %dma_start3A_55 = arith.constant 0 : i32
      %dma_start3A_56 = tpu.memref_slice %dma_start3A_53[%dma_start3A_54, %dma_start3A_55] : memref<200192x32xf32, #tpu.memory_space<hbm>> -> memref<200192x32xf32, #tpu.memory_space<hbm>>
      tpu.enqueue_indirect_dma source(%dma_start3A_56 : memref<200192x32xf32, #tpu.memory_space<hbm>>) target(%dma_start3A_46 : memref<128x32xf32, #tpu.memory_space<vmem>>) offsets(%dma_start3A_49 : memref<128xi32, #tpu.memory_space<vmem>>) semaphore(%arg8 : memref<!tpu.dma_semaphore, #tpu.memory_space<semaphore_mem>>)
      %dma_start3A_57 = arith.constant 2 : i32
      %dma_start3A_58 = arith.constant 256 : i32
      %dma_start3A_59 = arith.constant 0 : i32
      %dma_start3A_60 = tpu.memref_slice %arg6[%dma_start3A_58, %dma_start3A_59] : memref<1280x32xf32, #tpu.memory_space<vmem>> -> memref<128x32xf32, #tpu.memory_space<vmem>>
      %dma_start3A_61 = arith.constant 0 : i32
      %dma_start3A_62 = tpu.memref_slice %arg5[%dma_start3A_57, %dma_start3A_61] : memref<10x128xi32, #tpu.memory_space<vmem>> -> memref<1x128xi32, #tpu.memory_space<vmem>>
      %dma_start3A_63 = tpu.memref_squeeze %dma_start3A_62 : memref<1x128xi32, #tpu.memory_space<vmem>> -> memref<128xi32, #tpu.memory_space<vmem>>
      %dma_start3A_64 = arith.constant 0 : i32
      %dma_start3A_65 = arith.constant 0 : i32
      %dma_start3A_66 = tpu.memref_slice %arg3[%select_n3A, %dma_start3A_64, %dma_start3A_65] : memref<7x200192x32xf32, #tpu.memory_space<hbm>> -> memref<1x200192x32xf32, #tpu.memory_space<hbm>>
      %dma_start3A_67 = tpu.memref_squeeze %dma_start3A_66 : memref<1x200192x32xf32, #tpu.memory_space<hbm>> -> memref<200192x32xf32, #tpu.memory_space<hbm>>
      %dma_start3A_68 = arith.constant 0 : i32
      %dma_start3A_69 = arith.constant 0 : i32
      %dma_start3A_70 = tpu.memref_slice %dma_start3A_67[%dma_start3A_68, %dma_start3A_69] : memref<200192x32xf32, #tpu.memory_space<hbm>> -> memref<200192x32xf32, #tpu.memory_space<hbm>>
      tpu.enqueue_indirect_dma source(%dma_start3A_70 : memref<200192x32xf32, #tpu.memory_space<hbm>>) target(%dma_start3A_60 : memref<128x32xf32, #tpu.memory_space<vmem>>) offsets(%dma_start3A_63 : memref<128xi32, #tpu.memory_space<vmem>>) semaphore(%arg8 : memref<!tpu.dma_semaphore, #tpu.memory_space<semaphore_mem>>)
      %dma_start3A_71 = arith.constant 3 : i32
      %dma_start3A_72 = arith.constant 384 : i32
      %dma_start3A_73 = arith.constant 0 : i32
      %dma_start3A_74 = tpu.memref_slice %arg6[%dma_start3A_72, %dma_start3A_73] : memref<1280x32xf32, #tpu.memory_space<vmem>> -> memref<128x32xf32, #tpu.memory_space<vmem>>
      %dma_start3A_75 = arith.constant 0 : i32
      %dma_start3A_76 = tpu.memref_slice %arg5[%dma_start3A_71, %dma_start3A_75] : memref<10x128xi32, #tpu.memory_space<vmem>> -> memref<1x128xi32, #tpu.memory_space<vmem>>
      %dma_start3A_77 = tpu.memref_squeeze %dma_start3A_76 : memref<1x128xi32, #tpu.memory_space<vmem>> -> memref<128xi32, #tpu.memory_space<vmem>>
      %dma_start3A_78 = arith.constant 0 : i32
      %dma_start3A_79 = arith.constant 0 : i32
      %dma_start3A_80 = tpu.memref_slice %arg3[%select_n3A, %dma_start3A_78, %dma_start3A_79] : memref<7x200192x32xf32, #tpu.memory_space<hbm>> -> memref<1x200192x32xf32, #tpu.memory_space<hbm>>
      %dma_start3A_81 = tpu.memref_squeeze %dma_start3A_80 : memref<1x200192x32xf32, #tpu.memory_space<hbm>> -> memref<200192x32xf32, #tpu.memory_space<hbm>>
      %dma_start3A_82 = arith.constant 0 : i32
      %dma_start3A_83 = arith.constant 0 : i32
      %dma_start3A_84 = tpu.memref_slice %dma_start3A_81[%dma_start3A_82, %dma_start3A_83] : memref<200192x32xf32, #tpu.memory_space<hbm>> -> memref<200192x32xf32, #tpu.memory_space<hbm>>
      tpu.enqueue_indirect_dma source(%dma_start3A_84 : memref<200192x32xf32, #tpu.memory_space<hbm>>) target(%dma_start3A_74 : memref<128x32xf32, #tpu.memory_space<vmem>>) offsets(%dma_start3A_77 : memref<128xi32, #tpu.memory_space<vmem>>) semaphore(%arg8 : memref<!tpu.dma_semaphore, #tpu.memory_space<semaphore_mem>>)
      %dma_start3A_85 = arith.constant 4 : i32
      %dma_start3A_86 = arith.constant 512 : i32
      %dma_start3A_87 = arith.constant 0 : i32
      %dma_start3A_88 = tpu.memref_slice %arg6[%dma_start3A_86, %dma_start3A_87] : memref<1280x32xf32, #tpu.memory_space<vmem>> -> memref<128x32xf32, #tpu.memory_space<vmem>>
      %dma_start3A_89 = arith.constant 0 : i32
      %dma_start3A_90 = tpu.memref_slice %arg5[%dma_start3A_85, %dma_start3A_89] : memref<10x128xi32, #tpu.memory_space<vmem>> -> memref<1x128xi32, #tpu.memory_space<vmem>>
      %dma_start3A_91 = tpu.memref_squeeze %dma_start3A_90 : memref<1x128xi32, #tpu.memory_space<vmem>> -> memref<128xi32, #tpu.memory_space<vmem>>
      %dma_start3A_92 = arith.constant 0 : i32
      %dma_start3A_93 = arith.constant 0 : i32
      %dma_start3A_94 = tpu.memref_slice %arg3[%select_n3A, %dma_start3A_92, %dma_start3A_93] : memref<7x200192x32xf32, #tpu.memory_space<hbm>> -> memref<1x200192x32xf32, #tpu.memory_space<hbm>>
      %dma_start3A_95 = tpu.memref_squeeze %dma_start3A_94 : memref<1x200192x32xf32, #tpu.memory_space<hbm>> -> memref<200192x32xf32, #tpu.memory_space<hbm>>
      %dma_start3A_96 = arith.constant 0 : i32
      %dma_start3A_97 = arith.constant 0 : i32
      %dma_start3A_98 = tpu.memref_slice %dma_start3A_95[%dma_start3A_96, %dma_start3A_97] : memref<200192x32xf32, #tpu.memory_space<hbm>> -> memref<200192x32xf32, #tpu.memory_space<hbm>>
      tpu.enqueue_indirect_dma source(%dma_start3A_98 : memref<200192x32xf32, #tpu.memory_space<hbm>>) target(%dma_start3A_88 : memref<128x32xf32, #tpu.memory_space<vmem>>) offsets(%dma_start3A_91 : memref<128xi32, #tpu.memory_space<vmem>>) semaphore(%arg8 : memref<!tpu.dma_semaphore, #tpu.memory_space<semaphore_mem>>)
      %dma_start3A_99 = arith.constant 5 : i32
      %dma_start3A_100 = arith.constant 640 : i32
      %dma_start3A_101 = arith.constant 0 : i32
      %dma_start3A_102 = tpu.memref_slice %arg6[%dma_start3A_100, %dma_start3A_101] : memref<1280x32xf32, #tpu.memory_space<vmem>> -> memref<128x32xf32, #tpu.memory_space<vmem>>
      %dma_start3A_103 = arith.constant 0 : i32
      %dma_start3A_104 = tpu.memref_slice %arg5[%dma_start3A_99, %dma_start3A_103] : memref<10x128xi32, #tpu.memory_space<vmem>> -> memref<1x128xi32, #tpu.memory_space<vmem>>
      %dma_start3A_105 = tpu.memref_squeeze %dma_start3A_104 : memref<1x128xi32, #tpu.memory_space<vmem>> -> memref<128xi32, #tpu.memory_space<vmem>>
      %dma_start3A_106 = arith.constant 0 : i32
      %dma_start3A_107 = arith.constant 0 : i32
      %dma_start3A_108 = tpu.memref_slice %arg3[%select_n3A, %dma_start3A_106, %dma_start3A_107] : memref<7x200192x32xf32, #tpu.memory_space<hbm>> -> memref<1x200192x32xf32, #tpu.memory_space<hbm>>
      %dma_start3A_109 = tpu.memref_squeeze %dma_start3A_108 : memref<1x200192x32xf32, #tpu.memory_space<hbm>> -> memref<200192x32xf32, #tpu.memory_space<hbm>>
      %dma_start3A_110 = arith.constant 0 : i32
      %dma_start3A_111 = arith.constant 0 : i32
      %dma_start3A_112 = tpu.memref_slice %dma_start3A_109[%dma_start3A_110, %dma_start3A_111] : memref<200192x32xf32, #tpu.memory_space<hbm>> -> memref<200192x32xf32, #tpu.memory_space<hbm>>
      tpu.enqueue_indirect_dma source(%dma_start3A_112 : memref<200192x32xf32, #tpu.memory_space<hbm>>) target(%dma_start3A_102 : memref<128x32xf32, #tpu.memory_space<vmem>>) offsets(%dma_start3A_105 : memref<128xi32, #tpu.memory_space<vmem>>) semaphore(%arg8 : memref<!tpu.dma_semaphore, #tpu.memory_space<semaphore_mem>>)
      %dma_start3A_113 = arith.constant 6 : i32
      %dma_start3A_114 = arith.constant 768 : i32
      %dma_start3A_115 = arith.constant 0 : i32
      %dma_start3A_116 = tpu.memref_slice %arg6[%dma_start3A_114, %dma_start3A_115] : memref<1280x32xf32, #tpu.memory_space<vmem>> -> memref<128x32xf32, #tpu.memory_space<vmem>>
      %dma_start3A_117 = arith.constant 0 : i32
      %dma_start3A_118 = tpu.memref_slice %arg5[%dma_start3A_113, %dma_start3A_117] : memref<10x128xi32, #tpu.memory_space<vmem>> -> memref<1x128xi32, #tpu.memory_space<vmem>>
      %dma_start3A_119 = tpu.memref_squeeze %dma_start3A_118 : memref<1x128xi32, #tpu.memory_space<vmem>> -> memref<128xi32, #tpu.memory_space<vmem>>
      %dma_start3A_120 = arith.constant 0 : i32
      %dma_start3A_121 = arith.constant 0 : i32
      %dma_start3A_122 = tpu.memref_slice %arg3[%select_n3A, %dma_start3A_120, %dma_start3A_121] : memref<7x200192x32xf32, #tpu.memory_space<hbm>> -> memref<1x200192x32xf32, #tpu.memory_space<hbm>>
      %dma_start3A_123 = tpu.memref_squeeze %dma_start3A_122 : memref<1x200192x32xf32, #tpu.memory_space<hbm>> -> memref<200192x32xf32, #tpu.memory_space<hbm>>
      %dma_start3A_124 = arith.constant 0 : i32
      %dma_start3A_125 = arith.constant 0 : i32
      %dma_start3A_126 = tpu.memref_slice %dma_start3A_123[%dma_start3A_124, %dma_start3A_125] : memref<200192x32xf32, #tpu.memory_space<hbm>> -> memref<200192x32xf32, #tpu.memory_space<hbm>>
      tpu.enqueue_indirect_dma source(%dma_start3A_126 : memref<200192x32xf32, #tpu.memory_space<hbm>>) target(%dma_start3A_116 : memref<128x32xf32, #tpu.memory_space<vmem>>) offsets(%dma_start3A_119 : memref<128xi32, #tpu.memory_space<vmem>>) semaphore(%arg8 : memref<!tpu.dma_semaphore, #tpu.memory_space<semaphore_mem>>)
      %dma_start3A_127 = arith.constant 7 : i32
      %dma_start3A_128 = arith.constant 896 : i32
      %dma_start3A_129 = arith.constant 0 : i32
      %dma_start3A_130 = tpu.memref_slice %arg6[%dma_start3A_128, %dma_start3A_129] : memref<1280x32xf32, #tpu.memory_space<vmem>> -> memref<128x32xf32, #tpu.memory_space<vmem>>
      %dma_start3A_131 = arith.constant 0 : i32
      %dma_start3A_132 = tpu.memref_slice %arg5[%dma_start3A_127, %dma_start3A_131] : memref<10x128xi32, #tpu.memory_space<vmem>> -> memref<1x128xi32, #tpu.memory_space<vmem>>
      %dma_start3A_133 = tpu.memref_squeeze %dma_start3A_132 : memref<1x128xi32, #tpu.memory_space<vmem>> -> memref<128xi32, #tpu.memory_space<vmem>>
      %dma_start3A_134 = arith.constant 0 : i32
      %dma_start3A_135 = arith.constant 0 : i32
      %dma_start3A_136 = tpu.memref_slice %arg3[%select_n3A, %dma_start3A_134, %dma_start3A_135] : memref<7x200192x32xf32, #tpu.memory_space<hbm>> -> memref<1x200192x32xf32, #tpu.memory_space<hbm>>
      %dma_start3A_137 = tpu.memref_squeeze %dma_start3A_136 : memref<1x200192x32xf32, #tpu.memory_space<hbm>> -> memref<200192x32xf32, #tpu.memory_space<hbm>>
      %dma_start3A_138 = arith.constant 0 : i32
      %dma_start3A_139 = arith.constant 0 : i32
      %dma_start3A_140 = tpu.memref_slice %dma_start3A_137[%dma_start3A_138, %dma_start3A_139] : memref<200192x32xf32, #tpu.memory_space<hbm>> -> memref<200192x32xf32, #tpu.memory_space<hbm>>
      tpu.enqueue_indirect_dma source(%dma_start3A_140 : memref<200192x32xf32, #tpu.memory_space<hbm>>) target(%dma_start3A_130 : memref<128x32xf32, #tpu.memory_space<vmem>>) offsets(%dma_start3A_133 : memref<128xi32, #tpu.memory_space<vmem>>) semaphore(%arg8 : memref<!tpu.dma_semaphore, #tpu.memory_space<semaphore_mem>>)
      %dma_start3A_141 = arith.constant 8 : i32
      %dma_start3A_142 = arith.constant 1024 : i32
      %dma_start3A_143 = arith.constant 0 : i32
      %dma_start3A_144 = tpu.memref_slice %arg6[%dma_start3A_142, %dma_start3A_143] : memref<1280x32xf32, #tpu.memory_space<vmem>> -> memref<128x32xf32, #tpu.memory_space<vmem>>
      %dma_start3A_145 = arith.constant 0 : i32
      %dma_start3A_146 = tpu.memref_slice %arg5[%dma_start3A_141, %dma_start3A_145] : memref<10x128xi32, #tpu.memory_space<vmem>> -> memref<1x128xi32, #tpu.memory_space<vmem>>
      %dma_start3A_147 = tpu.memref_squeeze %dma_start3A_146 : memref<1x128xi32, #tpu.memory_space<vmem>> -> memref<128xi32, #tpu.memory_space<vmem>>
      %dma_start3A_148 = arith.constant 0 : i32
      %dma_start3A_149 = arith.constant 0 : i32
      %dma_start3A_150 = tpu.memref_slice %arg3[%select_n3A, %dma_start3A_148, %dma_start3A_149] : memref<7x200192x32xf32, #tpu.memory_space<hbm>> -> memref<1x200192x32xf32, #tpu.memory_space<hbm>>
      %dma_start3A_151 = tpu.memref_squeeze %dma_start3A_150 : memref<1x200192x32xf32, #tpu.memory_space<hbm>> -> memref<200192x32xf32, #tpu.memory_space<hbm>>
      %dma_start3A_152 = arith.constant 0 : i32
      %dma_start3A_153 = arith.constant 0 : i32
      %dma_start3A_154 = tpu.memref_slice %dma_start3A_151[%dma_start3A_152, %dma_start3A_153] : memref<200192x32xf32, #tpu.memory_space<hbm>> -> memref<200192x32xf32, #tpu.memory_space<hbm>>
      tpu.enqueue_indirect_dma source(%dma_start3A_154 : memref<200192x32xf32, #tpu.memory_space<hbm>>) target(%dma_start3A_144 : memref<128x32xf32, #tpu.memory_space<vmem>>) offsets(%dma_start3A_147 : memref<128xi32, #tpu.memory_space<vmem>>) semaphore(%arg8 : memref<!tpu.dma_semaphore, #tpu.memory_space<semaphore_mem>>)
      %dma_start3A_155 = arith.constant 9 : i32
      %dma_start3A_156 = arith.constant 1152 : i32
      %dma_start3A_157 = arith.constant 0 : i32
      %dma_start3A_158 = tpu.memref_slice %arg6[%dma_start3A_156, %dma_start3A_157] : memref<1280x32xf32, #tpu.memory_space<vmem>> -> memref<128x32xf32, #tpu.memory_space<vmem>>
      %dma_start3A_159 = arith.constant 0 : i32
      %dma_start3A_160 = tpu.memref_slice %arg5[%dma_start3A_155, %dma_start3A_159] : memref<10x128xi32, #tpu.memory_space<vmem>> -> memref<1x128xi32, #tpu.memory_space<vmem>>
      %dma_start3A_161 = tpu.memref_squeeze %dma_start3A_160 : memref<1x128xi32, #tpu.memory_space<vmem>> -> memref<128xi32, #tpu.memory_space<vmem>>
      %dma_start3A_162 = arith.constant 0 : i32
      %dma_start3A_163 = arith.constant 0 : i32
      %dma_start3A_164 = tpu.memref_slice %arg3[%select_n3A, %dma_start3A_162, %dma_start3A_163] : memref<7x200192x32xf32, #tpu.memory_space<hbm>> -> memref<1x200192x32xf32, #tpu.memory_space<hbm>>
      %dma_start3A_165 = tpu.memref_squeeze %dma_start3A_164 : memref<1x200192x32xf32, #tpu.memory_space<hbm>> -> memref<200192x32xf32, #tpu.memory_space<hbm>>
      %dma_start3A_166 = arith.constant 0 : i32
      %dma_start3A_167 = arith.constant 0 : i32
      %dma_start3A_168 = tpu.memref_slice %dma_start3A_165[%dma_start3A_166, %dma_start3A_167] : memref<200192x32xf32, #tpu.memory_space<hbm>> -> memref<200192x32xf32, #tpu.memory_space<hbm>>
      tpu.enqueue_indirect_dma source(%dma_start3A_168 : memref<200192x32xf32, #tpu.memory_space<hbm>>) target(%dma_start3A_158 : memref<128x32xf32, #tpu.memory_space<vmem>>) offsets(%dma_start3A_161 : memref<128xi32, #tpu.memory_space<vmem>>) semaphore(%arg8 : memref<!tpu.dma_semaphore, #tpu.memory_space<semaphore_mem>>)
      %dma_wait3A = arith.constant 0 : i32
      %dma_wait3A_169 = arith.constant 0 : i32
      %dma_wait3A_170 = arith.constant 0 : i32
      %dma_wait3A_171 = tpu.memref_slice %arg6[%dma_wait3A_169, %dma_wait3A_170] : memref<1280x32xf32, #tpu.memory_space<vmem>> -> memref<128x32xf32, #tpu.memory_space<vmem>>
      %dma_wait3A_172 = arith.constant 0 : i32
      %dma_wait3A_173 = tpu.memref_slice %arg5[%dma_wait3A, %dma_wait3A_172] : memref<10x128xi32, #tpu.memory_space<vmem>> -> memref<1x128xi32, #tpu.memory_space<vmem>>
      %dma_wait3A_174 = tpu.memref_squeeze %dma_wait3A_173 : memref<1x128xi32, #tpu.memory_space<vmem>> -> memref<128xi32, #tpu.memory_space<vmem>>
      %dma_wait3A_175 = arith.constant 0 : i32
      %dma_wait3A_176 = arith.constant 0 : i32
      %dma_wait3A_177 = tpu.memref_slice %arg3[%select_n3A, %dma_wait3A_175, %dma_wait3A_176] : memref<7x200192x32xf32, #tpu.memory_space<hbm>> -> memref<1x200192x32xf32, #tpu.memory_space<hbm>>
      %dma_wait3A_178 = tpu.memref_squeeze %dma_wait3A_177 : memref<1x200192x32xf32, #tpu.memory_space<hbm>> -> memref<200192x32xf32, #tpu.memory_space<hbm>>
      %dma_wait3A_179 = arith.constant 0 : i32
      %dma_wait3A_180 = arith.constant 0 : i32
      %dma_wait3A_181 = tpu.memref_slice %dma_wait3A_178[%dma_wait3A_179, %dma_wait3A_180] : memref<200192x32xf32, #tpu.memory_space<hbm>> -> memref<200192x32xf32, #tpu.memory_space<hbm>>
      tpu.wait_indirect_dma semaphore(%arg8 : memref<!tpu.dma_semaphore, #tpu.memory_space<semaphore_mem>>) src(%dma_wait3A_181 : memref<200192x32xf32, #tpu.memory_space<hbm>>) dst(%dma_wait3A_171 : memref<128x32xf32, #tpu.memory_space<vmem>>)
      %dma_wait3A_182 = arith.constant 1 : i32
      %dma_wait3A_183 = arith.constant 128 : i32
      %dma_wait3A_184 = arith.constant 0 : i32
      %dma_wait3A_185 = tpu.memref_slice %arg6[%dma_wait3A_183, %dma_wait3A_184] : memref<1280x32xf32, #tpu.memory_space<vmem>> -> memref<128x32xf32, #tpu.memory_space<vmem>>
      %dma_wait3A_186 = arith.constant 0 : i32
      %dma_wait3A_187 = tpu.memref_slice %arg5[%dma_wait3A_182, %dma_wait3A_186] : memref<10x128xi32, #tpu.memory_space<vmem>> -> memref<1x128xi32, #tpu.memory_space<vmem>>
      %dma_wait3A_188 = tpu.memref_squeeze %dma_wait3A_187 : memref<1x128xi32, #tpu.memory_space<vmem>> -> memref<128xi32, #tpu.memory_space<vmem>>
      %dma_wait3A_189 = arith.constant 0 : i32
      %dma_wait3A_190 = arith.constant 0 : i32
      %dma_wait3A_191 = tpu.memref_slice %arg3[%select_n3A, %dma_wait3A_189, %dma_wait3A_190] : memref<7x200192x32xf32, #tpu.memory_space<hbm>> -> memref<1x200192x32xf32, #tpu.memory_space<hbm>>
      %dma_wait3A_192 = tpu.memref_squeeze %dma_wait3A_191 : memref<1x200192x32xf32, #tpu.memory_space<hbm>> -> memref<200192x32xf32, #tpu.memory_space<hbm>>
      %dma_wait3A_193 = arith.constant 0 : i32
      %dma_wait3A_194 = arith.constant 0 : i32
      %dma_wait3A_195 = tpu.memref_slice %dma_wait3A_192[%dma_wait3A_193, %dma_wait3A_194] : memref<200192x32xf32, #tpu.memory_space<hbm>> -> memref<200192x32xf32, #tpu.memory_space<hbm>>
      tpu.wait_indirect_dma semaphore(%arg8 : memref<!tpu.dma_semaphore, #tpu.memory_space<semaphore_mem>>) src(%dma_wait3A_195 : memref<200192x32xf32, #tpu.memory_space<hbm>>) dst(%dma_wait3A_185 : memref<128x32xf32, #tpu.memory_space<vmem>>)
      %dma_wait3A_196 = arith.constant 2 : i32
      %dma_wait3A_197 = arith.constant 256 : i32
      %dma_wait3A_198 = arith.constant 0 : i32
      %dma_wait3A_199 = tpu.memref_slice %arg6[%dma_wait3A_197, %dma_wait3A_198] : memref<1280x32xf32, #tpu.memory_space<vmem>> -> memref<128x32xf32, #tpu.memory_space<vmem>>
      %dma_wait3A_200 = arith.constant 0 : i32
      %dma_wait3A_201 = tpu.memref_slice %arg5[%dma_wait3A_196, %dma_wait3A_200] : memref<10x128xi32, #tpu.memory_space<vmem>> -> memref<1x128xi32, #tpu.memory_space<vmem>>
      %dma_wait3A_202 = tpu.memref_squeeze %dma_wait3A_201 : memref<1x128xi32, #tpu.memory_space<vmem>> -> memref<128xi32, #tpu.memory_space<vmem>>
      %dma_wait3A_203 = arith.constant 0 : i32
      %dma_wait3A_204 = arith.constant 0 : i32
      %dma_wait3A_205 = tpu.memref_slice %arg3[%select_n3A, %dma_wait3A_203, %dma_wait3A_204] : memref<7x200192x32xf32, #tpu.memory_space<hbm>> -> memref<1x200192x32xf32, #tpu.memory_space<hbm>>
      %dma_wait3A_206 = tpu.memref_squeeze %dma_wait3A_205 : memref<1x200192x32xf32, #tpu.memory_space<hbm>> -> memref<200192x32xf32, #tpu.memory_space<hbm>>
      %dma_wait3A_207 = arith.constant 0 : i32
      %dma_wait3A_208 = arith.constant 0 : i32
      %dma_wait3A_209 = tpu.memref_slice %dma_wait3A_206[%dma_wait3A_207, %dma_wait3A_208] : memref<200192x32xf32, #tpu.memory_space<hbm>> -> memref<200192x32xf32, #tpu.memory_space<hbm>>
      tpu.wait_indirect_dma semaphore(%arg8 : memref<!tpu.dma_semaphore, #tpu.memory_space<semaphore_mem>>) src(%dma_wait3A_209 : memref<200192x32xf32, #tpu.memory_space<hbm>>) dst(%dma_wait3A_199 : memref<128x32xf32, #tpu.memory_space<vmem>>)
      %dma_wait3A_210 = arith.constant 3 : i32
      %dma_wait3A_211 = arith.constant 384 : i32
      %dma_wait3A_212 = arith.constant 0 : i32
      %dma_wait3A_213 = tpu.memref_slice %arg6[%dma_wait3A_211, %dma_wait3A_212] : memref<1280x32xf32, #tpu.memory_space<vmem>> -> memref<128x32xf32, #tpu.memory_space<vmem>>
      %dma_wait3A_214 = arith.constant 0 : i32
      %dma_wait3A_215 = tpu.memref_slice %arg5[%dma_wait3A_210, %dma_wait3A_214] : memref<10x128xi32, #tpu.memory_space<vmem>> -> memref<1x128xi32, #tpu.memory_space<vmem>>
      %dma_wait3A_216 = tpu.memref_squeeze %dma_wait3A_215 : memref<1x128xi32, #tpu.memory_space<vmem>> -> memref<128xi32, #tpu.memory_space<vmem>>
      %dma_wait3A_217 = arith.constant 0 : i32
      %dma_wait3A_218 = arith.constant 0 : i32
      %dma_wait3A_219 = tpu.memref_slice %arg3[%select_n3A, %dma_wait3A_217, %dma_wait3A_218] : memref<7x200192x32xf32, #tpu.memory_space<hbm>> -> memref<1x200192x32xf32, #tpu.memory_space<hbm>>
      %dma_wait3A_220 = tpu.memref_squeeze %dma_wait3A_219 : memref<1x200192x32xf32, #tpu.memory_space<hbm>> -> memref<200192x32xf32, #tpu.memory_space<hbm>>
      %dma_wait3A_221 = arith.constant 0 : i32
      %dma_wait3A_222 = arith.constant 0 : i32
      %dma_wait3A_223 = tpu.memref_slice %dma_wait3A_220[%dma_wait3A_221, %dma_wait3A_222] : memref<200192x32xf32, #tpu.memory_space<hbm>> -> memref<200192x32xf32, #tpu.memory_space<hbm>>
      tpu.wait_indirect_dma semaphore(%arg8 : memref<!tpu.dma_semaphore, #tpu.memory_space<semaphore_mem>>) src(%dma_wait3A_223 : memref<200192x32xf32, #tpu.memory_space<hbm>>) dst(%dma_wait3A_213 : memref<128x32xf32, #tpu.memory_space<vmem>>)
      %dma_wait3A_224 = arith.constant 4 : i32
      %dma_wait3A_225 = arith.constant 512 : i32
      %dma_wait3A_226 = arith.constant 0 : i32
      %dma_wait3A_227 = tpu.memref_slice %arg6[%dma_wait3A_225, %dma_wait3A_226] : memref<1280x32xf32, #tpu.memory_space<vmem>> -> memref<128x32xf32, #tpu.memory_space<vmem>>
      %dma_wait3A_228 = arith.constant 0 : i32
      %dma_wait3A_229 = tpu.memref_slice %arg5[%dma_wait3A_224, %dma_wait3A_228] : memref<10x128xi32, #tpu.memory_space<vmem>> -> memref<1x128xi32, #tpu.memory_space<vmem>>
      %dma_wait3A_230 = tpu.memref_squeeze %dma_wait3A_229 : memref<1x128xi32, #tpu.memory_space<vmem>> -> memref<128xi32, #tpu.memory_space<vmem>>
      %dma_wait3A_231 = arith.constant 0 : i32
      %dma_wait3A_232 = arith.constant 0 : i32
      %dma_wait3A_233 = tpu.memref_slice %arg3[%select_n3A, %dma_wait3A_231, %dma_wait3A_232] : memref<7x200192x32xf32, #tpu.memory_space<hbm>> -> memref<1x200192x32xf32, #tpu.memory_space<hbm>>
      %dma_wait3A_234 = tpu.memref_squeeze %dma_wait3A_233 : memref<1x200192x32xf32, #tpu.memory_space<hbm>> -> memref<200192x32xf32, #tpu.memory_space<hbm>>
      %dma_wait3A_235 = arith.constant 0 : i32
      %dma_wait3A_236 = arith.constant 0 : i32
      %dma_wait3A_237 = tpu.memref_slice %dma_wait3A_234[%dma_wait3A_235, %dma_wait3A_236] : memref<200192x32xf32, #tpu.memory_space<hbm>> -> memref<200192x32xf32, #tpu.memory_space<hbm>>
      tpu.wait_indirect_dma semaphore(%arg8 : memref<!tpu.dma_semaphore, #tpu.memory_space<semaphore_mem>>) src(%dma_wait3A_237 : memref<200192x32xf32, #tpu.memory_space<hbm>>) dst(%dma_wait3A_227 : memref<128x32xf32, #tpu.memory_space<vmem>>)
      %dma_wait3A_238 = arith.constant 5 : i32
      %dma_wait3A_239 = arith.constant 640 : i32
      %dma_wait3A_240 = arith.constant 0 : i32
      %dma_wait3A_241 = tpu.memref_slice %arg6[%dma_wait3A_239, %dma_wait3A_240] : memref<1280x32xf32, #tpu.memory_space<vmem>> -> memref<128x32xf32, #tpu.memory_space<vmem>>
      %dma_wait3A_242 = arith.constant 0 : i32
      %dma_wait3A_243 = tpu.memref_slice %arg5[%dma_wait3A_238, %dma_wait3A_242] : memref<10x128xi32, #tpu.memory_space<vmem>> -> memref<1x128xi32, #tpu.memory_space<vmem>>
      %dma_wait3A_244 = tpu.memref_squeeze %dma_wait3A_243 : memref<1x128xi32, #tpu.memory_space<vmem>> -> memref<128xi32, #tpu.memory_space<vmem>>
      %dma_wait3A_245 = arith.constant 0 : i32
      %dma_wait3A_246 = arith.constant 0 : i32
      %dma_wait3A_247 = tpu.memref_slice %arg3[%select_n3A, %dma_wait3A_245, %dma_wait3A_246] : memref<7x200192x32xf32, #tpu.memory_space<hbm>> -> memref<1x200192x32xf32, #tpu.memory_space<hbm>>
      %dma_wait3A_248 = tpu.memref_squeeze %dma_wait3A_247 : memref<1x200192x32xf32, #tpu.memory_space<hbm>> -> memref<200192x32xf32, #tpu.memory_space<hbm>>
      %dma_wait3A_249 = arith.constant 0 : i32
      %dma_wait3A_250 = arith.constant 0 : i32
      %dma_wait3A_251 = tpu.memref_slice %dma_wait3A_248[%dma_wait3A_249, %dma_wait3A_250] : memref<200192x32xf32, #tpu.memory_space<hbm>> -> memref<200192x32xf32, #tpu.memory_space<hbm>>
      tpu.wait_indirect_dma semaphore(%arg8 : memref<!tpu.dma_semaphore, #tpu.memory_space<semaphore_mem>>) src(%dma_wait3A_251 : memref<200192x32xf32, #tpu.memory_space<hbm>>) dst(%dma_wait3A_241 : memref<128x32xf32, #tpu.memory_space<vmem>>)
      %dma_wait3A_252 = arith.constant 6 : i32
      %dma_wait3A_253 = arith.constant 768 : i32
      %dma_wait3A_254 = arith.constant 0 : i32
      %dma_wait3A_255 = tpu.memref_slice %arg6[%dma_wait3A_253, %dma_wait3A_254] : memref<1280x32xf32, #tpu.memory_space<vmem>> -> memref<128x32xf32, #tpu.memory_space<vmem>>
      %dma_wait3A_256 = arith.constant 0 : i32
      %dma_wait3A_257 = tpu.memref_slice %arg5[%dma_wait3A_252, %dma_wait3A_256] : memref<10x128xi32, #tpu.memory_space<vmem>> -> memref<1x128xi32, #tpu.memory_space<vmem>>
      %dma_wait3A_258 = tpu.memref_squeeze %dma_wait3A_257 : memref<1x128xi32, #tpu.memory_space<vmem>> -> memref<128xi32, #tpu.memory_space<vmem>>
      %dma_wait3A_259 = arith.constant 0 : i32
      %dma_wait3A_260 = arith.constant 0 : i32
      %dma_wait3A_261 = tpu.memref_slice %arg3[%select_n3A, %dma_wait3A_259, %dma_wait3A_260] : memref<7x200192x32xf32, #tpu.memory_space<hbm>> -> memref<1x200192x32xf32, #tpu.memory_space<hbm>>
      %dma_wait3A_262 = tpu.memref_squeeze %dma_wait3A_261 : memref<1x200192x32xf32, #tpu.memory_space<hbm>> -> memref<200192x32xf32, #tpu.memory_space<hbm>>
      %dma_wait3A_263 = arith.constant 0 : i32
      %dma_wait3A_264 = arith.constant 0 : i32
      %dma_wait3A_265 = tpu.memref_slice %dma_wait3A_262[%dma_wait3A_263, %dma_wait3A_264] : memref<200192x32xf32, #tpu.memory_space<hbm>> -> memref<200192x32xf32, #tpu.memory_space<hbm>>
      tpu.wait_indirect_dma semaphore(%arg8 : memref<!tpu.dma_semaphore, #tpu.memory_space<semaphore_mem>>) src(%dma_wait3A_265 : memref<200192x32xf32, #tpu.memory_space<hbm>>) dst(%dma_wait3A_255 : memref<128x32xf32, #tpu.memory_space<vmem>>)
      %dma_wait3A_266 = arith.constant 7 : i32
      %dma_wait3A_267 = arith.constant 896 : i32
      %dma_wait3A_268 = arith.constant 0 : i32
      %dma_wait3A_269 = tpu.memref_slice %arg6[%dma_wait3A_267, %dma_wait3A_268] : memref<1280x32xf32, #tpu.memory_space<vmem>> -> memref<128x32xf32, #tpu.memory_space<vmem>>
      %dma_wait3A_270 = arith.constant 0 : i32
      %dma_wait3A_271 = tpu.memref_slice %arg5[%dma_wait3A_266, %dma_wait3A_270] : memref<10x128xi32, #tpu.memory_space<vmem>> -> memref<1x128xi32, #tpu.memory_space<vmem>>
      %dma_wait3A_272 = tpu.memref_squeeze %dma_wait3A_271 : memref<1x128xi32, #tpu.memory_space<vmem>> -> memref<128xi32, #tpu.memory_space<vmem>>
      %dma_wait3A_273 = arith.constant 0 : i32
      %dma_wait3A_274 = arith.constant 0 : i32
      %dma_wait3A_275 = tpu.memref_slice %arg3[%select_n3A, %dma_wait3A_273, %dma_wait3A_274] : memref<7x200192x32xf32, #tpu.memory_space<hbm>> -> memref<1x200192x32xf32, #tpu.memory_space<hbm>>
      %dma_wait3A_276 = tpu.memref_squeeze %dma_wait3A_275 : memref<1x200192x32xf32, #tpu.memory_space<hbm>> -> memref<200192x32xf32, #tpu.memory_space<hbm>>
      %dma_wait3A_277 = arith.constant 0 : i32
      %dma_wait3A_278 = arith.constant 0 : i32
      %dma_wait3A_279 = tpu.memref_slice %dma_wait3A_276[%dma_wait3A_277, %dma_wait3A_278] : memref<200192x32xf32, #tpu.memory_space<hbm>> -> memref<200192x32xf32, #tpu.memory_space<hbm>>
      tpu.wait_indirect_dma semaphore(%arg8 : memref<!tpu.dma_semaphore, #tpu.memory_space<semaphore_mem>>) src(%dma_wait3A_279 : memref<200192x32xf32, #tpu.memory_space<hbm>>) dst(%dma_wait3A_269 : memref<128x32xf32, #tpu.memory_space<vmem>>)
      %dma_wait3A_280 = arith.constant 8 : i32
      %dma_wait3A_281 = arith.constant 1024 : i32
      %dma_wait3A_282 = arith.constant 0 : i32
      %dma_wait3A_283 = tpu.memref_slice %arg6[%dma_wait3A_281, %dma_wait3A_282] : memref<1280x32xf32, #tpu.memory_space<vmem>> -> memref<128x32xf32, #tpu.memory_space<vmem>>
      %dma_wait3A_284 = arith.constant 0 : i32
      %dma_wait3A_285 = tpu.memref_slice %arg5[%dma_wait3A_280, %dma_wait3A_284] : memref<10x128xi32, #tpu.memory_space<vmem>> -> memref<1x128xi32, #tpu.memory_space<vmem>>
      %dma_wait3A_286 = tpu.memref_squeeze %dma_wait3A_285 : memref<1x128xi32, #tpu.memory_space<vmem>> -> memref<128xi32, #tpu.memory_space<vmem>>
      %dma_wait3A_287 = arith.constant 0 : i32
      %dma_wait3A_288 = arith.constant 0 : i32
      %dma_wait3A_289 = tpu.memref_slice %arg3[%select_n3A, %dma_wait3A_287, %dma_wait3A_288] : memref<7x200192x32xf32, #tpu.memory_space<hbm>> -> memref<1x200192x32xf32, #tpu.memory_space<hbm>>
      %dma_wait3A_290 = tpu.memref_squeeze %dma_wait3A_289 : memref<1x200192x32xf32, #tpu.memory_space<hbm>> -> memref<200192x32xf32, #tpu.memory_space<hbm>>
      %dma_wait3A_291 = arith.constant 0 : i32
      %dma_wait3A_292 = arith.constant 0 : i32
      %dma_wait3A_293 = tpu.memref_slice %dma_wait3A_290[%dma_wait3A_291, %dma_wait3A_292] : memref<200192x32xf32, #tpu.memory_space<hbm>> -> memref<200192x32xf32, #tpu.memory_space<hbm>>
      tpu.wait_indirect_dma semaphore(%arg8 : memref<!tpu.dma_semaphore, #tpu.memory_space<semaphore_mem>>) src(%dma_wait3A_293 : memref<200192x32xf32, #tpu.memory_space<hbm>>) dst(%dma_wait3A_283 : memref<128x32xf32, #tpu.memory_space<vmem>>)
      %dma_wait3A_294 = arith.constant 9 : i32
      %dma_wait3A_295 = arith.constant 1152 : i32
      %dma_wait3A_296 = arith.constant 0 : i32
      %dma_wait3A_297 = tpu.memref_slice %arg6[%dma_wait3A_295, %dma_wait3A_296] : memref<1280x32xf32, #tpu.memory_space<vmem>> -> memref<128x32xf32, #tpu.memory_space<vmem>>
      %dma_wait3A_298 = arith.constant 0 : i32
      %dma_wait3A_299 = tpu.memref_slice %arg5[%dma_wait3A_294, %dma_wait3A_298] : memref<10x128xi32, #tpu.memory_space<vmem>> -> memref<1x128xi32, #tpu.memory_space<vmem>>
      %dma_wait3A_300 = tpu.memref_squeeze %dma_wait3A_299 : memref<1x128xi32, #tpu.memory_space<vmem>> -> memref<128xi32, #tpu.memory_space<vmem>>
      %dma_wait3A_301 = arith.constant 0 : i32
      %dma_wait3A_302 = arith.constant 0 : i32
      %dma_wait3A_303 = tpu.memref_slice %arg3[%select_n3A, %dma_wait3A_301, %dma_wait3A_302] : memref<7x200192x32xf32, #tpu.memory_space<hbm>> -> memref<1x200192x32xf32, #tpu.memory_space<hbm>>
      %dma_wait3A_304 = tpu.memref_squeeze %dma_wait3A_303 : memref<1x200192x32xf32, #tpu.memory_space<hbm>> -> memref<200192x32xf32, #tpu.memory_space<hbm>>
      %dma_wait3A_305 = arith.constant 0 : i32
      %dma_wait3A_306 = arith.constant 0 : i32
      %dma_wait3A_307 = tpu.memref_slice %dma_wait3A_304[%dma_wait3A_305, %dma_wait3A_306] : memref<200192x32xf32, #tpu.memory_space<hbm>> -> memref<200192x32xf32, #tpu.memory_space<hbm>>
      tpu.wait_indirect_dma semaphore(%arg8 : memref<!tpu.dma_semaphore, #tpu.memory_space<semaphore_mem>>) src(%dma_wait3A_307 : memref<200192x32xf32, #tpu.memory_space<hbm>>) dst(%dma_wait3A_297 : memref<128x32xf32, #tpu.memory_space<vmem>>)
      %scan3A_308 = arith.constant 0 : i32
      %scan3A_309 = arith.constant 0 : i32
      %scan3A_310 = arith.constant 64 : i32
      %scan3A_311 = arith.addi %scan3A_309, %scan3A_310 : i32
      %scan3A_312 = arith.constant 1 : i32
      scf.for %scan3A_316 = %scan3A_309 to %scan3A_311 step %scan3A_312  : i32 {
        %mul3A_317 = arith.constant 20 : i32
        %mul3A_318 = arith.muli %scan3A_316, %mul3A_317 : i32
        %get3A = arith.index_cast %mul3A_318 : i32 to index
        %get3A_319 = arith.constant 0 : index
        %get3A_320 = tpu.vector_load %arg6[%get3A, %get3A_319] {strides = array<i32>} : memref<1280x32xf32, #tpu.memory_space<vmem>>, vector<1x16xf32>,
        %get3A_321 = vector.shape_cast %get3A_320 : vector<1x16xf32> to vector<16xf32>
        %get3A_322 = arith.index_cast %mul3A_318 : i32 to index
        %get3A_323 = arith.constant 16 : index
        %get3A_324 = tpu.vector_load %arg6[%get3A_322, %get3A_323] {strides = array<i32>} : memref<1280x32xf32, #tpu.memory_space<vmem>>, vector<1x16xf32>,
        %get3A_325 = vector.shape_cast %get3A_324 : vector<1x16xf32> to vector<16xf32>
        %add3A_326 = arith.constant 1 : i32
        %add3A_327 = arith.addi %mul3A_318, %add3A_326 : i32
        %get3A_328 = arith.index_cast %add3A_327 : i32 to index
        %get3A_329 = arith.constant 0 : index
        %get3A_330 = tpu.vector_load %arg6[%get3A_328, %get3A_329] {strides = array<i32>} : memref<1280x32xf32, #tpu.memory_space<vmem>>, vector<1x16xf32>,
        %get3A_331 = vector.shape_cast %get3A_330 : vector<1x16xf32> to vector<16xf32>
        %add3A_332 = arith.addf %get3A_321, %get3A_331 : vector<16xf32>
        %add3A_333 = arith.constant 1 : i32
        %add3A_334 = arith.addi %mul3A_318, %add3A_333 : i32
        %get3A_335 = arith.index_cast %add3A_334 : i32 to index
        %get3A_336 = arith.constant 16 : index
        %get3A_337 = tpu.vector_load %arg6[%get3A_335, %get3A_336] {strides = array<i32>} : memref<1280x32xf32, #tpu.memory_space<vmem>>, vector<1x16xf32>,
        %get3A_338 = vector.shape_cast %get3A_337 : vector<1x16xf32> to vector<16xf32>
        %add3A_339 = arith.addf %get3A_325, %get3A_338 : vector<16xf32>
        %add3A_340 = arith.constant 2 : i32
        %add3A_341 = arith.addi %mul3A_318, %add3A_340 : i32
        %get3A_342 = arith.index_cast %add3A_341 : i32 to index
        %get3A_343 = arith.constant 0 : index
        %get3A_344 = tpu.vector_load %arg6[%get3A_342, %get3A_343] {strides = array<i32>} : memref<1280x32xf32, #tpu.memory_space<vmem>>, vector<1x16xf32>,
        %get3A_345 = vector.shape_cast %get3A_344 : vector<1x16xf32> to vector<16xf32>
        %add3A_346 = arith.addf %add3A_332, %get3A_345 : vector<16xf32>
        %add3A_347 = arith.constant 2 : i32
        %add3A_348 = arith.addi %mul3A_318, %add3A_347 : i32
        %get3A_349 = arith.index_cast %add3A_348 : i32 to index
        %get3A_350 = arith.constant 16 : index
        %get3A_351 = tpu.vector_load %arg6[%get3A_349, %get3A_350] {strides = array<i32>} : memref<1280x32xf32, #tpu.memory_space<vmem>>, vector<1x16xf32>,
        %get3A_352 = vector.shape_cast %get3A_351 : vector<1x16xf32> to vector<16xf32>
        %add3A_353 = arith.addf %add3A_339, %get3A_352 : vector<16xf32>
        %add3A_354 = arith.constant 3 : i32
        %add3A_355 = arith.addi %mul3A_318, %add3A_354 : i32
        %get3A_356 = arith.index_cast %add3A_355 : i32 to index
        %get3A_357 = arith.constant 0 : index
        %get3A_358 = tpu.vector_load %arg6[%get3A_356, %get3A_357] {strides = array<i32>} : memref<1280x32xf32, #tpu.memory_space<vmem>>, vector<1x16xf32>,
        %get3A_359 = vector.shape_cast %get3A_358 : vector<1x16xf32> to vector<16xf32>
        %add3A_360 = arith.addf %add3A_346, %get3A_359 : vector<16xf32>
        %add3A_361 = arith.constant 3 : i32
        %add3A_362 = arith.addi %mul3A_318, %add3A_361 : i32
        %get3A_363 = arith.index_cast %add3A_362 : i32 to index
        %get3A_364 = arith.constant 16 : index
        %get3A_365 = tpu.vector_load %arg6[%get3A_363, %get3A_364] {strides = array<i32>} : memref<1280x32xf32, #tpu.memory_space<vmem>>, vector<1x16xf32>,
        %get3A_366 = vector.shape_cast %get3A_365 : vector<1x16xf32> to vector<16xf32>
        %add3A_367 = arith.addf %add3A_353, %get3A_366 : vector<16xf32>
        %add3A_368 = arith.constant 4 : i32
        %add3A_369 = arith.addi %mul3A_318, %add3A_368 : i32
        %get3A_370 = arith.index_cast %add3A_369 : i32 to index
        %get3A_371 = arith.constant 0 : index
        %get3A_372 = tpu.vector_load %arg6[%get3A_370, %get3A_371] {strides = array<i32>} : memref<1280x32xf32, #tpu.memory_space<vmem>>, vector<1x16xf32>,
        %get3A_373 = vector.shape_cast %get3A_372 : vector<1x16xf32> to vector<16xf32>
        %add3A_374 = arith.addf %add3A_360, %get3A_373 : vector<16xf32>
        %add3A_375 = arith.constant 4 : i32
        %add3A_376 = arith.addi %mul3A_318, %add3A_375 : i32
        %get3A_377 = arith.index_cast %add3A_376 : i32 to index
        %get3A_378 = arith.constant 16 : index
        %get3A_379 = tpu.vector_load %arg6[%get3A_377, %get3A_378] {strides = array<i32>} : memref<1280x32xf32, #tpu.memory_space<vmem>>, vector<1x16xf32>,
        %get3A_380 = vector.shape_cast %get3A_379 : vector<1x16xf32> to vector<16xf32>
        %add3A_381 = arith.addf %add3A_367, %get3A_380 : vector<16xf32>
        %add3A_382 = arith.constant 5 : i32
        %add3A_383 = arith.addi %mul3A_318, %add3A_382 : i32
        %get3A_384 = arith.index_cast %add3A_383 : i32 to index
        %get3A_385 = arith.constant 0 : index
        %get3A_386 = tpu.vector_load %arg6[%get3A_384, %get3A_385] {strides = array<i32>} : memref<1280x32xf32, #tpu.memory_space<vmem>>, vector<1x16xf32>,
        %get3A_387 = vector.shape_cast %get3A_386 : vector<1x16xf32> to vector<16xf32>
        %add3A_388 = arith.addf %add3A_374, %get3A_387 : vector<16xf32>
        %add3A_389 = arith.constant 5 : i32
        %add3A_390 = arith.addi %mul3A_318, %add3A_389 : i32
        %get3A_391 = arith.index_cast %add3A_390 : i32 to index
        %get3A_392 = arith.constant 16 : index
        %get3A_393 = tpu.vector_load %arg6[%get3A_391, %get3A_392] {strides = array<i32>} : memref<1280x32xf32, #tpu.memory_space<vmem>>, vector<1x16xf32>,
        %get3A_394 = vector.shape_cast %get3A_393 : vector<1x16xf32> to vector<16xf32>
        %add3A_395 = arith.addf %add3A_381, %get3A_394 : vector<16xf32>
        %add3A_396 = arith.constant 6 : i32
        %add3A_397 = arith.addi %mul3A_318, %add3A_396 : i32
        %get3A_398 = arith.index_cast %add3A_397 : i32 to index
        %get3A_399 = arith.constant 0 : index
        %get3A_400 = tpu.vector_load %arg6[%get3A_398, %get3A_399] {strides = array<i32>} : memref<1280x32xf32, #tpu.memory_space<vmem>>, vector<1x16xf32>,
        %get3A_401 = vector.shape_cast %get3A_400 : vector<1x16xf32> to vector<16xf32>
        %add3A_402 = arith.addf %add3A_388, %get3A_401 : vector<16xf32>
        %add3A_403 = arith.constant 6 : i32
        %add3A_404 = arith.addi %mul3A_318, %add3A_403 : i32
        %get3A_405 = arith.index_cast %add3A_404 : i32 to index
        %get3A_406 = arith.constant 16 : index
        %get3A_407 = tpu.vector_load %arg6[%get3A_405, %get3A_406] {strides = array<i32>} : memref<1280x32xf32, #tpu.memory_space<vmem>>, vector<1x16xf32>,
        %get3A_408 = vector.shape_cast %get3A_407 : vector<1x16xf32> to vector<16xf32>
        %add3A_409 = arith.addf %add3A_395, %get3A_408 : vector<16xf32>
        %add3A_410 = arith.constant 7 : i32
        %add3A_411 = arith.addi %mul3A_318, %add3A_410 : i32
        %get3A_412 = arith.index_cast %add3A_411 : i32 to index
        %get3A_413 = arith.constant 0 : index
        %get3A_414 = tpu.vector_load %arg6[%get3A_412, %get3A_413] {strides = array<i32>} : memref<1280x32xf32, #tpu.memory_space<vmem>>, vector<1x16xf32>,
        %get3A_415 = vector.shape_cast %get3A_414 : vector<1x16xf32> to vector<16xf32>
        %add3A_416 = arith.addf %add3A_402, %get3A_415 : vector<16xf32>
        %add3A_417 = arith.constant 7 : i32
        %add3A_418 = arith.addi %mul3A_318, %add3A_417 : i32
        %get3A_419 = arith.index_cast %add3A_418 : i32 to index
        %get3A_420 = arith.constant 16 : index
        %get3A_421 = tpu.vector_load %arg6[%get3A_419, %get3A_420] {strides = array<i32>} : memref<1280x32xf32, #tpu.memory_space<vmem>>, vector<1x16xf32>,
        %get3A_422 = vector.shape_cast %get3A_421 : vector<1x16xf32> to vector<16xf32>
        %add3A_423 = arith.addf %add3A_409, %get3A_422 : vector<16xf32>
        %add3A_424 = arith.constant 8 : i32
        %add3A_425 = arith.addi %mul3A_318, %add3A_424 : i32
        %get3A_426 = arith.index_cast %add3A_425 : i32 to index
        %get3A_427 = arith.constant 0 : index
        %get3A_428 = tpu.vector_load %arg6[%get3A_426, %get3A_427] {strides = array<i32>} : memref<1280x32xf32, #tpu.memory_space<vmem>>, vector<1x16xf32>,
        %get3A_429 = vector.shape_cast %get3A_428 : vector<1x16xf32> to vector<16xf32>
        %add3A_430 = arith.addf %add3A_416, %get3A_429 : vector<16xf32>
        %add3A_431 = arith.constant 8 : i32
        %add3A_432 = arith.addi %mul3A_318, %add3A_431 : i32
        %get3A_433 = arith.index_cast %add3A_432 : i32 to index
        %get3A_434 = arith.constant 16 : index
        %get3A_435 = tpu.vector_load %arg6[%get3A_433, %get3A_434] {strides = array<i32>} : memref<1280x32xf32, #tpu.memory_space<vmem>>, vector<1x16xf32>,
        %get3A_436 = vector.shape_cast %get3A_435 : vector<1x16xf32> to vector<16xf32>
        %add3A_437 = arith.addf %add3A_423, %get3A_436 : vector<16xf32>
        %add3A_438 = arith.constant 9 : i32
        %add3A_439 = arith.addi %mul3A_318, %add3A_438 : i32
        %get3A_440 = arith.index_cast %add3A_439 : i32 to index
        %get3A_441 = arith.constant 0 : index
        %get3A_442 = tpu.vector_load %arg6[%get3A_440, %get3A_441] {strides = array<i32>} : memref<1280x32xf32, #tpu.memory_space<vmem>>, vector<1x16xf32>,
        %get3A_443 = vector.shape_cast %get3A_442 : vector<1x16xf32> to vector<16xf32>
        %add3A_444 = arith.addf %add3A_430, %get3A_443 : vector<16xf32>
        %add3A_445 = arith.constant 9 : i32
        %add3A_446 = arith.addi %mul3A_318, %add3A_445 : i32
        %get3A_447 = arith.index_cast %add3A_446 : i32 to index
        %get3A_448 = arith.constant 16 : index
        %get3A_449 = tpu.vector_load %arg6[%get3A_447, %get3A_448] {strides = array<i32>} : memref<1280x32xf32, #tpu.memory_space<vmem>>, vector<1x16xf32>,
        %get3A_450 = vector.shape_cast %get3A_449 : vector<1x16xf32> to vector<16xf32>
        %add3A_451 = arith.addf %add3A_437, %get3A_450 : vector<16xf32>
        %add3A_452 = arith.constant 10 : i32
        %add3A_453 = arith.addi %mul3A_318, %add3A_452 : i32
        %get3A_454 = arith.index_cast %add3A_453 : i32 to index
        %get3A_455 = arith.constant 0 : index
        %get3A_456 = tpu.vector_load %arg6[%get3A_454, %get3A_455] {strides = array<i32>} : memref<1280x32xf32, #tpu.memory_space<vmem>>, vector<1x16xf32>,
        %get3A_457 = vector.shape_cast %get3A_456 : vector<1x16xf32> to vector<16xf32>
        %add3A_458 = arith.addf %add3A_444, %get3A_457 : vector<16xf32>
        %add3A_459 = arith.constant 10 : i32
        %add3A_460 = arith.addi %mul3A_318, %add3A_459 : i32
        %get3A_461 = arith.index_cast %add3A_460 : i32 to index
        %get3A_462 = arith.constant 16 : index
        %get3A_463 = tpu.vector_load %arg6[%get3A_461, %get3A_462] {strides = array<i32>} : memref<1280x32xf32, #tpu.memory_space<vmem>>, vector<1x16xf32>,
        %get3A_464 = vector.shape_cast %get3A_463 : vector<1x16xf32> to vector<16xf32>
        %add3A_465 = arith.addf %add3A_451, %get3A_464 : vector<16xf32>
        %add3A_466 = arith.constant 11 : i32
        %add3A_467 = arith.addi %mul3A_318, %add3A_466 : i32
        %get3A_468 = arith.index_cast %add3A_467 : i32 to index
        %get3A_469 = arith.constant 0 : index
        %get3A_470 = tpu.vector_load %arg6[%get3A_468, %get3A_469] {strides = array<i32>} : memref<1280x32xf32, #tpu.memory_space<vmem>>, vector<1x16xf32>,
        %get3A_471 = vector.shape_cast %get3A_470 : vector<1x16xf32> to vector<16xf32>
        %add3A_472 = arith.addf %add3A_458, %get3A_471 : vector<16xf32>
        %add3A_473 = arith.constant 11 : i32
        %add3A_474 = arith.addi %mul3A_318, %add3A_473 : i32
        %get3A_475 = arith.index_cast %add3A_474 : i32 to index
        %get3A_476 = arith.constant 16 : index
        %get3A_477 = tpu.vector_load %arg6[%get3A_475, %get3A_476] {strides = array<i32>} : memref<1280x32xf32, #tpu.memory_space<vmem>>, vector<1x16xf32>,
        %get3A_478 = vector.shape_cast %get3A_477 : vector<1x16xf32> to vector<16xf32>
        %add3A_479 = arith.addf %add3A_465, %get3A_478 : vector<16xf32>
        %add3A_480 = arith.constant 12 : i32
        %add3A_481 = arith.addi %mul3A_318, %add3A_480 : i32
        %get3A_482 = arith.index_cast %add3A_481 : i32 to index
        %get3A_483 = arith.constant 0 : index
        %get3A_484 = tpu.vector_load %arg6[%get3A_482, %get3A_483] {strides = array<i32>} : memref<1280x32xf32, #tpu.memory_space<vmem>>, vector<1x16xf32>,
        %get3A_485 = vector.shape_cast %get3A_484 : vector<1x16xf32> to vector<16xf32>
        %add3A_486 = arith.addf %add3A_472, %get3A_485 : vector<16xf32>
        %add3A_487 = arith.constant 12 : i32
        %add3A_488 = arith.addi %mul3A_318, %add3A_487 : i32
        %get3A_489 = arith.index_cast %add3A_488 : i32 to index
        %get3A_490 = arith.constant 16 : index
        %get3A_491 = tpu.vector_load %arg6[%get3A_489, %get3A_490] {strides = array<i32>} : memref<1280x32xf32, #tpu.memory_space<vmem>>, vector<1x16xf32>,
        %get3A_492 = vector.shape_cast %get3A_491 : vector<1x16xf32> to vector<16xf32>
        %add3A_493 = arith.addf %add3A_479, %get3A_492 : vector<16xf32>
        %add3A_494 = arith.constant 13 : i32
        %add3A_495 = arith.addi %mul3A_318, %add3A_494 : i32
        %get3A_496 = arith.index_cast %add3A_495 : i32 to index
        %get3A_497 = arith.constant 0 : index
        %get3A_498 = tpu.vector_load %arg6[%get3A_496, %get3A_497] {strides = array<i32>} : memref<1280x32xf32, #tpu.memory_space<vmem>>, vector<1x16xf32>,
        %get3A_499 = vector.shape_cast %get3A_498 : vector<1x16xf32> to vector<16xf32>
        %add3A_500 = arith.addf %add3A_486, %get3A_499 : vector<16xf32>
        %add3A_501 = arith.constant 13 : i32
        %add3A_502 = arith.addi %mul3A_318, %add3A_501 : i32
        %get3A_503 = arith.index_cast %add3A_502 : i32 to index
        %get3A_504 = arith.constant 16 : index
        %get3A_505 = tpu.vector_load %arg6[%get3A_503, %get3A_504] {strides = array<i32>} : memref<1280x32xf32, #tpu.memory_space<vmem>>, vector<1x16xf32>,
        %get3A_506 = vector.shape_cast %get3A_505 : vector<1x16xf32> to vector<16xf32>
        %add3A_507 = arith.addf %add3A_493, %get3A_506 : vector<16xf32>
        %add3A_508 = arith.constant 14 : i32
        %add3A_509 = arith.addi %mul3A_318, %add3A_508 : i32
        %get3A_510 = arith.index_cast %add3A_509 : i32 to index
        %get3A_511 = arith.constant 0 : index
        %get3A_512 = tpu.vector_load %arg6[%get3A_510, %get3A_511] {strides = array<i32>} : memref<1280x32xf32, #tpu.memory_space<vmem>>, vector<1x16xf32>,
        %get3A_513 = vector.shape_cast %get3A_512 : vector<1x16xf32> to vector<16xf32>
        %add3A_514 = arith.addf %add3A_500, %get3A_513 : vector<16xf32>
        %add3A_515 = arith.constant 14 : i32
        %add3A_516 = arith.addi %mul3A_318, %add3A_515 : i32
        %get3A_517 = arith.index_cast %add3A_516 : i32 to index
        %get3A_518 = arith.constant 16 : index
        %get3A_519 = tpu.vector_load %arg6[%get3A_517, %get3A_518] {strides = array<i32>} : memref<1280x32xf32, #tpu.memory_space<vmem>>, vector<1x16xf32>,
        %get3A_520 = vector.shape_cast %get3A_519 : vector<1x16xf32> to vector<16xf32>
        %add3A_521 = arith.addf %add3A_507, %get3A_520 : vector<16xf32>
        %add3A_522 = arith.constant 15 : i32
        %add3A_523 = arith.addi %mul3A_318, %add3A_522 : i32
        %get3A_524 = arith.index_cast %add3A_523 : i32 to index
        %get3A_525 = arith.constant 0 : index
        %get3A_526 = tpu.vector_load %arg6[%get3A_524, %get3A_525] {strides = array<i32>} : memref<1280x32xf32, #tpu.memory_space<vmem>>, vector<1x16xf32>,
        %get3A_527 = vector.shape_cast %get3A_526 : vector<1x16xf32> to vector<16xf32>
        %add3A_528 = arith.addf %add3A_514, %get3A_527 : vector<16xf32>
        %add3A_529 = arith.constant 15 : i32
        %add3A_530 = arith.addi %mul3A_318, %add3A_529 : i32
        %get3A_531 = arith.index_cast %add3A_530 : i32 to index
        %get3A_532 = arith.constant 16 : index
        %get3A_533 = tpu.vector_load %arg6[%get3A_531, %get3A_532] {strides = array<i32>} : memref<1280x32xf32, #tpu.memory_space<vmem>>, vector<1x16xf32>,
        %get3A_534 = vector.shape_cast %get3A_533 : vector<1x16xf32> to vector<16xf32>
        %add3A_535 = arith.addf %add3A_521, %get3A_534 : vector<16xf32>
        %add3A_536 = arith.constant 16 : i32
        %add3A_537 = arith.addi %mul3A_318, %add3A_536 : i32
        %get3A_538 = arith.index_cast %add3A_537 : i32 to index
        %get3A_539 = arith.constant 0 : index
        %get3A_540 = tpu.vector_load %arg6[%get3A_538, %get3A_539] {strides = array<i32>} : memref<1280x32xf32, #tpu.memory_space<vmem>>, vector<1x16xf32>,
        %get3A_541 = vector.shape_cast %get3A_540 : vector<1x16xf32> to vector<16xf32>
        %add3A_542 = arith.addf %add3A_528, %get3A_541 : vector<16xf32>
        %add3A_543 = arith.constant 16 : i32
        %add3A_544 = arith.addi %mul3A_318, %add3A_543 : i32
        %get3A_545 = arith.index_cast %add3A_544 : i32 to index
        %get3A_546 = arith.constant 16 : index
        %get3A_547 = tpu.vector_load %arg6[%get3A_545, %get3A_546] {strides = array<i32>} : memref<1280x32xf32, #tpu.memory_space<vmem>>, vector<1x16xf32>,
        %get3A_548 = vector.shape_cast %get3A_547 : vector<1x16xf32> to vector<16xf32>
        %add3A_549 = arith.addf %add3A_535, %get3A_548 : vector<16xf32>
        %add3A_550 = arith.constant 17 : i32
        %add3A_551 = arith.addi %mul3A_318, %add3A_550 : i32
        %get3A_552 = arith.index_cast %add3A_551 : i32 to index
        %get3A_553 = arith.constant 0 : index
        %get3A_554 = tpu.vector_load %arg6[%get3A_552, %get3A_553] {strides = array<i32>} : memref<1280x32xf32, #tpu.memory_space<vmem>>, vector<1x16xf32>,
        %get3A_555 = vector.shape_cast %get3A_554 : vector<1x16xf32> to vector<16xf32>
        %add3A_556 = arith.addf %add3A_542, %get3A_555 : vector<16xf32>
        %add3A_557 = arith.constant 17 : i32
        %add3A_558 = arith.addi %mul3A_318, %add3A_557 : i32
        %get3A_559 = arith.index_cast %add3A_558 : i32 to index
        %get3A_560 = arith.constant 16 : index
        %get3A_561 = tpu.vector_load %arg6[%get3A_559, %get3A_560] {strides = array<i32>} : memref<1280x32xf32, #tpu.memory_space<vmem>>, vector<1x16xf32>,
        %get3A_562 = vector.shape_cast %get3A_561 : vector<1x16xf32> to vector<16xf32>
        %add3A_563 = arith.addf %add3A_549, %get3A_562 : vector<16xf32>
        %add3A_564 = arith.constant 18 : i32
        %add3A_565 = arith.addi %mul3A_318, %add3A_564 : i32
        %get3A_566 = arith.index_cast %add3A_565 : i32 to index
        %get3A_567 = arith.constant 0 : index
        %get3A_568 = tpu.vector_load %arg6[%get3A_566, %get3A_567] {strides = array<i32>} : memref<1280x32xf32, #tpu.memory_space<vmem>>, vector<1x16xf32>,
        %get3A_569 = vector.shape_cast %get3A_568 : vector<1x16xf32> to vector<16xf32>
        %add3A_570 = arith.addf %add3A_556, %get3A_569 : vector<16xf32>
        %add3A_571 = arith.constant 18 : i32
        %add3A_572 = arith.addi %mul3A_318, %add3A_571 : i32
        %get3A_573 = arith.index_cast %add3A_572 : i32 to index
        %get3A_574 = arith.constant 16 : index
        %get3A_575 = tpu.vector_load %arg6[%get3A_573, %get3A_574] {strides = array<i32>} : memref<1280x32xf32, #tpu.memory_space<vmem>>, vector<1x16xf32>,
        %get3A_576 = vector.shape_cast %get3A_575 : vector<1x16xf32> to vector<16xf32>
        %add3A_577 = arith.addf %add3A_563, %get3A_576 : vector<16xf32>
        %add3A_578 = arith.constant 19 : i32
        %add3A_579 = arith.addi %mul3A_318, %add3A_578 : i32
        %get3A_580 = arith.index_cast %add3A_579 : i32 to index
        %get3A_581 = arith.constant 0 : index
        %get3A_582 = tpu.vector_load %arg6[%get3A_580, %get3A_581] {strides = array<i32>} : memref<1280x32xf32, #tpu.memory_space<vmem>>, vector<1x16xf32>,
        %get3A_583 = vector.shape_cast %get3A_582 : vector<1x16xf32> to vector<16xf32>
        %add3A_584 = arith.addf %add3A_570, %get3A_583 : vector<16xf32>
        %add3A_585 = arith.constant 19 : i32
        %add3A_586 = arith.addi %mul3A_318, %add3A_585 : i32
        %get3A_587 = arith.index_cast %add3A_586 : i32 to index
        %get3A_588 = arith.constant 16 : index
        %get3A_589 = tpu.vector_load %arg6[%get3A_587, %get3A_588] {strides = array<i32>} : memref<1280x32xf32, #tpu.memory_space<vmem>>, vector<1x16xf32>,
        %get3A_590 = vector.shape_cast %get3A_589 : vector<1x16xf32> to vector<16xf32>
        %add3A_591 = arith.addf %add3A_577, %get3A_590 : vector<16xf32>
        %swap3A = arith.index_cast %scan3A_316 : i32 to index
        %swap3A_592 = arith.constant 0 : index
        %swap3A_593 = tpu.vector_load %arg7[%swap3A, %swap3A_592] {strides = array<i32>} : memref<64x32xf32, #tpu.memory_space<vmem>>, vector<1x16xf32>,
        %swap3A_594 = vector.shape_cast %swap3A_593 : vector<1x16xf32> to vector<16xf32>
        %swap3A_595 = vector.shape_cast %add3A_584 : vector<16xf32> to vector<1x16xf32>
        tpu.vector_store %arg7[%swap3A, %swap3A_592], %swap3A_595 {strides = array<i32>} : memref<64x32xf32, #tpu.memory_space<vmem>>, vector<1x16xf32>,
        %swap3A_596 = arith.index_cast %scan3A_316 : i32 to index
        %swap3A_597 = arith.constant 16 : index
        %swap3A_598 = tpu.vector_load %arg7[%swap3A_596, %swap3A_597] {strides = array<i32>} : memref<64x32xf32, #tpu.memory_space<vmem>>, vector<1x16xf32>,
        %swap3A_599 = vector.shape_cast %swap3A_598 : vector<1x16xf32> to vector<16xf32>
        %swap3A_600 = vector.shape_cast %add3A_591 : vector<16xf32> to vector<1x16xf32>
        tpu.vector_store %arg7[%swap3A_596, %swap3A_597], %swap3A_600 {strides = array<i32>} : memref<64x32xf32, #tpu.memory_space<vmem>>, vector<1x16xf32>,
      }
      %scan3A_313 = arith.constant 64 : i32
      %mul3A_314 = arith.constant 64 : i32
      %mul3A_315 = arith.muli %add3A_9, %mul3A_314 : i32
      "tpu.region"() ({
        %run_scoped3A = tpu.sem_alloc : memref<!tpu.dma_semaphore, #tpu.memory_space<semaphore_mem>>
        %dma_start3A_316 = arith.constant 0 : i32
        %dma_start3A_317 = tpu.memref_slice %arg4[%mul3A_315, %dma_start3A_316] : memref<28672x32xf32, #tpu.memory_space<hbm>> -> memref<64x32xf32, #tpu.memory_space<hbm>>
        %dma_start3A_318 = arith.constant 0 : i32
        %dma_start3A_319 = tpu.memref_slice %arg4[%mul3A_315, %dma_start3A_318] : memref<28672x32xf32, #tpu.memory_space<hbm>> -> memref<64x32xf32, #tpu.memory_space<hbm>>
        tpu.enqueue_dma source(%arg7 : memref<64x32xf32, #tpu.memory_space<vmem>>) target(%dma_start3A_319 : memref<64x32xf32, #tpu.memory_space<hbm>>) target_semaphore(%run_scoped3A : memref<!tpu.dma_semaphore, #tpu.memory_space<semaphore_mem>>)
        %dma_wait3A_320 = arith.constant 0 : i32
        %dma_wait3A_321 = tpu.memref_slice %arg4[%mul3A_315, %dma_wait3A_320] : memref<28672x32xf32, #tpu.memory_space<hbm>> -> memref<64x32xf32, #tpu.memory_space<hbm>>
        %dma_wait3A_322 = arith.constant 0 : i32
        %dma_wait3A_323 = tpu.memref_slice %arg4[%mul3A_315, %dma_wait3A_322] : memref<28672x32xf32, #tpu.memory_space<hbm>> -> memref<64x32xf32, #tpu.memory_space<hbm>>
        tpu.wait_dma2 semaphore(%run_scoped3A : memref<!tpu.dma_semaphore, #tpu.memory_space<semaphore_mem>>) src(%arg7 : memref<64x32xf32, #tpu.memory_space<vmem>>) dst(%dma_wait3A_323 : memref<64x32xf32, #tpu.memory_space<hbm>>)
        tpu.yield
      }) : () -> ()
    }
    %scan3A_5 = arith.constant 14 : i32
    return
  }
}

#map = affine_map<(d0, d1) -> (0, 0)>
#map1 = affine_map<(d0, d1) -> (0, 0, 0)>
module attributes {stable_mosaic.version = 14 : i64} {
  func.func @body(%arg0: i32, %arg1: i32, %arg2: memref<16640x128xi32, #tpu.memory_space<hbm>>, %arg3: memref<7x200192x32xf32, #tpu.memory_space<hbm>>, %arg4: memref<28672x32xf32, #tpu.memory_space<hbm>>, %arg5: memref<10x128xi32, #tpu.memory_space<vmem>>, %arg6: memref<1280x32xf32, #tpu.memory_space<vmem>>, %arg7: memref<64x32xf32, #tpu.memory_space<vmem>>, %arg8: memref<!tpu.dma_semaphore, #tpu.memory_space<semaphore_mem>>) attributes {dimension_semantics = [#tpu.dimension_semantics<core_parallel>, #tpu.dimension_semantics<subcore_parallel>], iteration_bounds = array<i64: 2, 16>, scalar_prefetch = 0 : i64, scratch_operands = 4 : i64, tpu.core_type = #tpu.core_type<sc_vector_subcore>, window_params = [{transform_indices = #map}, {transform_indices = #map1}, {transform_indices = #map}]} {
    %mul3A = arith.constant 2 : i32
    %mul3A_0 = arith.muli %arg1, %mul3A : i32
    %add3A = arith.addi %mul3A_0, %arg0 : i32
    %scan3A = arith.constant 0 : i32
    %scan3A_1 = arith.constant 0 : i32
    %scan3A_2 = arith.constant 14 : i32
    %scan3A_3 = arith.addi %scan3A_1, %scan3A_2 : i32
    %scan3A_4 = arith.constant 1 : i32
    scf.for %scan3A_6 = %scan3A_1 to %scan3A_3 step %scan3A_4  : i32 {
      %mul3A_7 = arith.constant 14 : i32
      %mul3A_8 = arith.muli %add3A, %mul3A_7 : i32
      %add3A_9 = arith.addi %mul3A_8, %scan3A_6 : i32
      %jit3A = arith.constant 64 : i32
      %div3A = arith.divsi %add3A_9, %jit3A : i32
      %sign3A = arith.constant 0 : i32
      %sign3A_10 = arith.cmpi sgt, %add3A_9, %sign3A : i32
      %sign3A_11 = arith.extui %sign3A_10 : i1 to i32
      %sign3A_12 = arith.constant 0 : i32
      %sign3A_13 = arith.cmpi slt, %add3A_9, %sign3A_12 : i32
      %sign3A_14 = arith.extui %sign3A_13 : i1 to i32
      %sign3A_15 = arith.subi %sign3A_11, %sign3A_14 : i32
      %sign3A_16 = arith.constant 0 : i32
      %sign3A_17 = arith.cmpi sgt, %jit3A, %sign3A_16 : i32
      %sign3A_18 = arith.extui %sign3A_17 : i1 to i32
      %sign3A_19 = arith.constant 0 : i32
      %sign3A_20 = arith.cmpi slt, %jit3A, %sign3A_19 : i32
      %sign3A_21 = arith.extui %sign3A_20 : i1 to i32
      %sign3A_22 = arith.subi %sign3A_18, %sign3A_21 : i32
      %ne3A = arith.cmpi ne, %sign3A_15, %sign3A_22 : i32
      %rem3A = arith.remsi %add3A_9, %jit3A : i32
      %ne3A_23 = arith.constant 0 : i32
      %ne3A_24 = arith.cmpi ne, %rem3A, %ne3A_23 : i32
      %and3A = arith.andi %ne3A, %ne3A_24 : i1
      %sub3A = arith.constant 1 : i32
      %sub3A_25 = arith.subi %div3A, %sub3A : i32
      %select_n3A = arith.select %and3A, %sub3A_25, %div3A : i32
      %add3A_26 = arith.constant 448 : i32
      %add3A_27 = arith.addi %add3A_26, %add3A_9 : i32
      %mul3A_28 = arith.constant 10 : i32
      %mul3A_29 = arith.muli %add3A_27, %mul3A_28 : i32
      "tpu.region"() ({
        %run_scoped3A = tpu.sem_alloc : memref<!tpu.dma_semaphore, #tpu.memory_space<semaphore_mem>>
        %dma_start3A_316 = arith.constant 0 : i32
        %dma_start3A_317 = tpu.memref_slice %arg2[%mul3A_29, %dma_start3A_316] : memref<16640x128xi32, #tpu.memory_space<hbm>> -> memref<10x128xi32, #tpu.memory_space<hbm>>
        %dma_start3A_318 = arith.constant 0 : i32
        %dma_start3A_319 = tpu.memref_slice %arg2[%mul3A_29, %dma_start3A_318] : memref<16640x128xi32, #tpu.memory_space<hbm>> -> memref<10x128xi32, #tpu.memory_space<hbm>>
        tpu.enqueue_dma source(%dma_start3A_319 : memref<10x128xi32, #tpu.memory_space<hbm>>) target(%arg5 : memref<10x128xi32, #tpu.memory_space<vmem>>) target_semaphore(%run_scoped3A : memref<!tpu.dma_semaphore, #tpu.memory_space<semaphore_mem>>)
        %dma_wait3A_320 = arith.constant 0 : i32
        %dma_wait3A_321 = tpu.memref_slice %arg2[%mul3A_29, %dma_wait3A_320] : memref<16640x128xi32, #tpu.memory_space<hbm>> -> memref<10x128xi32, #tpu.memory_space<hbm>>
        %dma_wait3A_322 = arith.constant 0 : i32
        %dma_wait3A_323 = tpu.memref_slice %arg2[%mul3A_29, %dma_wait3A_322] : memref<16640x128xi32, #tpu.memory_space<hbm>> -> memref<10x128xi32, #tpu.memory_space<hbm>>
        tpu.wait_dma2 semaphore(%run_scoped3A : memref<!tpu.dma_semaphore, #tpu.memory_space<semaphore_mem>>) src(%dma_wait3A_323 : memref<10x128xi32, #tpu.memory_space<hbm>>) dst(%arg5 : memref<10x128xi32, #tpu.memory_space<vmem>>)
        tpu.yield
      }) : () -> ()
      %dma_start3A = arith.constant 0 : i32
      %dma_start3A_30 = arith.constant 0 : i32
      %dma_start3A_31 = arith.constant 0 : i32
      %dma_start3A_32 = tpu.memref_slice %arg6[%dma_start3A_30, %dma_start3A_31] : memref<1280x32xf32, #tpu.memory_space<vmem>> -> memref<128x32xf32, #tpu.memory_space<vmem>>
      %dma_start3A_33 = arith.constant 0 : i32
      %dma_start3A_34 = tpu.memref_slice %arg5[%dma_start3A, %dma_start3A_33] : memref<10x128xi32, #tpu.memory_space<vmem>> -> memref<1x128xi32, #tpu.memory_space<vmem>>
      %dma_start3A_35 = tpu.memref_squeeze %dma_start3A_34 : memref<1x128xi32, #tpu.memory_space<vmem>> -> memref<128xi32, #tpu.memory_space<vmem>>
      %dma_start3A_36 = arith.constant 0 : i32
      %dma_start3A_37 = arith.constant 0 : i32
      %dma_start3A_38 = tpu.memref_slice %arg3[%select_n3A, %dma_start3A_36, %dma_start3A_37] : memref<7x200192x32xf32, #tpu.memory_space<hbm>> -> memref<1x200192x32xf32, #tpu.memory_space<hbm>>
      %dma_start3A_39 = tpu.memref_squeeze %dma_start3A_38 : memref<1x200192x32xf32, #tpu.memory_space<hbm>> -> memref<200192x32xf32, #tpu.memory_space<hbm>>
      %dma_start3A_40 = arith.constant 0 : i32
      %dma_start3A_41 = arith.constant 0 : i32
      %dma_start3A_42 = tpu.memref_slice %dma_start3A_39[%dma_start3A_40, %dma_start3A_41] : memref<200192x32xf32, #tpu.memory_space<hbm>> -> memref<200192x32xf32, #tpu.memory_space<hbm>>
      tpu.enqueue_indirect_dma source(%dma_start3A_42 : memref<200192x32xf32, #tpu.memory_space<hbm>>) target(%dma_start3A_32 : memref<128x32xf32, #tpu.memory_space<vmem>>) offsets(%dma_start3A_35 : memref<128xi32, #tpu.memory_space<vmem>>) semaphore(%arg8 : memref<!tpu.dma_semaphore, #tpu.memory_space<semaphore_mem>>)
      %dma_start3A_43 = arith.constant 1 : i32
      %dma_start3A_44 = arith.constant 128 : i32
      %dma_start3A_45 = arith.constant 0 : i32
      %dma_start3A_46 = tpu.memref_slice %arg6[%dma_start3A_44, %dma_start3A_45] : memref<1280x32xf32, #tpu.memory_space<vmem>> -> memref<128x32xf32, #tpu.memory_space<vmem>>
      %dma_start3A_47 = arith.constant 0 : i32
      %dma_start3A_48 = tpu.memref_slice %arg5[%dma_start3A_43, %dma_start3A_47] : memref<10x128xi32, #tpu.memory_space<vmem>> -> memref<1x128xi32, #tpu.memory_space<vmem>>
      %dma_start3A_49 = tpu.memref_squeeze %dma_start3A_48 : memref<1x128xi32, #tpu.memory_space<vmem>> -> memref<128xi32, #tpu.memory_space<vmem>>
      %dma_start3A_50 = arith.constant 0 : i32
      %dma_start3A_51 = arith.constant 0 : i32
      %dma_start3A_52 = tpu.memref_slice %arg3[%select_n3A, %dma_start3A_50, %dma_start3A_51] : memref<7x200192x32xf32, #tpu.memory_space<hbm>> -> memref<1x200192x32xf32, #tpu.memory_space<hbm>>
      %dma_start3A_53 = tpu.memref_squeeze %dma_start3A_52 : memref<1x200192x32xf32, #tpu.memory_space<hbm>> -> memref<200192x32xf32, #tpu.memory_space<hbm>>
      %dma_start3A_54 = arith.constant 0 : i32
      %dma_start3A_55 = arith.constant 0 : i32
      %dma_start3A_56 = tpu.memref_slice %dma_start3A_53[%dma_start3A_54, %dma_start3A_55] : memref<200192x32xf32, #tpu.memory_space<hbm>> -> memref<200192x32xf32, #tpu.memory_space<hbm>>
      tpu.enqueue_indirect_dma source(%dma_start3A_56 : memref<200192x32xf32, #tpu.memory_space<hbm>>) target(%dma_start3A_46 : memref<128x32xf32, #tpu.memory_space<vmem>>) offsets(%dma_start3A_49 : memref<128xi32, #tpu.memory_space<vmem>>) semaphore(%arg8 : memref<!tpu.dma_semaphore, #tpu.memory_space<semaphore_mem>>)
      %dma_start3A_57 = arith.constant 2 : i32
      %dma_start3A_58 = arith.constant 256 : i32
      %dma_start3A_59 = arith.constant 0 : i32
      %dma_start3A_60 = tpu.memref_slice %arg6[%dma_start3A_58, %dma_start3A_59] : memref<1280x32xf32, #tpu.memory_space<vmem>> -> memref<128x32xf32, #tpu.memory_space<vmem>>
      %dma_start3A_61 = arith.constant 0 : i32
      %dma_start3A_62 = tpu.memref_slice %arg5[%dma_start3A_57, %dma_start3A_61] : memref<10x128xi32, #tpu.memory_space<vmem>> -> memref<1x128xi32, #tpu.memory_space<vmem>>
      %dma_start3A_63 = tpu.memref_squeeze %dma_start3A_62 : memref<1x128xi32, #tpu.memory_space<vmem>> -> memref<128xi32, #tpu.memory_space<vmem>>
      %dma_start3A_64 = arith.constant 0 : i32
      %dma_start3A_65 = arith.constant 0 : i32
      %dma_start3A_66 = tpu.memref_slice %arg3[%select_n3A, %dma_start3A_64, %dma_start3A_65] : memref<7x200192x32xf32, #tpu.memory_space<hbm>> -> memref<1x200192x32xf32, #tpu.memory_space<hbm>>
      %dma_start3A_67 = tpu.memref_squeeze %dma_start3A_66 : memref<1x200192x32xf32, #tpu.memory_space<hbm>> -> memref<200192x32xf32, #tpu.memory_space<hbm>>
      %dma_start3A_68 = arith.constant 0 : i32
      %dma_start3A_69 = arith.constant 0 : i32
      %dma_start3A_70 = tpu.memref_slice %dma_start3A_67[%dma_start3A_68, %dma_start3A_69] : memref<200192x32xf32, #tpu.memory_space<hbm>> -> memref<200192x32xf32, #tpu.memory_space<hbm>>
      tpu.enqueue_indirect_dma source(%dma_start3A_70 : memref<200192x32xf32, #tpu.memory_space<hbm>>) target(%dma_start3A_60 : memref<128x32xf32, #tpu.memory_space<vmem>>) offsets(%dma_start3A_63 : memref<128xi32, #tpu.memory_space<vmem>>) semaphore(%arg8 : memref<!tpu.dma_semaphore, #tpu.memory_space<semaphore_mem>>)
      %dma_start3A_71 = arith.constant 3 : i32
      %dma_start3A_72 = arith.constant 384 : i32
      %dma_start3A_73 = arith.constant 0 : i32
      %dma_start3A_74 = tpu.memref_slice %arg6[%dma_start3A_72, %dma_start3A_73] : memref<1280x32xf32, #tpu.memory_space<vmem>> -> memref<128x32xf32, #tpu.memory_space<vmem>>
      %dma_start3A_75 = arith.constant 0 : i32
      %dma_start3A_76 = tpu.memref_slice %arg5[%dma_start3A_71, %dma_start3A_75] : memref<10x128xi32, #tpu.memory_space<vmem>> -> memref<1x128xi32, #tpu.memory_space<vmem>>
      %dma_start3A_77 = tpu.memref_squeeze %dma_start3A_76 : memref<1x128xi32, #tpu.memory_space<vmem>> -> memref<128xi32, #tpu.memory_space<vmem>>
      %dma_start3A_78 = arith.constant 0 : i32
      %dma_start3A_79 = arith.constant 0 : i32
      %dma_start3A_80 = tpu.memref_slice %arg3[%select_n3A, %dma_start3A_78, %dma_start3A_79] : memref<7x200192x32xf32, #tpu.memory_space<hbm>> -> memref<1x200192x32xf32, #tpu.memory_space<hbm>>
      %dma_start3A_81 = tpu.memref_squeeze %dma_start3A_80 : memref<1x200192x32xf32, #tpu.memory_space<hbm>> -> memref<200192x32xf32, #tpu.memory_space<hbm>>
      %dma_start3A_82 = arith.constant 0 : i32
      %dma_start3A_83 = arith.constant 0 : i32
      %dma_start3A_84 = tpu.memref_slice %dma_start3A_81[%dma_start3A_82, %dma_start3A_83] : memref<200192x32xf32, #tpu.memory_space<hbm>> -> memref<200192x32xf32, #tpu.memory_space<hbm>>
      tpu.enqueue_indirect_dma source(%dma_start3A_84 : memref<200192x32xf32, #tpu.memory_space<hbm>>) target(%dma_start3A_74 : memref<128x32xf32, #tpu.memory_space<vmem>>) offsets(%dma_start3A_77 : memref<128xi32, #tpu.memory_space<vmem>>) semaphore(%arg8 : memref<!tpu.dma_semaphore, #tpu.memory_space<semaphore_mem>>)
      %dma_start3A_85 = arith.constant 4 : i32
      %dma_start3A_86 = arith.constant 512 : i32
      %dma_start3A_87 = arith.constant 0 : i32
      %dma_start3A_88 = tpu.memref_slice %arg6[%dma_start3A_86, %dma_start3A_87] : memref<1280x32xf32, #tpu.memory_space<vmem>> -> memref<128x32xf32, #tpu.memory_space<vmem>>
      %dma_start3A_89 = arith.constant 0 : i32
      %dma_start3A_90 = tpu.memref_slice %arg5[%dma_start3A_85, %dma_start3A_89] : memref<10x128xi32, #tpu.memory_space<vmem>> -> memref<1x128xi32, #tpu.memory_space<vmem>>
      %dma_start3A_91 = tpu.memref_squeeze %dma_start3A_90 : memref<1x128xi32, #tpu.memory_space<vmem>> -> memref<128xi32, #tpu.memory_space<vmem>>
      %dma_start3A_92 = arith.constant 0 : i32
      %dma_start3A_93 = arith.constant 0 : i32
      %dma_start3A_94 = tpu.memref_slice %arg3[%select_n3A, %dma_start3A_92, %dma_start3A_93] : memref<7x200192x32xf32, #tpu.memory_space<hbm>> -> memref<1x200192x32xf32, #tpu.memory_space<hbm>>
      %dma_start3A_95 = tpu.memref_squeeze %dma_start3A_94 : memref<1x200192x32xf32, #tpu.memory_space<hbm>> -> memref<200192x32xf32, #tpu.memory_space<hbm>>
      %dma_start3A_96 = arith.constant 0 : i32
      %dma_start3A_97 = arith.constant 0 : i32
      %dma_start3A_98 = tpu.memref_slice %dma_start3A_95[%dma_start3A_96, %dma_start3A_97] : memref<200192x32xf32, #tpu.memory_space<hbm>> -> memref<200192x32xf32, #tpu.memory_space<hbm>>
      tpu.enqueue_indirect_dma source(%dma_start3A_98 : memref<200192x32xf32, #tpu.memory_space<hbm>>) target(%dma_start3A_88 : memref<128x32xf32, #tpu.memory_space<vmem>>) offsets(%dma_start3A_91 : memref<128xi32, #tpu.memory_space<vmem>>) semaphore(%arg8 : memref<!tpu.dma_semaphore, #tpu.memory_space<semaphore_mem>>)
      %dma_start3A_99 = arith.constant 5 : i32
      %dma_start3A_100 = arith.constant 640 : i32
      %dma_start3A_101 = arith.constant 0 : i32
      %dma_start3A_102 = tpu.memref_slice %arg6[%dma_start3A_100, %dma_start3A_101] : memref<1280x32xf32, #tpu.memory_space<vmem>> -> memref<128x32xf32, #tpu.memory_space<vmem>>
      %dma_start3A_103 = arith.constant 0 : i32
      %dma_start3A_104 = tpu.memref_slice %arg5[%dma_start3A_99, %dma_start3A_103] : memref<10x128xi32, #tpu.memory_space<vmem>> -> memref<1x128xi32, #tpu.memory_space<vmem>>
      %dma_start3A_105 = tpu.memref_squeeze %dma_start3A_104 : memref<1x128xi32, #tpu.memory_space<vmem>> -> memref<128xi32, #tpu.memory_space<vmem>>
      %dma_start3A_106 = arith.constant 0 : i32
      %dma_start3A_107 = arith.constant 0 : i32
      %dma_start3A_108 = tpu.memref_slice %arg3[%select_n3A, %dma_start3A_106, %dma_start3A_107] : memref<7x200192x32xf32, #tpu.memory_space<hbm>> -> memref<1x200192x32xf32, #tpu.memory_space<hbm>>
      %dma_start3A_109 = tpu.memref_squeeze %dma_start3A_108 : memref<1x200192x32xf32, #tpu.memory_space<hbm>> -> memref<200192x32xf32, #tpu.memory_space<hbm>>
      %dma_start3A_110 = arith.constant 0 : i32
      %dma_start3A_111 = arith.constant 0 : i32
      %dma_start3A_112 = tpu.memref_slice %dma_start3A_109[%dma_start3A_110, %dma_start3A_111] : memref<200192x32xf32, #tpu.memory_space<hbm>> -> memref<200192x32xf32, #tpu.memory_space<hbm>>
      tpu.enqueue_indirect_dma source(%dma_start3A_112 : memref<200192x32xf32, #tpu.memory_space<hbm>>) target(%dma_start3A_102 : memref<128x32xf32, #tpu.memory_space<vmem>>) offsets(%dma_start3A_105 : memref<128xi32, #tpu.memory_space<vmem>>) semaphore(%arg8 : memref<!tpu.dma_semaphore, #tpu.memory_space<semaphore_mem>>)
      %dma_start3A_113 = arith.constant 6 : i32
      %dma_start3A_114 = arith.constant 768 : i32
      %dma_start3A_115 = arith.constant 0 : i32
      %dma_start3A_116 = tpu.memref_slice %arg6[%dma_start3A_114, %dma_start3A_115] : memref<1280x32xf32, #tpu.memory_space<vmem>> -> memref<128x32xf32, #tpu.memory_space<vmem>>
      %dma_start3A_117 = arith.constant 0 : i32
      %dma_start3A_118 = tpu.memref_slice %arg5[%dma_start3A_113, %dma_start3A_117] : memref<10x128xi32, #tpu.memory_space<vmem>> -> memref<1x128xi32, #tpu.memory_space<vmem>>
      %dma_start3A_119 = tpu.memref_squeeze %dma_start3A_118 : memref<1x128xi32, #tpu.memory_space<vmem>> -> memref<128xi32, #tpu.memory_space<vmem>>
      %dma_start3A_120 = arith.constant 0 : i32
      %dma_start3A_121 = arith.constant 0 : i32
      %dma_start3A_122 = tpu.memref_slice %arg3[%select_n3A, %dma_start3A_120, %dma_start3A_121] : memref<7x200192x32xf32, #tpu.memory_space<hbm>> -> memref<1x200192x32xf32, #tpu.memory_space<hbm>>
      %dma_start3A_123 = tpu.memref_squeeze %dma_start3A_122 : memref<1x200192x32xf32, #tpu.memory_space<hbm>> -> memref<200192x32xf32, #tpu.memory_space<hbm>>
      %dma_start3A_124 = arith.constant 0 : i32
      %dma_start3A_125 = arith.constant 0 : i32
      %dma_start3A_126 = tpu.memref_slice %dma_start3A_123[%dma_start3A_124, %dma_start3A_125] : memref<200192x32xf32, #tpu.memory_space<hbm>> -> memref<200192x32xf32, #tpu.memory_space<hbm>>
      tpu.enqueue_indirect_dma source(%dma_start3A_126 : memref<200192x32xf32, #tpu.memory_space<hbm>>) target(%dma_start3A_116 : memref<128x32xf32, #tpu.memory_space<vmem>>) offsets(%dma_start3A_119 : memref<128xi32, #tpu.memory_space<vmem>>) semaphore(%arg8 : memref<!tpu.dma_semaphore, #tpu.memory_space<semaphore_mem>>)
      %dma_start3A_127 = arith.constant 7 : i32
      %dma_start3A_128 = arith.constant 896 : i32
      %dma_start3A_129 = arith.constant 0 : i32
      %dma_start3A_130 = tpu.memref_slice %arg6[%dma_start3A_128, %dma_start3A_129] : memref<1280x32xf32, #tpu.memory_space<vmem>> -> memref<128x32xf32, #tpu.memory_space<vmem>>
      %dma_start3A_131 = arith.constant 0 : i32
      %dma_start3A_132 = tpu.memref_slice %arg5[%dma_start3A_127, %dma_start3A_131] : memref<10x128xi32, #tpu.memory_space<vmem>> -> memref<1x128xi32, #tpu.memory_space<vmem>>
      %dma_start3A_133 = tpu.memref_squeeze %dma_start3A_132 : memref<1x128xi32, #tpu.memory_space<vmem>> -> memref<128xi32, #tpu.memory_space<vmem>>
      %dma_start3A_134 = arith.constant 0 : i32
      %dma_start3A_135 = arith.constant 0 : i32
      %dma_start3A_136 = tpu.memref_slice %arg3[%select_n3A, %dma_start3A_134, %dma_start3A_135] : memref<7x200192x32xf32, #tpu.memory_space<hbm>> -> memref<1x200192x32xf32, #tpu.memory_space<hbm>>
      %dma_start3A_137 = tpu.memref_squeeze %dma_start3A_136 : memref<1x200192x32xf32, #tpu.memory_space<hbm>> -> memref<200192x32xf32, #tpu.memory_space<hbm>>
      %dma_start3A_138 = arith.constant 0 : i32
      %dma_start3A_139 = arith.constant 0 : i32
      %dma_start3A_140 = tpu.memref_slice %dma_start3A_137[%dma_start3A_138, %dma_start3A_139] : memref<200192x32xf32, #tpu.memory_space<hbm>> -> memref<200192x32xf32, #tpu.memory_space<hbm>>
      tpu.enqueue_indirect_dma source(%dma_start3A_140 : memref<200192x32xf32, #tpu.memory_space<hbm>>) target(%dma_start3A_130 : memref<128x32xf32, #tpu.memory_space<vmem>>) offsets(%dma_start3A_133 : memref<128xi32, #tpu.memory_space<vmem>>) semaphore(%arg8 : memref<!tpu.dma_semaphore, #tpu.memory_space<semaphore_mem>>)
      %dma_start3A_141 = arith.constant 8 : i32
      %dma_start3A_142 = arith.constant 1024 : i32
      %dma_start3A_143 = arith.constant 0 : i32
      %dma_start3A_144 = tpu.memref_slice %arg6[%dma_start3A_142, %dma_start3A_143] : memref<1280x32xf32, #tpu.memory_space<vmem>> -> memref<128x32xf32, #tpu.memory_space<vmem>>
      %dma_start3A_145 = arith.constant 0 : i32
      %dma_start3A_146 = tpu.memref_slice %arg5[%dma_start3A_141, %dma_start3A_145] : memref<10x128xi32, #tpu.memory_space<vmem>> -> memref<1x128xi32, #tpu.memory_space<vmem>>
      %dma_start3A_147 = tpu.memref_squeeze %dma_start3A_146 : memref<1x128xi32, #tpu.memory_space<vmem>> -> memref<128xi32, #tpu.memory_space<vmem>>
      %dma_start3A_148 = arith.constant 0 : i32
      %dma_start3A_149 = arith.constant 0 : i32
      %dma_start3A_150 = tpu.memref_slice %arg3[%select_n3A, %dma_start3A_148, %dma_start3A_149] : memref<7x200192x32xf32, #tpu.memory_space<hbm>> -> memref<1x200192x32xf32, #tpu.memory_space<hbm>>
      %dma_start3A_151 = tpu.memref_squeeze %dma_start3A_150 : memref<1x200192x32xf32, #tpu.memory_space<hbm>> -> memref<200192x32xf32, #tpu.memory_space<hbm>>
      %dma_start3A_152 = arith.constant 0 : i32
      %dma_start3A_153 = arith.constant 0 : i32
      %dma_start3A_154 = tpu.memref_slice %dma_start3A_151[%dma_start3A_152, %dma_start3A_153] : memref<200192x32xf32, #tpu.memory_space<hbm>> -> memref<200192x32xf32, #tpu.memory_space<hbm>>
      tpu.enqueue_indirect_dma source(%dma_start3A_154 : memref<200192x32xf32, #tpu.memory_space<hbm>>) target(%dma_start3A_144 : memref<128x32xf32, #tpu.memory_space<vmem>>) offsets(%dma_start3A_147 : memref<128xi32, #tpu.memory_space<vmem>>) semaphore(%arg8 : memref<!tpu.dma_semaphore, #tpu.memory_space<semaphore_mem>>)
      %dma_start3A_155 = arith.constant 9 : i32
      %dma_start3A_156 = arith.constant 1152 : i32
      %dma_start3A_157 = arith.constant 0 : i32
      %dma_start3A_158 = tpu.memref_slice %arg6[%dma_start3A_156, %dma_start3A_157] : memref<1280x32xf32, #tpu.memory_space<vmem>> -> memref<128x32xf32, #tpu.memory_space<vmem>>
      %dma_start3A_159 = arith.constant 0 : i32
      %dma_start3A_160 = tpu.memref_slice %arg5[%dma_start3A_155, %dma_start3A_159] : memref<10x128xi32, #tpu.memory_space<vmem>> -> memref<1x128xi32, #tpu.memory_space<vmem>>
      %dma_start3A_161 = tpu.memref_squeeze %dma_start3A_160 : memref<1x128xi32, #tpu.memory_space<vmem>> -> memref<128xi32, #tpu.memory_space<vmem>>
      %dma_start3A_162 = arith.constant 0 : i32
      %dma_start3A_163 = arith.constant 0 : i32
      %dma_start3A_164 = tpu.memref_slice %arg3[%select_n3A, %dma_start3A_162, %dma_start3A_163] : memref<7x200192x32xf32, #tpu.memory_space<hbm>> -> memref<1x200192x32xf32, #tpu.memory_space<hbm>>
      %dma_start3A_165 = tpu.memref_squeeze %dma_start3A_164 : memref<1x200192x32xf32, #tpu.memory_space<hbm>> -> memref<200192x32xf32, #tpu.memory_space<hbm>>
      %dma_start3A_166 = arith.constant 0 : i32
      %dma_start3A_167 = arith.constant 0 : i32
      %dma_start3A_168 = tpu.memref_slice %dma_start3A_165[%dma_start3A_166, %dma_start3A_167] : memref<200192x32xf32, #tpu.memory_space<hbm>> -> memref<200192x32xf32, #tpu.memory_space<hbm>>
      tpu.enqueue_indirect_dma source(%dma_start3A_168 : memref<200192x32xf32, #tpu.memory_space<hbm>>) target(%dma_start3A_158 : memref<128x32xf32, #tpu.memory_space<vmem>>) offsets(%dma_start3A_161 : memref<128xi32, #tpu.memory_space<vmem>>) semaphore(%arg8 : memref<!tpu.dma_semaphore, #tpu.memory_space<semaphore_mem>>)
      %dma_wait3A = arith.constant 0 : i32
      %dma_wait3A_169 = arith.constant 0 : i32
      %dma_wait3A_170 = arith.constant 0 : i32
      %dma_wait3A_171 = tpu.memref_slice %arg6[%dma_wait3A_169, %dma_wait3A_170] : memref<1280x32xf32, #tpu.memory_space<vmem>> -> memref<128x32xf32, #tpu.memory_space<vmem>>
      %dma_wait3A_172 = arith.constant 0 : i32
      %dma_wait3A_173 = tpu.memref_slice %arg5[%dma_wait3A, %dma_wait3A_172] : memref<10x128xi32, #tpu.memory_space<vmem>> -> memref<1x128xi32, #tpu.memory_space<vmem>>
      %dma_wait3A_174 = tpu.memref_squeeze %dma_wait3A_173 : memref<1x128xi32, #tpu.memory_space<vmem>> -> memref<128xi32, #tpu.memory_space<vmem>>
      %dma_wait3A_175 = arith.constant 0 : i32
      %dma_wait3A_176 = arith.constant 0 : i32
      %dma_wait3A_177 = tpu.memref_slice %arg3[%select_n3A, %dma_wait3A_175, %dma_wait3A_176] : memref<7x200192x32xf32, #tpu.memory_space<hbm>> -> memref<1x200192x32xf32, #tpu.memory_space<hbm>>
      %dma_wait3A_178 = tpu.memref_squeeze %dma_wait3A_177 : memref<1x200192x32xf32, #tpu.memory_space<hbm>> -> memref<200192x32xf32, #tpu.memory_space<hbm>>
      %dma_wait3A_179 = arith.constant 0 : i32
      %dma_wait3A_180 = arith.constant 0 : i32
      %dma_wait3A_181 = tpu.memref_slice %dma_wait3A_178[%dma_wait3A_179, %dma_wait3A_180] : memref<200192x32xf32, #tpu.memory_space<hbm>> -> memref<200192x32xf32, #tpu.memory_space<hbm>>
      tpu.wait_indirect_dma semaphore(%arg8 : memref<!tpu.dma_semaphore, #tpu.memory_space<semaphore_mem>>) src(%dma_wait3A_181 : memref<200192x32xf32, #tpu.memory_space<hbm>>) dst(%dma_wait3A_171 : memref<128x32xf32, #tpu.memory_space<vmem>>)
      %dma_wait3A_182 = arith.constant 1 : i32
      %dma_wait3A_183 = arith.constant 128 : i32
      %dma_wait3A_184 = arith.constant 0 : i32
      %dma_wait3A_185 = tpu.memref_slice %arg6[%dma_wait3A_183, %dma_wait3A_184] : memref<1280x32xf32, #tpu.memory_space<vmem>> -> memref<128x32xf32, #tpu.memory_space<vmem>>
      %dma_wait3A_186 = arith.constant 0 : i32
      %dma_wait3A_187 = tpu.memref_slice %arg5[%dma_wait3A_182, %dma_wait3A_186] : memref<10x128xi32, #tpu.memory_space<vmem>> -> memref<1x128xi32, #tpu.memory_space<vmem>>
      %dma_wait3A_188 = tpu.memref_squeeze %dma_wait3A_187 : memref<1x128xi32, #tpu.memory_space<vmem>> -> memref<128xi32, #tpu.memory_space<vmem>>
      %dma_wait3A_189 = arith.constant 0 : i32
      %dma_wait3A_190 = arith.constant 0 : i32
      %dma_wait3A_191 = tpu.memref_slice %arg3[%select_n3A, %dma_wait3A_189, %dma_wait3A_190] : memref<7x200192x32xf32, #tpu.memory_space<hbm>> -> memref<1x200192x32xf32, #tpu.memory_space<hbm>>
      %dma_wait3A_192 = tpu.memref_squeeze %dma_wait3A_191 : memref<1x200192x32xf32, #tpu.memory_space<hbm>> -> memref<200192x32xf32, #tpu.memory_space<hbm>>
      %dma_wait3A_193 = arith.constant 0 : i32
      %dma_wait3A_194 = arith.constant 0 : i32
      %dma_wait3A_195 = tpu.memref_slice %dma_wait3A_192[%dma_wait3A_193, %dma_wait3A_194] : memref<200192x32xf32, #tpu.memory_space<hbm>> -> memref<200192x32xf32, #tpu.memory_space<hbm>>
      tpu.wait_indirect_dma semaphore(%arg8 : memref<!tpu.dma_semaphore, #tpu.memory_space<semaphore_mem>>) src(%dma_wait3A_195 : memref<200192x32xf32, #tpu.memory_space<hbm>>) dst(%dma_wait3A_185 : memref<128x32xf32, #tpu.memory_space<vmem>>)
      %dma_wait3A_196 = arith.constant 2 : i32
      %dma_wait3A_197 = arith.constant 256 : i32
      %dma_wait3A_198 = arith.constant 0 : i32
      %dma_wait3A_199 = tpu.memref_slice %arg6[%dma_wait3A_197, %dma_wait3A_198] : memref<1280x32xf32, #tpu.memory_space<vmem>> -> memref<128x32xf32, #tpu.memory_space<vmem>>
      %dma_wait3A_200 = arith.constant 0 : i32
      %dma_wait3A_201 = tpu.memref_slice %arg5[%dma_wait3A_196, %dma_wait3A_200] : memref<10x128xi32, #tpu.memory_space<vmem>> -> memref<1x128xi32, #tpu.memory_space<vmem>>
      %dma_wait3A_202 = tpu.memref_squeeze %dma_wait3A_201 : memref<1x128xi32, #tpu.memory_space<vmem>> -> memref<128xi32, #tpu.memory_space<vmem>>
      %dma_wait3A_203 = arith.constant 0 : i32
      %dma_wait3A_204 = arith.constant 0 : i32
      %dma_wait3A_205 = tpu.memref_slice %arg3[%select_n3A, %dma_wait3A_203, %dma_wait3A_204] : memref<7x200192x32xf32, #tpu.memory_space<hbm>> -> memref<1x200192x32xf32, #tpu.memory_space<hbm>>
      %dma_wait3A_206 = tpu.memref_squeeze %dma_wait3A_205 : memref<1x200192x32xf32, #tpu.memory_space<hbm>> -> memref<200192x32xf32, #tpu.memory_space<hbm>>
      %dma_wait3A_207 = arith.constant 0 : i32
      %dma_wait3A_208 = arith.constant 0 : i32
      %dma_wait3A_209 = tpu.memref_slice %dma_wait3A_206[%dma_wait3A_207, %dma_wait3A_208] : memref<200192x32xf32, #tpu.memory_space<hbm>> -> memref<200192x32xf32, #tpu.memory_space<hbm>>
      tpu.wait_indirect_dma semaphore(%arg8 : memref<!tpu.dma_semaphore, #tpu.memory_space<semaphore_mem>>) src(%dma_wait3A_209 : memref<200192x32xf32, #tpu.memory_space<hbm>>) dst(%dma_wait3A_199 : memref<128x32xf32, #tpu.memory_space<vmem>>)
      %dma_wait3A_210 = arith.constant 3 : i32
      %dma_wait3A_211 = arith.constant 384 : i32
      %dma_wait3A_212 = arith.constant 0 : i32
      %dma_wait3A_213 = tpu.memref_slice %arg6[%dma_wait3A_211, %dma_wait3A_212] : memref<1280x32xf32, #tpu.memory_space<vmem>> -> memref<128x32xf32, #tpu.memory_space<vmem>>
      %dma_wait3A_214 = arith.constant 0 : i32
      %dma_wait3A_215 = tpu.memref_slice %arg5[%dma_wait3A_210, %dma_wait3A_214] : memref<10x128xi32, #tpu.memory_space<vmem>> -> memref<1x128xi32, #tpu.memory_space<vmem>>
      %dma_wait3A_216 = tpu.memref_squeeze %dma_wait3A_215 : memref<1x128xi32, #tpu.memory_space<vmem>> -> memref<128xi32, #tpu.memory_space<vmem>>
      %dma_wait3A_217 = arith.constant 0 : i32
      %dma_wait3A_218 = arith.constant 0 : i32
      %dma_wait3A_219 = tpu.memref_slice %arg3[%select_n3A, %dma_wait3A_217, %dma_wait3A_218] : memref<7x200192x32xf32, #tpu.memory_space<hbm>> -> memref<1x200192x32xf32, #tpu.memory_space<hbm>>
      %dma_wait3A_220 = tpu.memref_squeeze %dma_wait3A_219 : memref<1x200192x32xf32, #tpu.memory_space<hbm>> -> memref<200192x32xf32, #tpu.memory_space<hbm>>
      %dma_wait3A_221 = arith.constant 0 : i32
      %dma_wait3A_222 = arith.constant 0 : i32
      %dma_wait3A_223 = tpu.memref_slice %dma_wait3A_220[%dma_wait3A_221, %dma_wait3A_222] : memref<200192x32xf32, #tpu.memory_space<hbm>> -> memref<200192x32xf32, #tpu.memory_space<hbm>>
      tpu.wait_indirect_dma semaphore(%arg8 : memref<!tpu.dma_semaphore, #tpu.memory_space<semaphore_mem>>) src(%dma_wait3A_223 : memref<200192x32xf32, #tpu.memory_space<hbm>>) dst(%dma_wait3A_213 : memref<128x32xf32, #tpu.memory_space<vmem>>)
      %dma_wait3A_224 = arith.constant 4 : i32
      %dma_wait3A_225 = arith.constant 512 : i32
      %dma_wait3A_226 = arith.constant 0 : i32
      %dma_wait3A_227 = tpu.memref_slice %arg6[%dma_wait3A_225, %dma_wait3A_226] : memref<1280x32xf32, #tpu.memory_space<vmem>> -> memref<128x32xf32, #tpu.memory_space<vmem>>
      %dma_wait3A_228 = arith.constant 0 : i32
      %dma_wait3A_229 = tpu.memref_slice %arg5[%dma_wait3A_224, %dma_wait3A_228] : memref<10x128xi32, #tpu.memory_space<vmem>> -> memref<1x128xi32, #tpu.memory_space<vmem>>
      %dma_wait3A_230 = tpu.memref_squeeze %dma_wait3A_229 : memref<1x128xi32, #tpu.memory_space<vmem>> -> memref<128xi32, #tpu.memory_space<vmem>>
      %dma_wait3A_231 = arith.constant 0 : i32
      %dma_wait3A_232 = arith.constant 0 : i32
      %dma_wait3A_233 = tpu.memref_slice %arg3[%select_n3A, %dma_wait3A_231, %dma_wait3A_232] : memref<7x200192x32xf32, #tpu.memory_space<hbm>> -> memref<1x200192x32xf32, #tpu.memory_space<hbm>>
      %dma_wait3A_234 = tpu.memref_squeeze %dma_wait3A_233 : memref<1x200192x32xf32, #tpu.memory_space<hbm>> -> memref<200192x32xf32, #tpu.memory_space<hbm>>
      %dma_wait3A_235 = arith.constant 0 : i32
      %dma_wait3A_236 = arith.constant 0 : i32
      %dma_wait3A_237 = tpu.memref_slice %dma_wait3A_234[%dma_wait3A_235, %dma_wait3A_236] : memref<200192x32xf32, #tpu.memory_space<hbm>> -> memref<200192x32xf32, #tpu.memory_space<hbm>>
      tpu.wait_indirect_dma semaphore(%arg8 : memref<!tpu.dma_semaphore, #tpu.memory_space<semaphore_mem>>) src(%dma_wait3A_237 : memref<200192x32xf32, #tpu.memory_space<hbm>>) dst(%dma_wait3A_227 : memref<128x32xf32, #tpu.memory_space<vmem>>)
      %dma_wait3A_238 = arith.constant 5 : i32
      %dma_wait3A_239 = arith.constant 640 : i32
      %dma_wait3A_240 = arith.constant 0 : i32
      %dma_wait3A_241 = tpu.memref_slice %arg6[%dma_wait3A_239, %dma_wait3A_240] : memref<1280x32xf32, #tpu.memory_space<vmem>> -> memref<128x32xf32, #tpu.memory_space<vmem>>
      %dma_wait3A_242 = arith.constant 0 : i32
      %dma_wait3A_243 = tpu.memref_slice %arg5[%dma_wait3A_238, %dma_wait3A_242] : memref<10x128xi32, #tpu.memory_space<vmem>> -> memref<1x128xi32, #tpu.memory_space<vmem>>
      %dma_wait3A_244 = tpu.memref_squeeze %dma_wait3A_243 : memref<1x128xi32, #tpu.memory_space<vmem>> -> memref<128xi32, #tpu.memory_space<vmem>>
      %dma_wait3A_245 = arith.constant 0 : i32
      %dma_wait3A_246 = arith.constant 0 : i32
      %dma_wait3A_247 = tpu.memref_slice %arg3[%select_n3A, %dma_wait3A_245, %dma_wait3A_246] : memref<7x200192x32xf32, #tpu.memory_space<hbm>> -> memref<1x200192x32xf32, #tpu.memory_space<hbm>>
      %dma_wait3A_248 = tpu.memref_squeeze %dma_wait3A_247 : memref<1x200192x32xf32, #tpu.memory_space<hbm>> -> memref<200192x32xf32, #tpu.memory_space<hbm>>
      %dma_wait3A_249 = arith.constant 0 : i32
      %dma_wait3A_250 = arith.constant 0 : i32
      %dma_wait3A_251 = tpu.memref_slice %dma_wait3A_248[%dma_wait3A_249, %dma_wait3A_250] : memref<200192x32xf32, #tpu.memory_space<hbm>> -> memref<200192x32xf32, #tpu.memory_space<hbm>>
      tpu.wait_indirect_dma semaphore(%arg8 : memref<!tpu.dma_semaphore, #tpu.memory_space<semaphore_mem>>) src(%dma_wait3A_251 : memref<200192x32xf32, #tpu.memory_space<hbm>>) dst(%dma_wait3A_241 : memref<128x32xf32, #tpu.memory_space<vmem>>)
      %dma_wait3A_252 = arith.constant 6 : i32
      %dma_wait3A_253 = arith.constant 768 : i32
      %dma_wait3A_254 = arith.constant 0 : i32
      %dma_wait3A_255 = tpu.memref_slice %arg6[%dma_wait3A_253, %dma_wait3A_254] : memref<1280x32xf32, #tpu.memory_space<vmem>> -> memref<128x32xf32, #tpu.memory_space<vmem>>
      %dma_wait3A_256 = arith.constant 0 : i32
      %dma_wait3A_257 = tpu.memref_slice %arg5[%dma_wait3A_252, %dma_wait3A_256] : memref<10x128xi32, #tpu.memory_space<vmem>> -> memref<1x128xi32, #tpu.memory_space<vmem>>
      %dma_wait3A_258 = tpu.memref_squeeze %dma_wait3A_257 : memref<1x128xi32, #tpu.memory_space<vmem>> -> memref<128xi32, #tpu.memory_space<vmem>>
      %dma_wait3A_259 = arith.constant 0 : i32
      %dma_wait3A_260 = arith.constant 0 : i32
      %dma_wait3A_261 = tpu.memref_slice %arg3[%select_n3A, %dma_wait3A_259, %dma_wait3A_260] : memref<7x200192x32xf32, #tpu.memory_space<hbm>> -> memref<1x200192x32xf32, #tpu.memory_space<hbm>>
      %dma_wait3A_262 = tpu.memref_squeeze %dma_wait3A_261 : memref<1x200192x32xf32, #tpu.memory_space<hbm>> -> memref<200192x32xf32, #tpu.memory_space<hbm>>
      %dma_wait3A_263 = arith.constant 0 : i32
      %dma_wait3A_264 = arith.constant 0 : i32
      %dma_wait3A_265 = tpu.memref_slice %dma_wait3A_262[%dma_wait3A_263, %dma_wait3A_264] : memref<200192x32xf32, #tpu.memory_space<hbm>> -> memref<200192x32xf32, #tpu.memory_space<hbm>>
      tpu.wait_indirect_dma semaphore(%arg8 : memref<!tpu.dma_semaphore, #tpu.memory_space<semaphore_mem>>) src(%dma_wait3A_265 : memref<200192x32xf32, #tpu.memory_space<hbm>>) dst(%dma_wait3A_255 : memref<128x32xf32, #tpu.memory_space<vmem>>)
      %dma_wait3A_266 = arith.constant 7 : i32
      %dma_wait3A_267 = arith.constant 896 : i32
      %dma_wait3A_268 = arith.constant 0 : i32
      %dma_wait3A_269 = tpu.memref_slice %arg6[%dma_wait3A_267, %dma_wait3A_268] : memref<1280x32xf32, #tpu.memory_space<vmem>> -> memref<128x32xf32, #tpu.memory_space<vmem>>
      %dma_wait3A_270 = arith.constant 0 : i32
      %dma_wait3A_271 = tpu.memref_slice %arg5[%dma_wait3A_266, %dma_wait3A_270] : memref<10x128xi32, #tpu.memory_space<vmem>> -> memref<1x128xi32, #tpu.memory_space<vmem>>
      %dma_wait3A_272 = tpu.memref_squeeze %dma_wait3A_271 : memref<1x128xi32, #tpu.memory_space<vmem>> -> memref<128xi32, #tpu.memory_space<vmem>>
      %dma_wait3A_273 = arith.constant 0 : i32
      %dma_wait3A_274 = arith.constant 0 : i32
      %dma_wait3A_275 = tpu.memref_slice %arg3[%select_n3A, %dma_wait3A_273, %dma_wait3A_274] : memref<7x200192x32xf32, #tpu.memory_space<hbm>> -> memref<1x200192x32xf32, #tpu.memory_space<hbm>>
      %dma_wait3A_276 = tpu.memref_squeeze %dma_wait3A_275 : memref<1x200192x32xf32, #tpu.memory_space<hbm>> -> memref<200192x32xf32, #tpu.memory_space<hbm>>
      %dma_wait3A_277 = arith.constant 0 : i32
      %dma_wait3A_278 = arith.constant 0 : i32
      %dma_wait3A_279 = tpu.memref_slice %dma_wait3A_276[%dma_wait3A_277, %dma_wait3A_278] : memref<200192x32xf32, #tpu.memory_space<hbm>> -> memref<200192x32xf32, #tpu.memory_space<hbm>>
      tpu.wait_indirect_dma semaphore(%arg8 : memref<!tpu.dma_semaphore, #tpu.memory_space<semaphore_mem>>) src(%dma_wait3A_279 : memref<200192x32xf32, #tpu.memory_space<hbm>>) dst(%dma_wait3A_269 : memref<128x32xf32, #tpu.memory_space<vmem>>)
      %dma_wait3A_280 = arith.constant 8 : i32
      %dma_wait3A_281 = arith.constant 1024 : i32
      %dma_wait3A_282 = arith.constant 0 : i32
      %dma_wait3A_283 = tpu.memref_slice %arg6[%dma_wait3A_281, %dma_wait3A_282] : memref<1280x32xf32, #tpu.memory_space<vmem>> -> memref<128x32xf32, #tpu.memory_space<vmem>>
      %dma_wait3A_284 = arith.constant 0 : i32
      %dma_wait3A_285 = tpu.memref_slice %arg5[%dma_wait3A_280, %dma_wait3A_284] : memref<10x128xi32, #tpu.memory_space<vmem>> -> memref<1x128xi32, #tpu.memory_space<vmem>>
      %dma_wait3A_286 = tpu.memref_squeeze %dma_wait3A_285 : memref<1x128xi32, #tpu.memory_space<vmem>> -> memref<128xi32, #tpu.memory_space<vmem>>
      %dma_wait3A_287 = arith.constant 0 : i32
      %dma_wait3A_288 = arith.constant 0 : i32
      %dma_wait3A_289 = tpu.memref_slice %arg3[%select_n3A, %dma_wait3A_287, %dma_wait3A_288] : memref<7x200192x32xf32, #tpu.memory_space<hbm>> -> memref<1x200192x32xf32, #tpu.memory_space<hbm>>
      %dma_wait3A_290 = tpu.memref_squeeze %dma_wait3A_289 : memref<1x200192x32xf32, #tpu.memory_space<hbm>> -> memref<200192x32xf32, #tpu.memory_space<hbm>>
      %dma_wait3A_291 = arith.constant 0 : i32
      %dma_wait3A_292 = arith.constant 0 : i32
      %dma_wait3A_293 = tpu.memref_slice %dma_wait3A_290[%dma_wait3A_291, %dma_wait3A_292] : memref<200192x32xf32, #tpu.memory_space<hbm>> -> memref<200192x32xf32, #tpu.memory_space<hbm>>
      tpu.wait_indirect_dma semaphore(%arg8 : memref<!tpu.dma_semaphore, #tpu.memory_space<semaphore_mem>>) src(%dma_wait3A_293 : memref<200192x32xf32, #tpu.memory_space<hbm>>) dst(%dma_wait3A_283 : memref<128x32xf32, #tpu.memory_space<vmem>>)
      %dma_wait3A_294 = arith.constant 9 : i32
      %dma_wait3A_295 = arith.constant 1152 : i32
      %dma_wait3A_296 = arith.constant 0 : i32
      %dma_wait3A_297 = tpu.memref_slice %arg6[%dma_wait3A_295, %dma_wait3A_296] : memref<1280x32xf32, #tpu.memory_space<vmem>> -> memref<128x32xf32, #tpu.memory_space<vmem>>
      %dma_wait3A_298 = arith.constant 0 : i32
      %dma_wait3A_299 = tpu.memref_slice %arg5[%dma_wait3A_294, %dma_wait3A_298] : memref<10x128xi32, #tpu.memory_space<vmem>> -> memref<1x128xi32, #tpu.memory_space<vmem>>
      %dma_wait3A_300 = tpu.memref_squeeze %dma_wait3A_299 : memref<1x128xi32, #tpu.memory_space<vmem>> -> memref<128xi32, #tpu.memory_space<vmem>>
      %dma_wait3A_301 = arith.constant 0 : i32
      %dma_wait3A_302 = arith.constant 0 : i32
      %dma_wait3A_303 = tpu.memref_slice %arg3[%select_n3A, %dma_wait3A_301, %dma_wait3A_302] : memref<7x200192x32xf32, #tpu.memory_space<hbm>> -> memref<1x200192x32xf32, #tpu.memory_space<hbm>>
      %dma_wait3A_304 = tpu.memref_squeeze %dma_wait3A_303 : memref<1x200192x32xf32, #tpu.memory_space<hbm>> -> memref<200192x32xf32, #tpu.memory_space<hbm>>
      %dma_wait3A_305 = arith.constant 0 : i32
      %dma_wait3A_306 = arith.constant 0 : i32
      %dma_wait3A_307 = tpu.memref_slice %dma_wait3A_304[%dma_wait3A_305, %dma_wait3A_306] : memref<200192x32xf32, #tpu.memory_space<hbm>> -> memref<200192x32xf32, #tpu.memory_space<hbm>>
      tpu.wait_indirect_dma semaphore(%arg8 : memref<!tpu.dma_semaphore, #tpu.memory_space<semaphore_mem>>) src(%dma_wait3A_307 : memref<200192x32xf32, #tpu.memory_space<hbm>>) dst(%dma_wait3A_297 : memref<128x32xf32, #tpu.memory_space<vmem>>)
      %scan3A_308 = arith.constant 0 : i32
      %scan3A_309 = arith.constant 0 : i32
      %scan3A_310 = arith.constant 64 : i32
      %scan3A_311 = arith.addi %scan3A_309, %scan3A_310 : i32
      %scan3A_312 = arith.constant 1 : i32
      scf.for %scan3A_316 = %scan3A_309 to %scan3A_311 step %scan3A_312  : i32 {
        %mul3A_317 = arith.constant 20 : i32
        %mul3A_318 = arith.muli %scan3A_316, %mul3A_317 : i32
        %get3A = arith.index_cast %mul3A_318 : i32 to index
        %get3A_319 = arith.constant 0 : index
        %get3A_320 = tpu.vector_load %arg6[%get3A, %get3A_319] {strides = array<i32>} : memref<1280x32xf32, #tpu.memory_space<vmem>>, vector<1x16xf32>,
        %get3A_321 = vector.shape_cast %get3A_320 : vector<1x16xf32> to vector<16xf32>
        %get3A_322 = arith.index_cast %mul3A_318 : i32 to index
        %get3A_323 = arith.constant 16 : index
        %get3A_324 = tpu.vector_load %arg6[%get3A_322, %get3A_323] {strides = array<i32>} : memref<1280x32xf32, #tpu.memory_space<vmem>>, vector<1x16xf32>,
        %get3A_325 = vector.shape_cast %get3A_324 : vector<1x16xf32> to vector<16xf32>
        %add3A_326 = arith.constant 1 : i32
        %add3A_327 = arith.addi %mul3A_318, %add3A_326 : i32
        %get3A_328 = arith.index_cast %add3A_327 : i32 to index
        %get3A_329 = arith.constant 0 : index
        %get3A_330 = tpu.vector_load %arg6[%get3A_328, %get3A_329] {strides = array<i32>} : memref<1280x32xf32, #tpu.memory_space<vmem>>, vector<1x16xf32>,
        %get3A_331 = vector.shape_cast %get3A_330 : vector<1x16xf32> to vector<16xf32>
        %add3A_332 = arith.addf %get3A_321, %get3A_331 : vector<16xf32>
        %add3A_333 = arith.constant 1 : i32
        %add3A_334 = arith.addi %mul3A_318, %add3A_333 : i32
        %get3A_335 = arith.index_cast %add3A_334 : i32 to index
        %get3A_336 = arith.constant 16 : index
        %get3A_337 = tpu.vector_load %arg6[%get3A_335, %get3A_336] {strides = array<i32>} : memref<1280x32xf32, #tpu.memory_space<vmem>>, vector<1x16xf32>,
        %get3A_338 = vector.shape_cast %get3A_337 : vector<1x16xf32> to vector<16xf32>
        %add3A_339 = arith.addf %get3A_325, %get3A_338 : vector<16xf32>
        %add3A_340 = arith.constant 2 : i32
        %add3A_341 = arith.addi %mul3A_318, %add3A_340 : i32
        %get3A_342 = arith.index_cast %add3A_341 : i32 to index
        %get3A_343 = arith.constant 0 : index
        %get3A_344 = tpu.vector_load %arg6[%get3A_342, %get3A_343] {strides = array<i32>} : memref<1280x32xf32, #tpu.memory_space<vmem>>, vector<1x16xf32>,
        %get3A_345 = vector.shape_cast %get3A_344 : vector<1x16xf32> to vector<16xf32>
        %add3A_346 = arith.addf %add3A_332, %get3A_345 : vector<16xf32>
        %add3A_347 = arith.constant 2 : i32
        %add3A_348 = arith.addi %mul3A_318, %add3A_347 : i32
        %get3A_349 = arith.index_cast %add3A_348 : i32 to index
        %get3A_350 = arith.constant 16 : index
        %get3A_351 = tpu.vector_load %arg6[%get3A_349, %get3A_350] {strides = array<i32>} : memref<1280x32xf32, #tpu.memory_space<vmem>>, vector<1x16xf32>,
        %get3A_352 = vector.shape_cast %get3A_351 : vector<1x16xf32> to vector<16xf32>
        %add3A_353 = arith.addf %add3A_339, %get3A_352 : vector<16xf32>
        %add3A_354 = arith.constant 3 : i32
        %add3A_355 = arith.addi %mul3A_318, %add3A_354 : i32
        %get3A_356 = arith.index_cast %add3A_355 : i32 to index
        %get3A_357 = arith.constant 0 : index
        %get3A_358 = tpu.vector_load %arg6[%get3A_356, %get3A_357] {strides = array<i32>} : memref<1280x32xf32, #tpu.memory_space<vmem>>, vector<1x16xf32>,
        %get3A_359 = vector.shape_cast %get3A_358 : vector<1x16xf32> to vector<16xf32>
        %add3A_360 = arith.addf %add3A_346, %get3A_359 : vector<16xf32>
        %add3A_361 = arith.constant 3 : i32
        %add3A_362 = arith.addi %mul3A_318, %add3A_361 : i32
        %get3A_363 = arith.index_cast %add3A_362 : i32 to index
        %get3A_364 = arith.constant 16 : index
        %get3A_365 = tpu.vector_load %arg6[%get3A_363, %get3A_364] {strides = array<i32>} : memref<1280x32xf32, #tpu.memory_space<vmem>>, vector<1x16xf32>,
        %get3A_366 = vector.shape_cast %get3A_365 : vector<1x16xf32> to vector<16xf32>
        %add3A_367 = arith.addf %add3A_353, %get3A_366 : vector<16xf32>
        %add3A_368 = arith.constant 4 : i32
        %add3A_369 = arith.addi %mul3A_318, %add3A_368 : i32
        %get3A_370 = arith.index_cast %add3A_369 : i32 to index
        %get3A_371 = arith.constant 0 : index
        %get3A_372 = tpu.vector_load %arg6[%get3A_370, %get3A_371] {strides = array<i32>} : memref<1280x32xf32, #tpu.memory_space<vmem>>, vector<1x16xf32>,
        %get3A_373 = vector.shape_cast %get3A_372 : vector<1x16xf32> to vector<16xf32>
        %add3A_374 = arith.addf %add3A_360, %get3A_373 : vector<16xf32>
        %add3A_375 = arith.constant 4 : i32
        %add3A_376 = arith.addi %mul3A_318, %add3A_375 : i32
        %get3A_377 = arith.index_cast %add3A_376 : i32 to index
        %get3A_378 = arith.constant 16 : index
        %get3A_379 = tpu.vector_load %arg6[%get3A_377, %get3A_378] {strides = array<i32>} : memref<1280x32xf32, #tpu.memory_space<vmem>>, vector<1x16xf32>,
        %get3A_380 = vector.shape_cast %get3A_379 : vector<1x16xf32> to vector<16xf32>
        %add3A_381 = arith.addf %add3A_367, %get3A_380 : vector<16xf32>
        %add3A_382 = arith.constant 5 : i32
        %add3A_383 = arith.addi %mul3A_318, %add3A_382 : i32
        %get3A_384 = arith.index_cast %add3A_383 : i32 to index
        %get3A_385 = arith.constant 0 : index
        %get3A_386 = tpu.vector_load %arg6[%get3A_384, %get3A_385] {strides = array<i32>} : memref<1280x32xf32, #tpu.memory_space<vmem>>, vector<1x16xf32>,
        %get3A_387 = vector.shape_cast %get3A_386 : vector<1x16xf32> to vector<16xf32>
        %add3A_388 = arith.addf %add3A_374, %get3A_387 : vector<16xf32>
        %add3A_389 = arith.constant 5 : i32
        %add3A_390 = arith.addi %mul3A_318, %add3A_389 : i32
        %get3A_391 = arith.index_cast %add3A_390 : i32 to index
        %get3A_392 = arith.constant 16 : index
        %get3A_393 = tpu.vector_load %arg6[%get3A_391, %get3A_392] {strides = array<i32>} : memref<1280x32xf32, #tpu.memory_space<vmem>>, vector<1x16xf32>,
        %get3A_394 = vector.shape_cast %get3A_393 : vector<1x16xf32> to vector<16xf32>
        %add3A_395 = arith.addf %add3A_381, %get3A_394 : vector<16xf32>
        %add3A_396 = arith.constant 6 : i32
        %add3A_397 = arith.addi %mul3A_318, %add3A_396 : i32
        %get3A_398 = arith.index_cast %add3A_397 : i32 to index
        %get3A_399 = arith.constant 0 : index
        %get3A_400 = tpu.vector_load %arg6[%get3A_398, %get3A_399] {strides = array<i32>} : memref<1280x32xf32, #tpu.memory_space<vmem>>, vector<1x16xf32>,
        %get3A_401 = vector.shape_cast %get3A_400 : vector<1x16xf32> to vector<16xf32>
        %add3A_402 = arith.addf %add3A_388, %get3A_401 : vector<16xf32>
        %add3A_403 = arith.constant 6 : i32
        %add3A_404 = arith.addi %mul3A_318, %add3A_403 : i32
        %get3A_405 = arith.index_cast %add3A_404 : i32 to index
        %get3A_406 = arith.constant 16 : index
        %get3A_407 = tpu.vector_load %arg6[%get3A_405, %get3A_406] {strides = array<i32>} : memref<1280x32xf32, #tpu.memory_space<vmem>>, vector<1x16xf32>,
        %get3A_408 = vector.shape_cast %get3A_407 : vector<1x16xf32> to vector<16xf32>
        %add3A_409 = arith.addf %add3A_395, %get3A_408 : vector<16xf32>
        %add3A_410 = arith.constant 7 : i32
        %add3A_411 = arith.addi %mul3A_318, %add3A_410 : i32
        %get3A_412 = arith.index_cast %add3A_411 : i32 to index
        %get3A_413 = arith.constant 0 : index
        %get3A_414 = tpu.vector_load %arg6[%get3A_412, %get3A_413] {strides = array<i32>} : memref<1280x32xf32, #tpu.memory_space<vmem>>, vector<1x16xf32>,
        %get3A_415 = vector.shape_cast %get3A_414 : vector<1x16xf32> to vector<16xf32>
        %add3A_416 = arith.addf %add3A_402, %get3A_415 : vector<16xf32>
        %add3A_417 = arith.constant 7 : i32
        %add3A_418 = arith.addi %mul3A_318, %add3A_417 : i32
        %get3A_419 = arith.index_cast %add3A_418 : i32 to index
        %get3A_420 = arith.constant 16 : index
        %get3A_421 = tpu.vector_load %arg6[%get3A_419, %get3A_420] {strides = array<i32>} : memref<1280x32xf32, #tpu.memory_space<vmem>>, vector<1x16xf32>,
        %get3A_422 = vector.shape_cast %get3A_421 : vector<1x16xf32> to vector<16xf32>
        %add3A_423 = arith.addf %add3A_409, %get3A_422 : vector<16xf32>
        %add3A_424 = arith.constant 8 : i32
        %add3A_425 = arith.addi %mul3A_318, %add3A_424 : i32
        %get3A_426 = arith.index_cast %add3A_425 : i32 to index
        %get3A_427 = arith.constant 0 : index
        %get3A_428 = tpu.vector_load %arg6[%get3A_426, %get3A_427] {strides = array<i32>} : memref<1280x32xf32, #tpu.memory_space<vmem>>, vector<1x16xf32>,
        %get3A_429 = vector.shape_cast %get3A_428 : vector<1x16xf32> to vector<16xf32>
        %add3A_430 = arith.addf %add3A_416, %get3A_429 : vector<16xf32>
        %add3A_431 = arith.constant 8 : i32
        %add3A_432 = arith.addi %mul3A_318, %add3A_431 : i32
        %get3A_433 = arith.index_cast %add3A_432 : i32 to index
        %get3A_434 = arith.constant 16 : index
        %get3A_435 = tpu.vector_load %arg6[%get3A_433, %get3A_434] {strides = array<i32>} : memref<1280x32xf32, #tpu.memory_space<vmem>>, vector<1x16xf32>,
        %get3A_436 = vector.shape_cast %get3A_435 : vector<1x16xf32> to vector<16xf32>
        %add3A_437 = arith.addf %add3A_423, %get3A_436 : vector<16xf32>
        %add3A_438 = arith.constant 9 : i32
        %add3A_439 = arith.addi %mul3A_318, %add3A_438 : i32
        %get3A_440 = arith.index_cast %add3A_439 : i32 to index
        %get3A_441 = arith.constant 0 : index
        %get3A_442 = tpu.vector_load %arg6[%get3A_440, %get3A_441] {strides = array<i32>} : memref<1280x32xf32, #tpu.memory_space<vmem>>, vector<1x16xf32>,
        %get3A_443 = vector.shape_cast %get3A_442 : vector<1x16xf32> to vector<16xf32>
        %add3A_444 = arith.addf %add3A_430, %get3A_443 : vector<16xf32>
        %add3A_445 = arith.constant 9 : i32
        %add3A_446 = arith.addi %mul3A_318, %add3A_445 : i32
        %get3A_447 = arith.index_cast %add3A_446 : i32 to index
        %get3A_448 = arith.constant 16 : index
        %get3A_449 = tpu.vector_load %arg6[%get3A_447, %get3A_448] {strides = array<i32>} : memref<1280x32xf32, #tpu.memory_space<vmem>>, vector<1x16xf32>,
        %get3A_450 = vector.shape_cast %get3A_449 : vector<1x16xf32> to vector<16xf32>
        %add3A_451 = arith.addf %add3A_437, %get3A_450 : vector<16xf32>
        %add3A_452 = arith.constant 10 : i32
        %add3A_453 = arith.addi %mul3A_318, %add3A_452 : i32
        %get3A_454 = arith.index_cast %add3A_453 : i32 to index
        %get3A_455 = arith.constant 0 : index
        %get3A_456 = tpu.vector_load %arg6[%get3A_454, %get3A_455] {strides = array<i32>} : memref<1280x32xf32, #tpu.memory_space<vmem>>, vector<1x16xf32>,
        %get3A_457 = vector.shape_cast %get3A_456 : vector<1x16xf32> to vector<16xf32>
        %add3A_458 = arith.addf %add3A_444, %get3A_457 : vector<16xf32>
        %add3A_459 = arith.constant 10 : i32
        %add3A_460 = arith.addi %mul3A_318, %add3A_459 : i32
        %get3A_461 = arith.index_cast %add3A_460 : i32 to index
        %get3A_462 = arith.constant 16 : index
        %get3A_463 = tpu.vector_load %arg6[%get3A_461, %get3A_462] {strides = array<i32>} : memref<1280x32xf32, #tpu.memory_space<vmem>>, vector<1x16xf32>,
        %get3A_464 = vector.shape_cast %get3A_463 : vector<1x16xf32> to vector<16xf32>
        %add3A_465 = arith.addf %add3A_451, %get3A_464 : vector<16xf32>
        %add3A_466 = arith.constant 11 : i32
        %add3A_467 = arith.addi %mul3A_318, %add3A_466 : i32
        %get3A_468 = arith.index_cast %add3A_467 : i32 to index
        %get3A_469 = arith.constant 0 : index
        %get3A_470 = tpu.vector_load %arg6[%get3A_468, %get3A_469] {strides = array<i32>} : memref<1280x32xf32, #tpu.memory_space<vmem>>, vector<1x16xf32>,
        %get3A_471 = vector.shape_cast %get3A_470 : vector<1x16xf32> to vector<16xf32>
        %add3A_472 = arith.addf %add3A_458, %get3A_471 : vector<16xf32>
        %add3A_473 = arith.constant 11 : i32
        %add3A_474 = arith.addi %mul3A_318, %add3A_473 : i32
        %get3A_475 = arith.index_cast %add3A_474 : i32 to index
        %get3A_476 = arith.constant 16 : index
        %get3A_477 = tpu.vector_load %arg6[%get3A_475, %get3A_476] {strides = array<i32>} : memref<1280x32xf32, #tpu.memory_space<vmem>>, vector<1x16xf32>,
        %get3A_478 = vector.shape_cast %get3A_477 : vector<1x16xf32> to vector<16xf32>
        %add3A_479 = arith.addf %add3A_465, %get3A_478 : vector<16xf32>
        %add3A_480 = arith.constant 12 : i32
        %add3A_481 = arith.addi %mul3A_318, %add3A_480 : i32
        %get3A_482 = arith.index_cast %add3A_481 : i32 to index
        %get3A_483 = arith.constant 0 : index
        %get3A_484 = tpu.vector_load %arg6[%get3A_482, %get3A_483] {strides = array<i32>} : memref<1280x32xf32, #tpu.memory_space<vmem>>, vector<1x16xf32>,
        %get3A_485 = vector.shape_cast %get3A_484 : vector<1x16xf32> to vector<16xf32>
        %add3A_486 = arith.addf %add3A_472, %get3A_485 : vector<16xf32>
        %add3A_487 = arith.constant 12 : i32
        %add3A_488 = arith.addi %mul3A_318, %add3A_487 : i32
        %get3A_489 = arith.index_cast %add3A_488 : i32 to index
        %get3A_490 = arith.constant 16 : index
        %get3A_491 = tpu.vector_load %arg6[%get3A_489, %get3A_490] {strides = array<i32>} : memref<1280x32xf32, #tpu.memory_space<vmem>>, vector<1x16xf32>,
        %get3A_492 = vector.shape_cast %get3A_491 : vector<1x16xf32> to vector<16xf32>
        %add3A_493 = arith.addf %add3A_479, %get3A_492 : vector<16xf32>
        %add3A_494 = arith.constant 13 : i32
        %add3A_495 = arith.addi %mul3A_318, %add3A_494 : i32
        %get3A_496 = arith.index_cast %add3A_495 : i32 to index
        %get3A_497 = arith.constant 0 : index
        %get3A_498 = tpu.vector_load %arg6[%get3A_496, %get3A_497] {strides = array<i32>} : memref<1280x32xf32, #tpu.memory_space<vmem>>, vector<1x16xf32>,
        %get3A_499 = vector.shape_cast %get3A_498 : vector<1x16xf32> to vector<16xf32>
        %add3A_500 = arith.addf %add3A_486, %get3A_499 : vector<16xf32>
        %add3A_501 = arith.constant 13 : i32
        %add3A_502 = arith.addi %mul3A_318, %add3A_501 : i32
        %get3A_503 = arith.index_cast %add3A_502 : i32 to index
        %get3A_504 = arith.constant 16 : index
        %get3A_505 = tpu.vector_load %arg6[%get3A_503, %get3A_504] {strides = array<i32>} : memref<1280x32xf32, #tpu.memory_space<vmem>>, vector<1x16xf32>,
        %get3A_506 = vector.shape_cast %get3A_505 : vector<1x16xf32> to vector<16xf32>
        %add3A_507 = arith.addf %add3A_493, %get3A_506 : vector<16xf32>
        %add3A_508 = arith.constant 14 : i32
        %add3A_509 = arith.addi %mul3A_318, %add3A_508 : i32
        %get3A_510 = arith.index_cast %add3A_509 : i32 to index
        %get3A_511 = arith.constant 0 : index
        %get3A_512 = tpu.vector_load %arg6[%get3A_510, %get3A_511] {strides = array<i32>} : memref<1280x32xf32, #tpu.memory_space<vmem>>, vector<1x16xf32>,
        %get3A_513 = vector.shape_cast %get3A_512 : vector<1x16xf32> to vector<16xf32>
        %add3A_514 = arith.addf %add3A_500, %get3A_513 : vector<16xf32>
        %add3A_515 = arith.constant 14 : i32
        %add3A_516 = arith.addi %mul3A_318, %add3A_515 : i32
        %get3A_517 = arith.index_cast %add3A_516 : i32 to index
        %get3A_518 = arith.constant 16 : index
        %get3A_519 = tpu.vector_load %arg6[%get3A_517, %get3A_518] {strides = array<i32>} : memref<1280x32xf32, #tpu.memory_space<vmem>>, vector<1x16xf32>,
        %get3A_520 = vector.shape_cast %get3A_519 : vector<1x16xf32> to vector<16xf32>
        %add3A_521 = arith.addf %add3A_507, %get3A_520 : vector<16xf32>
        %add3A_522 = arith.constant 15 : i32
        %add3A_523 = arith.addi %mul3A_318, %add3A_522 : i32
        %get3A_524 = arith.index_cast %add3A_523 : i32 to index
        %get3A_525 = arith.constant 0 : index
        %get3A_526 = tpu.vector_load %arg6[%get3A_524, %get3A_525] {strides = array<i32>} : memref<1280x32xf32, #tpu.memory_space<vmem>>, vector<1x16xf32>,
        %get3A_527 = vector.shape_cast %get3A_526 : vector<1x16xf32> to vector<16xf32>
        %add3A_528 = arith.addf %add3A_514, %get3A_527 : vector<16xf32>
        %add3A_529 = arith.constant 15 : i32
        %add3A_530 = arith.addi %mul3A_318, %add3A_529 : i32
        %get3A_531 = arith.index_cast %add3A_530 : i32 to index
        %get3A_532 = arith.constant 16 : index
        %get3A_533 = tpu.vector_load %arg6[%get3A_531, %get3A_532] {strides = array<i32>} : memref<1280x32xf32, #tpu.memory_space<vmem>>, vector<1x16xf32>,
        %get3A_534 = vector.shape_cast %get3A_533 : vector<1x16xf32> to vector<16xf32>
        %add3A_535 = arith.addf %add3A_521, %get3A_534 : vector<16xf32>
        %add3A_536 = arith.constant 16 : i32
        %add3A_537 = arith.addi %mul3A_318, %add3A_536 : i32
        %get3A_538 = arith.index_cast %add3A_537 : i32 to index
        %get3A_539 = arith.constant 0 : index
        %get3A_540 = tpu.vector_load %arg6[%get3A_538, %get3A_539] {strides = array<i32>} : memref<1280x32xf32, #tpu.memory_space<vmem>>, vector<1x16xf32>,
        %get3A_541 = vector.shape_cast %get3A_540 : vector<1x16xf32> to vector<16xf32>
        %add3A_542 = arith.addf %add3A_528, %get3A_541 : vector<16xf32>
        %add3A_543 = arith.constant 16 : i32
        %add3A_544 = arith.addi %mul3A_318, %add3A_543 : i32
        %get3A_545 = arith.index_cast %add3A_544 : i32 to index
        %get3A_546 = arith.constant 16 : index
        %get3A_547 = tpu.vector_load %arg6[%get3A_545, %get3A_546] {strides = array<i32>} : memref<1280x32xf32, #tpu.memory_space<vmem>>, vector<1x16xf32>,
        %get3A_548 = vector.shape_cast %get3A_547 : vector<1x16xf32> to vector<16xf32>
        %add3A_549 = arith.addf %add3A_535, %get3A_548 : vector<16xf32>
        %add3A_550 = arith.constant 17 : i32
        %add3A_551 = arith.addi %mul3A_318, %add3A_550 : i32
        %get3A_552 = arith.index_cast %add3A_551 : i32 to index
        %get3A_553 = arith.constant 0 : index
        %get3A_554 = tpu.vector_load %arg6[%get3A_552, %get3A_553] {strides = array<i32>} : memref<1280x32xf32, #tpu.memory_space<vmem>>, vector<1x16xf32>,
        %get3A_555 = vector.shape_cast %get3A_554 : vector<1x16xf32> to vector<16xf32>
        %add3A_556 = arith.addf %add3A_542, %get3A_555 : vector<16xf32>
        %add3A_557 = arith.constant 17 : i32
        %add3A_558 = arith.addi %mul3A_318, %add3A_557 : i32
        %get3A_559 = arith.index_cast %add3A_558 : i32 to index
        %get3A_560 = arith.constant 16 : index
        %get3A_561 = tpu.vector_load %arg6[%get3A_559, %get3A_560] {strides = array<i32>} : memref<1280x32xf32, #tpu.memory_space<vmem>>, vector<1x16xf32>,
        %get3A_562 = vector.shape_cast %get3A_561 : vector<1x16xf32> to vector<16xf32>
        %add3A_563 = arith.addf %add3A_549, %get3A_562 : vector<16xf32>
        %add3A_564 = arith.constant 18 : i32
        %add3A_565 = arith.addi %mul3A_318, %add3A_564 : i32
        %get3A_566 = arith.index_cast %add3A_565 : i32 to index
        %get3A_567 = arith.constant 0 : index
        %get3A_568 = tpu.vector_load %arg6[%get3A_566, %get3A_567] {strides = array<i32>} : memref<1280x32xf32, #tpu.memory_space<vmem>>, vector<1x16xf32>,
        %get3A_569 = vector.shape_cast %get3A_568 : vector<1x16xf32> to vector<16xf32>
        %add3A_570 = arith.addf %add3A_556, %get3A_569 : vector<16xf32>
        %add3A_571 = arith.constant 18 : i32
        %add3A_572 = arith.addi %mul3A_318, %add3A_571 : i32
        %get3A_573 = arith.index_cast %add3A_572 : i32 to index
        %get3A_574 = arith.constant 16 : index
        %get3A_575 = tpu.vector_load %arg6[%get3A_573, %get3A_574] {strides = array<i32>} : memref<1280x32xf32, #tpu.memory_space<vmem>>, vector<1x16xf32>,
        %get3A_576 = vector.shape_cast %get3A_575 : vector<1x16xf32> to vector<16xf32>
        %add3A_577 = arith.addf %add3A_563, %get3A_576 : vector<16xf32>
        %add3A_578 = arith.constant 19 : i32
        %add3A_579 = arith.addi %mul3A_318, %add3A_578 : i32
        %get3A_580 = arith.index_cast %add3A_579 : i32 to index
        %get3A_581 = arith.constant 0 : index
        %get3A_582 = tpu.vector_load %arg6[%get3A_580, %get3A_581] {strides = array<i32>} : memref<1280x32xf32, #tpu.memory_space<vmem>>, vector<1x16xf32>,
        %get3A_583 = vector.shape_cast %get3A_582 : vector<1x16xf32> to vector<16xf32>
        %add3A_584 = arith.addf %add3A_570, %get3A_583 : vector<16xf32>
        %add3A_585 = arith.constant 19 : i32
        %add3A_586 = arith.addi %mul3A_318, %add3A_585 : i32
        %get3A_587 = arith.index_cast %add3A_586 : i32 to index
        %get3A_588 = arith.constant 16 : index
        %get3A_589 = tpu.vector_load %arg6[%get3A_587, %get3A_588] {strides = array<i32>} : memref<1280x32xf32, #tpu.memory_space<vmem>>, vector<1x16xf32>,
        %get3A_590 = vector.shape_cast %get3A_589 : vector<1x16xf32> to vector<16xf32>
        %add3A_591 = arith.addf %add3A_577, %get3A_590 : vector<16xf32>
        %swap3A = arith.index_cast %scan3A_316 : i32 to index
        %swap3A_592 = arith.constant 0 : index
        %swap3A_593 = tpu.vector_load %arg7[%swap3A, %swap3A_592] {strides = array<i32>} : memref<64x32xf32, #tpu.memory_space<vmem>>, vector<1x16xf32>,
        %swap3A_594 = vector.shape_cast %swap3A_593 : vector<1x16xf32> to vector<16xf32>
        %swap3A_595 = vector.shape_cast %add3A_584 : vector<16xf32> to vector<1x16xf32>
        tpu.vector_store %arg7[%swap3A, %swap3A_592], %swap3A_595 {strides = array<i32>} : memref<64x32xf32, #tpu.memory_space<vmem>>, vector<1x16xf32>,
        %swap3A_596 = arith.index_cast %scan3A_316 : i32 to index
        %swap3A_597 = arith.constant 16 : index
        %swap3A_598 = tpu.vector_load %arg7[%swap3A_596, %swap3A_597] {strides = array<i32>} : memref<64x32xf32, #tpu.memory_space<vmem>>, vector<1x16xf32>,
        %swap3A_599 = vector.shape_cast %swap3A_598 : vector<1x16xf32> to vector<16xf32>
        %swap3A_600 = vector.shape_cast %add3A_591 : vector<16xf32> to vector<1x16xf32>
        tpu.vector_store %arg7[%swap3A_596, %swap3A_597], %swap3A_600 {strides = array<i32>} : memref<64x32xf32, #tpu.memory_space<vmem>>, vector<1x16xf32>,
      }
      %scan3A_313 = arith.constant 64 : i32
      %mul3A_314 = arith.constant 64 : i32
      %mul3A_315 = arith.muli %add3A_9, %mul3A_314 : i32
      "tpu.region"() ({
        %run_scoped3A = tpu.sem_alloc : memref<!tpu.dma_semaphore, #tpu.memory_space<semaphore_mem>>
        %dma_start3A_316 = arith.constant 0 : i32
        %dma_start3A_317 = tpu.memref_slice %arg4[%mul3A_315, %dma_start3A_316] : memref<28672x32xf32, #tpu.memory_space<hbm>> -> memref<64x32xf32, #tpu.memory_space<hbm>>
        %dma_start3A_318 = arith.constant 0 : i32
        %dma_start3A_319 = tpu.memref_slice %arg4[%mul3A_315, %dma_start3A_318] : memref<28672x32xf32, #tpu.memory_space<hbm>> -> memref<64x32xf32, #tpu.memory_space<hbm>>
        tpu.enqueue_dma source(%arg7 : memref<64x32xf32, #tpu.memory_space<vmem>>) target(%dma_start3A_319 : memref<64x32xf32, #tpu.memory_space<hbm>>) target_semaphore(%run_scoped3A : memref<!tpu.dma_semaphore, #tpu.memory_space<semaphore_mem>>)
        %dma_wait3A_320 = arith.constant 0 : i32
        %dma_wait3A_321 = tpu.memref_slice %arg4[%mul3A_315, %dma_wait3A_320] : memref<28672x32xf32, #tpu.memory_space<hbm>> -> memref<64x32xf32, #tpu.memory_space<hbm>>
        %dma_wait3A_322 = arith.constant 0 : i32
        %dma_wait3A_323 = tpu.memref_slice %arg4[%mul3A_315, %dma_wait3A_322] : memref<28672x32xf32, #tpu.memory_space<hbm>> -> memref<64x32xf32, #tpu.memory_space<hbm>>
        tpu.wait_dma2 semaphore(%run_scoped3A : memref<!tpu.dma_semaphore, #tpu.memory_space<semaphore_mem>>) src(%arg7 : memref<64x32xf32, #tpu.memory_space<vmem>>) dst(%dma_wait3A_323 : memref<64x32xf32, #tpu.memory_space<hbm>>)
        tpu.yield
      }) : () -> ()
    }
    %scan3A_5 = arith.constant 14 : i32
    return
  }
}

#map = affine_map<(d0, d1) -> (0, 0)>
#map1 = affine_map<(d0, d1) -> (0, 0, 0)>
module attributes {stable_mosaic.version = 14 : i64} {
  func.func @body(%arg0: i32, %arg1: i32, %arg2: memref<16640x128xi32, #tpu.memory_space<hbm>>, %arg3: memref<6x200192x32xf32, #tpu.memory_space<hbm>>, %arg4: memref<24576x32xf32, #tpu.memory_space<hbm>>, %arg5: memref<10x128xi32, #tpu.memory_space<vmem>>, %arg6: memref<1280x32xf32, #tpu.memory_space<vmem>>, %arg7: memref<64x32xf32, #tpu.memory_space<vmem>>, %arg8: memref<!tpu.dma_semaphore, #tpu.memory_space<semaphore_mem>>) attributes {dimension_semantics = [#tpu.dimension_semantics<core_parallel>, #tpu.dimension_semantics<subcore_parallel>], iteration_bounds = array<i64: 2, 16>, scalar_prefetch = 0 : i64, scratch_operands = 4 : i64, tpu.core_type = #tpu.core_type<sc_vector_subcore>, window_params = [{transform_indices = #map}, {transform_indices = #map1}, {transform_indices = #map}]} {
    %mul3A = arith.constant 2 : i32
    %mul3A_0 = arith.muli %arg1, %mul3A : i32
    %add3A = arith.addi %mul3A_0, %arg0 : i32
    %scan3A = arith.constant 0 : i32
    %scan3A_1 = arith.constant 0 : i32
    %scan3A_2 = arith.constant 12 : i32
    %scan3A_3 = arith.addi %scan3A_1, %scan3A_2 : i32
    %scan3A_4 = arith.constant 1 : i32
    scf.for %scan3A_6 = %scan3A_1 to %scan3A_3 step %scan3A_4  : i32 {
      %mul3A_7 = arith.constant 12 : i32
      %mul3A_8 = arith.muli %add3A, %mul3A_7 : i32
      %add3A_9 = arith.addi %mul3A_8, %scan3A_6 : i32
      %jit3A = arith.constant 64 : i32
      %div3A = arith.divsi %add3A_9, %jit3A : i32
      %sign3A = arith.constant 0 : i32
      %sign3A_10 = arith.cmpi sgt, %add3A_9, %sign3A : i32
      %sign3A_11 = arith.extui %sign3A_10 : i1 to i32
      %sign3A_12 = arith.constant 0 : i32
      %sign3A_13 = arith.cmpi slt, %add3A_9, %sign3A_12 : i32
      %sign3A_14 = arith.extui %sign3A_13 : i1 to i32
      %sign3A_15 = arith.subi %sign3A_11, %sign3A_14 : i32
      %sign3A_16 = arith.constant 0 : i32
      %sign3A_17 = arith.cmpi sgt, %jit3A, %sign3A_16 : i32
      %sign3A_18 = arith.extui %sign3A_17 : i1 to i32
      %sign3A_19 = arith.constant 0 : i32
      %sign3A_20 = arith.cmpi slt, %jit3A, %sign3A_19 : i32
      %sign3A_21 = arith.extui %sign3A_20 : i1 to i32
      %sign3A_22 = arith.subi %sign3A_18, %sign3A_21 : i32
      %ne3A = arith.cmpi ne, %sign3A_15, %sign3A_22 : i32
      %rem3A = arith.remsi %add3A_9, %jit3A : i32
      %ne3A_23 = arith.constant 0 : i32
      %ne3A_24 = arith.cmpi ne, %rem3A, %ne3A_23 : i32
      %and3A = arith.andi %ne3A, %ne3A_24 : i1
      %sub3A = arith.constant 1 : i32
      %sub3A_25 = arith.subi %div3A, %sub3A : i32
      %select_n3A = arith.select %and3A, %sub3A_25, %div3A : i32
      %add3A_26 = arith.constant 1280 : i32
      %add3A_27 = arith.addi %add3A_26, %add3A_9 : i32
      %mul3A_28 = arith.constant 10 : i32
      %mul3A_29 = arith.muli %add3A_27, %mul3A_28 : i32
      "tpu.region"() ({
        %run_scoped3A = tpu.sem_alloc : memref<!tpu.dma_semaphore, #tpu.memory_space<semaphore_mem>>
        %dma_start3A_316 = arith.constant 0 : i32
        %dma_start3A_317 = tpu.memref_slice %arg2[%mul3A_29, %dma_start3A_316] : memref<16640x128xi32, #tpu.memory_space<hbm>> -> memref<10x128xi32, #tpu.memory_space<hbm>>
        %dma_start3A_318 = arith.constant 0 : i32
        %dma_start3A_319 = tpu.memref_slice %arg2[%mul3A_29, %dma_start3A_318] : memref<16640x128xi32, #tpu.memory_space<hbm>> -> memref<10x128xi32, #tpu.memory_space<hbm>>
        tpu.enqueue_dma source(%dma_start3A_319 : memref<10x128xi32, #tpu.memory_space<hbm>>) target(%arg5 : memref<10x128xi32, #tpu.memory_space<vmem>>) target_semaphore(%run_scoped3A : memref<!tpu.dma_semaphore, #tpu.memory_space<semaphore_mem>>)
        %dma_wait3A_320 = arith.constant 0 : i32
        %dma_wait3A_321 = tpu.memref_slice %arg2[%mul3A_29, %dma_wait3A_320] : memref<16640x128xi32, #tpu.memory_space<hbm>> -> memref<10x128xi32, #tpu.memory_space<hbm>>
        %dma_wait3A_322 = arith.constant 0 : i32
        %dma_wait3A_323 = tpu.memref_slice %arg2[%mul3A_29, %dma_wait3A_322] : memref<16640x128xi32, #tpu.memory_space<hbm>> -> memref<10x128xi32, #tpu.memory_space<hbm>>
        tpu.wait_dma2 semaphore(%run_scoped3A : memref<!tpu.dma_semaphore, #tpu.memory_space<semaphore_mem>>) src(%dma_wait3A_323 : memref<10x128xi32, #tpu.memory_space<hbm>>) dst(%arg5 : memref<10x128xi32, #tpu.memory_space<vmem>>)
        tpu.yield
      }) : () -> ()
      %dma_start3A = arith.constant 0 : i32
      %dma_start3A_30 = arith.constant 0 : i32
      %dma_start3A_31 = arith.constant 0 : i32
      %dma_start3A_32 = tpu.memref_slice %arg6[%dma_start3A_30, %dma_start3A_31] : memref<1280x32xf32, #tpu.memory_space<vmem>> -> memref<128x32xf32, #tpu.memory_space<vmem>>
      %dma_start3A_33 = arith.constant 0 : i32
      %dma_start3A_34 = tpu.memref_slice %arg5[%dma_start3A, %dma_start3A_33] : memref<10x128xi32, #tpu.memory_space<vmem>> -> memref<1x128xi32, #tpu.memory_space<vmem>>
      %dma_start3A_35 = tpu.memref_squeeze %dma_start3A_34 : memref<1x128xi32, #tpu.memory_space<vmem>> -> memref<128xi32, #tpu.memory_space<vmem>>
      %dma_start3A_36 = arith.constant 0 : i32
      %dma_start3A_37 = arith.constant 0 : i32
      %dma_start3A_38 = tpu.memref_slice %arg3[%select_n3A, %dma_start3A_36, %dma_start3A_37] : memref<6x200192x32xf32, #tpu.memory_space<hbm>> -> memref<1x200192x32xf32, #tpu.memory_space<hbm>>
      %dma_start3A_39 = tpu.memref_squeeze %dma_start3A_38 : memref<1x200192x32xf32, #tpu.memory_space<hbm>> -> memref<200192x32xf32, #tpu.memory_space<hbm>>
      %dma_start3A_40 = arith.constant 0 : i32
      %dma_start3A_41 = arith.constant 0 : i32
      %dma_start3A_42 = tpu.memref_slice %dma_start3A_39[%dma_start3A_40, %dma_start3A_41] : memref<200192x32xf32, #tpu.memory_space<hbm>> -> memref<200192x32xf32, #tpu.memory_space<hbm>>
      tpu.enqueue_indirect_dma source(%dma_start3A_42 : memref<200192x32xf32, #tpu.memory_space<hbm>>) target(%dma_start3A_32 : memref<128x32xf32, #tpu.memory_space<vmem>>) offsets(%dma_start3A_35 : memref<128xi32, #tpu.memory_space<vmem>>) semaphore(%arg8 : memref<!tpu.dma_semaphore, #tpu.memory_space<semaphore_mem>>)
      %dma_start3A_43 = arith.constant 1 : i32
      %dma_start3A_44 = arith.constant 128 : i32
      %dma_start3A_45 = arith.constant 0 : i32
      %dma_start3A_46 = tpu.memref_slice %arg6[%dma_start3A_44, %dma_start3A_45] : memref<1280x32xf32, #tpu.memory_space<vmem>> -> memref<128x32xf32, #tpu.memory_space<vmem>>
      %dma_start3A_47 = arith.constant 0 : i32
      %dma_start3A_48 = tpu.memref_slice %arg5[%dma_start3A_43, %dma_start3A_47] : memref<10x128xi32, #tpu.memory_space<vmem>> -> memref<1x128xi32, #tpu.memory_space<vmem>>
      %dma_start3A_49 = tpu.memref_squeeze %dma_start3A_48 : memref<1x128xi32, #tpu.memory_space<vmem>> -> memref<128xi32, #tpu.memory_space<vmem>>
      %dma_start3A_50 = arith.constant 0 : i32
      %dma_start3A_51 = arith.constant 0 : i32
      %dma_start3A_52 = tpu.memref_slice %arg3[%select_n3A, %dma_start3A_50, %dma_start3A_51] : memref<6x200192x32xf32, #tpu.memory_space<hbm>> -> memref<1x200192x32xf32, #tpu.memory_space<hbm>>
      %dma_start3A_53 = tpu.memref_squeeze %dma_start3A_52 : memref<1x200192x32xf32, #tpu.memory_space<hbm>> -> memref<200192x32xf32, #tpu.memory_space<hbm>>
      %dma_start3A_54 = arith.constant 0 : i32
      %dma_start3A_55 = arith.constant 0 : i32
      %dma_start3A_56 = tpu.memref_slice %dma_start3A_53[%dma_start3A_54, %dma_start3A_55] : memref<200192x32xf32, #tpu.memory_space<hbm>> -> memref<200192x32xf32, #tpu.memory_space<hbm>>
      tpu.enqueue_indirect_dma source(%dma_start3A_56 : memref<200192x32xf32, #tpu.memory_space<hbm>>) target(%dma_start3A_46 : memref<128x32xf32, #tpu.memory_space<vmem>>) offsets(%dma_start3A_49 : memref<128xi32, #tpu.memory_space<vmem>>) semaphore(%arg8 : memref<!tpu.dma_semaphore, #tpu.memory_space<semaphore_mem>>)
      %dma_start3A_57 = arith.constant 2 : i32
      %dma_start3A_58 = arith.constant 256 : i32
      %dma_start3A_59 = arith.constant 0 : i32
      %dma_start3A_60 = tpu.memref_slice %arg6[%dma_start3A_58, %dma_start3A_59] : memref<1280x32xf32, #tpu.memory_space<vmem>> -> memref<128x32xf32, #tpu.memory_space<vmem>>
      %dma_start3A_61 = arith.constant 0 : i32
      %dma_start3A_62 = tpu.memref_slice %arg5[%dma_start3A_57, %dma_start3A_61] : memref<10x128xi32, #tpu.memory_space<vmem>> -> memref<1x128xi32, #tpu.memory_space<vmem>>
      %dma_start3A_63 = tpu.memref_squeeze %dma_start3A_62 : memref<1x128xi32, #tpu.memory_space<vmem>> -> memref<128xi32, #tpu.memory_space<vmem>>
      %dma_start3A_64 = arith.constant 0 : i32
      %dma_start3A_65 = arith.constant 0 : i32
      %dma_start3A_66 = tpu.memref_slice %arg3[%select_n3A, %dma_start3A_64, %dma_start3A_65] : memref<6x200192x32xf32, #tpu.memory_space<hbm>> -> memref<1x200192x32xf32, #tpu.memory_space<hbm>>
      %dma_start3A_67 = tpu.memref_squeeze %dma_start3A_66 : memref<1x200192x32xf32, #tpu.memory_space<hbm>> -> memref<200192x32xf32, #tpu.memory_space<hbm>>
      %dma_start3A_68 = arith.constant 0 : i32
      %dma_start3A_69 = arith.constant 0 : i32
      %dma_start3A_70 = tpu.memref_slice %dma_start3A_67[%dma_start3A_68, %dma_start3A_69] : memref<200192x32xf32, #tpu.memory_space<hbm>> -> memref<200192x32xf32, #tpu.memory_space<hbm>>
      tpu.enqueue_indirect_dma source(%dma_start3A_70 : memref<200192x32xf32, #tpu.memory_space<hbm>>) target(%dma_start3A_60 : memref<128x32xf32, #tpu.memory_space<vmem>>) offsets(%dma_start3A_63 : memref<128xi32, #tpu.memory_space<vmem>>) semaphore(%arg8 : memref<!tpu.dma_semaphore, #tpu.memory_space<semaphore_mem>>)
      %dma_start3A_71 = arith.constant 3 : i32
      %dma_start3A_72 = arith.constant 384 : i32
      %dma_start3A_73 = arith.constant 0 : i32
      %dma_start3A_74 = tpu.memref_slice %arg6[%dma_start3A_72, %dma_start3A_73] : memref<1280x32xf32, #tpu.memory_space<vmem>> -> memref<128x32xf32, #tpu.memory_space<vmem>>
      %dma_start3A_75 = arith.constant 0 : i32
      %dma_start3A_76 = tpu.memref_slice %arg5[%dma_start3A_71, %dma_start3A_75] : memref<10x128xi32, #tpu.memory_space<vmem>> -> memref<1x128xi32, #tpu.memory_space<vmem>>
      %dma_start3A_77 = tpu.memref_squeeze %dma_start3A_76 : memref<1x128xi32, #tpu.memory_space<vmem>> -> memref<128xi32, #tpu.memory_space<vmem>>
      %dma_start3A_78 = arith.constant 0 : i32
      %dma_start3A_79 = arith.constant 0 : i32
      %dma_start3A_80 = tpu.memref_slice %arg3[%select_n3A, %dma_start3A_78, %dma_start3A_79] : memref<6x200192x32xf32, #tpu.memory_space<hbm>> -> memref<1x200192x32xf32, #tpu.memory_space<hbm>>
      %dma_start3A_81 = tpu.memref_squeeze %dma_start3A_80 : memref<1x200192x32xf32, #tpu.memory_space<hbm>> -> memref<200192x32xf32, #tpu.memory_space<hbm>>
      %dma_start3A_82 = arith.constant 0 : i32
      %dma_start3A_83 = arith.constant 0 : i32
      %dma_start3A_84 = tpu.memref_slice %dma_start3A_81[%dma_start3A_82, %dma_start3A_83] : memref<200192x32xf32, #tpu.memory_space<hbm>> -> memref<200192x32xf32, #tpu.memory_space<hbm>>
      tpu.enqueue_indirect_dma source(%dma_start3A_84 : memref<200192x32xf32, #tpu.memory_space<hbm>>) target(%dma_start3A_74 : memref<128x32xf32, #tpu.memory_space<vmem>>) offsets(%dma_start3A_77 : memref<128xi32, #tpu.memory_space<vmem>>) semaphore(%arg8 : memref<!tpu.dma_semaphore, #tpu.memory_space<semaphore_mem>>)
      %dma_start3A_85 = arith.constant 4 : i32
      %dma_start3A_86 = arith.constant 512 : i32
      %dma_start3A_87 = arith.constant 0 : i32
      %dma_start3A_88 = tpu.memref_slice %arg6[%dma_start3A_86, %dma_start3A_87] : memref<1280x32xf32, #tpu.memory_space<vmem>> -> memref<128x32xf32, #tpu.memory_space<vmem>>
      %dma_start3A_89 = arith.constant 0 : i32
      %dma_start3A_90 = tpu.memref_slice %arg5[%dma_start3A_85, %dma_start3A_89] : memref<10x128xi32, #tpu.memory_space<vmem>> -> memref<1x128xi32, #tpu.memory_space<vmem>>
      %dma_start3A_91 = tpu.memref_squeeze %dma_start3A_90 : memref<1x128xi32, #tpu.memory_space<vmem>> -> memref<128xi32, #tpu.memory_space<vmem>>
      %dma_start3A_92 = arith.constant 0 : i32
      %dma_start3A_93 = arith.constant 0 : i32
      %dma_start3A_94 = tpu.memref_slice %arg3[%select_n3A, %dma_start3A_92, %dma_start3A_93] : memref<6x200192x32xf32, #tpu.memory_space<hbm>> -> memref<1x200192x32xf32, #tpu.memory_space<hbm>>
      %dma_start3A_95 = tpu.memref_squeeze %dma_start3A_94 : memref<1x200192x32xf32, #tpu.memory_space<hbm>> -> memref<200192x32xf32, #tpu.memory_space<hbm>>
      %dma_start3A_96 = arith.constant 0 : i32
      %dma_start3A_97 = arith.constant 0 : i32
      %dma_start3A_98 = tpu.memref_slice %dma_start3A_95[%dma_start3A_96, %dma_start3A_97] : memref<200192x32xf32, #tpu.memory_space<hbm>> -> memref<200192x32xf32, #tpu.memory_space<hbm>>
      tpu.enqueue_indirect_dma source(%dma_start3A_98 : memref<200192x32xf32, #tpu.memory_space<hbm>>) target(%dma_start3A_88 : memref<128x32xf32, #tpu.memory_space<vmem>>) offsets(%dma_start3A_91 : memref<128xi32, #tpu.memory_space<vmem>>) semaphore(%arg8 : memref<!tpu.dma_semaphore, #tpu.memory_space<semaphore_mem>>)
      %dma_start3A_99 = arith.constant 5 : i32
      %dma_start3A_100 = arith.constant 640 : i32
      %dma_start3A_101 = arith.constant 0 : i32
      %dma_start3A_102 = tpu.memref_slice %arg6[%dma_start3A_100, %dma_start3A_101] : memref<1280x32xf32, #tpu.memory_space<vmem>> -> memref<128x32xf32, #tpu.memory_space<vmem>>
      %dma_start3A_103 = arith.constant 0 : i32
      %dma_start3A_104 = tpu.memref_slice %arg5[%dma_start3A_99, %dma_start3A_103] : memref<10x128xi32, #tpu.memory_space<vmem>> -> memref<1x128xi32, #tpu.memory_space<vmem>>
      %dma_start3A_105 = tpu.memref_squeeze %dma_start3A_104 : memref<1x128xi32, #tpu.memory_space<vmem>> -> memref<128xi32, #tpu.memory_space<vmem>>
      %dma_start3A_106 = arith.constant 0 : i32
      %dma_start3A_107 = arith.constant 0 : i32
      %dma_start3A_108 = tpu.memref_slice %arg3[%select_n3A, %dma_start3A_106, %dma_start3A_107] : memref<6x200192x32xf32, #tpu.memory_space<hbm>> -> memref<1x200192x32xf32, #tpu.memory_space<hbm>>
      %dma_start3A_109 = tpu.memref_squeeze %dma_start3A_108 : memref<1x200192x32xf32, #tpu.memory_space<hbm>> -> memref<200192x32xf32, #tpu.memory_space<hbm>>
      %dma_start3A_110 = arith.constant 0 : i32
      %dma_start3A_111 = arith.constant 0 : i32
      %dma_start3A_112 = tpu.memref_slice %dma_start3A_109[%dma_start3A_110, %dma_start3A_111] : memref<200192x32xf32, #tpu.memory_space<hbm>> -> memref<200192x32xf32, #tpu.memory_space<hbm>>
      tpu.enqueue_indirect_dma source(%dma_start3A_112 : memref<200192x32xf32, #tpu.memory_space<hbm>>) target(%dma_start3A_102 : memref<128x32xf32, #tpu.memory_space<vmem>>) offsets(%dma_start3A_105 : memref<128xi32, #tpu.memory_space<vmem>>) semaphore(%arg8 : memref<!tpu.dma_semaphore, #tpu.memory_space<semaphore_mem>>)
      %dma_start3A_113 = arith.constant 6 : i32
      %dma_start3A_114 = arith.constant 768 : i32
      %dma_start3A_115 = arith.constant 0 : i32
      %dma_start3A_116 = tpu.memref_slice %arg6[%dma_start3A_114, %dma_start3A_115] : memref<1280x32xf32, #tpu.memory_space<vmem>> -> memref<128x32xf32, #tpu.memory_space<vmem>>
      %dma_start3A_117 = arith.constant 0 : i32
      %dma_start3A_118 = tpu.memref_slice %arg5[%dma_start3A_113, %dma_start3A_117] : memref<10x128xi32, #tpu.memory_space<vmem>> -> memref<1x128xi32, #tpu.memory_space<vmem>>
      %dma_start3A_119 = tpu.memref_squeeze %dma_start3A_118 : memref<1x128xi32, #tpu.memory_space<vmem>> -> memref<128xi32, #tpu.memory_space<vmem>>
      %dma_start3A_120 = arith.constant 0 : i32
      %dma_start3A_121 = arith.constant 0 : i32
      %dma_start3A_122 = tpu.memref_slice %arg3[%select_n3A, %dma_start3A_120, %dma_start3A_121] : memref<6x200192x32xf32, #tpu.memory_space<hbm>> -> memref<1x200192x32xf32, #tpu.memory_space<hbm>>
      %dma_start3A_123 = tpu.memref_squeeze %dma_start3A_122 : memref<1x200192x32xf32, #tpu.memory_space<hbm>> -> memref<200192x32xf32, #tpu.memory_space<hbm>>
      %dma_start3A_124 = arith.constant 0 : i32
      %dma_start3A_125 = arith.constant 0 : i32
      %dma_start3A_126 = tpu.memref_slice %dma_start3A_123[%dma_start3A_124, %dma_start3A_125] : memref<200192x32xf32, #tpu.memory_space<hbm>> -> memref<200192x32xf32, #tpu.memory_space<hbm>>
      tpu.enqueue_indirect_dma source(%dma_start3A_126 : memref<200192x32xf32, #tpu.memory_space<hbm>>) target(%dma_start3A_116 : memref<128x32xf32, #tpu.memory_space<vmem>>) offsets(%dma_start3A_119 : memref<128xi32, #tpu.memory_space<vmem>>) semaphore(%arg8 : memref<!tpu.dma_semaphore, #tpu.memory_space<semaphore_mem>>)
      %dma_start3A_127 = arith.constant 7 : i32
      %dma_start3A_128 = arith.constant 896 : i32
      %dma_start3A_129 = arith.constant 0 : i32
      %dma_start3A_130 = tpu.memref_slice %arg6[%dma_start3A_128, %dma_start3A_129] : memref<1280x32xf32, #tpu.memory_space<vmem>> -> memref<128x32xf32, #tpu.memory_space<vmem>>
      %dma_start3A_131 = arith.constant 0 : i32
      %dma_start3A_132 = tpu.memref_slice %arg5[%dma_start3A_127, %dma_start3A_131] : memref<10x128xi32, #tpu.memory_space<vmem>> -> memref<1x128xi32, #tpu.memory_space<vmem>>
      %dma_start3A_133 = tpu.memref_squeeze %dma_start3A_132 : memref<1x128xi32, #tpu.memory_space<vmem>> -> memref<128xi32, #tpu.memory_space<vmem>>
      %dma_start3A_134 = arith.constant 0 : i32
      %dma_start3A_135 = arith.constant 0 : i32
      %dma_start3A_136 = tpu.memref_slice %arg3[%select_n3A, %dma_start3A_134, %dma_start3A_135] : memref<6x200192x32xf32, #tpu.memory_space<hbm>> -> memref<1x200192x32xf32, #tpu.memory_space<hbm>>
      %dma_start3A_137 = tpu.memref_squeeze %dma_start3A_136 : memref<1x200192x32xf32, #tpu.memory_space<hbm>> -> memref<200192x32xf32, #tpu.memory_space<hbm>>
      %dma_start3A_138 = arith.constant 0 : i32
      %dma_start3A_139 = arith.constant 0 : i32
      %dma_start3A_140 = tpu.memref_slice %dma_start3A_137[%dma_start3A_138, %dma_start3A_139] : memref<200192x32xf32, #tpu.memory_space<hbm>> -> memref<200192x32xf32, #tpu.memory_space<hbm>>
      tpu.enqueue_indirect_dma source(%dma_start3A_140 : memref<200192x32xf32, #tpu.memory_space<hbm>>) target(%dma_start3A_130 : memref<128x32xf32, #tpu.memory_space<vmem>>) offsets(%dma_start3A_133 : memref<128xi32, #tpu.memory_space<vmem>>) semaphore(%arg8 : memref<!tpu.dma_semaphore, #tpu.memory_space<semaphore_mem>>)
      %dma_start3A_141 = arith.constant 8 : i32
      %dma_start3A_142 = arith.constant 1024 : i32
      %dma_start3A_143 = arith.constant 0 : i32
      %dma_start3A_144 = tpu.memref_slice %arg6[%dma_start3A_142, %dma_start3A_143] : memref<1280x32xf32, #tpu.memory_space<vmem>> -> memref<128x32xf32, #tpu.memory_space<vmem>>
      %dma_start3A_145 = arith.constant 0 : i32
      %dma_start3A_146 = tpu.memref_slice %arg5[%dma_start3A_141, %dma_start3A_145] : memref<10x128xi32, #tpu.memory_space<vmem>> -> memref<1x128xi32, #tpu.memory_space<vmem>>
      %dma_start3A_147 = tpu.memref_squeeze %dma_start3A_146 : memref<1x128xi32, #tpu.memory_space<vmem>> -> memref<128xi32, #tpu.memory_space<vmem>>
      %dma_start3A_148 = arith.constant 0 : i32
      %dma_start3A_149 = arith.constant 0 : i32
      %dma_start3A_150 = tpu.memref_slice %arg3[%select_n3A, %dma_start3A_148, %dma_start3A_149] : memref<6x200192x32xf32, #tpu.memory_space<hbm>> -> memref<1x200192x32xf32, #tpu.memory_space<hbm>>
      %dma_start3A_151 = tpu.memref_squeeze %dma_start3A_150 : memref<1x200192x32xf32, #tpu.memory_space<hbm>> -> memref<200192x32xf32, #tpu.memory_space<hbm>>
      %dma_start3A_152 = arith.constant 0 : i32
      %dma_start3A_153 = arith.constant 0 : i32
      %dma_start3A_154 = tpu.memref_slice %dma_start3A_151[%dma_start3A_152, %dma_start3A_153] : memref<200192x32xf32, #tpu.memory_space<hbm>> -> memref<200192x32xf32, #tpu.memory_space<hbm>>
      tpu.enqueue_indirect_dma source(%dma_start3A_154 : memref<200192x32xf32, #tpu.memory_space<hbm>>) target(%dma_start3A_144 : memref<128x32xf32, #tpu.memory_space<vmem>>) offsets(%dma_start3A_147 : memref<128xi32, #tpu.memory_space<vmem>>) semaphore(%arg8 : memref<!tpu.dma_semaphore, #tpu.memory_space<semaphore_mem>>)
      %dma_start3A_155 = arith.constant 9 : i32
      %dma_start3A_156 = arith.constant 1152 : i32
      %dma_start3A_157 = arith.constant 0 : i32
      %dma_start3A_158 = tpu.memref_slice %arg6[%dma_start3A_156, %dma_start3A_157] : memref<1280x32xf32, #tpu.memory_space<vmem>> -> memref<128x32xf32, #tpu.memory_space<vmem>>
      %dma_start3A_159 = arith.constant 0 : i32
      %dma_start3A_160 = tpu.memref_slice %arg5[%dma_start3A_155, %dma_start3A_159] : memref<10x128xi32, #tpu.memory_space<vmem>> -> memref<1x128xi32, #tpu.memory_space<vmem>>
      %dma_start3A_161 = tpu.memref_squeeze %dma_start3A_160 : memref<1x128xi32, #tpu.memory_space<vmem>> -> memref<128xi32, #tpu.memory_space<vmem>>
      %dma_start3A_162 = arith.constant 0 : i32
      %dma_start3A_163 = arith.constant 0 : i32
      %dma_start3A_164 = tpu.memref_slice %arg3[%select_n3A, %dma_start3A_162, %dma_start3A_163] : memref<6x200192x32xf32, #tpu.memory_space<hbm>> -> memref<1x200192x32xf32, #tpu.memory_space<hbm>>
      %dma_start3A_165 = tpu.memref_squeeze %dma_start3A_164 : memref<1x200192x32xf32, #tpu.memory_space<hbm>> -> memref<200192x32xf32, #tpu.memory_space<hbm>>
      %dma_start3A_166 = arith.constant 0 : i32
      %dma_start3A_167 = arith.constant 0 : i32
      %dma_start3A_168 = tpu.memref_slice %dma_start3A_165[%dma_start3A_166, %dma_start3A_167] : memref<200192x32xf32, #tpu.memory_space<hbm>> -> memref<200192x32xf32, #tpu.memory_space<hbm>>
      tpu.enqueue_indirect_dma source(%dma_start3A_168 : memref<200192x32xf32, #tpu.memory_space<hbm>>) target(%dma_start3A_158 : memref<128x32xf32, #tpu.memory_space<vmem>>) offsets(%dma_start3A_161 : memref<128xi32, #tpu.memory_space<vmem>>) semaphore(%arg8 : memref<!tpu.dma_semaphore, #tpu.memory_space<semaphore_mem>>)
      %dma_wait3A = arith.constant 0 : i32
      %dma_wait3A_169 = arith.constant 0 : i32
      %dma_wait3A_170 = arith.constant 0 : i32
      %dma_wait3A_171 = tpu.memref_slice %arg6[%dma_wait3A_169, %dma_wait3A_170] : memref<1280x32xf32, #tpu.memory_space<vmem>> -> memref<128x32xf32, #tpu.memory_space<vmem>>
      %dma_wait3A_172 = arith.constant 0 : i32
      %dma_wait3A_173 = tpu.memref_slice %arg5[%dma_wait3A, %dma_wait3A_172] : memref<10x128xi32, #tpu.memory_space<vmem>> -> memref<1x128xi32, #tpu.memory_space<vmem>>
      %dma_wait3A_174 = tpu.memref_squeeze %dma_wait3A_173 : memref<1x128xi32, #tpu.memory_space<vmem>> -> memref<128xi32, #tpu.memory_space<vmem>>
      %dma_wait3A_175 = arith.constant 0 : i32
      %dma_wait3A_176 = arith.constant 0 : i32
      %dma_wait3A_177 = tpu.memref_slice %arg3[%select_n3A, %dma_wait3A_175, %dma_wait3A_176] : memref<6x200192x32xf32, #tpu.memory_space<hbm>> -> memref<1x200192x32xf32, #tpu.memory_space<hbm>>
      %dma_wait3A_178 = tpu.memref_squeeze %dma_wait3A_177 : memref<1x200192x32xf32, #tpu.memory_space<hbm>> -> memref<200192x32xf32, #tpu.memory_space<hbm>>
      %dma_wait3A_179 = arith.constant 0 : i32
      %dma_wait3A_180 = arith.constant 0 : i32
      %dma_wait3A_181 = tpu.memref_slice %dma_wait3A_178[%dma_wait3A_179, %dma_wait3A_180] : memref<200192x32xf32, #tpu.memory_space<hbm>> -> memref<200192x32xf32, #tpu.memory_space<hbm>>
      tpu.wait_indirect_dma semaphore(%arg8 : memref<!tpu.dma_semaphore, #tpu.memory_space<semaphore_mem>>) src(%dma_wait3A_181 : memref<200192x32xf32, #tpu.memory_space<hbm>>) dst(%dma_wait3A_171 : memref<128x32xf32, #tpu.memory_space<vmem>>)
      %dma_wait3A_182 = arith.constant 1 : i32
      %dma_wait3A_183 = arith.constant 128 : i32
      %dma_wait3A_184 = arith.constant 0 : i32
      %dma_wait3A_185 = tpu.memref_slice %arg6[%dma_wait3A_183, %dma_wait3A_184] : memref<1280x32xf32, #tpu.memory_space<vmem>> -> memref<128x32xf32, #tpu.memory_space<vmem>>
      %dma_wait3A_186 = arith.constant 0 : i32
      %dma_wait3A_187 = tpu.memref_slice %arg5[%dma_wait3A_182, %dma_wait3A_186] : memref<10x128xi32, #tpu.memory_space<vmem>> -> memref<1x128xi32, #tpu.memory_space<vmem>>
      %dma_wait3A_188 = tpu.memref_squeeze %dma_wait3A_187 : memref<1x128xi32, #tpu.memory_space<vmem>> -> memref<128xi32, #tpu.memory_space<vmem>>
      %dma_wait3A_189 = arith.constant 0 : i32
      %dma_wait3A_190 = arith.constant 0 : i32
      %dma_wait3A_191 = tpu.memref_slice %arg3[%select_n3A, %dma_wait3A_189, %dma_wait3A_190] : memref<6x200192x32xf32, #tpu.memory_space<hbm>> -> memref<1x200192x32xf32, #tpu.memory_space<hbm>>
      %dma_wait3A_192 = tpu.memref_squeeze %dma_wait3A_191 : memref<1x200192x32xf32, #tpu.memory_space<hbm>> -> memref<200192x32xf32, #tpu.memory_space<hbm>>
      %dma_wait3A_193 = arith.constant 0 : i32
      %dma_wait3A_194 = arith.constant 0 : i32
      %dma_wait3A_195 = tpu.memref_slice %dma_wait3A_192[%dma_wait3A_193, %dma_wait3A_194] : memref<200192x32xf32, #tpu.memory_space<hbm>> -> memref<200192x32xf32, #tpu.memory_space<hbm>>
      tpu.wait_indirect_dma semaphore(%arg8 : memref<!tpu.dma_semaphore, #tpu.memory_space<semaphore_mem>>) src(%dma_wait3A_195 : memref<200192x32xf32, #tpu.memory_space<hbm>>) dst(%dma_wait3A_185 : memref<128x32xf32, #tpu.memory_space<vmem>>)
      %dma_wait3A_196 = arith.constant 2 : i32
      %dma_wait3A_197 = arith.constant 256 : i32
      %dma_wait3A_198 = arith.constant 0 : i32
      %dma_wait3A_199 = tpu.memref_slice %arg6[%dma_wait3A_197, %dma_wait3A_198] : memref<1280x32xf32, #tpu.memory_space<vmem>> -> memref<128x32xf32, #tpu.memory_space<vmem>>
      %dma_wait3A_200 = arith.constant 0 : i32
      %dma_wait3A_201 = tpu.memref_slice %arg5[%dma_wait3A_196, %dma_wait3A_200] : memref<10x128xi32, #tpu.memory_space<vmem>> -> memref<1x128xi32, #tpu.memory_space<vmem>>
      %dma_wait3A_202 = tpu.memref_squeeze %dma_wait3A_201 : memref<1x128xi32, #tpu.memory_space<vmem>> -> memref<128xi32, #tpu.memory_space<vmem>>
      %dma_wait3A_203 = arith.constant 0 : i32
      %dma_wait3A_204 = arith.constant 0 : i32
      %dma_wait3A_205 = tpu.memref_slice %arg3[%select_n3A, %dma_wait3A_203, %dma_wait3A_204] : memref<6x200192x32xf32, #tpu.memory_space<hbm>> -> memref<1x200192x32xf32, #tpu.memory_space<hbm>>
      %dma_wait3A_206 = tpu.memref_squeeze %dma_wait3A_205 : memref<1x200192x32xf32, #tpu.memory_space<hbm>> -> memref<200192x32xf32, #tpu.memory_space<hbm>>
      %dma_wait3A_207 = arith.constant 0 : i32
      %dma_wait3A_208 = arith.constant 0 : i32
      %dma_wait3A_209 = tpu.memref_slice %dma_wait3A_206[%dma_wait3A_207, %dma_wait3A_208] : memref<200192x32xf32, #tpu.memory_space<hbm>> -> memref<200192x32xf32, #tpu.memory_space<hbm>>
      tpu.wait_indirect_dma semaphore(%arg8 : memref<!tpu.dma_semaphore, #tpu.memory_space<semaphore_mem>>) src(%dma_wait3A_209 : memref<200192x32xf32, #tpu.memory_space<hbm>>) dst(%dma_wait3A_199 : memref<128x32xf32, #tpu.memory_space<vmem>>)
      %dma_wait3A_210 = arith.constant 3 : i32
      %dma_wait3A_211 = arith.constant 384 : i32
      %dma_wait3A_212 = arith.constant 0 : i32
      %dma_wait3A_213 = tpu.memref_slice %arg6[%dma_wait3A_211, %dma_wait3A_212] : memref<1280x32xf32, #tpu.memory_space<vmem>> -> memref<128x32xf32, #tpu.memory_space<vmem>>
      %dma_wait3A_214 = arith.constant 0 : i32
      %dma_wait3A_215 = tpu.memref_slice %arg5[%dma_wait3A_210, %dma_wait3A_214] : memref<10x128xi32, #tpu.memory_space<vmem>> -> memref<1x128xi32, #tpu.memory_space<vmem>>
      %dma_wait3A_216 = tpu.memref_squeeze %dma_wait3A_215 : memref<1x128xi32, #tpu.memory_space<vmem>> -> memref<128xi32, #tpu.memory_space<vmem>>
      %dma_wait3A_217 = arith.constant 0 : i32
      %dma_wait3A_218 = arith.constant 0 : i32
      %dma_wait3A_219 = tpu.memref_slice %arg3[%select_n3A, %dma_wait3A_217, %dma_wait3A_218] : memref<6x200192x32xf32, #tpu.memory_space<hbm>> -> memref<1x200192x32xf32, #tpu.memory_space<hbm>>
      %dma_wait3A_220 = tpu.memref_squeeze %dma_wait3A_219 : memref<1x200192x32xf32, #tpu.memory_space<hbm>> -> memref<200192x32xf32, #tpu.memory_space<hbm>>
      %dma_wait3A_221 = arith.constant 0 : i32
      %dma_wait3A_222 = arith.constant 0 : i32
      %dma_wait3A_223 = tpu.memref_slice %dma_wait3A_220[%dma_wait3A_221, %dma_wait3A_222] : memref<200192x32xf32, #tpu.memory_space<hbm>> -> memref<200192x32xf32, #tpu.memory_space<hbm>>
      tpu.wait_indirect_dma semaphore(%arg8 : memref<!tpu.dma_semaphore, #tpu.memory_space<semaphore_mem>>) src(%dma_wait3A_223 : memref<200192x32xf32, #tpu.memory_space<hbm>>) dst(%dma_wait3A_213 : memref<128x32xf32, #tpu.memory_space<vmem>>)
      %dma_wait3A_224 = arith.constant 4 : i32
      %dma_wait3A_225 = arith.constant 512 : i32
      %dma_wait3A_226 = arith.constant 0 : i32
      %dma_wait3A_227 = tpu.memref_slice %arg6[%dma_wait3A_225, %dma_wait3A_226] : memref<1280x32xf32, #tpu.memory_space<vmem>> -> memref<128x32xf32, #tpu.memory_space<vmem>>
      %dma_wait3A_228 = arith.constant 0 : i32
      %dma_wait3A_229 = tpu.memref_slice %arg5[%dma_wait3A_224, %dma_wait3A_228] : memref<10x128xi32, #tpu.memory_space<vmem>> -> memref<1x128xi32, #tpu.memory_space<vmem>>
      %dma_wait3A_230 = tpu.memref_squeeze %dma_wait3A_229 : memref<1x128xi32, #tpu.memory_space<vmem>> -> memref<128xi32, #tpu.memory_space<vmem>>
      %dma_wait3A_231 = arith.constant 0 : i32
      %dma_wait3A_232 = arith.constant 0 : i32
      %dma_wait3A_233 = tpu.memref_slice %arg3[%select_n3A, %dma_wait3A_231, %dma_wait3A_232] : memref<6x200192x32xf32, #tpu.memory_space<hbm>> -> memref<1x200192x32xf32, #tpu.memory_space<hbm>>
      %dma_wait3A_234 = tpu.memref_squeeze %dma_wait3A_233 : memref<1x200192x32xf32, #tpu.memory_space<hbm>> -> memref<200192x32xf32, #tpu.memory_space<hbm>>
      %dma_wait3A_235 = arith.constant 0 : i32
      %dma_wait3A_236 = arith.constant 0 : i32
      %dma_wait3A_237 = tpu.memref_slice %dma_wait3A_234[%dma_wait3A_235, %dma_wait3A_236] : memref<200192x32xf32, #tpu.memory_space<hbm>> -> memref<200192x32xf32, #tpu.memory_space<hbm>>
      tpu.wait_indirect_dma semaphore(%arg8 : memref<!tpu.dma_semaphore, #tpu.memory_space<semaphore_mem>>) src(%dma_wait3A_237 : memref<200192x32xf32, #tpu.memory_space<hbm>>) dst(%dma_wait3A_227 : memref<128x32xf32, #tpu.memory_space<vmem>>)
      %dma_wait3A_238 = arith.constant 5 : i32
      %dma_wait3A_239 = arith.constant 640 : i32
      %dma_wait3A_240 = arith.constant 0 : i32
      %dma_wait3A_241 = tpu.memref_slice %arg6[%dma_wait3A_239, %dma_wait3A_240] : memref<1280x32xf32, #tpu.memory_space<vmem>> -> memref<128x32xf32, #tpu.memory_space<vmem>>
      %dma_wait3A_242 = arith.constant 0 : i32
      %dma_wait3A_243 = tpu.memref_slice %arg5[%dma_wait3A_238, %dma_wait3A_242] : memref<10x128xi32, #tpu.memory_space<vmem>> -> memref<1x128xi32, #tpu.memory_space<vmem>>
      %dma_wait3A_244 = tpu.memref_squeeze %dma_wait3A_243 : memref<1x128xi32, #tpu.memory_space<vmem>> -> memref<128xi32, #tpu.memory_space<vmem>>
      %dma_wait3A_245 = arith.constant 0 : i32
      %dma_wait3A_246 = arith.constant 0 : i32
      %dma_wait3A_247 = tpu.memref_slice %arg3[%select_n3A, %dma_wait3A_245, %dma_wait3A_246] : memref<6x200192x32xf32, #tpu.memory_space<hbm>> -> memref<1x200192x32xf32, #tpu.memory_space<hbm>>
      %dma_wait3A_248 = tpu.memref_squeeze %dma_wait3A_247 : memref<1x200192x32xf32, #tpu.memory_space<hbm>> -> memref<200192x32xf32, #tpu.memory_space<hbm>>
      %dma_wait3A_249 = arith.constant 0 : i32
      %dma_wait3A_250 = arith.constant 0 : i32
      %dma_wait3A_251 = tpu.memref_slice %dma_wait3A_248[%dma_wait3A_249, %dma_wait3A_250] : memref<200192x32xf32, #tpu.memory_space<hbm>> -> memref<200192x32xf32, #tpu.memory_space<hbm>>
      tpu.wait_indirect_dma semaphore(%arg8 : memref<!tpu.dma_semaphore, #tpu.memory_space<semaphore_mem>>) src(%dma_wait3A_251 : memref<200192x32xf32, #tpu.memory_space<hbm>>) dst(%dma_wait3A_241 : memref<128x32xf32, #tpu.memory_space<vmem>>)
      %dma_wait3A_252 = arith.constant 6 : i32
      %dma_wait3A_253 = arith.constant 768 : i32
      %dma_wait3A_254 = arith.constant 0 : i32
      %dma_wait3A_255 = tpu.memref_slice %arg6[%dma_wait3A_253, %dma_wait3A_254] : memref<1280x32xf32, #tpu.memory_space<vmem>> -> memref<128x32xf32, #tpu.memory_space<vmem>>
      %dma_wait3A_256 = arith.constant 0 : i32
      %dma_wait3A_257 = tpu.memref_slice %arg5[%dma_wait3A_252, %dma_wait3A_256] : memref<10x128xi32, #tpu.memory_space<vmem>> -> memref<1x128xi32, #tpu.memory_space<vmem>>
      %dma_wait3A_258 = tpu.memref_squeeze %dma_wait3A_257 : memref<1x128xi32, #tpu.memory_space<vmem>> -> memref<128xi32, #tpu.memory_space<vmem>>
      %dma_wait3A_259 = arith.constant 0 : i32
      %dma_wait3A_260 = arith.constant 0 : i32
      %dma_wait3A_261 = tpu.memref_slice %arg3[%select_n3A, %dma_wait3A_259, %dma_wait3A_260] : memref<6x200192x32xf32, #tpu.memory_space<hbm>> -> memref<1x200192x32xf32, #tpu.memory_space<hbm>>
      %dma_wait3A_262 = tpu.memref_squeeze %dma_wait3A_261 : memref<1x200192x32xf32, #tpu.memory_space<hbm>> -> memref<200192x32xf32, #tpu.memory_space<hbm>>
      %dma_wait3A_263 = arith.constant 0 : i32
      %dma_wait3A_264 = arith.constant 0 : i32
      %dma_wait3A_265 = tpu.memref_slice %dma_wait3A_262[%dma_wait3A_263, %dma_wait3A_264] : memref<200192x32xf32, #tpu.memory_space<hbm>> -> memref<200192x32xf32, #tpu.memory_space<hbm>>
      tpu.wait_indirect_dma semaphore(%arg8 : memref<!tpu.dma_semaphore, #tpu.memory_space<semaphore_mem>>) src(%dma_wait3A_265 : memref<200192x32xf32, #tpu.memory_space<hbm>>) dst(%dma_wait3A_255 : memref<128x32xf32, #tpu.memory_space<vmem>>)
      %dma_wait3A_266 = arith.constant 7 : i32
      %dma_wait3A_267 = arith.constant 896 : i32
      %dma_wait3A_268 = arith.constant 0 : i32
      %dma_wait3A_269 = tpu.memref_slice %arg6[%dma_wait3A_267, %dma_wait3A_268] : memref<1280x32xf32, #tpu.memory_space<vmem>> -> memref<128x32xf32, #tpu.memory_space<vmem>>
      %dma_wait3A_270 = arith.constant 0 : i32
      %dma_wait3A_271 = tpu.memref_slice %arg5[%dma_wait3A_266, %dma_wait3A_270] : memref<10x128xi32, #tpu.memory_space<vmem>> -> memref<1x128xi32, #tpu.memory_space<vmem>>
      %dma_wait3A_272 = tpu.memref_squeeze %dma_wait3A_271 : memref<1x128xi32, #tpu.memory_space<vmem>> -> memref<128xi32, #tpu.memory_space<vmem>>
      %dma_wait3A_273 = arith.constant 0 : i32
      %dma_wait3A_274 = arith.constant 0 : i32
      %dma_wait3A_275 = tpu.memref_slice %arg3[%select_n3A, %dma_wait3A_273, %dma_wait3A_274] : memref<6x200192x32xf32, #tpu.memory_space<hbm>> -> memref<1x200192x32xf32, #tpu.memory_space<hbm>>
      %dma_wait3A_276 = tpu.memref_squeeze %dma_wait3A_275 : memref<1x200192x32xf32, #tpu.memory_space<hbm>> -> memref<200192x32xf32, #tpu.memory_space<hbm>>
      %dma_wait3A_277 = arith.constant 0 : i32
      %dma_wait3A_278 = arith.constant 0 : i32
      %dma_wait3A_279 = tpu.memref_slice %dma_wait3A_276[%dma_wait3A_277, %dma_wait3A_278] : memref<200192x32xf32, #tpu.memory_space<hbm>> -> memref<200192x32xf32, #tpu.memory_space<hbm>>
      tpu.wait_indirect_dma semaphore(%arg8 : memref<!tpu.dma_semaphore, #tpu.memory_space<semaphore_mem>>) src(%dma_wait3A_279 : memref<200192x32xf32, #tpu.memory_space<hbm>>) dst(%dma_wait3A_269 : memref<128x32xf32, #tpu.memory_space<vmem>>)
      %dma_wait3A_280 = arith.constant 8 : i32
      %dma_wait3A_281 = arith.constant 1024 : i32
      %dma_wait3A_282 = arith.constant 0 : i32
      %dma_wait3A_283 = tpu.memref_slice %arg6[%dma_wait3A_281, %dma_wait3A_282] : memref<1280x32xf32, #tpu.memory_space<vmem>> -> memref<128x32xf32, #tpu.memory_space<vmem>>
      %dma_wait3A_284 = arith.constant 0 : i32
      %dma_wait3A_285 = tpu.memref_slice %arg5[%dma_wait3A_280, %dma_wait3A_284] : memref<10x128xi32, #tpu.memory_space<vmem>> -> memref<1x128xi32, #tpu.memory_space<vmem>>
      %dma_wait3A_286 = tpu.memref_squeeze %dma_wait3A_285 : memref<1x128xi32, #tpu.memory_space<vmem>> -> memref<128xi32, #tpu.memory_space<vmem>>
      %dma_wait3A_287 = arith.constant 0 : i32
      %dma_wait3A_288 = arith.constant 0 : i32
      %dma_wait3A_289 = tpu.memref_slice %arg3[%select_n3A, %dma_wait3A_287, %dma_wait3A_288] : memref<6x200192x32xf32, #tpu.memory_space<hbm>> -> memref<1x200192x32xf32, #tpu.memory_space<hbm>>
      %dma_wait3A_290 = tpu.memref_squeeze %dma_wait3A_289 : memref<1x200192x32xf32, #tpu.memory_space<hbm>> -> memref<200192x32xf32, #tpu.memory_space<hbm>>
      %dma_wait3A_291 = arith.constant 0 : i32
      %dma_wait3A_292 = arith.constant 0 : i32
      %dma_wait3A_293 = tpu.memref_slice %dma_wait3A_290[%dma_wait3A_291, %dma_wait3A_292] : memref<200192x32xf32, #tpu.memory_space<hbm>> -> memref<200192x32xf32, #tpu.memory_space<hbm>>
      tpu.wait_indirect_dma semaphore(%arg8 : memref<!tpu.dma_semaphore, #tpu.memory_space<semaphore_mem>>) src(%dma_wait3A_293 : memref<200192x32xf32, #tpu.memory_space<hbm>>) dst(%dma_wait3A_283 : memref<128x32xf32, #tpu.memory_space<vmem>>)
      %dma_wait3A_294 = arith.constant 9 : i32
      %dma_wait3A_295 = arith.constant 1152 : i32
      %dma_wait3A_296 = arith.constant 0 : i32
      %dma_wait3A_297 = tpu.memref_slice %arg6[%dma_wait3A_295, %dma_wait3A_296] : memref<1280x32xf32, #tpu.memory_space<vmem>> -> memref<128x32xf32, #tpu.memory_space<vmem>>
      %dma_wait3A_298 = arith.constant 0 : i32
      %dma_wait3A_299 = tpu.memref_slice %arg5[%dma_wait3A_294, %dma_wait3A_298] : memref<10x128xi32, #tpu.memory_space<vmem>> -> memref<1x128xi32, #tpu.memory_space<vmem>>
      %dma_wait3A_300 = tpu.memref_squeeze %dma_wait3A_299 : memref<1x128xi32, #tpu.memory_space<vmem>> -> memref<128xi32, #tpu.memory_space<vmem>>
      %dma_wait3A_301 = arith.constant 0 : i32
      %dma_wait3A_302 = arith.constant 0 : i32
      %dma_wait3A_303 = tpu.memref_slice %arg3[%select_n3A, %dma_wait3A_301, %dma_wait3A_302] : memref<6x200192x32xf32, #tpu.memory_space<hbm>> -> memref<1x200192x32xf32, #tpu.memory_space<hbm>>
      %dma_wait3A_304 = tpu.memref_squeeze %dma_wait3A_303 : memref<1x200192x32xf32, #tpu.memory_space<hbm>> -> memref<200192x32xf32, #tpu.memory_space<hbm>>
      %dma_wait3A_305 = arith.constant 0 : i32
      %dma_wait3A_306 = arith.constant 0 : i32
      %dma_wait3A_307 = tpu.memref_slice %dma_wait3A_304[%dma_wait3A_305, %dma_wait3A_306] : memref<200192x32xf32, #tpu.memory_space<hbm>> -> memref<200192x32xf32, #tpu.memory_space<hbm>>
      tpu.wait_indirect_dma semaphore(%arg8 : memref<!tpu.dma_semaphore, #tpu.memory_space<semaphore_mem>>) src(%dma_wait3A_307 : memref<200192x32xf32, #tpu.memory_space<hbm>>) dst(%dma_wait3A_297 : memref<128x32xf32, #tpu.memory_space<vmem>>)
      %scan3A_308 = arith.constant 0 : i32
      %scan3A_309 = arith.constant 0 : i32
      %scan3A_310 = arith.constant 64 : i32
      %scan3A_311 = arith.addi %scan3A_309, %scan3A_310 : i32
      %scan3A_312 = arith.constant 1 : i32
      scf.for %scan3A_316 = %scan3A_309 to %scan3A_311 step %scan3A_312  : i32 {
        %mul3A_317 = arith.constant 20 : i32
        %mul3A_318 = arith.muli %scan3A_316, %mul3A_317 : i32
        %get3A = arith.index_cast %mul3A_318 : i32 to index
        %get3A_319 = arith.constant 0 : index
        %get3A_320 = tpu.vector_load %arg6[%get3A, %get3A_319] {strides = array<i32>} : memref<1280x32xf32, #tpu.memory_space<vmem>>, vector<1x16xf32>,
        %get3A_321 = vector.shape_cast %get3A_320 : vector<1x16xf32> to vector<16xf32>
        %get3A_322 = arith.index_cast %mul3A_318 : i32 to index
        %get3A_323 = arith.constant 16 : index
        %get3A_324 = tpu.vector_load %arg6[%get3A_322, %get3A_323] {strides = array<i32>} : memref<1280x32xf32, #tpu.memory_space<vmem>>, vector<1x16xf32>,
        %get3A_325 = vector.shape_cast %get3A_324 : vector<1x16xf32> to vector<16xf32>
        %add3A_326 = arith.constant 1 : i32
        %add3A_327 = arith.addi %mul3A_318, %add3A_326 : i32
        %get3A_328 = arith.index_cast %add3A_327 : i32 to index
        %get3A_329 = arith.constant 0 : index
        %get3A_330 = tpu.vector_load %arg6[%get3A_328, %get3A_329] {strides = array<i32>} : memref<1280x32xf32, #tpu.memory_space<vmem>>, vector<1x16xf32>,
        %get3A_331 = vector.shape_cast %get3A_330 : vector<1x16xf32> to vector<16xf32>
        %add3A_332 = arith.addf %get3A_321, %get3A_331 : vector<16xf32>
        %add3A_333 = arith.constant 1 : i32
        %add3A_334 = arith.addi %mul3A_318, %add3A_333 : i32
        %get3A_335 = arith.index_cast %add3A_334 : i32 to index
        %get3A_336 = arith.constant 16 : index
        %get3A_337 = tpu.vector_load %arg6[%get3A_335, %get3A_336] {strides = array<i32>} : memref<1280x32xf32, #tpu.memory_space<vmem>>, vector<1x16xf32>,
        %get3A_338 = vector.shape_cast %get3A_337 : vector<1x16xf32> to vector<16xf32>
        %add3A_339 = arith.addf %get3A_325, %get3A_338 : vector<16xf32>
        %add3A_340 = arith.constant 2 : i32
        %add3A_341 = arith.addi %mul3A_318, %add3A_340 : i32
        %get3A_342 = arith.index_cast %add3A_341 : i32 to index
        %get3A_343 = arith.constant 0 : index
        %get3A_344 = tpu.vector_load %arg6[%get3A_342, %get3A_343] {strides = array<i32>} : memref<1280x32xf32, #tpu.memory_space<vmem>>, vector<1x16xf32>,
        %get3A_345 = vector.shape_cast %get3A_344 : vector<1x16xf32> to vector<16xf32>
        %add3A_346 = arith.addf %add3A_332, %get3A_345 : vector<16xf32>
        %add3A_347 = arith.constant 2 : i32
        %add3A_348 = arith.addi %mul3A_318, %add3A_347 : i32
        %get3A_349 = arith.index_cast %add3A_348 : i32 to index
        %get3A_350 = arith.constant 16 : index
        %get3A_351 = tpu.vector_load %arg6[%get3A_349, %get3A_350] {strides = array<i32>} : memref<1280x32xf32, #tpu.memory_space<vmem>>, vector<1x16xf32>,
        %get3A_352 = vector.shape_cast %get3A_351 : vector<1x16xf32> to vector<16xf32>
        %add3A_353 = arith.addf %add3A_339, %get3A_352 : vector<16xf32>
        %add3A_354 = arith.constant 3 : i32
        %add3A_355 = arith.addi %mul3A_318, %add3A_354 : i32
        %get3A_356 = arith.index_cast %add3A_355 : i32 to index
        %get3A_357 = arith.constant 0 : index
        %get3A_358 = tpu.vector_load %arg6[%get3A_356, %get3A_357] {strides = array<i32>} : memref<1280x32xf32, #tpu.memory_space<vmem>>, vector<1x16xf32>,
        %get3A_359 = vector.shape_cast %get3A_358 : vector<1x16xf32> to vector<16xf32>
        %add3A_360 = arith.addf %add3A_346, %get3A_359 : vector<16xf32>
        %add3A_361 = arith.constant 3 : i32
        %add3A_362 = arith.addi %mul3A_318, %add3A_361 : i32
        %get3A_363 = arith.index_cast %add3A_362 : i32 to index
        %get3A_364 = arith.constant 16 : index
        %get3A_365 = tpu.vector_load %arg6[%get3A_363, %get3A_364] {strides = array<i32>} : memref<1280x32xf32, #tpu.memory_space<vmem>>, vector<1x16xf32>,
        %get3A_366 = vector.shape_cast %get3A_365 : vector<1x16xf32> to vector<16xf32>
        %add3A_367 = arith.addf %add3A_353, %get3A_366 : vector<16xf32>
        %add3A_368 = arith.constant 4 : i32
        %add3A_369 = arith.addi %mul3A_318, %add3A_368 : i32
        %get3A_370 = arith.index_cast %add3A_369 : i32 to index
        %get3A_371 = arith.constant 0 : index
        %get3A_372 = tpu.vector_load %arg6[%get3A_370, %get3A_371] {strides = array<i32>} : memref<1280x32xf32, #tpu.memory_space<vmem>>, vector<1x16xf32>,
        %get3A_373 = vector.shape_cast %get3A_372 : vector<1x16xf32> to vector<16xf32>
        %add3A_374 = arith.addf %add3A_360, %get3A_373 : vector<16xf32>
        %add3A_375 = arith.constant 4 : i32
        %add3A_376 = arith.addi %mul3A_318, %add3A_375 : i32
        %get3A_377 = arith.index_cast %add3A_376 : i32 to index
        %get3A_378 = arith.constant 16 : index
        %get3A_379 = tpu.vector_load %arg6[%get3A_377, %get3A_378] {strides = array<i32>} : memref<1280x32xf32, #tpu.memory_space<vmem>>, vector<1x16xf32>,
        %get3A_380 = vector.shape_cast %get3A_379 : vector<1x16xf32> to vector<16xf32>
        %add3A_381 = arith.addf %add3A_367, %get3A_380 : vector<16xf32>
        %add3A_382 = arith.constant 5 : i32
        %add3A_383 = arith.addi %mul3A_318, %add3A_382 : i32
        %get3A_384 = arith.index_cast %add3A_383 : i32 to index
        %get3A_385 = arith.constant 0 : index
        %get3A_386 = tpu.vector_load %arg6[%get3A_384, %get3A_385] {strides = array<i32>} : memref<1280x32xf32, #tpu.memory_space<vmem>>, vector<1x16xf32>,
        %get3A_387 = vector.shape_cast %get3A_386 : vector<1x16xf32> to vector<16xf32>
        %add3A_388 = arith.addf %add3A_374, %get3A_387 : vector<16xf32>
        %add3A_389 = arith.constant 5 : i32
        %add3A_390 = arith.addi %mul3A_318, %add3A_389 : i32
        %get3A_391 = arith.index_cast %add3A_390 : i32 to index
        %get3A_392 = arith.constant 16 : index
        %get3A_393 = tpu.vector_load %arg6[%get3A_391, %get3A_392] {strides = array<i32>} : memref<1280x32xf32, #tpu.memory_space<vmem>>, vector<1x16xf32>,
        %get3A_394 = vector.shape_cast %get3A_393 : vector<1x16xf32> to vector<16xf32>
        %add3A_395 = arith.addf %add3A_381, %get3A_394 : vector<16xf32>
        %add3A_396 = arith.constant 6 : i32
        %add3A_397 = arith.addi %mul3A_318, %add3A_396 : i32
        %get3A_398 = arith.index_cast %add3A_397 : i32 to index
        %get3A_399 = arith.constant 0 : index
        %get3A_400 = tpu.vector_load %arg6[%get3A_398, %get3A_399] {strides = array<i32>} : memref<1280x32xf32, #tpu.memory_space<vmem>>, vector<1x16xf32>,
        %get3A_401 = vector.shape_cast %get3A_400 : vector<1x16xf32> to vector<16xf32>
        %add3A_402 = arith.addf %add3A_388, %get3A_401 : vector<16xf32>
        %add3A_403 = arith.constant 6 : i32
        %add3A_404 = arith.addi %mul3A_318, %add3A_403 : i32
        %get3A_405 = arith.index_cast %add3A_404 : i32 to index
        %get3A_406 = arith.constant 16 : index
        %get3A_407 = tpu.vector_load %arg6[%get3A_405, %get3A_406] {strides = array<i32>} : memref<1280x32xf32, #tpu.memory_space<vmem>>, vector<1x16xf32>,
        %get3A_408 = vector.shape_cast %get3A_407 : vector<1x16xf32> to vector<16xf32>
        %add3A_409 = arith.addf %add3A_395, %get3A_408 : vector<16xf32>
        %add3A_410 = arith.constant 7 : i32
        %add3A_411 = arith.addi %mul3A_318, %add3A_410 : i32
        %get3A_412 = arith.index_cast %add3A_411 : i32 to index
        %get3A_413 = arith.constant 0 : index
        %get3A_414 = tpu.vector_load %arg6[%get3A_412, %get3A_413] {strides = array<i32>} : memref<1280x32xf32, #tpu.memory_space<vmem>>, vector<1x16xf32>,
        %get3A_415 = vector.shape_cast %get3A_414 : vector<1x16xf32> to vector<16xf32>
        %add3A_416 = arith.addf %add3A_402, %get3A_415 : vector<16xf32>
        %add3A_417 = arith.constant 7 : i32
        %add3A_418 = arith.addi %mul3A_318, %add3A_417 : i32
        %get3A_419 = arith.index_cast %add3A_418 : i32 to index
        %get3A_420 = arith.constant 16 : index
        %get3A_421 = tpu.vector_load %arg6[%get3A_419, %get3A_420] {strides = array<i32>} : memref<1280x32xf32, #tpu.memory_space<vmem>>, vector<1x16xf32>,
        %get3A_422 = vector.shape_cast %get3A_421 : vector<1x16xf32> to vector<16xf32>
        %add3A_423 = arith.addf %add3A_409, %get3A_422 : vector<16xf32>
        %add3A_424 = arith.constant 8 : i32
        %add3A_425 = arith.addi %mul3A_318, %add3A_424 : i32
        %get3A_426 = arith.index_cast %add3A_425 : i32 to index
        %get3A_427 = arith.constant 0 : index
        %get3A_428 = tpu.vector_load %arg6[%get3A_426, %get3A_427] {strides = array<i32>} : memref<1280x32xf32, #tpu.memory_space<vmem>>, vector<1x16xf32>,
        %get3A_429 = vector.shape_cast %get3A_428 : vector<1x16xf32> to vector<16xf32>
        %add3A_430 = arith.addf %add3A_416, %get3A_429 : vector<16xf32>
        %add3A_431 = arith.constant 8 : i32
        %add3A_432 = arith.addi %mul3A_318, %add3A_431 : i32
        %get3A_433 = arith.index_cast %add3A_432 : i32 to index
        %get3A_434 = arith.constant 16 : index
        %get3A_435 = tpu.vector_load %arg6[%get3A_433, %get3A_434] {strides = array<i32>} : memref<1280x32xf32, #tpu.memory_space<vmem>>, vector<1x16xf32>,
        %get3A_436 = vector.shape_cast %get3A_435 : vector<1x16xf32> to vector<16xf32>
        %add3A_437 = arith.addf %add3A_423, %get3A_436 : vector<16xf32>
        %add3A_438 = arith.constant 9 : i32
        %add3A_439 = arith.addi %mul3A_318, %add3A_438 : i32
        %get3A_440 = arith.index_cast %add3A_439 : i32 to index
        %get3A_441 = arith.constant 0 : index
        %get3A_442 = tpu.vector_load %arg6[%get3A_440, %get3A_441] {strides = array<i32>} : memref<1280x32xf32, #tpu.memory_space<vmem>>, vector<1x16xf32>,
        %get3A_443 = vector.shape_cast %get3A_442 : vector<1x16xf32> to vector<16xf32>
        %add3A_444 = arith.addf %add3A_430, %get3A_443 : vector<16xf32>
        %add3A_445 = arith.constant 9 : i32
        %add3A_446 = arith.addi %mul3A_318, %add3A_445 : i32
        %get3A_447 = arith.index_cast %add3A_446 : i32 to index
        %get3A_448 = arith.constant 16 : index
        %get3A_449 = tpu.vector_load %arg6[%get3A_447, %get3A_448] {strides = array<i32>} : memref<1280x32xf32, #tpu.memory_space<vmem>>, vector<1x16xf32>,
        %get3A_450 = vector.shape_cast %get3A_449 : vector<1x16xf32> to vector<16xf32>
        %add3A_451 = arith.addf %add3A_437, %get3A_450 : vector<16xf32>
        %add3A_452 = arith.constant 10 : i32
        %add3A_453 = arith.addi %mul3A_318, %add3A_452 : i32
        %get3A_454 = arith.index_cast %add3A_453 : i32 to index
        %get3A_455 = arith.constant 0 : index
        %get3A_456 = tpu.vector_load %arg6[%get3A_454, %get3A_455] {strides = array<i32>} : memref<1280x32xf32, #tpu.memory_space<vmem>>, vector<1x16xf32>,
        %get3A_457 = vector.shape_cast %get3A_456 : vector<1x16xf32> to vector<16xf32>
        %add3A_458 = arith.addf %add3A_444, %get3A_457 : vector<16xf32>
        %add3A_459 = arith.constant 10 : i32
        %add3A_460 = arith.addi %mul3A_318, %add3A_459 : i32
        %get3A_461 = arith.index_cast %add3A_460 : i32 to index
        %get3A_462 = arith.constant 16 : index
        %get3A_463 = tpu.vector_load %arg6[%get3A_461, %get3A_462] {strides = array<i32>} : memref<1280x32xf32, #tpu.memory_space<vmem>>, vector<1x16xf32>,
        %get3A_464 = vector.shape_cast %get3A_463 : vector<1x16xf32> to vector<16xf32>
        %add3A_465 = arith.addf %add3A_451, %get3A_464 : vector<16xf32>
        %add3A_466 = arith.constant 11 : i32
        %add3A_467 = arith.addi %mul3A_318, %add3A_466 : i32
        %get3A_468 = arith.index_cast %add3A_467 : i32 to index
        %get3A_469 = arith.constant 0 : index
        %get3A_470 = tpu.vector_load %arg6[%get3A_468, %get3A_469] {strides = array<i32>} : memref<1280x32xf32, #tpu.memory_space<vmem>>, vector<1x16xf32>,
        %get3A_471 = vector.shape_cast %get3A_470 : vector<1x16xf32> to vector<16xf32>
        %add3A_472 = arith.addf %add3A_458, %get3A_471 : vector<16xf32>
        %add3A_473 = arith.constant 11 : i32
        %add3A_474 = arith.addi %mul3A_318, %add3A_473 : i32
        %get3A_475 = arith.index_cast %add3A_474 : i32 to index
        %get3A_476 = arith.constant 16 : index
        %get3A_477 = tpu.vector_load %arg6[%get3A_475, %get3A_476] {strides = array<i32>} : memref<1280x32xf32, #tpu.memory_space<vmem>>, vector<1x16xf32>,
        %get3A_478 = vector.shape_cast %get3A_477 : vector<1x16xf32> to vector<16xf32>
        %add3A_479 = arith.addf %add3A_465, %get3A_478 : vector<16xf32>
        %add3A_480 = arith.constant 12 : i32
        %add3A_481 = arith.addi %mul3A_318, %add3A_480 : i32
        %get3A_482 = arith.index_cast %add3A_481 : i32 to index
        %get3A_483 = arith.constant 0 : index
        %get3A_484 = tpu.vector_load %arg6[%get3A_482, %get3A_483] {strides = array<i32>} : memref<1280x32xf32, #tpu.memory_space<vmem>>, vector<1x16xf32>,
        %get3A_485 = vector.shape_cast %get3A_484 : vector<1x16xf32> to vector<16xf32>
        %add3A_486 = arith.addf %add3A_472, %get3A_485 : vector<16xf32>
        %add3A_487 = arith.constant 12 : i32
        %add3A_488 = arith.addi %mul3A_318, %add3A_487 : i32
        %get3A_489 = arith.index_cast %add3A_488 : i32 to index
        %get3A_490 = arith.constant 16 : index
        %get3A_491 = tpu.vector_load %arg6[%get3A_489, %get3A_490] {strides = array<i32>} : memref<1280x32xf32, #tpu.memory_space<vmem>>, vector<1x16xf32>,
        %get3A_492 = vector.shape_cast %get3A_491 : vector<1x16xf32> to vector<16xf32>
        %add3A_493 = arith.addf %add3A_479, %get3A_492 : vector<16xf32>
        %add3A_494 = arith.constant 13 : i32
        %add3A_495 = arith.addi %mul3A_318, %add3A_494 : i32
        %get3A_496 = arith.index_cast %add3A_495 : i32 to index
        %get3A_497 = arith.constant 0 : index
        %get3A_498 = tpu.vector_load %arg6[%get3A_496, %get3A_497] {strides = array<i32>} : memref<1280x32xf32, #tpu.memory_space<vmem>>, vector<1x16xf32>,
        %get3A_499 = vector.shape_cast %get3A_498 : vector<1x16xf32> to vector<16xf32>
        %add3A_500 = arith.addf %add3A_486, %get3A_499 : vector<16xf32>
        %add3A_501 = arith.constant 13 : i32
        %add3A_502 = arith.addi %mul3A_318, %add3A_501 : i32
        %get3A_503 = arith.index_cast %add3A_502 : i32 to index
        %get3A_504 = arith.constant 16 : index
        %get3A_505 = tpu.vector_load %arg6[%get3A_503, %get3A_504] {strides = array<i32>} : memref<1280x32xf32, #tpu.memory_space<vmem>>, vector<1x16xf32>,
        %get3A_506 = vector.shape_cast %get3A_505 : vector<1x16xf32> to vector<16xf32>
        %add3A_507 = arith.addf %add3A_493, %get3A_506 : vector<16xf32>
        %add3A_508 = arith.constant 14 : i32
        %add3A_509 = arith.addi %mul3A_318, %add3A_508 : i32
        %get3A_510 = arith.index_cast %add3A_509 : i32 to index
        %get3A_511 = arith.constant 0 : index
        %get3A_512 = tpu.vector_load %arg6[%get3A_510, %get3A_511] {strides = array<i32>} : memref<1280x32xf32, #tpu.memory_space<vmem>>, vector<1x16xf32>,
        %get3A_513 = vector.shape_cast %get3A_512 : vector<1x16xf32> to vector<16xf32>
        %add3A_514 = arith.addf %add3A_500, %get3A_513 : vector<16xf32>
        %add3A_515 = arith.constant 14 : i32
        %add3A_516 = arith.addi %mul3A_318, %add3A_515 : i32
        %get3A_517 = arith.index_cast %add3A_516 : i32 to index
        %get3A_518 = arith.constant 16 : index
        %get3A_519 = tpu.vector_load %arg6[%get3A_517, %get3A_518] {strides = array<i32>} : memref<1280x32xf32, #tpu.memory_space<vmem>>, vector<1x16xf32>,
        %get3A_520 = vector.shape_cast %get3A_519 : vector<1x16xf32> to vector<16xf32>
        %add3A_521 = arith.addf %add3A_507, %get3A_520 : vector<16xf32>
        %add3A_522 = arith.constant 15 : i32
        %add3A_523 = arith.addi %mul3A_318, %add3A_522 : i32
        %get3A_524 = arith.index_cast %add3A_523 : i32 to index
        %get3A_525 = arith.constant 0 : index
        %get3A_526 = tpu.vector_load %arg6[%get3A_524, %get3A_525] {strides = array<i32>} : memref<1280x32xf32, #tpu.memory_space<vmem>>, vector<1x16xf32>,
        %get3A_527 = vector.shape_cast %get3A_526 : vector<1x16xf32> to vector<16xf32>
        %add3A_528 = arith.addf %add3A_514, %get3A_527 : vector<16xf32>
        %add3A_529 = arith.constant 15 : i32
        %add3A_530 = arith.addi %mul3A_318, %add3A_529 : i32
        %get3A_531 = arith.index_cast %add3A_530 : i32 to index
        %get3A_532 = arith.constant 16 : index
        %get3A_533 = tpu.vector_load %arg6[%get3A_531, %get3A_532] {strides = array<i32>} : memref<1280x32xf32, #tpu.memory_space<vmem>>, vector<1x16xf32>,
        %get3A_534 = vector.shape_cast %get3A_533 : vector<1x16xf32> to vector<16xf32>
        %add3A_535 = arith.addf %add3A_521, %get3A_534 : vector<16xf32>
        %add3A_536 = arith.constant 16 : i32
        %add3A_537 = arith.addi %mul3A_318, %add3A_536 : i32
        %get3A_538 = arith.index_cast %add3A_537 : i32 to index
        %get3A_539 = arith.constant 0 : index
        %get3A_540 = tpu.vector_load %arg6[%get3A_538, %get3A_539] {strides = array<i32>} : memref<1280x32xf32, #tpu.memory_space<vmem>>, vector<1x16xf32>,
        %get3A_541 = vector.shape_cast %get3A_540 : vector<1x16xf32> to vector<16xf32>
        %add3A_542 = arith.addf %add3A_528, %get3A_541 : vector<16xf32>
        %add3A_543 = arith.constant 16 : i32
        %add3A_544 = arith.addi %mul3A_318, %add3A_543 : i32
        %get3A_545 = arith.index_cast %add3A_544 : i32 to index
        %get3A_546 = arith.constant 16 : index
        %get3A_547 = tpu.vector_load %arg6[%get3A_545, %get3A_546] {strides = array<i32>} : memref<1280x32xf32, #tpu.memory_space<vmem>>, vector<1x16xf32>,
        %get3A_548 = vector.shape_cast %get3A_547 : vector<1x16xf32> to vector<16xf32>
        %add3A_549 = arith.addf %add3A_535, %get3A_548 : vector<16xf32>
        %add3A_550 = arith.constant 17 : i32
        %add3A_551 = arith.addi %mul3A_318, %add3A_550 : i32
        %get3A_552 = arith.index_cast %add3A_551 : i32 to index
        %get3A_553 = arith.constant 0 : index
        %get3A_554 = tpu.vector_load %arg6[%get3A_552, %get3A_553] {strides = array<i32>} : memref<1280x32xf32, #tpu.memory_space<vmem>>, vector<1x16xf32>,
        %get3A_555 = vector.shape_cast %get3A_554 : vector<1x16xf32> to vector<16xf32>
        %add3A_556 = arith.addf %add3A_542, %get3A_555 : vector<16xf32>
        %add3A_557 = arith.constant 17 : i32
        %add3A_558 = arith.addi %mul3A_318, %add3A_557 : i32
        %get3A_559 = arith.index_cast %add3A_558 : i32 to index
        %get3A_560 = arith.constant 16 : index
        %get3A_561 = tpu.vector_load %arg6[%get3A_559, %get3A_560] {strides = array<i32>} : memref<1280x32xf32, #tpu.memory_space<vmem>>, vector<1x16xf32>,
        %get3A_562 = vector.shape_cast %get3A_561 : vector<1x16xf32> to vector<16xf32>
        %add3A_563 = arith.addf %add3A_549, %get3A_562 : vector<16xf32>
        %add3A_564 = arith.constant 18 : i32
        %add3A_565 = arith.addi %mul3A_318, %add3A_564 : i32
        %get3A_566 = arith.index_cast %add3A_565 : i32 to index
        %get3A_567 = arith.constant 0 : index
        %get3A_568 = tpu.vector_load %arg6[%get3A_566, %get3A_567] {strides = array<i32>} : memref<1280x32xf32, #tpu.memory_space<vmem>>, vector<1x16xf32>,
        %get3A_569 = vector.shape_cast %get3A_568 : vector<1x16xf32> to vector<16xf32>
        %add3A_570 = arith.addf %add3A_556, %get3A_569 : vector<16xf32>
        %add3A_571 = arith.constant 18 : i32
        %add3A_572 = arith.addi %mul3A_318, %add3A_571 : i32
        %get3A_573 = arith.index_cast %add3A_572 : i32 to index
        %get3A_574 = arith.constant 16 : index
        %get3A_575 = tpu.vector_load %arg6[%get3A_573, %get3A_574] {strides = array<i32>} : memref<1280x32xf32, #tpu.memory_space<vmem>>, vector<1x16xf32>,
        %get3A_576 = vector.shape_cast %get3A_575 : vector<1x16xf32> to vector<16xf32>
        %add3A_577 = arith.addf %add3A_563, %get3A_576 : vector<16xf32>
        %add3A_578 = arith.constant 19 : i32
        %add3A_579 = arith.addi %mul3A_318, %add3A_578 : i32
        %get3A_580 = arith.index_cast %add3A_579 : i32 to index
        %get3A_581 = arith.constant 0 : index
        %get3A_582 = tpu.vector_load %arg6[%get3A_580, %get3A_581] {strides = array<i32>} : memref<1280x32xf32, #tpu.memory_space<vmem>>, vector<1x16xf32>,
        %get3A_583 = vector.shape_cast %get3A_582 : vector<1x16xf32> to vector<16xf32>
        %add3A_584 = arith.addf %add3A_570, %get3A_583 : vector<16xf32>
        %add3A_585 = arith.constant 19 : i32
        %add3A_586 = arith.addi %mul3A_318, %add3A_585 : i32
        %get3A_587 = arith.index_cast %add3A_586 : i32 to index
        %get3A_588 = arith.constant 16 : index
        %get3A_589 = tpu.vector_load %arg6[%get3A_587, %get3A_588] {strides = array<i32>} : memref<1280x32xf32, #tpu.memory_space<vmem>>, vector<1x16xf32>,
        %get3A_590 = vector.shape_cast %get3A_589 : vector<1x16xf32> to vector<16xf32>
        %add3A_591 = arith.addf %add3A_577, %get3A_590 : vector<16xf32>
        %swap3A = arith.index_cast %scan3A_316 : i32 to index
        %swap3A_592 = arith.constant 0 : index
        %swap3A_593 = tpu.vector_load %arg7[%swap3A, %swap3A_592] {strides = array<i32>} : memref<64x32xf32, #tpu.memory_space<vmem>>, vector<1x16xf32>,
        %swap3A_594 = vector.shape_cast %swap3A_593 : vector<1x16xf32> to vector<16xf32>
        %swap3A_595 = vector.shape_cast %add3A_584 : vector<16xf32> to vector<1x16xf32>
        tpu.vector_store %arg7[%swap3A, %swap3A_592], %swap3A_595 {strides = array<i32>} : memref<64x32xf32, #tpu.memory_space<vmem>>, vector<1x16xf32>,
        %swap3A_596 = arith.index_cast %scan3A_316 : i32 to index
        %swap3A_597 = arith.constant 16 : index
        %swap3A_598 = tpu.vector_load %arg7[%swap3A_596, %swap3A_597] {strides = array<i32>} : memref<64x32xf32, #tpu.memory_space<vmem>>, vector<1x16xf32>,
        %swap3A_599 = vector.shape_cast %swap3A_598 : vector<1x16xf32> to vector<16xf32>
        %swap3A_600 = vector.shape_cast %add3A_591 : vector<16xf32> to vector<1x16xf32>
        tpu.vector_store %arg7[%swap3A_596, %swap3A_597], %swap3A_600 {strides = array<i32>} : memref<64x32xf32, #tpu.memory_space<vmem>>, vector<1x16xf32>,
      }
      %scan3A_313 = arith.constant 64 : i32
      %mul3A_314 = arith.constant 64 : i32
      %mul3A_315 = arith.muli %add3A_9, %mul3A_314 : i32
      "tpu.region"() ({
        %run_scoped3A = tpu.sem_alloc : memref<!tpu.dma_semaphore, #tpu.memory_space<semaphore_mem>>
        %dma_start3A_316 = arith.constant 0 : i32
        %dma_start3A_317 = tpu.memref_slice %arg4[%mul3A_315, %dma_start3A_316] : memref<24576x32xf32, #tpu.memory_space<hbm>> -> memref<64x32xf32, #tpu.memory_space<hbm>>
        %dma_start3A_318 = arith.constant 0 : i32
        %dma_start3A_319 = tpu.memref_slice %arg4[%mul3A_315, %dma_start3A_318] : memref<24576x32xf32, #tpu.memory_space<hbm>> -> memref<64x32xf32, #tpu.memory_space<hbm>>
        tpu.enqueue_dma source(%arg7 : memref<64x32xf32, #tpu.memory_space<vmem>>) target(%dma_start3A_319 : memref<64x32xf32, #tpu.memory_space<hbm>>) target_semaphore(%run_scoped3A : memref<!tpu.dma_semaphore, #tpu.memory_space<semaphore_mem>>)
        %dma_wait3A_320 = arith.constant 0 : i32
        %dma_wait3A_321 = tpu.memref_slice %arg4[%mul3A_315, %dma_wait3A_320] : memref<24576x32xf32, #tpu.memory_space<hbm>> -> memref<64x32xf32, #tpu.memory_space<hbm>>
        %dma_wait3A_322 = arith.constant 0 : i32
        %dma_wait3A_323 = tpu.memref_slice %arg4[%mul3A_315, %dma_wait3A_322] : memref<24576x32xf32, #tpu.memory_space<hbm>> -> memref<64x32xf32, #tpu.memory_space<hbm>>
        tpu.wait_dma2 semaphore(%run_scoped3A : memref<!tpu.dma_semaphore, #tpu.memory_space<semaphore_mem>>) src(%arg7 : memref<64x32xf32, #tpu.memory_space<vmem>>) dst(%dma_wait3A_323 : memref<64x32xf32, #tpu.memory_space<hbm>>)
        tpu.yield
      }) : () -> ()
    }
    %scan3A_5 = arith.constant 12 : i32
    return
  }
}

#map = affine_map<(d0, d1) -> (0, 0)>
#map1 = affine_map<(d0, d1) -> (0, 0, 0)>
module attributes {stable_mosaic.version = 14 : i64} {
  func.func @body(%arg0: i32, %arg1: i32, %arg2: memref<16640x128xi32, #tpu.memory_space<hbm>>, %arg3: memref<6x200192x32xf32, #tpu.memory_space<hbm>>, %arg4: memref<24576x32xf32, #tpu.memory_space<hbm>>, %arg5: memref<10x128xi32, #tpu.memory_space<vmem>>, %arg6: memref<1280x32xf32, #tpu.memory_space<vmem>>, %arg7: memref<64x32xf32, #tpu.memory_space<vmem>>, %arg8: memref<!tpu.dma_semaphore, #tpu.memory_space<semaphore_mem>>) attributes {dimension_semantics = [#tpu.dimension_semantics<core_parallel>, #tpu.dimension_semantics<subcore_parallel>], iteration_bounds = array<i64: 2, 16>, scalar_prefetch = 0 : i64, scratch_operands = 4 : i64, tpu.core_type = #tpu.core_type<sc_vector_subcore>, window_params = [{transform_indices = #map}, {transform_indices = #map1}, {transform_indices = #map}]} {
    %mul3A = arith.constant 2 : i32
    %mul3A_0 = arith.muli %arg1, %mul3A : i32
    %add3A = arith.addi %mul3A_0, %arg0 : i32
    %scan3A = arith.constant 0 : i32
    %scan3A_1 = arith.constant 0 : i32
    %scan3A_2 = arith.constant 12 : i32
    %scan3A_3 = arith.addi %scan3A_1, %scan3A_2 : i32
    %scan3A_4 = arith.constant 1 : i32
    scf.for %scan3A_6 = %scan3A_1 to %scan3A_3 step %scan3A_4  : i32 {
      %mul3A_7 = arith.constant 12 : i32
      %mul3A_8 = arith.muli %add3A, %mul3A_7 : i32
      %add3A_9 = arith.addi %mul3A_8, %scan3A_6 : i32
      %jit3A = arith.constant 64 : i32
      %div3A = arith.divsi %add3A_9, %jit3A : i32
      %sign3A = arith.constant 0 : i32
      %sign3A_10 = arith.cmpi sgt, %add3A_9, %sign3A : i32
      %sign3A_11 = arith.extui %sign3A_10 : i1 to i32
      %sign3A_12 = arith.constant 0 : i32
      %sign3A_13 = arith.cmpi slt, %add3A_9, %sign3A_12 : i32
      %sign3A_14 = arith.extui %sign3A_13 : i1 to i32
      %sign3A_15 = arith.subi %sign3A_11, %sign3A_14 : i32
      %sign3A_16 = arith.constant 0 : i32
      %sign3A_17 = arith.cmpi sgt, %jit3A, %sign3A_16 : i32
      %sign3A_18 = arith.extui %sign3A_17 : i1 to i32
      %sign3A_19 = arith.constant 0 : i32
      %sign3A_20 = arith.cmpi slt, %jit3A, %sign3A_19 : i32
      %sign3A_21 = arith.extui %sign3A_20 : i1 to i32
      %sign3A_22 = arith.subi %sign3A_18, %sign3A_21 : i32
      %ne3A = arith.cmpi ne, %sign3A_15, %sign3A_22 : i32
      %rem3A = arith.remsi %add3A_9, %jit3A : i32
      %ne3A_23 = arith.constant 0 : i32
      %ne3A_24 = arith.cmpi ne, %rem3A, %ne3A_23 : i32
      %and3A = arith.andi %ne3A, %ne3A_24 : i1
      %sub3A = arith.constant 1 : i32
      %sub3A_25 = arith.subi %div3A, %sub3A : i32
      %select_n3A = arith.select %and3A, %sub3A_25, %div3A : i32
      %add3A_26 = arith.constant 896 : i32
      %add3A_27 = arith.addi %add3A_26, %add3A_9 : i32
      %mul3A_28 = arith.constant 10 : i32
      %mul3A_29 = arith.muli %add3A_27, %mul3A_28 : i32
      "tpu.region"() ({
        %run_scoped3A = tpu.sem_alloc : memref<!tpu.dma_semaphore, #tpu.memory_space<semaphore_mem>>
        %dma_start3A_316 = arith.constant 0 : i32
        %dma_start3A_317 = tpu.memref_slice %arg2[%mul3A_29, %dma_start3A_316] : memref<16640x128xi32, #tpu.memory_space<hbm>> -> memref<10x128xi32, #tpu.memory_space<hbm>>
        %dma_start3A_318 = arith.constant 0 : i32
        %dma_start3A_319 = tpu.memref_slice %arg2[%mul3A_29, %dma_start3A_318] : memref<16640x128xi32, #tpu.memory_space<hbm>> -> memref<10x128xi32, #tpu.memory_space<hbm>>
        tpu.enqueue_dma source(%dma_start3A_319 : memref<10x128xi32, #tpu.memory_space<hbm>>) target(%arg5 : memref<10x128xi32, #tpu.memory_space<vmem>>) target_semaphore(%run_scoped3A : memref<!tpu.dma_semaphore, #tpu.memory_space<semaphore_mem>>)
        %dma_wait3A_320 = arith.constant 0 : i32
        %dma_wait3A_321 = tpu.memref_slice %arg2[%mul3A_29, %dma_wait3A_320] : memref<16640x128xi32, #tpu.memory_space<hbm>> -> memref<10x128xi32, #tpu.memory_space<hbm>>
        %dma_wait3A_322 = arith.constant 0 : i32
        %dma_wait3A_323 = tpu.memref_slice %arg2[%mul3A_29, %dma_wait3A_322] : memref<16640x128xi32, #tpu.memory_space<hbm>> -> memref<10x128xi32, #tpu.memory_space<hbm>>
        tpu.wait_dma2 semaphore(%run_scoped3A : memref<!tpu.dma_semaphore, #tpu.memory_space<semaphore_mem>>) src(%dma_wait3A_323 : memref<10x128xi32, #tpu.memory_space<hbm>>) dst(%arg5 : memref<10x128xi32, #tpu.memory_space<vmem>>)
        tpu.yield
      }) : () -> ()
      %dma_start3A = arith.constant 0 : i32
      %dma_start3A_30 = arith.constant 0 : i32
      %dma_start3A_31 = arith.constant 0 : i32
      %dma_start3A_32 = tpu.memref_slice %arg6[%dma_start3A_30, %dma_start3A_31] : memref<1280x32xf32, #tpu.memory_space<vmem>> -> memref<128x32xf32, #tpu.memory_space<vmem>>
      %dma_start3A_33 = arith.constant 0 : i32
      %dma_start3A_34 = tpu.memref_slice %arg5[%dma_start3A, %dma_start3A_33] : memref<10x128xi32, #tpu.memory_space<vmem>> -> memref<1x128xi32, #tpu.memory_space<vmem>>
      %dma_start3A_35 = tpu.memref_squeeze %dma_start3A_34 : memref<1x128xi32, #tpu.memory_space<vmem>> -> memref<128xi32, #tpu.memory_space<vmem>>
      %dma_start3A_36 = arith.constant 0 : i32
      %dma_start3A_37 = arith.constant 0 : i32
      %dma_start3A_38 = tpu.memref_slice %arg3[%select_n3A, %dma_start3A_36, %dma_start3A_37] : memref<6x200192x32xf32, #tpu.memory_space<hbm>> -> memref<1x200192x32xf32, #tpu.memory_space<hbm>>
      %dma_start3A_39 = tpu.memref_squeeze %dma_start3A_38 : memref<1x200192x32xf32, #tpu.memory_space<hbm>> -> memref<200192x32xf32, #tpu.memory_space<hbm>>
      %dma_start3A_40 = arith.constant 0 : i32
      %dma_start3A_41 = arith.constant 0 : i32
      %dma_start3A_42 = tpu.memref_slice %dma_start3A_39[%dma_start3A_40, %dma_start3A_41] : memref<200192x32xf32, #tpu.memory_space<hbm>> -> memref<200192x32xf32, #tpu.memory_space<hbm>>
      tpu.enqueue_indirect_dma source(%dma_start3A_42 : memref<200192x32xf32, #tpu.memory_space<hbm>>) target(%dma_start3A_32 : memref<128x32xf32, #tpu.memory_space<vmem>>) offsets(%dma_start3A_35 : memref<128xi32, #tpu.memory_space<vmem>>) semaphore(%arg8 : memref<!tpu.dma_semaphore, #tpu.memory_space<semaphore_mem>>)
      %dma_start3A_43 = arith.constant 1 : i32
      %dma_start3A_44 = arith.constant 128 : i32
      %dma_start3A_45 = arith.constant 0 : i32
      %dma_start3A_46 = tpu.memref_slice %arg6[%dma_start3A_44, %dma_start3A_45] : memref<1280x32xf32, #tpu.memory_space<vmem>> -> memref<128x32xf32, #tpu.memory_space<vmem>>
      %dma_start3A_47 = arith.constant 0 : i32
      %dma_start3A_48 = tpu.memref_slice %arg5[%dma_start3A_43, %dma_start3A_47] : memref<10x128xi32, #tpu.memory_space<vmem>> -> memref<1x128xi32, #tpu.memory_space<vmem>>
      %dma_start3A_49 = tpu.memref_squeeze %dma_start3A_48 : memref<1x128xi32, #tpu.memory_space<vmem>> -> memref<128xi32, #tpu.memory_space<vmem>>
      %dma_start3A_50 = arith.constant 0 : i32
      %dma_start3A_51 = arith.constant 0 : i32
      %dma_start3A_52 = tpu.memref_slice %arg3[%select_n3A, %dma_start3A_50, %dma_start3A_51] : memref<6x200192x32xf32, #tpu.memory_space<hbm>> -> memref<1x200192x32xf32, #tpu.memory_space<hbm>>
      %dma_start3A_53 = tpu.memref_squeeze %dma_start3A_52 : memref<1x200192x32xf32, #tpu.memory_space<hbm>> -> memref<200192x32xf32, #tpu.memory_space<hbm>>
      %dma_start3A_54 = arith.constant 0 : i32
      %dma_start3A_55 = arith.constant 0 : i32
      %dma_start3A_56 = tpu.memref_slice %dma_start3A_53[%dma_start3A_54, %dma_start3A_55] : memref<200192x32xf32, #tpu.memory_space<hbm>> -> memref<200192x32xf32, #tpu.memory_space<hbm>>
      tpu.enqueue_indirect_dma source(%dma_start3A_56 : memref<200192x32xf32, #tpu.memory_space<hbm>>) target(%dma_start3A_46 : memref<128x32xf32, #tpu.memory_space<vmem>>) offsets(%dma_start3A_49 : memref<128xi32, #tpu.memory_space<vmem>>) semaphore(%arg8 : memref<!tpu.dma_semaphore, #tpu.memory_space<semaphore_mem>>)
      %dma_start3A_57 = arith.constant 2 : i32
      %dma_start3A_58 = arith.constant 256 : i32
      %dma_start3A_59 = arith.constant 0 : i32
      %dma_start3A_60 = tpu.memref_slice %arg6[%dma_start3A_58, %dma_start3A_59] : memref<1280x32xf32, #tpu.memory_space<vmem>> -> memref<128x32xf32, #tpu.memory_space<vmem>>
      %dma_start3A_61 = arith.constant 0 : i32
      %dma_start3A_62 = tpu.memref_slice %arg5[%dma_start3A_57, %dma_start3A_61] : memref<10x128xi32, #tpu.memory_space<vmem>> -> memref<1x128xi32, #tpu.memory_space<vmem>>
      %dma_start3A_63 = tpu.memref_squeeze %dma_start3A_62 : memref<1x128xi32, #tpu.memory_space<vmem>> -> memref<128xi32, #tpu.memory_space<vmem>>
      %dma_start3A_64 = arith.constant 0 : i32
      %dma_start3A_65 = arith.constant 0 : i32
      %dma_start3A_66 = tpu.memref_slice %arg3[%select_n3A, %dma_start3A_64, %dma_start3A_65] : memref<6x200192x32xf32, #tpu.memory_space<hbm>> -> memref<1x200192x32xf32, #tpu.memory_space<hbm>>
      %dma_start3A_67 = tpu.memref_squeeze %dma_start3A_66 : memref<1x200192x32xf32, #tpu.memory_space<hbm>> -> memref<200192x32xf32, #tpu.memory_space<hbm>>
      %dma_start3A_68 = arith.constant 0 : i32
      %dma_start3A_69 = arith.constant 0 : i32
      %dma_start3A_70 = tpu.memref_slice %dma_start3A_67[%dma_start3A_68, %dma_start3A_69] : memref<200192x32xf32, #tpu.memory_space<hbm>> -> memref<200192x32xf32, #tpu.memory_space<hbm>>
      tpu.enqueue_indirect_dma source(%dma_start3A_70 : memref<200192x32xf32, #tpu.memory_space<hbm>>) target(%dma_start3A_60 : memref<128x32xf32, #tpu.memory_space<vmem>>) offsets(%dma_start3A_63 : memref<128xi32, #tpu.memory_space<vmem>>) semaphore(%arg8 : memref<!tpu.dma_semaphore, #tpu.memory_space<semaphore_mem>>)
      %dma_start3A_71 = arith.constant 3 : i32
      %dma_start3A_72 = arith.constant 384 : i32
      %dma_start3A_73 = arith.constant 0 : i32
      %dma_start3A_74 = tpu.memref_slice %arg6[%dma_start3A_72, %dma_start3A_73] : memref<1280x32xf32, #tpu.memory_space<vmem>> -> memref<128x32xf32, #tpu.memory_space<vmem>>
      %dma_start3A_75 = arith.constant 0 : i32
      %dma_start3A_76 = tpu.memref_slice %arg5[%dma_start3A_71, %dma_start3A_75] : memref<10x128xi32, #tpu.memory_space<vmem>> -> memref<1x128xi32, #tpu.memory_space<vmem>>
      %dma_start3A_77 = tpu.memref_squeeze %dma_start3A_76 : memref<1x128xi32, #tpu.memory_space<vmem>> -> memref<128xi32, #tpu.memory_space<vmem>>
      %dma_start3A_78 = arith.constant 0 : i32
      %dma_start3A_79 = arith.constant 0 : i32
      %dma_start3A_80 = tpu.memref_slice %arg3[%select_n3A, %dma_start3A_78, %dma_start3A_79] : memref<6x200192x32xf32, #tpu.memory_space<hbm>> -> memref<1x200192x32xf32, #tpu.memory_space<hbm>>
      %dma_start3A_81 = tpu.memref_squeeze %dma_start3A_80 : memref<1x200192x32xf32, #tpu.memory_space<hbm>> -> memref<200192x32xf32, #tpu.memory_space<hbm>>
      %dma_start3A_82 = arith.constant 0 : i32
      %dma_start3A_83 = arith.constant 0 : i32
      %dma_start3A_84 = tpu.memref_slice %dma_start3A_81[%dma_start3A_82, %dma_start3A_83] : memref<200192x32xf32, #tpu.memory_space<hbm>> -> memref<200192x32xf32, #tpu.memory_space<hbm>>
      tpu.enqueue_indirect_dma source(%dma_start3A_84 : memref<200192x32xf32, #tpu.memory_space<hbm>>) target(%dma_start3A_74 : memref<128x32xf32, #tpu.memory_space<vmem>>) offsets(%dma_start3A_77 : memref<128xi32, #tpu.memory_space<vmem>>) semaphore(%arg8 : memref<!tpu.dma_semaphore, #tpu.memory_space<semaphore_mem>>)
      %dma_start3A_85 = arith.constant 4 : i32
      %dma_start3A_86 = arith.constant 512 : i32
      %dma_start3A_87 = arith.constant 0 : i32
      %dma_start3A_88 = tpu.memref_slice %arg6[%dma_start3A_86, %dma_start3A_87] : memref<1280x32xf32, #tpu.memory_space<vmem>> -> memref<128x32xf32, #tpu.memory_space<vmem>>
      %dma_start3A_89 = arith.constant 0 : i32
      %dma_start3A_90 = tpu.memref_slice %arg5[%dma_start3A_85, %dma_start3A_89] : memref<10x128xi32, #tpu.memory_space<vmem>> -> memref<1x128xi32, #tpu.memory_space<vmem>>
      %dma_start3A_91 = tpu.memref_squeeze %dma_start3A_90 : memref<1x128xi32, #tpu.memory_space<vmem>> -> memref<128xi32, #tpu.memory_space<vmem>>
      %dma_start3A_92 = arith.constant 0 : i32
      %dma_start3A_93 = arith.constant 0 : i32
      %dma_start3A_94 = tpu.memref_slice %arg3[%select_n3A, %dma_start3A_92, %dma_start3A_93] : memref<6x200192x32xf32, #tpu.memory_space<hbm>> -> memref<1x200192x32xf32, #tpu.memory_space<hbm>>
      %dma_start3A_95 = tpu.memref_squeeze %dma_start3A_94 : memref<1x200192x32xf32, #tpu.memory_space<hbm>> -> memref<200192x32xf32, #tpu.memory_space<hbm>>
      %dma_start3A_96 = arith.constant 0 : i32
      %dma_start3A_97 = arith.constant 0 : i32
      %dma_start3A_98 = tpu.memref_slice %dma_start3A_95[%dma_start3A_96, %dma_start3A_97] : memref<200192x32xf32, #tpu.memory_space<hbm>> -> memref<200192x32xf32, #tpu.memory_space<hbm>>
      tpu.enqueue_indirect_dma source(%dma_start3A_98 : memref<200192x32xf32, #tpu.memory_space<hbm>>) target(%dma_start3A_88 : memref<128x32xf32, #tpu.memory_space<vmem>>) offsets(%dma_start3A_91 : memref<128xi32, #tpu.memory_space<vmem>>) semaphore(%arg8 : memref<!tpu.dma_semaphore, #tpu.memory_space<semaphore_mem>>)
      %dma_start3A_99 = arith.constant 5 : i32
      %dma_start3A_100 = arith.constant 640 : i32
      %dma_start3A_101 = arith.constant 0 : i32
      %dma_start3A_102 = tpu.memref_slice %arg6[%dma_start3A_100, %dma_start3A_101] : memref<1280x32xf32, #tpu.memory_space<vmem>> -> memref<128x32xf32, #tpu.memory_space<vmem>>
      %dma_start3A_103 = arith.constant 0 : i32
      %dma_start3A_104 = tpu.memref_slice %arg5[%dma_start3A_99, %dma_start3A_103] : memref<10x128xi32, #tpu.memory_space<vmem>> -> memref<1x128xi32, #tpu.memory_space<vmem>>
      %dma_start3A_105 = tpu.memref_squeeze %dma_start3A_104 : memref<1x128xi32, #tpu.memory_space<vmem>> -> memref<128xi32, #tpu.memory_space<vmem>>
      %dma_start3A_106 = arith.constant 0 : i32
      %dma_start3A_107 = arith.constant 0 : i32
      %dma_start3A_108 = tpu.memref_slice %arg3[%select_n3A, %dma_start3A_106, %dma_start3A_107] : memref<6x200192x32xf32, #tpu.memory_space<hbm>> -> memref<1x200192x32xf32, #tpu.memory_space<hbm>>
      %dma_start3A_109 = tpu.memref_squeeze %dma_start3A_108 : memref<1x200192x32xf32, #tpu.memory_space<hbm>> -> memref<200192x32xf32, #tpu.memory_space<hbm>>
      %dma_start3A_110 = arith.constant 0 : i32
      %dma_start3A_111 = arith.constant 0 : i32
      %dma_start3A_112 = tpu.memref_slice %dma_start3A_109[%dma_start3A_110, %dma_start3A_111] : memref<200192x32xf32, #tpu.memory_space<hbm>> -> memref<200192x32xf32, #tpu.memory_space<hbm>>
      tpu.enqueue_indirect_dma source(%dma_start3A_112 : memref<200192x32xf32, #tpu.memory_space<hbm>>) target(%dma_start3A_102 : memref<128x32xf32, #tpu.memory_space<vmem>>) offsets(%dma_start3A_105 : memref<128xi32, #tpu.memory_space<vmem>>) semaphore(%arg8 : memref<!tpu.dma_semaphore, #tpu.memory_space<semaphore_mem>>)
      %dma_start3A_113 = arith.constant 6 : i32
      %dma_start3A_114 = arith.constant 768 : i32
      %dma_start3A_115 = arith.constant 0 : i32
      %dma_start3A_116 = tpu.memref_slice %arg6[%dma_start3A_114, %dma_start3A_115] : memref<1280x32xf32, #tpu.memory_space<vmem>> -> memref<128x32xf32, #tpu.memory_space<vmem>>
      %dma_start3A_117 = arith.constant 0 : i32
      %dma_start3A_118 = tpu.memref_slice %arg5[%dma_start3A_113, %dma_start3A_117] : memref<10x128xi32, #tpu.memory_space<vmem>> -> memref<1x128xi32, #tpu.memory_space<vmem>>
      %dma_start3A_119 = tpu.memref_squeeze %dma_start3A_118 : memref<1x128xi32, #tpu.memory_space<vmem>> -> memref<128xi32, #tpu.memory_space<vmem>>
      %dma_start3A_120 = arith.constant 0 : i32
      %dma_start3A_121 = arith.constant 0 : i32
      %dma_start3A_122 = tpu.memref_slice %arg3[%select_n3A, %dma_start3A_120, %dma_start3A_121] : memref<6x200192x32xf32, #tpu.memory_space<hbm>> -> memref<1x200192x32xf32, #tpu.memory_space<hbm>>
      %dma_start3A_123 = tpu.memref_squeeze %dma_start3A_122 : memref<1x200192x32xf32, #tpu.memory_space<hbm>> -> memref<200192x32xf32, #tpu.memory_space<hbm>>
      %dma_start3A_124 = arith.constant 0 : i32
      %dma_start3A_125 = arith.constant 0 : i32
      %dma_start3A_126 = tpu.memref_slice %dma_start3A_123[%dma_start3A_124, %dma_start3A_125] : memref<200192x32xf32, #tpu.memory_space<hbm>> -> memref<200192x32xf32, #tpu.memory_space<hbm>>
      tpu.enqueue_indirect_dma source(%dma_start3A_126 : memref<200192x32xf32, #tpu.memory_space<hbm>>) target(%dma_start3A_116 : memref<128x32xf32, #tpu.memory_space<vmem>>) offsets(%dma_start3A_119 : memref<128xi32, #tpu.memory_space<vmem>>) semaphore(%arg8 : memref<!tpu.dma_semaphore, #tpu.memory_space<semaphore_mem>>)
      %dma_start3A_127 = arith.constant 7 : i32
      %dma_start3A_128 = arith.constant 896 : i32
      %dma_start3A_129 = arith.constant 0 : i32
      %dma_start3A_130 = tpu.memref_slice %arg6[%dma_start3A_128, %dma_start3A_129] : memref<1280x32xf32, #tpu.memory_space<vmem>> -> memref<128x32xf32, #tpu.memory_space<vmem>>
      %dma_start3A_131 = arith.constant 0 : i32
      %dma_start3A_132 = tpu.memref_slice %arg5[%dma_start3A_127, %dma_start3A_131] : memref<10x128xi32, #tpu.memory_space<vmem>> -> memref<1x128xi32, #tpu.memory_space<vmem>>
      %dma_start3A_133 = tpu.memref_squeeze %dma_start3A_132 : memref<1x128xi32, #tpu.memory_space<vmem>> -> memref<128xi32, #tpu.memory_space<vmem>>
      %dma_start3A_134 = arith.constant 0 : i32
      %dma_start3A_135 = arith.constant 0 : i32
      %dma_start3A_136 = tpu.memref_slice %arg3[%select_n3A, %dma_start3A_134, %dma_start3A_135] : memref<6x200192x32xf32, #tpu.memory_space<hbm>> -> memref<1x200192x32xf32, #tpu.memory_space<hbm>>
      %dma_start3A_137 = tpu.memref_squeeze %dma_start3A_136 : memref<1x200192x32xf32, #tpu.memory_space<hbm>> -> memref<200192x32xf32, #tpu.memory_space<hbm>>
      %dma_start3A_138 = arith.constant 0 : i32
      %dma_start3A_139 = arith.constant 0 : i32
      %dma_start3A_140 = tpu.memref_slice %dma_start3A_137[%dma_start3A_138, %dma_start3A_139] : memref<200192x32xf32, #tpu.memory_space<hbm>> -> memref<200192x32xf32, #tpu.memory_space<hbm>>
      tpu.enqueue_indirect_dma source(%dma_start3A_140 : memref<200192x32xf32, #tpu.memory_space<hbm>>) target(%dma_start3A_130 : memref<128x32xf32, #tpu.memory_space<vmem>>) offsets(%dma_start3A_133 : memref<128xi32, #tpu.memory_space<vmem>>) semaphore(%arg8 : memref<!tpu.dma_semaphore, #tpu.memory_space<semaphore_mem>>)
      %dma_start3A_141 = arith.constant 8 : i32
      %dma_start3A_142 = arith.constant 1024 : i32
      %dma_start3A_143 = arith.constant 0 : i32
      %dma_start3A_144 = tpu.memref_slice %arg6[%dma_start3A_142, %dma_start3A_143] : memref<1280x32xf32, #tpu.memory_space<vmem>> -> memref<128x32xf32, #tpu.memory_space<vmem>>
      %dma_start3A_145 = arith.constant 0 : i32
      %dma_start3A_146 = tpu.memref_slice %arg5[%dma_start3A_141, %dma_start3A_145] : memref<10x128xi32, #tpu.memory_space<vmem>> -> memref<1x128xi32, #tpu.memory_space<vmem>>
      %dma_start3A_147 = tpu.memref_squeeze %dma_start3A_146 : memref<1x128xi32, #tpu.memory_space<vmem>> -> memref<128xi32, #tpu.memory_space<vmem>>
      %dma_start3A_148 = arith.constant 0 : i32
      %dma_start3A_149 = arith.constant 0 : i32
      %dma_start3A_150 = tpu.memref_slice %arg3[%select_n3A, %dma_start3A_148, %dma_start3A_149] : memref<6x200192x32xf32, #tpu.memory_space<hbm>> -> memref<1x200192x32xf32, #tpu.memory_space<hbm>>
      %dma_start3A_151 = tpu.memref_squeeze %dma_start3A_150 : memref<1x200192x32xf32, #tpu.memory_space<hbm>> -> memref<200192x32xf32, #tpu.memory_space<hbm>>
      %dma_start3A_152 = arith.constant 0 : i32
      %dma_start3A_153 = arith.constant 0 : i32
      %dma_start3A_154 = tpu.memref_slice %dma_start3A_151[%dma_start3A_152, %dma_start3A_153] : memref<200192x32xf32, #tpu.memory_space<hbm>> -> memref<200192x32xf32, #tpu.memory_space<hbm>>
      tpu.enqueue_indirect_dma source(%dma_start3A_154 : memref<200192x32xf32, #tpu.memory_space<hbm>>) target(%dma_start3A_144 : memref<128x32xf32, #tpu.memory_space<vmem>>) offsets(%dma_start3A_147 : memref<128xi32, #tpu.memory_space<vmem>>) semaphore(%arg8 : memref<!tpu.dma_semaphore, #tpu.memory_space<semaphore_mem>>)
      %dma_start3A_155 = arith.constant 9 : i32
      %dma_start3A_156 = arith.constant 1152 : i32
      %dma_start3A_157 = arith.constant 0 : i32
      %dma_start3A_158 = tpu.memref_slice %arg6[%dma_start3A_156, %dma_start3A_157] : memref<1280x32xf32, #tpu.memory_space<vmem>> -> memref<128x32xf32, #tpu.memory_space<vmem>>
      %dma_start3A_159 = arith.constant 0 : i32
      %dma_start3A_160 = tpu.memref_slice %arg5[%dma_start3A_155, %dma_start3A_159] : memref<10x128xi32, #tpu.memory_space<vmem>> -> memref<1x128xi32, #tpu.memory_space<vmem>>
      %dma_start3A_161 = tpu.memref_squeeze %dma_start3A_160 : memref<1x128xi32, #tpu.memory_space<vmem>> -> memref<128xi32, #tpu.memory_space<vmem>>
      %dma_start3A_162 = arith.constant 0 : i32
      %dma_start3A_163 = arith.constant 0 : i32
      %dma_start3A_164 = tpu.memref_slice %arg3[%select_n3A, %dma_start3A_162, %dma_start3A_163] : memref<6x200192x32xf32, #tpu.memory_space<hbm>> -> memref<1x200192x32xf32, #tpu.memory_space<hbm>>
      %dma_start3A_165 = tpu.memref_squeeze %dma_start3A_164 : memref<1x200192x32xf32, #tpu.memory_space<hbm>> -> memref<200192x32xf32, #tpu.memory_space<hbm>>
      %dma_start3A_166 = arith.constant 0 : i32
      %dma_start3A_167 = arith.constant 0 : i32
      %dma_start3A_168 = tpu.memref_slice %dma_start3A_165[%dma_start3A_166, %dma_start3A_167] : memref<200192x32xf32, #tpu.memory_space<hbm>> -> memref<200192x32xf32, #tpu.memory_space<hbm>>
      tpu.enqueue_indirect_dma source(%dma_start3A_168 : memref<200192x32xf32, #tpu.memory_space<hbm>>) target(%dma_start3A_158 : memref<128x32xf32, #tpu.memory_space<vmem>>) offsets(%dma_start3A_161 : memref<128xi32, #tpu.memory_space<vmem>>) semaphore(%arg8 : memref<!tpu.dma_semaphore, #tpu.memory_space<semaphore_mem>>)
      %dma_wait3A = arith.constant 0 : i32
      %dma_wait3A_169 = arith.constant 0 : i32
      %dma_wait3A_170 = arith.constant 0 : i32
      %dma_wait3A_171 = tpu.memref_slice %arg6[%dma_wait3A_169, %dma_wait3A_170] : memref<1280x32xf32, #tpu.memory_space<vmem>> -> memref<128x32xf32, #tpu.memory_space<vmem>>
      %dma_wait3A_172 = arith.constant 0 : i32
      %dma_wait3A_173 = tpu.memref_slice %arg5[%dma_wait3A, %dma_wait3A_172] : memref<10x128xi32, #tpu.memory_space<vmem>> -> memref<1x128xi32, #tpu.memory_space<vmem>>
      %dma_wait3A_174 = tpu.memref_squeeze %dma_wait3A_173 : memref<1x128xi32, #tpu.memory_space<vmem>> -> memref<128xi32, #tpu.memory_space<vmem>>
      %dma_wait3A_175 = arith.constant 0 : i32
      %dma_wait3A_176 = arith.constant 0 : i32
      %dma_wait3A_177 = tpu.memref_slice %arg3[%select_n3A, %dma_wait3A_175, %dma_wait3A_176] : memref<6x200192x32xf32, #tpu.memory_space<hbm>> -> memref<1x200192x32xf32, #tpu.memory_space<hbm>>
      %dma_wait3A_178 = tpu.memref_squeeze %dma_wait3A_177 : memref<1x200192x32xf32, #tpu.memory_space<hbm>> -> memref<200192x32xf32, #tpu.memory_space<hbm>>
      %dma_wait3A_179 = arith.constant 0 : i32
      %dma_wait3A_180 = arith.constant 0 : i32
      %dma_wait3A_181 = tpu.memref_slice %dma_wait3A_178[%dma_wait3A_179, %dma_wait3A_180] : memref<200192x32xf32, #tpu.memory_space<hbm>> -> memref<200192x32xf32, #tpu.memory_space<hbm>>
      tpu.wait_indirect_dma semaphore(%arg8 : memref<!tpu.dma_semaphore, #tpu.memory_space<semaphore_mem>>) src(%dma_wait3A_181 : memref<200192x32xf32, #tpu.memory_space<hbm>>) dst(%dma_wait3A_171 : memref<128x32xf32, #tpu.memory_space<vmem>>)
      %dma_wait3A_182 = arith.constant 1 : i32
      %dma_wait3A_183 = arith.constant 128 : i32
      %dma_wait3A_184 = arith.constant 0 : i32
      %dma_wait3A_185 = tpu.memref_slice %arg6[%dma_wait3A_183, %dma_wait3A_184] : memref<1280x32xf32, #tpu.memory_space<vmem>> -> memref<128x32xf32, #tpu.memory_space<vmem>>
      %dma_wait3A_186 = arith.constant 0 : i32
      %dma_wait3A_187 = tpu.memref_slice %arg5[%dma_wait3A_182, %dma_wait3A_186] : memref<10x128xi32, #tpu.memory_space<vmem>> -> memref<1x128xi32, #tpu.memory_space<vmem>>
      %dma_wait3A_188 = tpu.memref_squeeze %dma_wait3A_187 : memref<1x128xi32, #tpu.memory_space<vmem>> -> memref<128xi32, #tpu.memory_space<vmem>>
      %dma_wait3A_189 = arith.constant 0 : i32
      %dma_wait3A_190 = arith.constant 0 : i32
      %dma_wait3A_191 = tpu.memref_slice %arg3[%select_n3A, %dma_wait3A_189, %dma_wait3A_190] : memref<6x200192x32xf32, #tpu.memory_space<hbm>> -> memref<1x200192x32xf32, #tpu.memory_space<hbm>>
      %dma_wait3A_192 = tpu.memref_squeeze %dma_wait3A_191 : memref<1x200192x32xf32, #tpu.memory_space<hbm>> -> memref<200192x32xf32, #tpu.memory_space<hbm>>
      %dma_wait3A_193 = arith.constant 0 : i32
      %dma_wait3A_194 = arith.constant 0 : i32
      %dma_wait3A_195 = tpu.memref_slice %dma_wait3A_192[%dma_wait3A_193, %dma_wait3A_194] : memref<200192x32xf32, #tpu.memory_space<hbm>> -> memref<200192x32xf32, #tpu.memory_space<hbm>>
      tpu.wait_indirect_dma semaphore(%arg8 : memref<!tpu.dma_semaphore, #tpu.memory_space<semaphore_mem>>) src(%dma_wait3A_195 : memref<200192x32xf32, #tpu.memory_space<hbm>>) dst(%dma_wait3A_185 : memref<128x32xf32, #tpu.memory_space<vmem>>)
      %dma_wait3A_196 = arith.constant 2 : i32
      %dma_wait3A_197 = arith.constant 256 : i32
      %dma_wait3A_198 = arith.constant 0 : i32
      %dma_wait3A_199 = tpu.memref_slice %arg6[%dma_wait3A_197, %dma_wait3A_198] : memref<1280x32xf32, #tpu.memory_space<vmem>> -> memref<128x32xf32, #tpu.memory_space<vmem>>
      %dma_wait3A_200 = arith.constant 0 : i32
      %dma_wait3A_201 = tpu.memref_slice %arg5[%dma_wait3A_196, %dma_wait3A_200] : memref<10x128xi32, #tpu.memory_space<vmem>> -> memref<1x128xi32, #tpu.memory_space<vmem>>
      %dma_wait3A_202 = tpu.memref_squeeze %dma_wait3A_201 : memref<1x128xi32, #tpu.memory_space<vmem>> -> memref<128xi32, #tpu.memory_space<vmem>>
      %dma_wait3A_203 = arith.constant 0 : i32
      %dma_wait3A_204 = arith.constant 0 : i32
      %dma_wait3A_205 = tpu.memref_slice %arg3[%select_n3A, %dma_wait3A_203, %dma_wait3A_204] : memref<6x200192x32xf32, #tpu.memory_space<hbm>> -> memref<1x200192x32xf32, #tpu.memory_space<hbm>>
      %dma_wait3A_206 = tpu.memref_squeeze %dma_wait3A_205 : memref<1x200192x32xf32, #tpu.memory_space<hbm>> -> memref<200192x32xf32, #tpu.memory_space<hbm>>
      %dma_wait3A_207 = arith.constant 0 : i32
      %dma_wait3A_208 = arith.constant 0 : i32
      %dma_wait3A_209 = tpu.memref_slice %dma_wait3A_206[%dma_wait3A_207, %dma_wait3A_208] : memref<200192x32xf32, #tpu.memory_space<hbm>> -> memref<200192x32xf32, #tpu.memory_space<hbm>>
      tpu.wait_indirect_dma semaphore(%arg8 : memref<!tpu.dma_semaphore, #tpu.memory_space<semaphore_mem>>) src(%dma_wait3A_209 : memref<200192x32xf32, #tpu.memory_space<hbm>>) dst(%dma_wait3A_199 : memref<128x32xf32, #tpu.memory_space<vmem>>)
      %dma_wait3A_210 = arith.constant 3 : i32
      %dma_wait3A_211 = arith.constant 384 : i32
      %dma_wait3A_212 = arith.constant 0 : i32
      %dma_wait3A_213 = tpu.memref_slice %arg6[%dma_wait3A_211, %dma_wait3A_212] : memref<1280x32xf32, #tpu.memory_space<vmem>> -> memref<128x32xf32, #tpu.memory_space<vmem>>
      %dma_wait3A_214 = arith.constant 0 : i32
      %dma_wait3A_215 = tpu.memref_slice %arg5[%dma_wait3A_210, %dma_wait3A_214] : memref<10x128xi32, #tpu.memory_space<vmem>> -> memref<1x128xi32, #tpu.memory_space<vmem>>
      %dma_wait3A_216 = tpu.memref_squeeze %dma_wait3A_215 : memref<1x128xi32, #tpu.memory_space<vmem>> -> memref<128xi32, #tpu.memory_space<vmem>>
      %dma_wait3A_217 = arith.constant 0 : i32
      %dma_wait3A_218 = arith.constant 0 : i32
      %dma_wait3A_219 = tpu.memref_slice %arg3[%select_n3A, %dma_wait3A_217, %dma_wait3A_218] : memref<6x200192x32xf32, #tpu.memory_space<hbm>> -> memref<1x200192x32xf32, #tpu.memory_space<hbm>>
      %dma_wait3A_220 = tpu.memref_squeeze %dma_wait3A_219 : memref<1x200192x32xf32, #tpu.memory_space<hbm>> -> memref<200192x32xf32, #tpu.memory_space<hbm>>
      %dma_wait3A_221 = arith.constant 0 : i32
      %dma_wait3A_222 = arith.constant 0 : i32
      %dma_wait3A_223 = tpu.memref_slice %dma_wait3A_220[%dma_wait3A_221, %dma_wait3A_222] : memref<200192x32xf32, #tpu.memory_space<hbm>> -> memref<200192x32xf32, #tpu.memory_space<hbm>>
      tpu.wait_indirect_dma semaphore(%arg8 : memref<!tpu.dma_semaphore, #tpu.memory_space<semaphore_mem>>) src(%dma_wait3A_223 : memref<200192x32xf32, #tpu.memory_space<hbm>>) dst(%dma_wait3A_213 : memref<128x32xf32, #tpu.memory_space<vmem>>)
      %dma_wait3A_224 = arith.constant 4 : i32
      %dma_wait3A_225 = arith.constant 512 : i32
      %dma_wait3A_226 = arith.constant 0 : i32
      %dma_wait3A_227 = tpu.memref_slice %arg6[%dma_wait3A_225, %dma_wait3A_226] : memref<1280x32xf32, #tpu.memory_space<vmem>> -> memref<128x32xf32, #tpu.memory_space<vmem>>
      %dma_wait3A_228 = arith.constant 0 : i32
      %dma_wait3A_229 = tpu.memref_slice %arg5[%dma_wait3A_224, %dma_wait3A_228] : memref<10x128xi32, #tpu.memory_space<vmem>> -> memref<1x128xi32, #tpu.memory_space<vmem>>
      %dma_wait3A_230 = tpu.memref_squeeze %dma_wait3A_229 : memref<1x128xi32, #tpu.memory_space<vmem>> -> memref<128xi32, #tpu.memory_space<vmem>>
      %dma_wait3A_231 = arith.constant 0 : i32
      %dma_wait3A_232 = arith.constant 0 : i32
      %dma_wait3A_233 = tpu.memref_slice %arg3[%select_n3A, %dma_wait3A_231, %dma_wait3A_232] : memref<6x200192x32xf32, #tpu.memory_space<hbm>> -> memref<1x200192x32xf32, #tpu.memory_space<hbm>>
      %dma_wait3A_234 = tpu.memref_squeeze %dma_wait3A_233 : memref<1x200192x32xf32, #tpu.memory_space<hbm>> -> memref<200192x32xf32, #tpu.memory_space<hbm>>
      %dma_wait3A_235 = arith.constant 0 : i32
      %dma_wait3A_236 = arith.constant 0 : i32
      %dma_wait3A_237 = tpu.memref_slice %dma_wait3A_234[%dma_wait3A_235, %dma_wait3A_236] : memref<200192x32xf32, #tpu.memory_space<hbm>> -> memref<200192x32xf32, #tpu.memory_space<hbm>>
      tpu.wait_indirect_dma semaphore(%arg8 : memref<!tpu.dma_semaphore, #tpu.memory_space<semaphore_mem>>) src(%dma_wait3A_237 : memref<200192x32xf32, #tpu.memory_space<hbm>>) dst(%dma_wait3A_227 : memref<128x32xf32, #tpu.memory_space<vmem>>)
      %dma_wait3A_238 = arith.constant 5 : i32
      %dma_wait3A_239 = arith.constant 640 : i32
      %dma_wait3A_240 = arith.constant 0 : i32
      %dma_wait3A_241 = tpu.memref_slice %arg6[%dma_wait3A_239, %dma_wait3A_240] : memref<1280x32xf32, #tpu.memory_space<vmem>> -> memref<128x32xf32, #tpu.memory_space<vmem>>
      %dma_wait3A_242 = arith.constant 0 : i32
      %dma_wait3A_243 = tpu.memref_slice %arg5[%dma_wait3A_238, %dma_wait3A_242] : memref<10x128xi32, #tpu.memory_space<vmem>> -> memref<1x128xi32, #tpu.memory_space<vmem>>
      %dma_wait3A_244 = tpu.memref_squeeze %dma_wait3A_243 : memref<1x128xi32, #tpu.memory_space<vmem>> -> memref<128xi32, #tpu.memory_space<vmem>>
      %dma_wait3A_245 = arith.constant 0 : i32
      %dma_wait3A_246 = arith.constant 0 : i32
      %dma_wait3A_247 = tpu.memref_slice %arg3[%select_n3A, %dma_wait3A_245, %dma_wait3A_246] : memref<6x200192x32xf32, #tpu.memory_space<hbm>> -> memref<1x200192x32xf32, #tpu.memory_space<hbm>>
      %dma_wait3A_248 = tpu.memref_squeeze %dma_wait3A_247 : memref<1x200192x32xf32, #tpu.memory_space<hbm>> -> memref<200192x32xf32, #tpu.memory_space<hbm>>
      %dma_wait3A_249 = arith.constant 0 : i32
      %dma_wait3A_250 = arith.constant 0 : i32
      %dma_wait3A_251 = tpu.memref_slice %dma_wait3A_248[%dma_wait3A_249, %dma_wait3A_250] : memref<200192x32xf32, #tpu.memory_space<hbm>> -> memref<200192x32xf32, #tpu.memory_space<hbm>>
      tpu.wait_indirect_dma semaphore(%arg8 : memref<!tpu.dma_semaphore, #tpu.memory_space<semaphore_mem>>) src(%dma_wait3A_251 : memref<200192x32xf32, #tpu.memory_space<hbm>>) dst(%dma_wait3A_241 : memref<128x32xf32, #tpu.memory_space<vmem>>)
      %dma_wait3A_252 = arith.constant 6 : i32
      %dma_wait3A_253 = arith.constant 768 : i32
      %dma_wait3A_254 = arith.constant 0 : i32
      %dma_wait3A_255 = tpu.memref_slice %arg6[%dma_wait3A_253, %dma_wait3A_254] : memref<1280x32xf32, #tpu.memory_space<vmem>> -> memref<128x32xf32, #tpu.memory_space<vmem>>
      %dma_wait3A_256 = arith.constant 0 : i32
      %dma_wait3A_257 = tpu.memref_slice %arg5[%dma_wait3A_252, %dma_wait3A_256] : memref<10x128xi32, #tpu.memory_space<vmem>> -> memref<1x128xi32, #tpu.memory_space<vmem>>
      %dma_wait3A_258 = tpu.memref_squeeze %dma_wait3A_257 : memref<1x128xi32, #tpu.memory_space<vmem>> -> memref<128xi32, #tpu.memory_space<vmem>>
      %dma_wait3A_259 = arith.constant 0 : i32
      %dma_wait3A_260 = arith.constant 0 : i32
      %dma_wait3A_261 = tpu.memref_slice %arg3[%select_n3A, %dma_wait3A_259, %dma_wait3A_260] : memref<6x200192x32xf32, #tpu.memory_space<hbm>> -> memref<1x200192x32xf32, #tpu.memory_space<hbm>>
      %dma_wait3A_262 = tpu.memref_squeeze %dma_wait3A_261 : memref<1x200192x32xf32, #tpu.memory_space<hbm>> -> memref<200192x32xf32, #tpu.memory_space<hbm>>
      %dma_wait3A_263 = arith.constant 0 : i32
      %dma_wait3A_264 = arith.constant 0 : i32
      %dma_wait3A_265 = tpu.memref_slice %dma_wait3A_262[%dma_wait3A_263, %dma_wait3A_264] : memref<200192x32xf32, #tpu.memory_space<hbm>> -> memref<200192x32xf32, #tpu.memory_space<hbm>>
      tpu.wait_indirect_dma semaphore(%arg8 : memref<!tpu.dma_semaphore, #tpu.memory_space<semaphore_mem>>) src(%dma_wait3A_265 : memref<200192x32xf32, #tpu.memory_space<hbm>>) dst(%dma_wait3A_255 : memref<128x32xf32, #tpu.memory_space<vmem>>)
      %dma_wait3A_266 = arith.constant 7 : i32
      %dma_wait3A_267 = arith.constant 896 : i32
      %dma_wait3A_268 = arith.constant 0 : i32
      %dma_wait3A_269 = tpu.memref_slice %arg6[%dma_wait3A_267, %dma_wait3A_268] : memref<1280x32xf32, #tpu.memory_space<vmem>> -> memref<128x32xf32, #tpu.memory_space<vmem>>
      %dma_wait3A_270 = arith.constant 0 : i32
      %dma_wait3A_271 = tpu.memref_slice %arg5[%dma_wait3A_266, %dma_wait3A_270] : memref<10x128xi32, #tpu.memory_space<vmem>> -> memref<1x128xi32, #tpu.memory_space<vmem>>
      %dma_wait3A_272 = tpu.memref_squeeze %dma_wait3A_271 : memref<1x128xi32, #tpu.memory_space<vmem>> -> memref<128xi32, #tpu.memory_space<vmem>>
      %dma_wait3A_273 = arith.constant 0 : i32
      %dma_wait3A_274 = arith.constant 0 : i32
      %dma_wait3A_275 = tpu.memref_slice %arg3[%select_n3A, %dma_wait3A_273, %dma_wait3A_274] : memref<6x200192x32xf32, #tpu.memory_space<hbm>> -> memref<1x200192x32xf32, #tpu.memory_space<hbm>>
      %dma_wait3A_276 = tpu.memref_squeeze %dma_wait3A_275 : memref<1x200192x32xf32, #tpu.memory_space<hbm>> -> memref<200192x32xf32, #tpu.memory_space<hbm>>
      %dma_wait3A_277 = arith.constant 0 : i32
      %dma_wait3A_278 = arith.constant 0 : i32
      %dma_wait3A_279 = tpu.memref_slice %dma_wait3A_276[%dma_wait3A_277, %dma_wait3A_278] : memref<200192x32xf32, #tpu.memory_space<hbm>> -> memref<200192x32xf32, #tpu.memory_space<hbm>>
      tpu.wait_indirect_dma semaphore(%arg8 : memref<!tpu.dma_semaphore, #tpu.memory_space<semaphore_mem>>) src(%dma_wait3A_279 : memref<200192x32xf32, #tpu.memory_space<hbm>>) dst(%dma_wait3A_269 : memref<128x32xf32, #tpu.memory_space<vmem>>)
      %dma_wait3A_280 = arith.constant 8 : i32
      %dma_wait3A_281 = arith.constant 1024 : i32
      %dma_wait3A_282 = arith.constant 0 : i32
      %dma_wait3A_283 = tpu.memref_slice %arg6[%dma_wait3A_281, %dma_wait3A_282] : memref<1280x32xf32, #tpu.memory_space<vmem>> -> memref<128x32xf32, #tpu.memory_space<vmem>>
      %dma_wait3A_284 = arith.constant 0 : i32
      %dma_wait3A_285 = tpu.memref_slice %arg5[%dma_wait3A_280, %dma_wait3A_284] : memref<10x128xi32, #tpu.memory_space<vmem>> -> memref<1x128xi32, #tpu.memory_space<vmem>>
      %dma_wait3A_286 = tpu.memref_squeeze %dma_wait3A_285 : memref<1x128xi32, #tpu.memory_space<vmem>> -> memref<128xi32, #tpu.memory_space<vmem>>
      %dma_wait3A_287 = arith.constant 0 : i32
      %dma_wait3A_288 = arith.constant 0 : i32
      %dma_wait3A_289 = tpu.memref_slice %arg3[%select_n3A, %dma_wait3A_287, %dma_wait3A_288] : memref<6x200192x32xf32, #tpu.memory_space<hbm>> -> memref<1x200192x32xf32, #tpu.memory_space<hbm>>
      %dma_wait3A_290 = tpu.memref_squeeze %dma_wait3A_289 : memref<1x200192x32xf32, #tpu.memory_space<hbm>> -> memref<200192x32xf32, #tpu.memory_space<hbm>>
      %dma_wait3A_291 = arith.constant 0 : i32
      %dma_wait3A_292 = arith.constant 0 : i32
      %dma_wait3A_293 = tpu.memref_slice %dma_wait3A_290[%dma_wait3A_291, %dma_wait3A_292] : memref<200192x32xf32, #tpu.memory_space<hbm>> -> memref<200192x32xf32, #tpu.memory_space<hbm>>
      tpu.wait_indirect_dma semaphore(%arg8 : memref<!tpu.dma_semaphore, #tpu.memory_space<semaphore_mem>>) src(%dma_wait3A_293 : memref<200192x32xf32, #tpu.memory_space<hbm>>) dst(%dma_wait3A_283 : memref<128x32xf32, #tpu.memory_space<vmem>>)
      %dma_wait3A_294 = arith.constant 9 : i32
      %dma_wait3A_295 = arith.constant 1152 : i32
      %dma_wait3A_296 = arith.constant 0 : i32
      %dma_wait3A_297 = tpu.memref_slice %arg6[%dma_wait3A_295, %dma_wait3A_296] : memref<1280x32xf32, #tpu.memory_space<vmem>> -> memref<128x32xf32, #tpu.memory_space<vmem>>
      %dma_wait3A_298 = arith.constant 0 : i32
      %dma_wait3A_299 = tpu.memref_slice %arg5[%dma_wait3A_294, %dma_wait3A_298] : memref<10x128xi32, #tpu.memory_space<vmem>> -> memref<1x128xi32, #tpu.memory_space<vmem>>
      %dma_wait3A_300 = tpu.memref_squeeze %dma_wait3A_299 : memref<1x128xi32, #tpu.memory_space<vmem>> -> memref<128xi32, #tpu.memory_space<vmem>>
      %dma_wait3A_301 = arith.constant 0 : i32
      %dma_wait3A_302 = arith.constant 0 : i32
      %dma_wait3A_303 = tpu.memref_slice %arg3[%select_n3A, %dma_wait3A_301, %dma_wait3A_302] : memref<6x200192x32xf32, #tpu.memory_space<hbm>> -> memref<1x200192x32xf32, #tpu.memory_space<hbm>>
      %dma_wait3A_304 = tpu.memref_squeeze %dma_wait3A_303 : memref<1x200192x32xf32, #tpu.memory_space<hbm>> -> memref<200192x32xf32, #tpu.memory_space<hbm>>
      %dma_wait3A_305 = arith.constant 0 : i32
      %dma_wait3A_306 = arith.constant 0 : i32
      %dma_wait3A_307 = tpu.memref_slice %dma_wait3A_304[%dma_wait3A_305, %dma_wait3A_306] : memref<200192x32xf32, #tpu.memory_space<hbm>> -> memref<200192x32xf32, #tpu.memory_space<hbm>>
      tpu.wait_indirect_dma semaphore(%arg8 : memref<!tpu.dma_semaphore, #tpu.memory_space<semaphore_mem>>) src(%dma_wait3A_307 : memref<200192x32xf32, #tpu.memory_space<hbm>>) dst(%dma_wait3A_297 : memref<128x32xf32, #tpu.memory_space<vmem>>)
      %scan3A_308 = arith.constant 0 : i32
      %scan3A_309 = arith.constant 0 : i32
      %scan3A_310 = arith.constant 64 : i32
      %scan3A_311 = arith.addi %scan3A_309, %scan3A_310 : i32
      %scan3A_312 = arith.constant 1 : i32
      scf.for %scan3A_316 = %scan3A_309 to %scan3A_311 step %scan3A_312  : i32 {
        %mul3A_317 = arith.constant 20 : i32
        %mul3A_318 = arith.muli %scan3A_316, %mul3A_317 : i32
        %get3A = arith.index_cast %mul3A_318 : i32 to index
        %get3A_319 = arith.constant 0 : index
        %get3A_320 = tpu.vector_load %arg6[%get3A, %get3A_319] {strides = array<i32>} : memref<1280x32xf32, #tpu.memory_space<vmem>>, vector<1x16xf32>,
        %get3A_321 = vector.shape_cast %get3A_320 : vector<1x16xf32> to vector<16xf32>
        %get3A_322 = arith.index_cast %mul3A_318 : i32 to index
        %get3A_323 = arith.constant 16 : index
        %get3A_324 = tpu.vector_load %arg6[%get3A_322, %get3A_323] {strides = array<i32>} : memref<1280x32xf32, #tpu.memory_space<vmem>>, vector<1x16xf32>,
        %get3A_325 = vector.shape_cast %get3A_324 : vector<1x16xf32> to vector<16xf32>
        %add3A_326 = arith.constant 1 : i32
        %add3A_327 = arith.addi %mul3A_318, %add3A_326 : i32
        %get3A_328 = arith.index_cast %add3A_327 : i32 to index
        %get3A_329 = arith.constant 0 : index
        %get3A_330 = tpu.vector_load %arg6[%get3A_328, %get3A_329] {strides = array<i32>} : memref<1280x32xf32, #tpu.memory_space<vmem>>, vector<1x16xf32>,
        %get3A_331 = vector.shape_cast %get3A_330 : vector<1x16xf32> to vector<16xf32>
        %add3A_332 = arith.addf %get3A_321, %get3A_331 : vector<16xf32>
        %add3A_333 = arith.constant 1 : i32
        %add3A_334 = arith.addi %mul3A_318, %add3A_333 : i32
        %get3A_335 = arith.index_cast %add3A_334 : i32 to index
        %get3A_336 = arith.constant 16 : index
        %get3A_337 = tpu.vector_load %arg6[%get3A_335, %get3A_336] {strides = array<i32>} : memref<1280x32xf32, #tpu.memory_space<vmem>>, vector<1x16xf32>,
        %get3A_338 = vector.shape_cast %get3A_337 : vector<1x16xf32> to vector<16xf32>
        %add3A_339 = arith.addf %get3A_325, %get3A_338 : vector<16xf32>
        %add3A_340 = arith.constant 2 : i32
        %add3A_341 = arith.addi %mul3A_318, %add3A_340 : i32
        %get3A_342 = arith.index_cast %add3A_341 : i32 to index
        %get3A_343 = arith.constant 0 : index
        %get3A_344 = tpu.vector_load %arg6[%get3A_342, %get3A_343] {strides = array<i32>} : memref<1280x32xf32, #tpu.memory_space<vmem>>, vector<1x16xf32>,
        %get3A_345 = vector.shape_cast %get3A_344 : vector<1x16xf32> to vector<16xf32>
        %add3A_346 = arith.addf %add3A_332, %get3A_345 : vector<16xf32>
        %add3A_347 = arith.constant 2 : i32
        %add3A_348 = arith.addi %mul3A_318, %add3A_347 : i32
        %get3A_349 = arith.index_cast %add3A_348 : i32 to index
        %get3A_350 = arith.constant 16 : index
        %get3A_351 = tpu.vector_load %arg6[%get3A_349, %get3A_350] {strides = array<i32>} : memref<1280x32xf32, #tpu.memory_space<vmem>>, vector<1x16xf32>,
        %get3A_352 = vector.shape_cast %get3A_351 : vector<1x16xf32> to vector<16xf32>
        %add3A_353 = arith.addf %add3A_339, %get3A_352 : vector<16xf32>
        %add3A_354 = arith.constant 3 : i32
        %add3A_355 = arith.addi %mul3A_318, %add3A_354 : i32
        %get3A_356 = arith.index_cast %add3A_355 : i32 to index
        %get3A_357 = arith.constant 0 : index
        %get3A_358 = tpu.vector_load %arg6[%get3A_356, %get3A_357] {strides = array<i32>} : memref<1280x32xf32, #tpu.memory_space<vmem>>, vector<1x16xf32>,
        %get3A_359 = vector.shape_cast %get3A_358 : vector<1x16xf32> to vector<16xf32>
        %add3A_360 = arith.addf %add3A_346, %get3A_359 : vector<16xf32>
        %add3A_361 = arith.constant 3 : i32
        %add3A_362 = arith.addi %mul3A_318, %add3A_361 : i32
        %get3A_363 = arith.index_cast %add3A_362 : i32 to index
        %get3A_364 = arith.constant 16 : index
        %get3A_365 = tpu.vector_load %arg6[%get3A_363, %get3A_364] {strides = array<i32>} : memref<1280x32xf32, #tpu.memory_space<vmem>>, vector<1x16xf32>,
        %get3A_366 = vector.shape_cast %get3A_365 : vector<1x16xf32> to vector<16xf32>
        %add3A_367 = arith.addf %add3A_353, %get3A_366 : vector<16xf32>
        %add3A_368 = arith.constant 4 : i32
        %add3A_369 = arith.addi %mul3A_318, %add3A_368 : i32
        %get3A_370 = arith.index_cast %add3A_369 : i32 to index
        %get3A_371 = arith.constant 0 : index
        %get3A_372 = tpu.vector_load %arg6[%get3A_370, %get3A_371] {strides = array<i32>} : memref<1280x32xf32, #tpu.memory_space<vmem>>, vector<1x16xf32>,
        %get3A_373 = vector.shape_cast %get3A_372 : vector<1x16xf32> to vector<16xf32>
        %add3A_374 = arith.addf %add3A_360, %get3A_373 : vector<16xf32>
        %add3A_375 = arith.constant 4 : i32
        %add3A_376 = arith.addi %mul3A_318, %add3A_375 : i32
        %get3A_377 = arith.index_cast %add3A_376 : i32 to index
        %get3A_378 = arith.constant 16 : index
        %get3A_379 = tpu.vector_load %arg6[%get3A_377, %get3A_378] {strides = array<i32>} : memref<1280x32xf32, #tpu.memory_space<vmem>>, vector<1x16xf32>,
        %get3A_380 = vector.shape_cast %get3A_379 : vector<1x16xf32> to vector<16xf32>
        %add3A_381 = arith.addf %add3A_367, %get3A_380 : vector<16xf32>
        %add3A_382 = arith.constant 5 : i32
        %add3A_383 = arith.addi %mul3A_318, %add3A_382 : i32
        %get3A_384 = arith.index_cast %add3A_383 : i32 to index
        %get3A_385 = arith.constant 0 : index
        %get3A_386 = tpu.vector_load %arg6[%get3A_384, %get3A_385] {strides = array<i32>} : memref<1280x32xf32, #tpu.memory_space<vmem>>, vector<1x16xf32>,
        %get3A_387 = vector.shape_cast %get3A_386 : vector<1x16xf32> to vector<16xf32>
        %add3A_388 = arith.addf %add3A_374, %get3A_387 : vector<16xf32>
        %add3A_389 = arith.constant 5 : i32
        %add3A_390 = arith.addi %mul3A_318, %add3A_389 : i32
        %get3A_391 = arith.index_cast %add3A_390 : i32 to index
        %get3A_392 = arith.constant 16 : index
        %get3A_393 = tpu.vector_load %arg6[%get3A_391, %get3A_392] {strides = array<i32>} : memref<1280x32xf32, #tpu.memory_space<vmem>>, vector<1x16xf32>,
        %get3A_394 = vector.shape_cast %get3A_393 : vector<1x16xf32> to vector<16xf32>
        %add3A_395 = arith.addf %add3A_381, %get3A_394 : vector<16xf32>
        %add3A_396 = arith.constant 6 : i32
        %add3A_397 = arith.addi %mul3A_318, %add3A_396 : i32
        %get3A_398 = arith.index_cast %add3A_397 : i32 to index
        %get3A_399 = arith.constant 0 : index
        %get3A_400 = tpu.vector_load %arg6[%get3A_398, %get3A_399] {strides = array<i32>} : memref<1280x32xf32, #tpu.memory_space<vmem>>, vector<1x16xf32>,
        %get3A_401 = vector.shape_cast %get3A_400 : vector<1x16xf32> to vector<16xf32>
        %add3A_402 = arith.addf %add3A_388, %get3A_401 : vector<16xf32>
        %add3A_403 = arith.constant 6 : i32
        %add3A_404 = arith.addi %mul3A_318, %add3A_403 : i32
        %get3A_405 = arith.index_cast %add3A_404 : i32 to index
        %get3A_406 = arith.constant 16 : index
        %get3A_407 = tpu.vector_load %arg6[%get3A_405, %get3A_406] {strides = array<i32>} : memref<1280x32xf32, #tpu.memory_space<vmem>>, vector<1x16xf32>,
        %get3A_408 = vector.shape_cast %get3A_407 : vector<1x16xf32> to vector<16xf32>
        %add3A_409 = arith.addf %add3A_395, %get3A_408 : vector<16xf32>
        %add3A_410 = arith.constant 7 : i32
        %add3A_411 = arith.addi %mul3A_318, %add3A_410 : i32
        %get3A_412 = arith.index_cast %add3A_411 : i32 to index
        %get3A_413 = arith.constant 0 : index
        %get3A_414 = tpu.vector_load %arg6[%get3A_412, %get3A_413] {strides = array<i32>} : memref<1280x32xf32, #tpu.memory_space<vmem>>, vector<1x16xf32>,
        %get3A_415 = vector.shape_cast %get3A_414 : vector<1x16xf32> to vector<16xf32>
        %add3A_416 = arith.addf %add3A_402, %get3A_415 : vector<16xf32>
        %add3A_417 = arith.constant 7 : i32
        %add3A_418 = arith.addi %mul3A_318, %add3A_417 : i32
        %get3A_419 = arith.index_cast %add3A_418 : i32 to index
        %get3A_420 = arith.constant 16 : index
        %get3A_421 = tpu.vector_load %arg6[%get3A_419, %get3A_420] {strides = array<i32>} : memref<1280x32xf32, #tpu.memory_space<vmem>>, vector<1x16xf32>,
        %get3A_422 = vector.shape_cast %get3A_421 : vector<1x16xf32> to vector<16xf32>
        %add3A_423 = arith.addf %add3A_409, %get3A_422 : vector<16xf32>
        %add3A_424 = arith.constant 8 : i32
        %add3A_425 = arith.addi %mul3A_318, %add3A_424 : i32
        %get3A_426 = arith.index_cast %add3A_425 : i32 to index
        %get3A_427 = arith.constant 0 : index
        %get3A_428 = tpu.vector_load %arg6[%get3A_426, %get3A_427] {strides = array<i32>} : memref<1280x32xf32, #tpu.memory_space<vmem>>, vector<1x16xf32>,
        %get3A_429 = vector.shape_cast %get3A_428 : vector<1x16xf32> to vector<16xf32>
        %add3A_430 = arith.addf %add3A_416, %get3A_429 : vector<16xf32>
        %add3A_431 = arith.constant 8 : i32
        %add3A_432 = arith.addi %mul3A_318, %add3A_431 : i32
        %get3A_433 = arith.index_cast %add3A_432 : i32 to index
        %get3A_434 = arith.constant 16 : index
        %get3A_435 = tpu.vector_load %arg6[%get3A_433, %get3A_434] {strides = array<i32>} : memref<1280x32xf32, #tpu.memory_space<vmem>>, vector<1x16xf32>,
        %get3A_436 = vector.shape_cast %get3A_435 : vector<1x16xf32> to vector<16xf32>
        %add3A_437 = arith.addf %add3A_423, %get3A_436 : vector<16xf32>
        %add3A_438 = arith.constant 9 : i32
        %add3A_439 = arith.addi %mul3A_318, %add3A_438 : i32
        %get3A_440 = arith.index_cast %add3A_439 : i32 to index
        %get3A_441 = arith.constant 0 : index
        %get3A_442 = tpu.vector_load %arg6[%get3A_440, %get3A_441] {strides = array<i32>} : memref<1280x32xf32, #tpu.memory_space<vmem>>, vector<1x16xf32>,
        %get3A_443 = vector.shape_cast %get3A_442 : vector<1x16xf32> to vector<16xf32>
        %add3A_444 = arith.addf %add3A_430, %get3A_443 : vector<16xf32>
        %add3A_445 = arith.constant 9 : i32
        %add3A_446 = arith.addi %mul3A_318, %add3A_445 : i32
        %get3A_447 = arith.index_cast %add3A_446 : i32 to index
        %get3A_448 = arith.constant 16 : index
        %get3A_449 = tpu.vector_load %arg6[%get3A_447, %get3A_448] {strides = array<i32>} : memref<1280x32xf32, #tpu.memory_space<vmem>>, vector<1x16xf32>,
        %get3A_450 = vector.shape_cast %get3A_449 : vector<1x16xf32> to vector<16xf32>
        %add3A_451 = arith.addf %add3A_437, %get3A_450 : vector<16xf32>
        %add3A_452 = arith.constant 10 : i32
        %add3A_453 = arith.addi %mul3A_318, %add3A_452 : i32
        %get3A_454 = arith.index_cast %add3A_453 : i32 to index
        %get3A_455 = arith.constant 0 : index
        %get3A_456 = tpu.vector_load %arg6[%get3A_454, %get3A_455] {strides = array<i32>} : memref<1280x32xf32, #tpu.memory_space<vmem>>, vector<1x16xf32>,
        %get3A_457 = vector.shape_cast %get3A_456 : vector<1x16xf32> to vector<16xf32>
        %add3A_458 = arith.addf %add3A_444, %get3A_457 : vector<16xf32>
        %add3A_459 = arith.constant 10 : i32
        %add3A_460 = arith.addi %mul3A_318, %add3A_459 : i32
        %get3A_461 = arith.index_cast %add3A_460 : i32 to index
        %get3A_462 = arith.constant 16 : index
        %get3A_463 = tpu.vector_load %arg6[%get3A_461, %get3A_462] {strides = array<i32>} : memref<1280x32xf32, #tpu.memory_space<vmem>>, vector<1x16xf32>,
        %get3A_464 = vector.shape_cast %get3A_463 : vector<1x16xf32> to vector<16xf32>
        %add3A_465 = arith.addf %add3A_451, %get3A_464 : vector<16xf32>
        %add3A_466 = arith.constant 11 : i32
        %add3A_467 = arith.addi %mul3A_318, %add3A_466 : i32
        %get3A_468 = arith.index_cast %add3A_467 : i32 to index
        %get3A_469 = arith.constant 0 : index
        %get3A_470 = tpu.vector_load %arg6[%get3A_468, %get3A_469] {strides = array<i32>} : memref<1280x32xf32, #tpu.memory_space<vmem>>, vector<1x16xf32>,
        %get3A_471 = vector.shape_cast %get3A_470 : vector<1x16xf32> to vector<16xf32>
        %add3A_472 = arith.addf %add3A_458, %get3A_471 : vector<16xf32>
        %add3A_473 = arith.constant 11 : i32
        %add3A_474 = arith.addi %mul3A_318, %add3A_473 : i32
        %get3A_475 = arith.index_cast %add3A_474 : i32 to index
        %get3A_476 = arith.constant 16 : index
        %get3A_477 = tpu.vector_load %arg6[%get3A_475, %get3A_476] {strides = array<i32>} : memref<1280x32xf32, #tpu.memory_space<vmem>>, vector<1x16xf32>,
        %get3A_478 = vector.shape_cast %get3A_477 : vector<1x16xf32> to vector<16xf32>
        %add3A_479 = arith.addf %add3A_465, %get3A_478 : vector<16xf32>
        %add3A_480 = arith.constant 12 : i32
        %add3A_481 = arith.addi %mul3A_318, %add3A_480 : i32
        %get3A_482 = arith.index_cast %add3A_481 : i32 to index
        %get3A_483 = arith.constant 0 : index
        %get3A_484 = tpu.vector_load %arg6[%get3A_482, %get3A_483] {strides = array<i32>} : memref<1280x32xf32, #tpu.memory_space<vmem>>, vector<1x16xf32>,
        %get3A_485 = vector.shape_cast %get3A_484 : vector<1x16xf32> to vector<16xf32>
        %add3A_486 = arith.addf %add3A_472, %get3A_485 : vector<16xf32>
        %add3A_487 = arith.constant 12 : i32
        %add3A_488 = arith.addi %mul3A_318, %add3A_487 : i32
        %get3A_489 = arith.index_cast %add3A_488 : i32 to index
        %get3A_490 = arith.constant 16 : index
        %get3A_491 = tpu.vector_load %arg6[%get3A_489, %get3A_490] {strides = array<i32>} : memref<1280x32xf32, #tpu.memory_space<vmem>>, vector<1x16xf32>,
        %get3A_492 = vector.shape_cast %get3A_491 : vector<1x16xf32> to vector<16xf32>
        %add3A_493 = arith.addf %add3A_479, %get3A_492 : vector<16xf32>
        %add3A_494 = arith.constant 13 : i32
        %add3A_495 = arith.addi %mul3A_318, %add3A_494 : i32
        %get3A_496 = arith.index_cast %add3A_495 : i32 to index
        %get3A_497 = arith.constant 0 : index
        %get3A_498 = tpu.vector_load %arg6[%get3A_496, %get3A_497] {strides = array<i32>} : memref<1280x32xf32, #tpu.memory_space<vmem>>, vector<1x16xf32>,
        %get3A_499 = vector.shape_cast %get3A_498 : vector<1x16xf32> to vector<16xf32>
        %add3A_500 = arith.addf %add3A_486, %get3A_499 : vector<16xf32>
        %add3A_501 = arith.constant 13 : i32
        %add3A_502 = arith.addi %mul3A_318, %add3A_501 : i32
        %get3A_503 = arith.index_cast %add3A_502 : i32 to index
        %get3A_504 = arith.constant 16 : index
        %get3A_505 = tpu.vector_load %arg6[%get3A_503, %get3A_504] {strides = array<i32>} : memref<1280x32xf32, #tpu.memory_space<vmem>>, vector<1x16xf32>,
        %get3A_506 = vector.shape_cast %get3A_505 : vector<1x16xf32> to vector<16xf32>
        %add3A_507 = arith.addf %add3A_493, %get3A_506 : vector<16xf32>
        %add3A_508 = arith.constant 14 : i32
        %add3A_509 = arith.addi %mul3A_318, %add3A_508 : i32
        %get3A_510 = arith.index_cast %add3A_509 : i32 to index
        %get3A_511 = arith.constant 0 : index
        %get3A_512 = tpu.vector_load %arg6[%get3A_510, %get3A_511] {strides = array<i32>} : memref<1280x32xf32, #tpu.memory_space<vmem>>, vector<1x16xf32>,
        %get3A_513 = vector.shape_cast %get3A_512 : vector<1x16xf32> to vector<16xf32>
        %add3A_514 = arith.addf %add3A_500, %get3A_513 : vector<16xf32>
        %add3A_515 = arith.constant 14 : i32
        %add3A_516 = arith.addi %mul3A_318, %add3A_515 : i32
        %get3A_517 = arith.index_cast %add3A_516 : i32 to index
        %get3A_518 = arith.constant 16 : index
        %get3A_519 = tpu.vector_load %arg6[%get3A_517, %get3A_518] {strides = array<i32>} : memref<1280x32xf32, #tpu.memory_space<vmem>>, vector<1x16xf32>,
        %get3A_520 = vector.shape_cast %get3A_519 : vector<1x16xf32> to vector<16xf32>
        %add3A_521 = arith.addf %add3A_507, %get3A_520 : vector<16xf32>
        %add3A_522 = arith.constant 15 : i32
        %add3A_523 = arith.addi %mul3A_318, %add3A_522 : i32
        %get3A_524 = arith.index_cast %add3A_523 : i32 to index
        %get3A_525 = arith.constant 0 : index
        %get3A_526 = tpu.vector_load %arg6[%get3A_524, %get3A_525] {strides = array<i32>} : memref<1280x32xf32, #tpu.memory_space<vmem>>, vector<1x16xf32>,
        %get3A_527 = vector.shape_cast %get3A_526 : vector<1x16xf32> to vector<16xf32>
        %add3A_528 = arith.addf %add3A_514, %get3A_527 : vector<16xf32>
        %add3A_529 = arith.constant 15 : i32
        %add3A_530 = arith.addi %mul3A_318, %add3A_529 : i32
        %get3A_531 = arith.index_cast %add3A_530 : i32 to index
        %get3A_532 = arith.constant 16 : index
        %get3A_533 = tpu.vector_load %arg6[%get3A_531, %get3A_532] {strides = array<i32>} : memref<1280x32xf32, #tpu.memory_space<vmem>>, vector<1x16xf32>,
        %get3A_534 = vector.shape_cast %get3A_533 : vector<1x16xf32> to vector<16xf32>
        %add3A_535 = arith.addf %add3A_521, %get3A_534 : vector<16xf32>
        %add3A_536 = arith.constant 16 : i32
        %add3A_537 = arith.addi %mul3A_318, %add3A_536 : i32
        %get3A_538 = arith.index_cast %add3A_537 : i32 to index
        %get3A_539 = arith.constant 0 : index
        %get3A_540 = tpu.vector_load %arg6[%get3A_538, %get3A_539] {strides = array<i32>} : memref<1280x32xf32, #tpu.memory_space<vmem>>, vector<1x16xf32>,
        %get3A_541 = vector.shape_cast %get3A_540 : vector<1x16xf32> to vector<16xf32>
        %add3A_542 = arith.addf %add3A_528, %get3A_541 : vector<16xf32>
        %add3A_543 = arith.constant 16 : i32
        %add3A_544 = arith.addi %mul3A_318, %add3A_543 : i32
        %get3A_545 = arith.index_cast %add3A_544 : i32 to index
        %get3A_546 = arith.constant 16 : index
        %get3A_547 = tpu.vector_load %arg6[%get3A_545, %get3A_546] {strides = array<i32>} : memref<1280x32xf32, #tpu.memory_space<vmem>>, vector<1x16xf32>,
        %get3A_548 = vector.shape_cast %get3A_547 : vector<1x16xf32> to vector<16xf32>
        %add3A_549 = arith.addf %add3A_535, %get3A_548 : vector<16xf32>
        %add3A_550 = arith.constant 17 : i32
        %add3A_551 = arith.addi %mul3A_318, %add3A_550 : i32
        %get3A_552 = arith.index_cast %add3A_551 : i32 to index
        %get3A_553 = arith.constant 0 : index
        %get3A_554 = tpu.vector_load %arg6[%get3A_552, %get3A_553] {strides = array<i32>} : memref<1280x32xf32, #tpu.memory_space<vmem>>, vector<1x16xf32>,
        %get3A_555 = vector.shape_cast %get3A_554 : vector<1x16xf32> to vector<16xf32>
        %add3A_556 = arith.addf %add3A_542, %get3A_555 : vector<16xf32>
        %add3A_557 = arith.constant 17 : i32
        %add3A_558 = arith.addi %mul3A_318, %add3A_557 : i32
        %get3A_559 = arith.index_cast %add3A_558 : i32 to index
        %get3A_560 = arith.constant 16 : index
        %get3A_561 = tpu.vector_load %arg6[%get3A_559, %get3A_560] {strides = array<i32>} : memref<1280x32xf32, #tpu.memory_space<vmem>>, vector<1x16xf32>,
        %get3A_562 = vector.shape_cast %get3A_561 : vector<1x16xf32> to vector<16xf32>
        %add3A_563 = arith.addf %add3A_549, %get3A_562 : vector<16xf32>
        %add3A_564 = arith.constant 18 : i32
        %add3A_565 = arith.addi %mul3A_318, %add3A_564 : i32
        %get3A_566 = arith.index_cast %add3A_565 : i32 to index
        %get3A_567 = arith.constant 0 : index
        %get3A_568 = tpu.vector_load %arg6[%get3A_566, %get3A_567] {strides = array<i32>} : memref<1280x32xf32, #tpu.memory_space<vmem>>, vector<1x16xf32>,
        %get3A_569 = vector.shape_cast %get3A_568 : vector<1x16xf32> to vector<16xf32>
        %add3A_570 = arith.addf %add3A_556, %get3A_569 : vector<16xf32>
        %add3A_571 = arith.constant 18 : i32
        %add3A_572 = arith.addi %mul3A_318, %add3A_571 : i32
        %get3A_573 = arith.index_cast %add3A_572 : i32 to index
        %get3A_574 = arith.constant 16 : index
        %get3A_575 = tpu.vector_load %arg6[%get3A_573, %get3A_574] {strides = array<i32>} : memref<1280x32xf32, #tpu.memory_space<vmem>>, vector<1x16xf32>,
        %get3A_576 = vector.shape_cast %get3A_575 : vector<1x16xf32> to vector<16xf32>
        %add3A_577 = arith.addf %add3A_563, %get3A_576 : vector<16xf32>
        %add3A_578 = arith.constant 19 : i32
        %add3A_579 = arith.addi %mul3A_318, %add3A_578 : i32
        %get3A_580 = arith.index_cast %add3A_579 : i32 to index
        %get3A_581 = arith.constant 0 : index
        %get3A_582 = tpu.vector_load %arg6[%get3A_580, %get3A_581] {strides = array<i32>} : memref<1280x32xf32, #tpu.memory_space<vmem>>, vector<1x16xf32>,
        %get3A_583 = vector.shape_cast %get3A_582 : vector<1x16xf32> to vector<16xf32>
        %add3A_584 = arith.addf %add3A_570, %get3A_583 : vector<16xf32>
        %add3A_585 = arith.constant 19 : i32
        %add3A_586 = arith.addi %mul3A_318, %add3A_585 : i32
        %get3A_587 = arith.index_cast %add3A_586 : i32 to index
        %get3A_588 = arith.constant 16 : index
        %get3A_589 = tpu.vector_load %arg6[%get3A_587, %get3A_588] {strides = array<i32>} : memref<1280x32xf32, #tpu.memory_space<vmem>>, vector<1x16xf32>,
        %get3A_590 = vector.shape_cast %get3A_589 : vector<1x16xf32> to vector<16xf32>
        %add3A_591 = arith.addf %add3A_577, %get3A_590 : vector<16xf32>
        %swap3A = arith.index_cast %scan3A_316 : i32 to index
        %swap3A_592 = arith.constant 0 : index
        %swap3A_593 = tpu.vector_load %arg7[%swap3A, %swap3A_592] {strides = array<i32>} : memref<64x32xf32, #tpu.memory_space<vmem>>, vector<1x16xf32>,
        %swap3A_594 = vector.shape_cast %swap3A_593 : vector<1x16xf32> to vector<16xf32>
        %swap3A_595 = vector.shape_cast %add3A_584 : vector<16xf32> to vector<1x16xf32>
        tpu.vector_store %arg7[%swap3A, %swap3A_592], %swap3A_595 {strides = array<i32>} : memref<64x32xf32, #tpu.memory_space<vmem>>, vector<1x16xf32>,
        %swap3A_596 = arith.index_cast %scan3A_316 : i32 to index
        %swap3A_597 = arith.constant 16 : index
        %swap3A_598 = tpu.vector_load %arg7[%swap3A_596, %swap3A_597] {strides = array<i32>} : memref<64x32xf32, #tpu.memory_space<vmem>>, vector<1x16xf32>,
        %swap3A_599 = vector.shape_cast %swap3A_598 : vector<1x16xf32> to vector<16xf32>
        %swap3A_600 = vector.shape_cast %add3A_591 : vector<16xf32> to vector<1x16xf32>
        tpu.vector_store %arg7[%swap3A_596, %swap3A_597], %swap3A_600 {strides = array<i32>} : memref<64x32xf32, #tpu.memory_space<vmem>>, vector<1x16xf32>,
      }
      %scan3A_313 = arith.constant 64 : i32
      %mul3A_314 = arith.constant 64 : i32
      %mul3A_315 = arith.muli %add3A_9, %mul3A_314 : i32
      "tpu.region"() ({
        %run_scoped3A = tpu.sem_alloc : memref<!tpu.dma_semaphore, #tpu.memory_space<semaphore_mem>>
        %dma_start3A_316 = arith.constant 0 : i32
        %dma_start3A_317 = tpu.memref_slice %arg4[%mul3A_315, %dma_start3A_316] : memref<24576x32xf32, #tpu.memory_space<hbm>> -> memref<64x32xf32, #tpu.memory_space<hbm>>
        %dma_start3A_318 = arith.constant 0 : i32
        %dma_start3A_319 = tpu.memref_slice %arg4[%mul3A_315, %dma_start3A_318] : memref<24576x32xf32, #tpu.memory_space<hbm>> -> memref<64x32xf32, #tpu.memory_space<hbm>>
        tpu.enqueue_dma source(%arg7 : memref<64x32xf32, #tpu.memory_space<vmem>>) target(%dma_start3A_319 : memref<64x32xf32, #tpu.memory_space<hbm>>) target_semaphore(%run_scoped3A : memref<!tpu.dma_semaphore, #tpu.memory_space<semaphore_mem>>)
        %dma_wait3A_320 = arith.constant 0 : i32
        %dma_wait3A_321 = tpu.memref_slice %arg4[%mul3A_315, %dma_wait3A_320] : memref<24576x32xf32, #tpu.memory_space<hbm>> -> memref<64x32xf32, #tpu.memory_space<hbm>>
        %dma_wait3A_322 = arith.constant 0 : i32
        %dma_wait3A_323 = tpu.memref_slice %arg4[%mul3A_315, %dma_wait3A_322] : memref<24576x32xf32, #tpu.memory_space<hbm>> -> memref<64x32xf32, #tpu.memory_space<hbm>>
        tpu.wait_dma2 semaphore(%run_scoped3A : memref<!tpu.dma_semaphore, #tpu.memory_space<semaphore_mem>>) src(%arg7 : memref<64x32xf32, #tpu.memory_space<vmem>>) dst(%dma_wait3A_323 : memref<64x32xf32, #tpu.memory_space<hbm>>)
        tpu.yield
      }) : () -> ()
    }
    %scan3A_5 = arith.constant 12 : i32
    return
  }
}

module attributes {stable_mosaic.version = 14 : i64} {
  func.func @body(%arg0: i32, %arg1: i32, %arg2: memref<1x32x100000xf32, #tpu.memory_space<vmem>>, %arg3: memref<1x32x2176xf32, #tpu.memory_space<vmem>>, %arg4: memref<2176x128xf32, #tpu.memory_space<vmem>>) attributes {dimension_semantics = [#tpu.dimension_semantics<arbitrary>, #tpu.dimension_semantics<arbitrary>], iteration_bounds = array<i64: 7, 23>, scalar_prefetch = 0 : i64, scratch_operands = 0 : i64, tpu.core_type = #tpu.core_type<tc>, window_params = [{transform_indices = @transform_0, window_bounds = array<i64: 1, 32, 100000>}, {transform_indices = @transform_1, window_bounds = array<i64: 1, 32, 2176>}, {transform_indices = @transform_2, window_bounds = array<i64: 2176, 128>}]} {
    %mul3A = arith.constant 2176 : i32
    %mul3A_0 = arith.muli %arg1, %mul3A : i32
    %get3A = arith.constant 0 : index
    %get3A_1 = arith.constant 0 : index
    %get3A_2 = arith.index_cast %mul3A_0 : i32 to index
    %get3A_3 = vector.load %arg2[%get3A, %get3A_1, %get3A_2] : memref<1x32x100000xf32, #tpu.memory_space<vmem>>, vector<1x32x2176xf32>
    %get3A_4 = vector.shape_cast %get3A_3 : vector<1x32x2176xf32> to vector<32x2176xf32>
    %transpose3A = tpu.transpose %get3A_4, [1, 0] : vector<32x2176xf32> -> vector<2176x32xf32>
    %swap3A = arith.constant 0 : index
    %swap3A_5 = arith.constant 0 : index
    %swap3A_6 = vector.load %arg4[%swap3A, %swap3A_5] : memref<2176x128xf32, #tpu.memory_space<vmem>>, vector<2176x32xf32>
    tpu.vector_store %arg4[%swap3A, %swap3A_5], %transpose3A {strides = array<i32>} : memref<2176x128xf32, #tpu.memory_space<vmem>>, vector<2176x32xf32>,
    %lt3A = arith.constant 22 : i32
    %lt3A_7 = arith.cmpi slt, %arg1, %lt3A : i32
    %convert_element_type3A = arith.extui %lt3A_7 : i1 to i32
    %cond3A = arith.constant 0 : i32
    %cond3A_8 = arith.cmpi ne, %convert_element_type3A, %cond3A : i32
    scf.if %cond3A_8 {
      %mul3A_13 = arith.constant 2176 : i32
      %mul3A_14 = arith.muli %arg1, %mul3A_13 : i32
      %add3A = arith.constant 50048 : i32
      %add3A_15 = arith.addi %add3A, %mul3A_14 : i32
      %get3A_16 = arith.constant 0 : index
      %get3A_17 = arith.constant 0 : index
      %get3A_18 = arith.index_cast %add3A_15 : i32 to index
      %get3A_19 = vector.load %arg2[%get3A_16, %get3A_17, %get3A_18] : memref<1x32x100000xf32, #tpu.memory_space<vmem>>, vector<1x32x2176xf32>
      %get3A_20 = vector.shape_cast %get3A_19 : vector<1x32x2176xf32> to vector<32x2176xf32>
      %transpose3A_21 = tpu.transpose %get3A_20, [1, 0] : vector<32x2176xf32> -> vector<2176x32xf32>
      %swap3A_22 = arith.constant 0 : index
      %swap3A_23 = arith.constant 32 : index
      %swap3A_24 = vector.load %arg4[%swap3A_22, %swap3A_23] : memref<2176x128xf32, #tpu.memory_space<vmem>>, vector<2176x32xf32>
      tpu.vector_store %arg4[%swap3A_22, %swap3A_23], %transpose3A_21 {strides = array<i32>} : memref<2176x128xf32, #tpu.memory_space<vmem>>, vector<2176x32xf32>,
    } else {
    }
    %eq3A = arith.constant 22 : i32
    %eq3A_9 = arith.cmpi eq, %arg1, %eq3A : i32
    %convert_element_type3A_10 = arith.extui %eq3A_9 : i1 to i32
    %cond3A_11 = arith.constant 0 : i32
    %cond3A_12 = arith.cmpi ne, %convert_element_type3A_10, %cond3A_11 : i32
    scf.if %cond3A_12 {
      %get3A_13 = arith.constant 0 : index
      %get3A_14 = arith.constant 0 : index
      %get3A_15 = arith.constant 0 : index
      %get3A_16 = vector.load %arg3[%get3A_13, %get3A_14, %get3A_15] : memref<1x32x2176xf32, #tpu.memory_space<vmem>>, vector<1x32x2176xf32>
      %get3A_17 = vector.shape_cast %get3A_16 : vector<1x32x2176xf32> to vector<32x2176xf32>
      %transpose3A_18 = tpu.transpose %get3A_17, [1, 0] : vector<32x2176xf32> -> vector<2176x32xf32>
      %swap3A_19 = arith.constant 0 : index
      %swap3A_20 = arith.constant 32 : index
      %swap3A_21 = vector.load %arg4[%swap3A_19, %swap3A_20] : memref<2176x128xf32, #tpu.memory_space<vmem>>, vector<2176x32xf32>
      tpu.vector_store %arg4[%swap3A_19, %swap3A_20], %transpose3A_18 {strides = array<i32>} : memref<2176x128xf32, #tpu.memory_space<vmem>>, vector<2176x32xf32>,
    } else {
    }
    return
  }
  func.func @transform_0(%arg0: i32, %arg1: i32) -> (i32, i32, i32) {
    %add3A = arith.constant 7 : i32
    %add3A_0 = arith.addi %add3A, %arg0 : i32
    %c0_i32 = arith.constant 0 : i32
    %c0_i32_1 = arith.constant 0 : i32
    %c0_i32_2 = arith.constant 0 : i32
    return %add3A_0, %c0_i32, %c0_i32_1 : i32, i32, i32
  }
  func.func @transform_1(%arg0: i32, %arg1: i32) -> (i32, i32, i32) {
    %add3A = arith.constant 7 : i32
    %add3A_0 = arith.addi %add3A, %arg0 : i32
    %c0_i32 = arith.constant 0 : i32
    %c0_i32_1 = arith.constant 0 : i32
    %c0_i32_2 = arith.constant 0 : i32
    return %add3A_0, %c0_i32, %c0_i32_1 : i32, i32, i32
  }
  func.func @transform_2(%arg0: i32, %arg1: i32) -> (i32, i32) {
    %mul3A = arith.constant 23 : i32
    %mul3A_0 = arith.muli %arg0, %mul3A : i32
    %add3A = arith.addi %mul3A_0, %arg1 : i32
    %c0_i32 = arith.constant 0 : i32
    %c0_i32_1 = arith.constant 0 : i32
    return %add3A, %c0_i32 : i32, i32
  }
}

module attributes {stable_mosaic.version = 14 : i64} {
  func.func @body(%arg0: memref<26x81920xi32, #tpu.memory_space<vmem>>, %arg1: memref<16640x128xi32, #tpu.memory_space<vmem>>) attributes {dimension_semantics = [], scalar_prefetch = 0 : i64, scratch_operands = 0 : i64, tpu.core_type = #tpu.core_type<tc>} {
    %get3A = arith.constant 0 : index
    %get3A_0 = arith.constant 0 : index
    %get3A_1 = vector.load %arg0[%get3A, %get3A_0] : memref<26x81920xi32, #tpu.memory_space<vmem>>, vector<26x81920xi32>
    %reshape3A = vector.shape_cast %get3A_1 : vector<26x81920xi32> to vector<16640x128xi32>
    %lt3A = arith.constant 50048 : i32
    %lt3A_2 = vector.broadcast %lt3A : i32 to vector<16640x128xi32>
    %lt3A_3 = arith.cmpi slt, %reshape3A, %lt3A_2 : vector<16640x128xi32>
    %mul3A = arith.constant 4 : i32
    %mul3A_4 = vector.broadcast %mul3A : i32 to vector<16640x128xi32>
    %mul3A_5 = arith.muli %reshape3A, %mul3A_4 : vector<16640x128xi32>
    %sub3A = arith.constant 50048 : i32
    %sub3A_6 = vector.broadcast %sub3A : i32 to vector<16640x128xi32>
    %sub3A_7 = arith.subi %reshape3A, %sub3A_6 : vector<16640x128xi32>
    %mul3A_8 = arith.constant 4 : i32
    %mul3A_9 = vector.broadcast %mul3A_8 : i32 to vector<16640x128xi32>
    %mul3A_10 = arith.muli %sub3A_7, %mul3A_9 : vector<16640x128xi32>
    %add3A = arith.constant 1 : i32
    %add3A_11 = vector.broadcast %add3A : i32 to vector<16640x128xi32>
    %add3A_12 = arith.addi %mul3A_10, %add3A_11 : vector<16640x128xi32>
    %select_n3A = arith.select %lt3A_3, %mul3A_5, %add3A_12 : vector<16640x128xi1>, vector<16640x128xi32>
    %swap3A = arith.constant 0 : index
    %swap3A_13 = arith.constant 0 : index
    %swap3A_14 = vector.load %arg1[%swap3A, %swap3A_13] : memref<16640x128xi32, #tpu.memory_space<vmem>>, vector<16640x128xi32>
    tpu.vector_store %arg1[%swap3A, %swap3A_13], %select_n3A {strides = array<i32>} : memref<16640x128xi32, #tpu.memory_space<vmem>>, vector<16640x128xi32>,
    return
  }
}

module attributes {stable_mosaic.version = 14 : i64} {
  func.func @body(%arg0: i32, %arg1: i32, %arg2: memref<1x32x100000xf32, #tpu.memory_space<vmem>>, %arg3: memref<1x32x2176xf32, #tpu.memory_space<vmem>>, %arg4: memref<2176x128xf32, #tpu.memory_space<vmem>>) attributes {dimension_semantics = [#tpu.dimension_semantics<arbitrary>, #tpu.dimension_semantics<arbitrary>], iteration_bounds = array<i64: 7, 23>, scalar_prefetch = 0 : i64, scratch_operands = 0 : i64, tpu.core_type = #tpu.core_type<tc>, window_params = [{transform_indices = @transform_0, window_bounds = array<i64: 1, 32, 100000>}, {transform_indices = @transform_1, window_bounds = array<i64: 1, 32, 2176>}, {transform_indices = @transform_2, window_bounds = array<i64: 2176, 128>}]} {
    %mul3A = arith.constant 2176 : i32
    %mul3A_0 = arith.muli %arg1, %mul3A : i32
    %get3A = arith.constant 0 : index
    %get3A_1 = arith.constant 0 : index
    %get3A_2 = arith.index_cast %mul3A_0 : i32 to index
    %get3A_3 = vector.load %arg2[%get3A, %get3A_1, %get3A_2] : memref<1x32x100000xf32, #tpu.memory_space<vmem>>, vector<1x32x2176xf32>
    %get3A_4 = vector.shape_cast %get3A_3 : vector<1x32x2176xf32> to vector<32x2176xf32>
    %transpose3A = tpu.transpose %get3A_4, [1, 0] : vector<32x2176xf32> -> vector<2176x32xf32>
    %swap3A = arith.constant 0 : index
    %swap3A_5 = arith.constant 0 : index
    %swap3A_6 = vector.load %arg4[%swap3A, %swap3A_5] : memref<2176x128xf32, #tpu.memory_space<vmem>>, vector<2176x32xf32>
    tpu.vector_store %arg4[%swap3A, %swap3A_5], %transpose3A {strides = array<i32>} : memref<2176x128xf32, #tpu.memory_space<vmem>>, vector<2176x32xf32>,
    %lt3A = arith.constant 22 : i32
    %lt3A_7 = arith.cmpi slt, %arg1, %lt3A : i32
    %convert_element_type3A = arith.extui %lt3A_7 : i1 to i32
    %cond3A = arith.constant 0 : i32
    %cond3A_8 = arith.cmpi ne, %convert_element_type3A, %cond3A : i32
    scf.if %cond3A_8 {
      %mul3A_13 = arith.constant 2176 : i32
      %mul3A_14 = arith.muli %arg1, %mul3A_13 : i32
      %add3A = arith.constant 50048 : i32
      %add3A_15 = arith.addi %add3A, %mul3A_14 : i32
      %get3A_16 = arith.constant 0 : index
      %get3A_17 = arith.constant 0 : index
      %get3A_18 = arith.index_cast %add3A_15 : i32 to index
      %get3A_19 = vector.load %arg2[%get3A_16, %get3A_17, %get3A_18] : memref<1x32x100000xf32, #tpu.memory_space<vmem>>, vector<1x32x2176xf32>
      %get3A_20 = vector.shape_cast %get3A_19 : vector<1x32x2176xf32> to vector<32x2176xf32>
      %transpose3A_21 = tpu.transpose %get3A_20, [1, 0] : vector<32x2176xf32> -> vector<2176x32xf32>
      %swap3A_22 = arith.constant 0 : index
      %swap3A_23 = arith.constant 32 : index
      %swap3A_24 = vector.load %arg4[%swap3A_22, %swap3A_23] : memref<2176x128xf32, #tpu.memory_space<vmem>>, vector<2176x32xf32>
      tpu.vector_store %arg4[%swap3A_22, %swap3A_23], %transpose3A_21 {strides = array<i32>} : memref<2176x128xf32, #tpu.memory_space<vmem>>, vector<2176x32xf32>,
    } else {
    }
    %eq3A = arith.constant 22 : i32
    %eq3A_9 = arith.cmpi eq, %arg1, %eq3A : i32
    %convert_element_type3A_10 = arith.extui %eq3A_9 : i1 to i32
    %cond3A_11 = arith.constant 0 : i32
    %cond3A_12 = arith.cmpi ne, %convert_element_type3A_10, %cond3A_11 : i32
    scf.if %cond3A_12 {
      %get3A_13 = arith.constant 0 : index
      %get3A_14 = arith.constant 0 : index
      %get3A_15 = arith.constant 0 : index
      %get3A_16 = vector.load %arg3[%get3A_13, %get3A_14, %get3A_15] : memref<1x32x2176xf32, #tpu.memory_space<vmem>>, vector<1x32x2176xf32>
      %get3A_17 = vector.shape_cast %get3A_16 : vector<1x32x2176xf32> to vector<32x2176xf32>
      %transpose3A_18 = tpu.transpose %get3A_17, [1, 0] : vector<32x2176xf32> -> vector<2176x32xf32>
      %swap3A_19 = arith.constant 0 : index
      %swap3A_20 = arith.constant 32 : index
      %swap3A_21 = vector.load %arg4[%swap3A_19, %swap3A_20] : memref<2176x128xf32, #tpu.memory_space<vmem>>, vector<2176x32xf32>
      tpu.vector_store %arg4[%swap3A_19, %swap3A_20], %transpose3A_18 {strides = array<i32>} : memref<2176x128xf32, #tpu.memory_space<vmem>>, vector<2176x32xf32>,
    } else {
    }
    return
  }
  func.func @transform_0(%arg0: i32, %arg1: i32) -> (i32, i32, i32) {
    %add3A = arith.constant 0 : i32
    %add3A_0 = arith.addi %add3A, %arg0 : i32
    %c0_i32 = arith.constant 0 : i32
    %c0_i32_1 = arith.constant 0 : i32
    %c0_i32_2 = arith.constant 0 : i32
    return %add3A_0, %c0_i32, %c0_i32_1 : i32, i32, i32
  }
  func.func @transform_1(%arg0: i32, %arg1: i32) -> (i32, i32, i32) {
    %add3A = arith.constant 0 : i32
    %add3A_0 = arith.addi %add3A, %arg0 : i32
    %c0_i32 = arith.constant 0 : i32
    %c0_i32_1 = arith.constant 0 : i32
    %c0_i32_2 = arith.constant 0 : i32
    return %add3A_0, %c0_i32, %c0_i32_1 : i32, i32, i32
  }
  func.func @transform_2(%arg0: i32, %arg1: i32) -> (i32, i32) {
    %mul3A = arith.constant 23 : i32
    %mul3A_0 = arith.muli %arg0, %mul3A : i32
    %add3A = arith.addi %mul3A_0, %arg1 : i32
    %c0_i32 = arith.constant 0 : i32
    %c0_i32_1 = arith.constant 0 : i32
    return %add3A, %c0_i32 : i32, i32
  }
}

module attributes {stable_mosaic.version = 14 : i64} {
  func.func @body(%arg0: i32, %arg1: i32, %arg2: memref<1x32x100000xf32, #tpu.memory_space<vmem>>, %arg3: memref<1x32x2176xf32, #tpu.memory_space<vmem>>, %arg4: memref<2176x128xf32, #tpu.memory_space<vmem>>) attributes {dimension_semantics = [#tpu.dimension_semantics<arbitrary>, #tpu.dimension_semantics<arbitrary>], iteration_bounds = array<i64: 6, 23>, scalar_prefetch = 0 : i64, scratch_operands = 0 : i64, tpu.core_type = #tpu.core_type<tc>, window_params = [{transform_indices = @transform_0, window_bounds = array<i64: 1, 32, 100000>}, {transform_indices = @transform_1, window_bounds = array<i64: 1, 32, 2176>}, {transform_indices = @transform_2, window_bounds = array<i64: 2176, 128>}]} {
    %mul3A = arith.constant 2176 : i32
    %mul3A_0 = arith.muli %arg1, %mul3A : i32
    %get3A = arith.constant 0 : index
    %get3A_1 = arith.constant 0 : index
    %get3A_2 = arith.index_cast %mul3A_0 : i32 to index
    %get3A_3 = vector.load %arg2[%get3A, %get3A_1, %get3A_2] : memref<1x32x100000xf32, #tpu.memory_space<vmem>>, vector<1x32x2176xf32>
    %get3A_4 = vector.shape_cast %get3A_3 : vector<1x32x2176xf32> to vector<32x2176xf32>
    %transpose3A = tpu.transpose %get3A_4, [1, 0] : vector<32x2176xf32> -> vector<2176x32xf32>
    %swap3A = arith.constant 0 : index
    %swap3A_5 = arith.constant 0 : index
    %swap3A_6 = vector.load %arg4[%swap3A, %swap3A_5] : memref<2176x128xf32, #tpu.memory_space<vmem>>, vector<2176x32xf32>
    tpu.vector_store %arg4[%swap3A, %swap3A_5], %transpose3A {strides = array<i32>} : memref<2176x128xf32, #tpu.memory_space<vmem>>, vector<2176x32xf32>,
    %lt3A = arith.constant 22 : i32
    %lt3A_7 = arith.cmpi slt, %arg1, %lt3A : i32
    %convert_element_type3A = arith.extui %lt3A_7 : i1 to i32
    %cond3A = arith.constant 0 : i32
    %cond3A_8 = arith.cmpi ne, %convert_element_type3A, %cond3A : i32
    scf.if %cond3A_8 {
      %mul3A_13 = arith.constant 2176 : i32
      %mul3A_14 = arith.muli %arg1, %mul3A_13 : i32
      %add3A = arith.constant 50048 : i32
      %add3A_15 = arith.addi %add3A, %mul3A_14 : i32
      %get3A_16 = arith.constant 0 : index
      %get3A_17 = arith.constant 0 : index
      %get3A_18 = arith.index_cast %add3A_15 : i32 to index
      %get3A_19 = vector.load %arg2[%get3A_16, %get3A_17, %get3A_18] : memref<1x32x100000xf32, #tpu.memory_space<vmem>>, vector<1x32x2176xf32>
      %get3A_20 = vector.shape_cast %get3A_19 : vector<1x32x2176xf32> to vector<32x2176xf32>
      %transpose3A_21 = tpu.transpose %get3A_20, [1, 0] : vector<32x2176xf32> -> vector<2176x32xf32>
      %swap3A_22 = arith.constant 0 : index
      %swap3A_23 = arith.constant 32 : index
      %swap3A_24 = vector.load %arg4[%swap3A_22, %swap3A_23] : memref<2176x128xf32, #tpu.memory_space<vmem>>, vector<2176x32xf32>
      tpu.vector_store %arg4[%swap3A_22, %swap3A_23], %transpose3A_21 {strides = array<i32>} : memref<2176x128xf32, #tpu.memory_space<vmem>>, vector<2176x32xf32>,
    } else {
    }
    %eq3A = arith.constant 22 : i32
    %eq3A_9 = arith.cmpi eq, %arg1, %eq3A : i32
    %convert_element_type3A_10 = arith.extui %eq3A_9 : i1 to i32
    %cond3A_11 = arith.constant 0 : i32
    %cond3A_12 = arith.cmpi ne, %convert_element_type3A_10, %cond3A_11 : i32
    scf.if %cond3A_12 {
      %get3A_13 = arith.constant 0 : index
      %get3A_14 = arith.constant 0 : index
      %get3A_15 = arith.constant 0 : index
      %get3A_16 = vector.load %arg3[%get3A_13, %get3A_14, %get3A_15] : memref<1x32x2176xf32, #tpu.memory_space<vmem>>, vector<1x32x2176xf32>
      %get3A_17 = vector.shape_cast %get3A_16 : vector<1x32x2176xf32> to vector<32x2176xf32>
      %transpose3A_18 = tpu.transpose %get3A_17, [1, 0] : vector<32x2176xf32> -> vector<2176x32xf32>
      %swap3A_19 = arith.constant 0 : index
      %swap3A_20 = arith.constant 32 : index
      %swap3A_21 = vector.load %arg4[%swap3A_19, %swap3A_20] : memref<2176x128xf32, #tpu.memory_space<vmem>>, vector<2176x32xf32>
      tpu.vector_store %arg4[%swap3A_19, %swap3A_20], %transpose3A_18 {strides = array<i32>} : memref<2176x128xf32, #tpu.memory_space<vmem>>, vector<2176x32xf32>,
    } else {
    }
    return
  }
  func.func @transform_0(%arg0: i32, %arg1: i32) -> (i32, i32, i32) {
    %add3A = arith.constant 14 : i32
    %add3A_0 = arith.addi %add3A, %arg0 : i32
    %c0_i32 = arith.constant 0 : i32
    %c0_i32_1 = arith.constant 0 : i32
    %c0_i32_2 = arith.constant 0 : i32
    return %add3A_0, %c0_i32, %c0_i32_1 : i32, i32, i32
  }
  func.func @transform_1(%arg0: i32, %arg1: i32) -> (i32, i32, i32) {
    %add3A = arith.constant 14 : i32
    %add3A_0 = arith.addi %add3A, %arg0 : i32
    %c0_i32 = arith.constant 0 : i32
    %c0_i32_1 = arith.constant 0 : i32
    %c0_i32_2 = arith.constant 0 : i32
    return %add3A_0, %c0_i32, %c0_i32_1 : i32, i32, i32
  }
  func.func @transform_2(%arg0: i32, %arg1: i32) -> (i32, i32) {
    %mul3A = arith.constant 23 : i32
    %mul3A_0 = arith.muli %arg0, %mul3A : i32
    %add3A = arith.addi %mul3A_0, %arg1 : i32
    %c0_i32 = arith.constant 0 : i32
    %c0_i32_1 = arith.constant 0 : i32
    return %add3A, %c0_i32 : i32, i32
  }
}

module attributes {stable_mosaic.version = 14 : i64} {
  func.func @body(%arg0: i32, %arg1: i32, %arg2: memref<1x32x100000xf32, #tpu.memory_space<vmem>>, %arg3: memref<1x32x2176xf32, #tpu.memory_space<vmem>>, %arg4: memref<2176x128xf32, #tpu.memory_space<vmem>>) attributes {dimension_semantics = [#tpu.dimension_semantics<arbitrary>, #tpu.dimension_semantics<arbitrary>], iteration_bounds = array<i64: 6, 23>, scalar_prefetch = 0 : i64, scratch_operands = 0 : i64, tpu.core_type = #tpu.core_type<tc>, window_params = [{transform_indices = @transform_0, window_bounds = array<i64: 1, 32, 100000>}, {transform_indices = @transform_1, window_bounds = array<i64: 1, 32, 2176>}, {transform_indices = @transform_2, window_bounds = array<i64: 2176, 128>}]} {
    %mul3A = arith.constant 2176 : i32
    %mul3A_0 = arith.muli %arg1, %mul3A : i32
    %get3A = arith.constant 0 : index
    %get3A_1 = arith.constant 0 : index
    %get3A_2 = arith.index_cast %mul3A_0 : i32 to index
    %get3A_3 = vector.load %arg2[%get3A, %get3A_1, %get3A_2] : memref<1x32x100000xf32, #tpu.memory_space<vmem>>, vector<1x32x2176xf32>
    %get3A_4 = vector.shape_cast %get3A_3 : vector<1x32x2176xf32> to vector<32x2176xf32>
    %transpose3A = tpu.transpose %get3A_4, [1, 0] : vector<32x2176xf32> -> vector<2176x32xf32>
    %swap3A = arith.constant 0 : index
    %swap3A_5 = arith.constant 0 : index
    %swap3A_6 = vector.load %arg4[%swap3A, %swap3A_5] : memref<2176x128xf32, #tpu.memory_space<vmem>>, vector<2176x32xf32>
    tpu.vector_store %arg4[%swap3A, %swap3A_5], %transpose3A {strides = array<i32>} : memref<2176x128xf32, #tpu.memory_space<vmem>>, vector<2176x32xf32>,
    %lt3A = arith.constant 22 : i32
    %lt3A_7 = arith.cmpi slt, %arg1, %lt3A : i32
    %convert_element_type3A = arith.extui %lt3A_7 : i1 to i32
    %cond3A = arith.constant 0 : i32
    %cond3A_8 = arith.cmpi ne, %convert_element_type3A, %cond3A : i32
    scf.if %cond3A_8 {
      %mul3A_13 = arith.constant 2176 : i32
      %mul3A_14 = arith.muli %arg1, %mul3A_13 : i32
      %add3A = arith.constant 50048 : i32
      %add3A_15 = arith.addi %add3A, %mul3A_14 : i32
      %get3A_16 = arith.constant 0 : index
      %get3A_17 = arith.constant 0 : index
      %get3A_18 = arith.index_cast %add3A_15 : i32 to index
      %get3A_19 = vector.load %arg2[%get3A_16, %get3A_17, %get3A_18] : memref<1x32x100000xf32, #tpu.memory_space<vmem>>, vector<1x32x2176xf32>
      %get3A_20 = vector.shape_cast %get3A_19 : vector<1x32x2176xf32> to vector<32x2176xf32>
      %transpose3A_21 = tpu.transpose %get3A_20, [1, 0] : vector<32x2176xf32> -> vector<2176x32xf32>
      %swap3A_22 = arith.constant 0 : index
      %swap3A_23 = arith.constant 32 : index
      %swap3A_24 = vector.load %arg4[%swap3A_22, %swap3A_23] : memref<2176x128xf32, #tpu.memory_space<vmem>>, vector<2176x32xf32>
      tpu.vector_store %arg4[%swap3A_22, %swap3A_23], %transpose3A_21 {strides = array<i32>} : memref<2176x128xf32, #tpu.memory_space<vmem>>, vector<2176x32xf32>,
    } else {
    }
    %eq3A = arith.constant 22 : i32
    %eq3A_9 = arith.cmpi eq, %arg1, %eq3A : i32
    %convert_element_type3A_10 = arith.extui %eq3A_9 : i1 to i32
    %cond3A_11 = arith.constant 0 : i32
    %cond3A_12 = arith.cmpi ne, %convert_element_type3A_10, %cond3A_11 : i32
    scf.if %cond3A_12 {
      %get3A_13 = arith.constant 0 : index
      %get3A_14 = arith.constant 0 : index
      %get3A_15 = arith.constant 0 : index
      %get3A_16 = vector.load %arg3[%get3A_13, %get3A_14, %get3A_15] : memref<1x32x2176xf32, #tpu.memory_space<vmem>>, vector<1x32x2176xf32>
      %get3A_17 = vector.shape_cast %get3A_16 : vector<1x32x2176xf32> to vector<32x2176xf32>
      %transpose3A_18 = tpu.transpose %get3A_17, [1, 0] : vector<32x2176xf32> -> vector<2176x32xf32>
      %swap3A_19 = arith.constant 0 : index
      %swap3A_20 = arith.constant 32 : index
      %swap3A_21 = vector.load %arg4[%swap3A_19, %swap3A_20] : memref<2176x128xf32, #tpu.memory_space<vmem>>, vector<2176x32xf32>
      tpu.vector_store %arg4[%swap3A_19, %swap3A_20], %transpose3A_18 {strides = array<i32>} : memref<2176x128xf32, #tpu.memory_space<vmem>>, vector<2176x32xf32>,
    } else {
    }
    return
  }
  func.func @transform_0(%arg0: i32, %arg1: i32) -> (i32, i32, i32) {
    %add3A = arith.constant 20 : i32
    %add3A_0 = arith.addi %add3A, %arg0 : i32
    %c0_i32 = arith.constant 0 : i32
    %c0_i32_1 = arith.constant 0 : i32
    %c0_i32_2 = arith.constant 0 : i32
    return %add3A_0, %c0_i32, %c0_i32_1 : i32, i32, i32
  }
  func.func @transform_1(%arg0: i32, %arg1: i32) -> (i32, i32, i32) {
    %add3A = arith.constant 20 : i32
    %add3A_0 = arith.addi %add3A, %arg0 : i32
    %c0_i32 = arith.constant 0 : i32
    %c0_i32_1 = arith.constant 0 : i32
    %c0_i32_2 = arith.constant 0 : i32
    return %add3A_0, %c0_i32, %c0_i32_1 : i32, i32, i32
  }
  func.func @transform_2(%arg0: i32, %arg1: i32) -> (i32, i32) {
    %mul3A = arith.constant 23 : i32
    %mul3A_0 = arith.muli %arg0, %mul3A : i32
    %add3A = arith.addi %mul3A_0, %arg1 : i32
    %c0_i32 = arith.constant 0 : i32
    %c0_i32_1 = arith.constant 0 : i32
    return %add3A, %c0_i32 : i32, i32
  }
}

</mosaic_0001>

<sc_bundles>
// kernel: kernel.11.cloned.1.call-start
scs
__scs_entry_jumppad:
0x0: {  	(pc) =	sbr.rel $0x88, $3  }
0x1: {  	(tag) =	ssettag $0x0;
	lr =	simm.s32 $0x1  }
0x2: {  	[smem:$0x3F9F] =	sst lr;
	_ =	strace $0xD0000000  }
0x3: {  	_ = 	snop  }
0x4: {  	_ = 	snop  }
0x5: {  	_ = 	snop  }
0x6: {  	_ = 	snop  }
0x7: {  	_ = 	snop  }
__scs_overlays_trampoline_lowered:
0x8: {  	[smem:$0x3FAE] =	sst s0  }
0x9: {  	[smem:$0x3FAF] =	sst s1  }
0xa: {  	[smem:$0x3FB0] =	sst s2  }
0xb: {  	[smem:$0x3FB1] =	sst s3  }
0xc: {  	[smem:$0x3FB2] =	sst s4  }
0xd: {  	[smem:$0x3FB3] =	sst s5  }
0xe: {  	[smem:$0x3FB4] =	sst s6  }
0xf: {  	[smem:$0x3FB5] =	sst s7  }
0x10: {  	[smem:$0x3FB6] =	sst s8  }
0x11: {  	[smem:$0x3FB7] =	sst s9;
	s0 =	simm.s32 @!p0 $0x0  }
0x12: {  	s1 =	sld [smem:$0x3F9D];
	s0 =	simm.s32 @p0 $0x1  }
0x13: {  	[smem:$0x3FB8] =	sst s0;
	s0 =	simm.s32 @!p1 $0x0  }
0x14: {  	s2 =	sld [smem:$0x3F9C];
	s0 =	simm.s32 @p1 $0x1  }
0x15: {  	[smem:$0x3FB9] =	sst s0;
	s0 =	simm.s32 @!p2 $0x0  }
0x16: {  	s3 =	sld [smem:$0x3FDB];
	s0 =	simm.s32 @p2 $0x1  }
0x17: {  	s4 =	simm.s32 $0x1BF5;
	[smem:$0x3FBB] =	sst s0  }
0x18: {  	s0 =	sld [smem:$0x3F9E];
	_ =	swait.ge [sflag:s4], $0x0  }
0x19: {  	s7 =	sld [smem:$0x3F9F]  }
0x1a: {  	s8 =	sadd.s32 $0xFFFFE003, lr  }
0x1b: {  	s9 =	sadd.s32 $0xFFFFFEF7, lr;
	s5 =	simm.s32 $0xFFFFFFFF;
	p2 =	slt.u32 s8, $0xFFFFF086  }
0x1c: {  	p1 =	slt.u32 s9, $0xF7A;
	s5 =	simm.s32 @!p2 $0x0  }
0x1d: {  	s5 =	simm.s32 @p1 $0x1;
	p0 =	seq.s32 s7, s2  }
0x1e: {  	s7 =	smul.u32 @!p0 $0xF7A, s2;
	p2 =	seq.s32 @!p0 s5, $0x0  }
0x1f: {  	s9 =	smul.u32 $0xF7A, s1;
	s8 =	simm.s32 @!p0 $0x1BF5;
	p2 =	por !p2, p0  }
0x20: {  	[sflag:s8] =	ssyncset.s32 @!p0 $0xFFFFF086;
	s6 =	sadd.s32 @!p0 s3, s7;
	s7 =	simm.s32 @!p0 $0x108  }
0x21: {  	s3 =	sadd.s32 s3, s9;
	s6 =	sadd.s32 @!p0 $0x88, s6;
	s7 =	simm.s32 @p2 $0x1082  }
0x22: {  	[simem:s7], [sflag:s8] =	dma.local @!p0 [hbm:s6], $0xF7A  }
0x23: {  	s9 =	sor.u32 $0xD0000000, s2;
	s6 =	simm.s32 $0x108;
	_ =	swait.ge @!p0 [sflag:s8], $0x0  }
0x24: {  	s3 =	sadd.s32 $0x88, s3;
	s6 =	simm.s32 @!p1 $0x1082;
	[sflag:s4] =	ssyncset.s32 $0xFFFFF086  }
0x25: {  	[simem:s6], [sflag:s4] =	dma.local [hbm:s3], $0xF7A  }
0x26: {  	[smem:$0x3F9F] =	sst s1;
	(tag) =	ssettag s2;
	_ =	strace s9  }
0x27: {  	s1 =	sld [smem:$0x3FAF]  }
0x28: {  	s2 =	sld [smem:$0x3FB0]  }
0x29: {  	s4 =	sld [smem:$0x3FB2]  }
0x2a: {  	p0 =	seq.s32 s5, $0x0;
	s5 =	sld [smem:$0x3FB3]  }
0x2b: {  	s6 =	sld [smem:$0x3FB4]  }
0x2c: {  	s7 =	sld [smem:$0x3FB5]  }
0x2d: {  	s3 =	simm.s32 $0x108;
	s8 =	sld [smem:$0x3FB6]  }
0x2e: {  	s3 =	simm.s32 @!p0 $0x1082;
	s9 =	sld [smem:$0x3FB7]  }
0x2f: {  	lr =	sadd.s32 s0, s3;
	s0 =	sld [smem:$0x3FAE]  }
0x30: {  	s3 =	sld [smem:$0x3FB1]  }
0x31: {  	[smem:$0x3FBA] =	sst s10  }
0x32: {  	s10 =	sld [smem:$0x3FB8];
	_ =	sdelay $0x3  }
0x33: {  	p0 =	seq.s32 s10, $0x1;
	s10 =	sld [smem:$0x3FBA];
	_ =	sdelay $0x3  }
0x34: {  	[smem:$0x3FBA] =	sst s10  }
0x35: {  	s10 =	sld [smem:$0x3FB9];
	_ =	sdelay $0x3  }
0x36: {  	p1 =	seq.s32 s10, $0x1;
	s10 =	sld [smem:$0x3FBA];
	_ =	sdelay $0x3  }
0x37: {  	[smem:$0x3FBA] =	sst s10  }
0x38: {  	s10 =	sld [smem:$0x3FBB]  }
0x39: {  	_ = 	snop;
	(pc) =	sbr.ind lr, $3  }
0x3a: {  	_ = 	snop  }
0x3b: {  	_ = 	snop  }
0x3c: {  	p2 =	seq.s32 s10, $0x1;
	s10 =	sld [smem:$0x3FBA]  }
0x3d: {  	_ =	shalt  }
0x3e: {  	_ =	shalt  }
0x3f: {  	_ =	shalt  }
0x40: {  	_ =	shalt  }
0x41: {  	_ =	shalt  }
0x42: {  	_ =	shalt  }
0x43: {  	_ =	shalt  }
0x44: {  	_ =	shalt  }
0x45: {  	_ =	shalt  }
0x46: {  	_ =	shalt  }
0x47: {  	_ =	shalt  }
0x48: {  	_ =	shalt  }
0x49: {  	_ =	shalt  }
0x4a: {  	_ =	shalt  }
0x4b: {  	_ =	shalt  }
0x4c: {  	_ =	shalt  }
0x4d: {  	_ =	shalt  }
0x4e: {  	_ =	shalt  }
0x4f: {  	_ =	shalt  }
0x50: {  	_ =	shalt  }
0x51: {  	_ =	shalt  }
0x52: {  	_ =	shalt  }
0x53: {  	_ =	shalt  }
0x54: {  	_ =	shalt  }
0x55: {  	_ =	shalt  }
0x56: {  	_ =	shalt  }
0x57: {  	_ =	shalt  }
0x58: {  	_ =	shalt  }
0x59: {  	_ =	shalt  }
0x5a: {  	_ =	shalt  }
0x5b: {  	_ =	shalt  }
0x5c: {  	_ =	shalt  }
0x5d: {  	_ =	shalt  }
0x5e: {  	_ =	shalt  }
0x5f: {  	_ =	shalt  }
0x60: {  	_ =	shalt  }
0x61: {  	_ =	shalt  }
0x62: {  	_ =	shalt  }
0x63: {  	_ =	shalt  }
0x64: {  	_ =	shalt  }
0x65: {  	_ =	shalt  }
0x66: {  	_ =	shalt  }
0x67: {  	_ =	shalt  }
0x68: {  	_ =	shalt  }
0x69: {  	_ =	shalt  }
0x6a: {  	_ =	shalt  }
0x6b: {  	_ =	shalt  }
0x6c: {  	_ =	shalt  }
0x6d: {  	_ =	shalt  }
0x6e: {  	_ =	shalt  }
0x6f: {  	_ =	shalt  }
0x70: {  	_ =	shalt  }
0x71: {  	_ =	shalt  }
0x72: {  	_ =	shalt  }
0x73: {  	_ =	shalt  }
0x74: {  	_ =	shalt  }
0x75: {  	_ =	shalt  }
0x76: {  	_ =	shalt  }
0x77: {  	_ =	shalt  }
0x78: {  	_ =	shalt  }
0x79: {  	_ =	shalt  }
0x7a: {  	_ =	shalt  }
0x7b: {  	_ =	shalt  }
0x7c: {  	_ =	shalt  }
0x7d: {  	_ =	shalt  }
0x7e: {  	_ =	shalt  }
0x7f: {  	_ =	shalt  }
0x80: {  	_ =	shalt  }
0x81: {  	_ =	shalt  }
0x82: {  	_ =	shalt  }
0x83: {  	_ =	shalt  }
0x84: {  	_ =	shalt  }
0x85: {  	_ =	shalt  }
0x86: {  	_ =	shalt  }
0x87: {  	_ =	shalt  }
.Lfunc_end0:
.L_simem_size_0:
called_computation_lowered:
.L_overlay_start_0:
0x88: {  	s2 =	sld [smem:$0x3FD9]  }
0x89: {  	s3 =	sld [smem:$0x3FFE];
	_ =	sdelay $0x1  }
0x8a: {  	s1 =	srdreg.scid  }
0x8b: {  	s0 =	sand.u32 $0x1, s1  }
0x8c: {  	s17 =	sshll.u32 s0, $0xA;
	s2 =	sadd.s32 s3, s2  }
0x8d: {  	s2 =	sadd.s32 s2, s17  }
0x8e: {  	[smem:$0x3FC6] =	sst s2  }
0x8f: {  	_ = 	snop  }
0x90: {  	s2 =	sld [smem:$0x3FD0];
	(tm) =	ssettm $0x1  }
0x91: {  	s18 =	sld [smem:$0x3FFB];
	_ =	sdelay $0x3  }
0x92: {  	_ =	strace s18  }
0x93: {  	s3 =	sld [smem:$0x3FFC];
	_ =	sdelay $0x3  }
0x94: {  	_ =	strace s3  }
0x95: {  	s3 =	sld [smem:$0x3FFD];
	_ =	sdelay $0x3  }
0x96: {  	_ =	strace s3  }
0x97: {  	_ =	strace $0x8FFFFFFF  }
0x98: {  	s19 =	sld [smem:$0x3FDB];
	_ =	sdelay $0x1  }
0x99: {  	s4 =	simm.s32 $_scs_section_size  }
0x9a: {  	s5 =	simm.s32 $_size__tile_overlayer_lowered;
	s6 =	simm.s32 $_tile_overlayer_lowered  }
0x9b: {  	s22 =	simm.s32 $0x1BFF;
	s21 =	sshll.u32 s6, $0x1;
	s3 =	sadd.s32 s4, s19  }
0x9c: {  	s7 =	simm.s32 $0x0;
	s20 =	sshll.u32 s5, $0x1;
	s5 =	sadd.s32 s21, s3  }
0x9d: {  	[timem:s7], [sflag:s22] =	dma.local [hbm:s5], s20  }
0x9e: {  	_ =	swait.ge [sflag:s22], s20  }
0x9f: {  	s4 =	ssub.s32 $0x0, s20;
	[sflag:s22] =	ssyncset.done $0x0  }
0xa0: {  	[sflag:s22] =	ssyncadd.s32 s4;
	_ =	sdelay $0x1  }
0xa1: {  	s23 =	simm.s32 $0x1B8B  }
0xa2: {  	_ =	swait.ge [sflag:s23], $0x1  }
0xa3: {  	[sflag:s23] =	ssyncset.done $0x0  }
0xa4: {  	s25 =	simm.s32 $0x1B8E;
	s24 =	sld [smem:$0x3FFE];
	[sflag:s23] =	ssyncadd.s32 $0xFFFFFFFF  }
0xa5: {  	s26 =	simm.s32 $execute0_lowered;
	[smem:$0x3FD2] =	sst s25  }
0xa6: {  	s5 =	sshll.u32 s26, $0x1;
	_ =	strace $0x80000046;
	[dreg:$0x1] =	wrdreg $0xFFFFFFFF  }
0xa7: {  	s28 =	simm.s32 $_size_execute0_lowered;
	s3 =	sadd.s32 s3, s5;
	[dreg:$0x0] =	wrdreg $0x0  }
0xa8: {  	s5 =	sshll.u32 s28, $0x1;
	[dreg:$0x2] =	wrdreg s3  }
0xa9: {  	[dreg:$0x3] =	wrdreg s5  }
0xaa: {  	[dreg:$0x4] =	wrdreg $0xC0  }
0xab: {  	_ =	task [dreg:s7], $0x5FFFF  }
0xac: {  	[dreg:$0x1] =	wrdreg $0xFFFFFFFF  }
0xad: {  	[dreg:$0x0] =	wrdreg $0x60  }
0xae: {  	[dreg:$0x2] =	wrdreg s2  }
0xaf: {  	[dreg:$0x3] =	wrdreg s24  }
0xb0: {  	[dreg:$0x4] =	wrdreg $0x9  }
0xb1: {  	_ =	task.clear_ibuf [dreg:s7], $0x5FFFF;
	_ =	strace $0x90000046  }
0xb2: {  	s29 =	simm.s32 $0x9;
	_ =	strace $0x80000048  }
0xb3: {  	_ =	swait.ge [sflag:s29], $0x1  }
0xb4: {  	[sflag:s29] =	ssyncadd.s32 $0xFFFFFFFF  }
0xb5: {  	_ =	strace $0x90000048  }
0xb6: {  	_ =	sfence  }
0xb7: {  	s30 =	sld [smem:$0x0];
	_ =	sdelay $0x2  }
0xb8: {  	s31 =	sshll.u32 s1, $0xD;
	s1 =	sshrl.u32 s1, $0x2  }
0xb9: {  	s3 =	sand.u32 $0x4000, s31;
	s1 =	sadd.s32 s1, s30  }
0xba: {  	s0 =	sor.u32 s3, s0;
	s1 =	sshll.u32 s1, $0x11  }
0xbb: {  	s0 =	sor.u32 s1, s0  }
0xbc: {  	s0 =	sadd.s32 $0x8F2B, s0  }
0xbd: {  	[sflag:s0] =	ssyncadd.remote.s32 $0x1  }
0xbe: {  	_ =	sfence.sel $0xFFFF  }
0xbf: {  	[dreg:$0x0] =	wrdreg $0xFFFFFFFF;
	(pc) =	sbr.abs _section_cstart, $3  }
0xc0: {  	[dreg:$0x1] =	wrdreg $0xFFFFFFFF  }
0xc1: {  	_ =	task.clear_ibuf [dreg:s7], $0x2FFFF;
	_ =	strace $0x9FFFFFFF  }
0xc2: {  	(tm) =	ssettm $0x7FFFFFFF  }
0xc3: {  	_ =	shalt  }
tec
execute0_lowered:
.L_overlay_start_1:
0x0: {  	(tag) =	ssettag $0x1  }
0x1: {  	s0 =	rddreg [dreg:$0x1]  }
0x2: {  	s3 =	simm.s32 $0x0;
	s1 =	srdreg.scid;
	s4 =	stileid.u32  }
0x3: {  	s8 =	simm.s32 $0x2;
	s9 =	simm.s32 $0x80;
	s10 =	simm.s32 $0x500  }
0x4: {  	s11 =	simm.s32 $0x1500;
	s12 =	simm.s32 $0x100;
	s13 =	simm.s32 $0x2500  }
0x5: {  	s14 =	simm.s32 $0x180;
	s15 =	simm.s32 $0x3500;
	s16 =	simm.s32 $0x200  }
0x6: {  	s17 =	simm.s32 $0x4500;
	s18 =	simm.s32 $0x280;
	s19 =	simm.s32 $0x5500  }
0x7: {  	s20 =	simm.s32 $0x300;
	s21 =	simm.s32 $0x6500;
	s22 =	simm.s32 $0x380  }
0x8: {  	s23 =	simm.s32 $0x7500;
	s24 =	simm.s32 $0x400;
	s25 =	simm.s32 $0x8500  }
0x9: {  	s26 =	simm.s32 $0x480;
	s28 =	simm.s32 $0x9500;
	s1 =	sand.u32 $0x1, s1  }
0xa: {  	s29 =	simm.s32 $0x1;
	s30 =	simm.s32 $0xA500;
	s2 =	ssub.s32 $0x2, s1  }
0xb: {  	[smem:$0x7FF] =	sst s3;
	s5 =	sshll.u32 s4, $0x1;
	s6 =	sshrl.u32 s2, $0x1  }
0xc: {  	s4 =	sadd.s32 $0x39E00, s0;
	_ =	strace $0x80000047;
	s31 =	ssub.s32 s2, s6  }
0xd: {  	s1 =	sor.u32 s1, s5;
	s5 =	sadd.s32 $0x592600, s0;
	s0 =	smax.u32 s31, $0x1  }
0xe: {  	s6 =	smul.u32 $0xE, s1;
	s1 =	simm.s32 $0x0;
	[dreg:$0x3] =	wrdreg s0  }
.LBB2_1:
0xf: {  	[dreg:$0x4] =	wrdreg s1;
	s0 =	simm.s32 $0x0  }
.LBB2_2:
0x10: {  	s2 =	sadd.s32 s6, s0  }
0x11: {  	s1 =	smul.u32 $0xA0, s2  }
0x12: {  	s7 =	rddreg [dreg:$0x0]  }
0x13: {  	s1 =	sadd.s32 s7, s1;
	s7 =	simm.s32 $0x0  }
0x14: {  	[tilespmem:s7], [sflag:$0x2] =	stream.linear.gather [hbm4b:s1+s7], $0x500, $0x38;
	[tilespmem:$0xAD00] =	vst v63  }
0x15: {  	s1 =	sshrl.u32 s2, $0x6  }
0x16: {  	_ =	swait.ge [sflag:s8], $0x500;
	s1 =	smul.u32 $0xC3800, s1  }
0x17: {  	[sflag:s8] =	ssyncset.done $0x0  }
0x18: {  	[sflag:s8] =	ssyncadd.s32 $0xFFFFFB00;
	s1 =	sadd.s32 s4, s1  }
0x19: {  	[tilespmem:s10], [sflag:$0x1] =	stream.indirect.gather [hbm4b:s1+s9], $0x20, s7, s9, $0xb8;
	[tilespmem:$0xAD00] =	vst v63  }
0x1a: {  	_ = 	snop  }
0x1b: {  	[tilespmem:s11], [sflag:$0x1] =	stream.indirect.gather [hbm4b:s1+s9], $0x20, s9, s9, $0xb8;
	[tilespmem:$0xAD00] =	vst v63  }
0x1c: {  	_ = 	snop  }
0x1d: {  	[tilespmem:s13], [sflag:$0x1] =	stream.indirect.gather [hbm4b:s1+s9], $0x20, s12, s9, $0xb8;
	[tilespmem:$0xAD00] =	vst v63  }
0x1e: {  	_ = 	snop  }
0x1f: {  	[tilespmem:s15], [sflag:$0x1] =	stream.indirect.gather [hbm4b:s1+s9], $0x20, s14, s9, $0xb8;
	[tilespmem:$0xAD00] =	vst v63  }
0x20: {  	_ = 	snop  }
0x21: {  	[tilespmem:s17], [sflag:$0x1] =	stream.indirect.gather [hbm4b:s1+s9], $0x20, s16, s9, $0xb8;
	[tilespmem:$0xAD00] =	vst v63  }
0x22: {  	_ = 	snop  }
0x23: {  	[tilespmem:s19], [sflag:$0x1] =	stream.indirect.gather [hbm4b:s1+s9], $0x20, s18, s9, $0xb8;
	[tilespmem:$0xAD00] =	vst v63  }
0x24: {  	_ = 	snop  }
0x25: {  	[tilespmem:s21], [sflag:$0x1] =	stream.indirect.gather [hbm4b:s1+s9], $0x20, s20, s9, $0xb8;
	[tilespmem:$0xAD00] =	vst v63  }
0x26: {  	_ = 	snop  }
0x27: {  	[tilespmem:s23], [sflag:$0x1] =	stream.indirect.gather [hbm4b:s1+s9], $0x20, s22, s9, $0xb8;
	[tilespmem:$0xAD00] =	vst v63  }
0x28: {  	_ = 	snop  }
0x29: {  	[tilespmem:s25], [sflag:$0x1] =	stream.indirect.gather [hbm4b:s1+s9], $0x20, s24, s9, $0xb8;
	[tilespmem:$0xAD00] =	vst v63  }
0x2a: {  	_ = 	snop  }
0x2b: {  	[tilespmem:s28], [sflag:$0x1] =	stream.indirect.gather [hbm4b:s1+s9], $0x20, s26, s9, $0xb8;
	[tilespmem:$0xAD00] =	vst v63  }
0x2c: {  	_ =	swait.ge [sflag:s29], $0x1000  }
0x2d: {  	[sflag:s29] =	ssyncset.done $0x0  }
0x2e: {  	[sflag:s29] =	ssyncadd.s32 $0xFFFFF000  }
0x2f: {  	_ =	swait.ge [sflag:s29], $0x1000  }
0x30: {  	[sflag:s29] =	ssyncset.done $0x0  }
0x31: {  	[sflag:s29] =	ssyncadd.s32 $0xFFFFF000  }
0x32: {  	_ =	swait.ge [sflag:s29], $0x1000  }
0x33: {  	[sflag:s29] =	ssyncset.done $0x0  }
0x34: {  	[sflag:s29] =	ssyncadd.s32 $0xFFFFF000  }
0x35: {  	_ =	swait.ge [sflag:s29], $0x1000  }
0x36: {  	[sflag:s29] =	ssyncset.done $0x0  }
0x37: {  	[sflag:s29] =	ssyncadd.s32 $0xFFFFF000  }
0x38: {  	_ =	swait.ge [sflag:s29], $0x1000  }
0x39: {  	[sflag:s29] =	ssyncset.done $0x0  }
0x3a: {  	[sflag:s29] =	ssyncadd.s32 $0xFFFFF000  }
0x3b: {  	_ =	swait.ge [sflag:s29], $0x1000  }
0x3c: {  	[sflag:s29] =	ssyncset.done $0x0  }
0x3d: {  	[sflag:s29] =	ssyncadd.s32 $0xFFFFF000  }
0x3e: {  	_ =	swait.ge [sflag:s29], $0x1000  }
0x3f: {  	[sflag:s29] =	ssyncset.done $0x0  }
0x40: {  	[sflag:s29] =	ssyncadd.s32 $0xFFFFF000  }
0x41: {  	_ =	swait.ge [sflag:s29], $0x1000  }
0x42: {  	[sflag:s29] =	ssyncset.done $0x0  }
0x43: {  	[sflag:s29] =	ssyncadd.s32 $0xFFFFF000  }
0x44: {  	_ =	swait.ge [sflag:s29], $0x1000  }
0x45: {  	[sflag:s29] =	ssyncset.done $0x0  }
0x46: {  	[sflag:s29] =	ssyncadd.s32 $0xFFFFF000  }
0x47: {  	_ =	swait.ge [sflag:s29], $0x1000  }
0x48: {  	[sflag:s29] =	ssyncset.done $0x0  }
0x49: {  	s7 =	simm.s32 $0x640;
	[sflag:s29] =	ssyncadd.s32 $0xFFFFF000  }
0x4a: {  	v0 =	vld [tilespmem:s7+$0xFFFFFEF0]  }
0x4b: {  	v1 =	vld [tilespmem:s7+$0xFFFFFEC0]  }
0x4c: {  	v2 =	vld [tilespmem:s7+$0xFFFFFEE0]  }
0x4d: {  	v3 =	vld [tilespmem:s7+$0xFFFFFED0]  }
0x4e: {  	v4 =	vld [tilespmem:s7+$0xFFFFFF00]  }
0x4f: {  	v5 =	vld [tilespmem:s7+$0xFFFFFF10]  }
0x50: {  	v6 =	vld [tilespmem:s7+$0xFFFFFF20]  }
0x51: {  	v7 =	vld [tilespmem:s7+$0xFFFFFF40];
	v1 =	vadd.f32 v2, v1  }
0x52: {  	v2 =	vld [tilespmem:s7+$0xFFFFFF30]  }
0x53: {  	v44 =	vld [tilespmem:s7+$0xFFFFFF60];
	v0 =	vadd.f32 v0, v3;
	v1 =	vadd.f32 v4, v1  }
0x54: {  	v3 =	vld [tilespmem:s7+$0xFFFFFF50]  }
0x55: {  	v45 =	vld [tilespmem:s7+$0xFFFFFF70];
	v0 =	vadd.f32 v5, v0;
	v1 =	vadd.f32 v6, v1  }
0x56: {  	v46 =	vld [tilespmem:s7+$0xFFFFFF80]  }
0x57: {  	v47 =	vld [tilespmem:s7+$0xFFFFFFA0];
	v0 =	vadd.f32 v2, v0;
	v1 =	vadd.f32 v7, v1  }
0x58: {  	v2 =	vld [tilespmem:s7+$0xFFFFFF90]  }
0x59: {  	v48 =	vld [tilespmem:s7+$0xFFFFFFC0];
	v0 =	vadd.f32 v3, v0;
	v1 =	vadd.f32 v44, v1  }
0x5a: {  	v3 =	vld [tilespmem:s7+$0xFFFFFFB0]  }
0x5b: {  	v49 =	vld [tilespmem:s7+$0xFFFFFFD0];
	v0 =	vadd.f32 v45, v0;
	v1 =	vadd.f32 v46, v1  }
0x5c: {  	v50 =	vld [tilespmem:s7+$0xFFFFFFE0]  }
0x5d: {  	v51 =	vld [tilespmem:s7+$0x0];
	v0 =	vadd.f32 v2, v0;
	v1 =	vadd.f32 v47, v1  }
0x5e: {  	v2 =	vld [tilespmem:s7+$0xFFFFFFF0]  }
0x5f: {  	v52 =	vld [tilespmem:s7+$0x20];
	v0 =	vadd.f32 v3, v0;
	v1 =	vadd.f32 v48, v1  }
0x60: {  	v3 =	vld [tilespmem:s7+$0x10]  }
0x61: {  	v53 =	vld [tilespmem:s7+$0x30];
	v0 =	vadd.f32 v49, v0;
	v1 =	vadd.f32 v50, v1  }
0x62: {  	v54 =	vld [tilespmem:s7+$0x40]  }
0x63: {  	v55 =	vld [tilespmem:s7+$0x60];
	v0 =	vadd.f32 v2, v0;
	v1 =	vadd.f32 v51, v1  }
0x64: {  	v2 =	vld [tilespmem:s7+$0x50]  }
0x65: {  	v56 =	vld [tilespmem:s7+$0x80];
	v0 =	vadd.f32 v3, v0;
	v1 =	vadd.f32 v52, v1  }
0x66: {  	v3 =	vld [tilespmem:s7+$0x70]  }
0x67: {  	v57 =	vld [tilespmem:s7+$0x90];
	v0 =	vadd.f32 v53, v0;
	v1 =	vadd.f32 v54, v1  }
0x68: {  	v58 =	vld [tilespmem:s7+$0xA0]  }
0x69: {  	v59 =	vld [tilespmem:s7+$0xC0];
	v0 =	vadd.f32 v2, v0;
	v1 =	vadd.f32 v55, v1  }
0x6a: {  	v2 =	vld [tilespmem:s7+$0xB0]  }
0x6b: {  	v60 =	vld [tilespmem:s7+$0xE0];
	v0 =	vadd.f32 v3, v0;
	v1 =	vadd.f32 v56, v1  }
0x6c: {  	v3 =	vld [tilespmem:s7+$0xD0]  }
0x6d: {  	v61 =	vld [tilespmem:s7+$0xF0];
	v0 =	vadd.f32 v57, v0;
	v1 =	vadd.f32 v58, v1  }
0x6e: {  	v62 =	vld [tilespmem:s7+$0x100]  }
0x6f: {  	v63 =	vld [tilespmem:s7+$0x120];
	v0 =	vadd.f32 v2, v0;
	v1 =	vadd.f32 v59, v1  }
0x70: {  	v2 =	vld [tilespmem:s7+$0x110]  }
0x71: {  	v0 =	vadd.f32 v3, v0;
	v1 =	vadd.f32 v60, v1  }
0x72: {  	v3 =	vld [tilespmem:s7+$0x130]  }
0x73: {  	v0 =	vadd.f32 v61, v0;
	v1 =	vadd.f32 v62, v1;
	_ =	sdelay $0x1  }
0x74: {  	v0 =	vadd.f32 v2, v0;
	v1 =	vadd.f32 v63, v1  }
0x75: {  	s1 =	simm.s32 $0x0  }
0x76: {  	s31 =	simm.s32 $0x80;
	v0 =	vadd.f32 v3, v0;
	[tilespmem:s1+$0xA500] =	vst v1  }
.LBB2_3:
0x77: {  	p0 =	sne.s32 s31, $0x1F80  }
0x78: {  	[tilespmem:s1+$0xA510] =	vst v0;
	s7 =	sadd.s32 $0x280, s7;
	s1 =	smov.u32 s31;
	s31 =	sadd.s32 $0x80, s31  }
0x79: {  	v0 =	vld [tilespmem:s7+$0xFFFFFEF0]  }
0x7a: {  	v1 =	vld [tilespmem:s7+$0xFFFFFEC0]  }
0x7b: {  	v2 =	vld [tilespmem:s7+$0xFFFFFEE0]  }
0x7c: {  	v3 =	vld [tilespmem:s7+$0xFFFFFED0]  }
0x7d: {  	v4 =	vld [tilespmem:s7+$0xFFFFFF00]  }
0x7e: {  	v5 =	vld [tilespmem:s7+$0xFFFFFF10]  }
0x7f: {  	v6 =	vld [tilespmem:s7+$0xFFFFFF20]  }
0x80: {  	v1 =	vadd.f32 v2, v1;
	v2 =	vld [tilespmem:s7+$0xFFFFFF30]  }
0x81: {  	v0 =	vadd.f32 v0, v3;
	v3 =	vld [tilespmem:s7+$0xFFFFFF40]  }
0x82: {  	v1 =	vadd.f32 v4, v1;
	v4 =	vld [tilespmem:s7+$0xFFFFFF50]  }
0x83: {  	v0 =	vadd.f32 v5, v0;
	v5 =	vld [tilespmem:s7+$0xFFFFFF60]  }
0x84: {  	v1 =	vadd.f32 v6, v1;
	v6 =	vld [tilespmem:s7+$0xFFFFFF70]  }
0x85: {  	v0 =	vadd.f32 v2, v0;
	v2 =	vld [tilespmem:s7+$0xFFFFFF80]  }
0x86: {  	v1 =	vadd.f32 v3, v1;
	v3 =	vld [tilespmem:s7+$0xFFFFFF90]  }
0x87: {  	v0 =	vadd.f32 v4, v0;
	v4 =	vld [tilespmem:s7+$0xFFFFFFA0]  }
0x88: {  	v1 =	vadd.f32 v5, v1;
	v5 =	vld [tilespmem:s7+$0xFFFFFFB0]  }
0x89: {  	v0 =	vadd.f32 v6, v0;
	v6 =	vld [tilespmem:s7+$0xFFFFFFC0]  }
0x8a: {  	v1 =	vadd.f32 v2, v1;
	v2 =	vld [tilespmem:s7+$0xFFFFFFD0]  }
0x8b: {  	v0 =	vadd.f32 v3, v0;
	v3 =	vld [tilespmem:s7+$0xFFFFFFE0]  }
0x8c: {  	v1 =	vadd.f32 v4, v1;
	v4 =	vld [tilespmem:s7+$0xFFFFFFF0]  }
0x8d: {  	v0 =	vadd.f32 v5, v0;
	v5 =	vld [tilespmem:s7+$0x0]  }
0x8e: {  	v1 =	vadd.f32 v6, v1;
	v6 =	vld [tilespmem:s7+$0x10]  }
0x8f: {  	v0 =	vadd.f32 v2, v0;
	v2 =	vld [tilespmem:s7+$0x20]  }
0x90: {  	v1 =	vadd.f32 v3, v1;
	v3 =	vld [tilespmem:s7+$0x30]  }
0x91: {  	v0 =	vadd.f32 v4, v0;
	v4 =	vld [tilespmem:s7+$0x40]  }
0x92: {  	v1 =	vadd.f32 v5, v1;
	v5 =	vld [tilespmem:s7+$0x50]  }
0x93: {  	v0 =	vadd.f32 v6, v0;
	v6 =	vld [tilespmem:s7+$0x60]  }
0x94: {  	v1 =	vadd.f32 v2, v1;
	v2 =	vld [tilespmem:s7+$0x70]  }
0x95: {  	v0 =	vadd.f32 v3, v0;
	v3 =	vld [tilespmem:s7+$0x80]  }
0x96: {  	v1 =	vadd.f32 v4, v1;
	v4 =	vld [tilespmem:s7+$0x90]  }
0x97: {  	v0 =	vadd.f32 v5, v0;
	v5 =	vld [tilespmem:s7+$0xA0]  }
0x98: {  	v1 =	vadd.f32 v6, v1;
	v6 =	vld [tilespmem:s7+$0xB0]  }
0x99: {  	v0 =	vadd.f32 v2, v0;
	v2 =	vld [tilespmem:s7+$0xC0]  }
0x9a: {  	v1 =	vadd.f32 v3, v1;
	v3 =	vld [tilespmem:s7+$0xD0]  }
0x9b: {  	v0 =	vadd.f32 v4, v0;
	v4 =	vld [tilespmem:s7+$0xE0]  }
0x9c: {  	v1 =	vadd.f32 v5, v1;
	v5 =	vld [tilespmem:s7+$0xF0]  }
0x9d: {  	v0 =	vadd.f32 v6, v0;
	v6 =	vld [tilespmem:s7+$0x100]  }
0x9e: {  	v1 =	vadd.f32 v2, v1;
	v2 =	vld [tilespmem:s7+$0x110]  }
0x9f: {  	v0 =	vadd.f32 v3, v0;
	v3 =	vld [tilespmem:s7+$0x120]  }
0xa0: {  	v1 =	vadd.f32 v4, v1;
	v4 =	vld [tilespmem:s7+$0x130]  }
0xa1: {  	v0 =	vadd.f32 v5, v0  }
.Ltmp0:
0xa2: {  	v1 =	vadd.f32 v6, v1;
	(pc) =	sbr.rel @p0 .LBB2_3-.Ltmp0, $4  }
0xa3: {  	v0 =	vadd.f32 v2, v0  }
0xa4: {  	v1 =	vadd.f32 v3, v1  }
0xa5: {  	s1 =	sshra.s32 s1, $0x2;
	v0 =	vadd.f32 v4, v0  }
0xa6: {  	[tilespmem:s1+$0xA500] =	vst v1  }
0xa7: {  	s0 =	sadd.s32 $0x1, s0  }
0xa8: {  	s2 =	sshll.u32 s2, $0x8;
	p0 =	sne.s32 s0, $0xE  }
.Ltmp1:
0xa9: {  	[tilespmem:s1+$0xA510] =	vst v0;
	s31 =	sadd.s32 s5, s2;
	(pc) =	sbr.rel @p0 .LBB2_2-.Ltmp1, $4  }
0xaa: {  	[hbm4b:s31+s3] =	stream.linear.scatter [tilespmem:s30], [sflag:$0x2], $0x800, $0x38;
	[tilespmem:$0xAD00] =	vst v63  }
0xab: {  	_ =	swait.ge [sflag:s8], $0x800  }
0xac: {  	[sflag:s8] =	ssyncset.done $0x0  }
0xad: {  	[sflag:s8] =	ssyncadd.s32 $0xFFFFF800  }
0xae: {  	s1 =	rddreg [dreg:$0x4]  }
0xaf: {  	s0 =	rddreg [dreg:$0x3];
	s1 =	sadd.s32 $0x1, s1  }
0xb0: {  	p0 =	sne.s32 s1, s0  }
.Ltmp2:
0xb1: {  	_ = 	snop;
	(pc) =	sbr.rel @p0 .LBB2_1-.Ltmp2, $1  }
0xb2: {  	_ =	sdelay $0x3  }
0xb3: {  	_ =	sfence.sel $0x180000  }
0xb4: {  	[bflag:$0x0] =	sbarrier.arrive $0xFFFF  }
0xb5: {  	_ =	strace $0x90000047  }
0xb6: {  	s0 =	stileid.u32;
	[bflag:$0x2] =	sbarrier.arrive $0xFFFF  }
0xb7: {  	p0 =	sne.s32 s0, $0x0;
	s0 =	rddreg [dreg:$0x2]  }
0xb8: {  	s0 =	sadd.s32 @!p0 $0x100000, s0  }
0xb9: {  	[sflag:s0] =	ssyncadd.tile.s32 @!p0 $0x1;
	_ =	shalt  }
.Lfunc_end2:
_tile_overlayer_lowered:
.L_overlay_start_2:
0xba: {  	(tag) =	ssettag $0x2  }
0xbb: {  	s0 =	rddreg [dreg:$0x0];
	s2 =	stileid.u32  }
0xbc: {  	s1 =	rddreg [dreg:$0x1];
	p0 =	sne.s32 s2, $0x0  }
0xbd: {  	s3 =	rddreg [dreg:$0x2];
	[bflag:$0x3] =	sbarrier.arrive $0xFFFF;
	s2 =	simm.s32 @!p0 $0x1C02  }
0xbe: {  	[timem:s3], [sflag:s2] =	dma.local @!p0 [hbm:s0], s1  }
0xbf: {  	s0 =	simm.s32 @!p0 $0x2  }
0xc0: {  	_ =	swait.ge @!p0 [sflag:s0], s1  }
0xc1: {  	s1 =	ssub.s32 @!p0 $0x0, s1;
	[sflag:s0] =	ssyncset.done @!p0 $0x0  }
0xc2: {  	[sflag:s0] =	ssyncadd.s32 @!p0 s1  }
0xc3: {  	[bflag:$0x3] =	sbarrier.arrive $0xFFFF  }
0xc4: {  	_ =	shalt  }

// kernel: kernel.14.cloned.1.call-start
scs
__scs_entry_jumppad:
0x0: {  	(pc) =	sbr.rel $0x88, $3  }
0x1: {  	(tag) =	ssettag $0x0;
	lr =	simm.s32 $0x1  }
0x2: {  	[smem:$0x3F9F] =	sst lr;
	_ =	strace $0xD0000000  }
0x3: {  	_ = 	snop  }
0x4: {  	_ = 	snop  }
0x5: {  	_ = 	snop  }
0x6: {  	_ = 	snop  }
0x7: {  	_ = 	snop  }
__scs_overlays_trampoline_lowered:
0x8: {  	[smem:$0x3FAE] =	sst s0  }
0x9: {  	[smem:$0x3FAF] =	sst s1  }
0xa: {  	[smem:$0x3FB0] =	sst s2  }
0xb: {  	[smem:$0x3FB1] =	sst s3  }
0xc: {  	[smem:$0x3FB2] =	sst s4  }
0xd: {  	[smem:$0x3FB3] =	sst s5  }
0xe: {  	[smem:$0x3FB4] =	sst s6  }
0xf: {  	[smem:$0x3FB5] =	sst s7  }
0x10: {  	[smem:$0x3FB6] =	sst s8  }
0x11: {  	[smem:$0x3FB7] =	sst s9;
	s0 =	simm.s32 @!p0 $0x0  }
0x12: {  	s1 =	sld [smem:$0x3F9D];
	s0 =	simm.s32 @p0 $0x1  }
0x13: {  	[smem:$0x3FB8] =	sst s0;
	s0 =	simm.s32 @!p1 $0x0  }
0x14: {  	s2 =	sld [smem:$0x3F9C];
	s0 =	simm.s32 @p1 $0x1  }
0x15: {  	[smem:$0x3FB9] =	sst s0;
	s0 =	simm.s32 @!p2 $0x0  }
0x16: {  	s3 =	sld [smem:$0x3FDB];
	s0 =	simm.s32 @p2 $0x1  }
0x17: {  	s4 =	simm.s32 $0x1BF5;
	[smem:$0x3FBB] =	sst s0  }
0x18: {  	s0 =	sld [smem:$0x3F9E];
	_ =	swait.ge [sflag:s4], $0x0  }
0x19: {  	s7 =	sld [smem:$0x3F9F]  }
0x1a: {  	s8 =	sadd.s32 $0xFFFFE003, lr  }
0x1b: {  	s9 =	sadd.s32 $0xFFFFFEF7, lr;
	s5 =	simm.s32 $0xFFFFFFFF;
	p2 =	slt.u32 s8, $0xFFFFF086  }
0x1c: {  	p1 =	slt.u32 s9, $0xF7A;
	s5 =	simm.s32 @!p2 $0x0  }
0x1d: {  	s5 =	simm.s32 @p1 $0x1;
	p0 =	seq.s32 s7, s2  }
0x1e: {  	s7 =	smul.u32 @!p0 $0xF7A, s2;
	p2 =	seq.s32 @!p0 s5, $0x0  }
0x1f: {  	s9 =	smul.u32 $0xF7A, s1;
	s8 =	simm.s32 @!p0 $0x1BF5;
	p2 =	por !p2, p0  }
0x20: {  	[sflag:s8] =	ssyncset.s32 @!p0 $0xFFFFF086;
	s6 =	sadd.s32 @!p0 s3, s7;
	s7 =	simm.s32 @!p0 $0x108  }
0x21: {  	s3 =	sadd.s32 s3, s9;
	s6 =	sadd.s32 @!p0 $0x88, s6;
	s7 =	simm.s32 @p2 $0x1082  }
0x22: {  	[simem:s7], [sflag:s8] =	dma.local @!p0 [hbm:s6], $0xF7A  }
0x23: {  	s9 =	sor.u32 $0xD0000000, s2;
	s6 =	simm.s32 $0x108;
	_ =	swait.ge @!p0 [sflag:s8], $0x0  }
0x24: {  	s3 =	sadd.s32 $0x88, s3;
	s6 =	simm.s32 @!p1 $0x1082;
	[sflag:s4] =	ssyncset.s32 $0xFFFFF086  }
0x25: {  	[simem:s6], [sflag:s4] =	dma.local [hbm:s3], $0xF7A  }
0x26: {  	[smem:$0x3F9F] =	sst s1;
	(tag) =	ssettag s2;
	_ =	strace s9  }
0x27: {  	s1 =	sld [smem:$0x3FAF]  }
0x28: {  	s2 =	sld [smem:$0x3FB0]  }
0x29: {  	s4 =	sld [smem:$0x3FB2]  }
0x2a: {  	p0 =	seq.s32 s5, $0x0;
	s5 =	sld [smem:$0x3FB3]  }
0x2b: {  	s6 =	sld [smem:$0x3FB4]  }
0x2c: {  	s7 =	sld [smem:$0x3FB5]  }
0x2d: {  	s3 =	simm.s32 $0x108;
	s8 =	sld [smem:$0x3FB6]  }
0x2e: {  	s3 =	simm.s32 @!p0 $0x1082;
	s9 =	sld [smem:$0x3FB7]  }
0x2f: {  	lr =	sadd.s32 s0, s3;
	s0 =	sld [smem:$0x3FAE]  }
0x30: {  	s3 =	sld [smem:$0x3FB1]  }
0x31: {  	[smem:$0x3FBA] =	sst s10  }
0x32: {  	s10 =	sld [smem:$0x3FB8];
	_ =	sdelay $0x3  }
0x33: {  	p0 =	seq.s32 s10, $0x1;
	s10 =	sld [smem:$0x3FBA];
	_ =	sdelay $0x3  }
0x34: {  	[smem:$0x3FBA] =	sst s10  }
0x35: {  	s10 =	sld [smem:$0x3FB9];
	_ =	sdelay $0x3  }
0x36: {  	p1 =	seq.s32 s10, $0x1;
	s10 =	sld [smem:$0x3FBA];
	_ =	sdelay $0x3  }
0x37: {  	[smem:$0x3FBA] =	sst s10  }
0x38: {  	s10 =	sld [smem:$0x3FBB]  }
0x39: {  	_ = 	snop;
	(pc) =	sbr.ind lr, $3  }
0x3a: {  	_ = 	snop  }
0x3b: {  	_ = 	snop  }
0x3c: {  	p2 =	seq.s32 s10, $0x1;
	s10 =	sld [smem:$0x3FBA]  }
0x3d: {  	_ =	shalt  }
0x3e: {  	_ =	shalt  }
0x3f: {  	_ =	shalt  }
0x40: {  	_ =	shalt  }
0x41: {  	_ =	shalt  }
0x42: {  	_ =	shalt  }
0x43: {  	_ =	shalt  }
0x44: {  	_ =	shalt  }
0x45: {  	_ =	shalt  }
0x46: {  	_ =	shalt  }
0x47: {  	_ =	shalt  }
0x48: {  	_ =	shalt  }
0x49: {  	_ =	shalt  }
0x4a: {  	_ =	shalt  }
0x4b: {  	_ =	shalt  }
0x4c: {  	_ =	shalt  }
0x4d: {  	_ =	shalt  }
0x4e: {  	_ =	shalt  }
0x4f: {  	_ =	shalt  }
0x50: {  	_ =	shalt  }
0x51: {  	_ =	shalt  }
0x52: {  	_ =	shalt  }
0x53: {  	_ =	shalt  }
0x54: {  	_ =	shalt  }
0x55: {  	_ =	shalt  }
0x56: {  	_ =	shalt  }
0x57: {  	_ =	shalt  }
0x58: {  	_ =	shalt  }
0x59: {  	_ =	shalt  }
0x5a: {  	_ =	shalt  }
0x5b: {  	_ =	shalt  }
0x5c: {  	_ =	shalt  }
0x5d: {  	_ =	shalt  }
0x5e: {  	_ =	shalt  }
0x5f: {  	_ =	shalt  }
0x60: {  	_ =	shalt  }
0x61: {  	_ =	shalt  }
0x62: {  	_ =	shalt  }
0x63: {  	_ =	shalt  }
0x64: {  	_ =	shalt  }
0x65: {  	_ =	shalt  }
0x66: {  	_ =	shalt  }
0x67: {  	_ =	shalt  }
0x68: {  	_ =	shalt  }
0x69: {  	_ =	shalt  }
0x6a: {  	_ =	shalt  }
0x6b: {  	_ =	shalt  }
0x6c: {  	_ =	shalt  }
0x6d: {  	_ =	shalt  }
0x6e: {  	_ =	shalt  }
0x6f: {  	_ =	shalt  }
0x70: {  	_ =	shalt  }
0x71: {  	_ =	shalt  }
0x72: {  	_ =	shalt  }
0x73: {  	_ =	shalt  }
0x74: {  	_ =	shalt  }
0x75: {  	_ =	shalt  }
0x76: {  	_ =	shalt  }
0x77: {  	_ =	shalt  }
0x78: {  	_ =	shalt  }
0x79: {  	_ =	shalt  }
0x7a: {  	_ =	shalt  }
0x7b: {  	_ =	shalt  }
0x7c: {  	_ =	shalt  }
0x7d: {  	_ =	shalt  }
0x7e: {  	_ =	shalt  }
0x7f: {  	_ =	shalt  }
0x80: {  	_ =	shalt  }
0x81: {  	_ =	shalt  }
0x82: {  	_ =	shalt  }
0x83: {  	_ =	shalt  }
0x84: {  	_ =	shalt  }
0x85: {  	_ =	shalt  }
0x86: {  	_ =	shalt  }
0x87: {  	_ =	shalt  }
.Lfunc_end0:
.L_simem_size_0:
called_computation.1_lowered:
.L_overlay_start_0:
0x88: {  	s2 =	sld [smem:$0x3FD9]  }
0x89: {  	s3 =	sld [smem:$0x3FFE];
	_ =	sdelay $0x1  }
0x8a: {  	s1 =	srdreg.scid  }
0x8b: {  	s0 =	sand.u32 $0x1, s1  }
0x8c: {  	s17 =	sshll.u32 s0, $0xA;
	s2 =	sadd.s32 s3, s2  }
0x8d: {  	s2 =	sadd.s32 s2, s17  }
0x8e: {  	[smem:$0x3FC6] =	sst s2  }
0x8f: {  	_ = 	snop  }
0x90: {  	s18 =	sld [smem:$0x3FD0];
	(tm) =	ssettm $0x1  }
0x91: {  	s19 =	sld [smem:$0x3FFB];
	_ =	sdelay $0x3  }
0x92: {  	_ =	strace s19  }
0x93: {  	s2 =	sld [smem:$0x3FFC];
	_ =	sdelay $0x3  }
0x94: {  	_ =	strace s2  }
0x95: {  	s2 =	sld [smem:$0x3FFD];
	_ =	sdelay $0x3  }
0x96: {  	_ =	strace s2  }
0x97: {  	_ =	strace $0x8FFFFFFF  }
0x98: {  	s20 =	sld [smem:$0x3FDB];
	_ =	sdelay $0x1  }
0x99: {  	s4 =	simm.s32 $_scs_section_size  }
0x9a: {  	s5 =	simm.s32 $_size__tile_overlayer_lowered;
	s6 =	simm.s32 $_tile_overlayer_lowered  }
0x9b: {  	s7 =	simm.s32 $0x1BFF;
	s21 =	sshll.u32 s6, $0x1;
	s4 =	sadd.s32 s4, s20  }
0x9c: {  	s22 =	simm.s32 $0x0;
	s5 =	sshll.u32 s5, $0x1;
	s6 =	sadd.s32 s21, s4  }
0x9d: {  	[timem:s22], [sflag:s7] =	dma.local [hbm:s6], s5  }
0x9e: {  	_ =	swait.ge [sflag:s7], s5  }
0x9f: {  	s5 =	ssub.s32 $0x0, s5;
	[sflag:s7] =	ssyncset.done $0x0  }
0xa0: {  	[sflag:s7] =	ssyncadd.s32 s5;
	_ =	sdelay $0x1  }
0xa1: {  	s23 =	simm.s32 $0x1B8B  }
0xa2: {  	_ =	swait.ge [sflag:s23], $0x1  }
0xa3: {  	[sflag:s23] =	ssyncset.done $0x0  }
0xa4: {  	[sflag:s23] =	ssyncadd.s32 $0xFFFFFFFF  }
0xa5: {  	s5 =	sld [smem:$0x0]  }
0xa6: {  	s6 =	sand.u32 $0xFFFFFFFE, s1  }
0xa7: {  	p0 =	sne.s32 s1, s6  }
0xa8: {  	s6 =	sshll.u32 @p0 s6, $0xE  }
0xa9: {  	s6 =	sadd.s32 @p0 $0x11B8D, s6;
	s7 =	sshll.u32 @p0 s5, $0x11  }
0xaa: {  	s6 =	sor.u32 @p0 s7, s6  }
0xab: {  	[sflag:s6] =	ssyncadd.remote.s32 @p0 $0x1;
	_ =	sdelay $0x1  }
0xac: {  	s6 =	simm.s32 @p0 $0x1B8D  }
0xad: {  	_ =	swait.eq @p0 [sflag:s6], $0x1  }
0xae: {  	[sflag:s6] =	ssyncadd.s32 @p0 $0xFFFFFFFF  }
0xaf: {  	s7 =	sshll.u32 @!p0 s1, $0xE  }
0xb0: {  	s7 =	sor.u32 @!p0 $0x4000, s7;
	s6 =	simm.s32 @!p0 $0x1B8D  }
0xb1: {  	s5 =	sshll.u32 @!p0 s5, $0x11;
	s7 =	sadd.s32 @!p0 $0x11B8D, s7;
	_ =	swait.eq @!p0 [sflag:s6], $0x1  }
0xb2: {  	s5 =	sor.u32 @!p0 s5, s7;
	[sflag:s6] =	ssyncadd.s32 @!p0 $0xFFFFFFFF  }
0xb3: {  	s25 =	simm.s32 $0x1B8E;
	s24 =	sld [smem:$0x3FFE];
	[sflag:s5] =	ssyncadd.remote.s32 @!p0 $0x1  }
0xb4: {  	s26 =	simm.s32 $execute0_lowered;
	[smem:$0x3FD2] =	sst s25  }
0xb5: {  	s6 =	sshll.u32 s26, $0x1;
	_ =	strace $0x80000049;
	[dreg:$0x1] =	wrdreg $0xFFFFFFFF  }
0xb6: {  	s28 =	simm.s32 $_size_execute0_lowered;
	s4 =	sadd.s32 s4, s6;
	[dreg:$0x0] =	wrdreg $0x0  }
0xb7: {  	s6 =	sshll.u32 s28, $0x1;
	[dreg:$0x2] =	wrdreg s4  }
0xb8: {  	[dreg:$0x3] =	wrdreg s6  }
0xb9: {  	[dreg:$0x4] =	wrdreg $0xC0  }
0xba: {  	_ =	task [dreg:s22], $0x5FFFF  }
0xbb: {  	[dreg:$0x1] =	wrdreg $0xFFFFFFFF  }
0xbc: {  	[dreg:$0x0] =	wrdreg $0x60  }
0xbd: {  	[dreg:$0x2] =	wrdreg s18  }
0xbe: {  	[dreg:$0x3] =	wrdreg s24  }
0xbf: {  	[dreg:$0x4] =	wrdreg $0xA  }
0xc0: {  	_ =	task.clear_ibuf [dreg:s22], $0x5FFFF;
	_ =	strace $0x90000049  }
0xc1: {  	s29 =	simm.s32 $0xA;
	_ =	strace $0x8000004B  }
0xc2: {  	_ =	swait.ge [sflag:s29], $0x1  }
0xc3: {  	[sflag:s29] =	ssyncadd.s32 $0xFFFFFFFF  }
0xc4: {  	_ =	strace $0x9000004B  }
0xc5: {  	_ =	sfence  }
0xc6: {  	s30 =	sld [smem:$0x0];
	_ =	sdelay $0x2  }
0xc7: {  	s31 =	sshll.u32 s1, $0xD;
	s1 =	sshrl.u32 s1, $0x2  }
0xc8: {  	s4 =	sand.u32 $0x4000, s31;
	s1 =	sadd.s32 s1, s30  }
0xc9: {  	s0 =	sor.u32 s4, s0;
	s1 =	sshll.u32 s1, $0x11  }
0xca: {  	s0 =	sor.u32 s1, s0  }
0xcb: {  	s0 =	sadd.s32 $0x8F2B, s0  }
0xcc: {  	[sflag:s0] =	ssyncadd.remote.s32 $0x1  }
0xcd: {  	_ =	sfence.sel $0xFFFF  }
0xce: {  	[dreg:$0x0] =	wrdreg $0xFFFFFFFF;
	(pc) =	sbr.abs _section_cstart, $3  }
0xcf: {  	[dreg:$0x1] =	wrdreg $0xFFFFFFFF  }
0xd0: {  	_ =	task.clear_ibuf [dreg:s22], $0x2FFFF;
	_ =	strace $0x9FFFFFFF  }
0xd1: {  	(tm) =	ssettm $0x7FFFFFFF  }
tec
execute0_lowered:
.L_overlay_start_1:
0x0: {  	(tag) =	ssettag $0x1  }
0x1: {  	s0 =	rddreg [dreg:$0x1]  }
0x2: {  	s3 =	simm.s32 $0x0;
	s1 =	srdreg.scid;
	s4 =	stileid.u32  }
0x3: {  	s8 =	simm.s32 $0x2;
	s9 =	simm.s32 $0x80;
	s10 =	simm.s32 $0x500  }
0x4: {  	s11 =	simm.s32 $0x1500;
	s12 =	simm.s32 $0x100;
	s13 =	simm.s32 $0x2500  }
0x5: {  	s14 =	simm.s32 $0x180;
	s15 =	simm.s32 $0x3500;
	s16 =	simm.s32 $0x200  }
0x6: {  	s17 =	simm.s32 $0x4500;
	s18 =	simm.s32 $0x280;
	s19 =	simm.s32 $0x5500  }
0x7: {  	s20 =	simm.s32 $0x300;
	s21 =	simm.s32 $0x6500;
	s22 =	simm.s32 $0x380  }
0x8: {  	s23 =	simm.s32 $0x7500;
	s24 =	simm.s32 $0x400;
	s25 =	simm.s32 $0x8500  }
0x9: {  	s26 =	simm.s32 $0x480;
	s28 =	simm.s32 $0x9500;
	s1 =	sand.u32 $0x1, s1  }
0xa: {  	s29 =	simm.s32 $0x1;
	s30 =	simm.s32 $0xA500;
	s2 =	ssub.s32 $0x2, s1  }
0xb: {  	[smem:$0x7FF] =	sst s3;
	s5 =	sshll.u32 s4, $0x1;
	s6 =	sshrl.u32 s2, $0x1  }
0xc: {  	s4 =	sadd.s32 $0x5AE600, s0;
	_ =	strace $0x8000004A;
	s31 =	ssub.s32 s2, s6  }
0xd: {  	s1 =	sor.u32 s1, s5;
	s5 =	sadd.s32 $0xB06E00, s0;
	s0 =	smax.u32 s31, $0x1  }
0xe: {  	s6 =	smul.u32 $0xE, s1;
	s1 =	simm.s32 $0x0;
	[dreg:$0x3] =	wrdreg s0  }
.LBB2_1:
0xf: {  	[dreg:$0x4] =	wrdreg s1;
	s0 =	simm.s32 $0x0  }
.LBB2_2:
0x10: {  	s2 =	sadd.s32 s6, s0  }
0x11: {  	s1 =	smul.u32 $0x500, s2;
	_ =	sdelay $0x1  }
0x12: {  	s7 =	rddreg [dreg:$0x0];
	s1 =	sshrl.u32 s1, $0x3  }
0x13: {  	s1 =	sadd.s32 s7, s1  }
0x14: {  	s7 =	simm.s32 $0x0;
	s1 =	sadd.s32 $0x11800, s1  }
0x15: {  	[tilespmem:s7], [sflag:$0x2] =	stream.linear.gather [hbm4b:s1+s7], $0x500, $0x38;
	[tilespmem:$0xAD00] =	vst v63  }
0x16: {  	s1 =	sshrl.u32 s2, $0x6  }
0x17: {  	_ =	swait.ge [sflag:s8], $0x500;
	s1 =	smul.u32 $0xC3800, s1  }
0x18: {  	[sflag:s8] =	ssyncset.done $0x0  }
0x19: {  	[sflag:s8] =	ssyncadd.s32 $0xFFFFFB00;
	s1 =	sadd.s32 s4, s1  }
0x1a: {  	[tilespmem:s10], [sflag:$0x1] =	stream.indirect.gather [hbm4b:s1+s9], $0x20, s7, s9, $0xb8;
	[tilespmem:$0xAD00] =	vst v63  }
0x1b: {  	_ = 	snop  }
0x1c: {  	[tilespmem:s11], [sflag:$0x1] =	stream.indirect.gather [hbm4b:s1+s9], $0x20, s9, s9, $0xb8;
	[tilespmem:$0xAD00] =	vst v63  }
0x1d: {  	_ = 	snop  }
0x1e: {  	[tilespmem:s13], [sflag:$0x1] =	stream.indirect.gather [hbm4b:s1+s9], $0x20, s12, s9, $0xb8;
	[tilespmem:$0xAD00] =	vst v63  }
0x1f: {  	_ = 	snop  }
0x20: {  	[tilespmem:s15], [sflag:$0x1] =	stream.indirect.gather [hbm4b:s1+s9], $0x20, s14, s9, $0xb8;
	[tilespmem:$0xAD00] =	vst v63  }
0x21: {  	_ = 	snop  }
0x22: {  	[tilespmem:s17], [sflag:$0x1] =	stream.indirect.gather [hbm4b:s1+s9], $0x20, s16, s9, $0xb8;
	[tilespmem:$0xAD00] =	vst v63  }
0x23: {  	_ = 	snop  }
0x24: {  	[tilespmem:s19], [sflag:$0x1] =	stream.indirect.gather [hbm4b:s1+s9], $0x20, s18, s9, $0xb8;
	[tilespmem:$0xAD00] =	vst v63  }
0x25: {  	_ = 	snop  }
0x26: {  	[tilespmem:s21], [sflag:$0x1] =	stream.indirect.gather [hbm4b:s1+s9], $0x20, s20, s9, $0xb8;
	[tilespmem:$0xAD00] =	vst v63  }
0x27: {  	_ = 	snop  }
0x28: {  	[tilespmem:s23], [sflag:$0x1] =	stream.indirect.gather [hbm4b:s1+s9], $0x20, s22, s9, $0xb8;
	[tilespmem:$0xAD00] =	vst v63  }
0x29: {  	_ = 	snop  }
0x2a: {  	[tilespmem:s25], [sflag:$0x1] =	stream.indirect.gather [hbm4b:s1+s9], $0x20, s24, s9, $0xb8;
	[tilespmem:$0xAD00] =	vst v63  }
0x2b: {  	_ = 	snop  }
0x2c: {  	[tilespmem:s28], [sflag:$0x1] =	stream.indirect.gather [hbm4b:s1+s9], $0x20, s26, s9, $0xb8;
	[tilespmem:$0xAD00] =	vst v63  }
0x2d: {  	_ =	swait.ge [sflag:s29], $0x1000  }
0x2e: {  	[sflag:s29] =	ssyncset.done $0x0  }
0x2f: {  	[sflag:s29] =	ssyncadd.s32 $0xFFFFF000  }
0x30: {  	_ =	swait.ge [sflag:s29], $0x1000  }
0x31: {  	[sflag:s29] =	ssyncset.done $0x0  }
0x32: {  	[sflag:s29] =	ssyncadd.s32 $0xFFFFF000  }
0x33: {  	_ =	swait.ge [sflag:s29], $0x1000  }
0x34: {  	[sflag:s29] =	ssyncset.done $0x0  }
0x35: {  	[sflag:s29] =	ssyncadd.s32 $0xFFFFF000  }
0x36: {  	_ =	swait.ge [sflag:s29], $0x1000  }
0x37: {  	[sflag:s29] =	ssyncset.done $0x0  }
0x38: {  	[sflag:s29] =	ssyncadd.s32 $0xFFFFF000  }
0x39: {  	_ =	swait.ge [sflag:s29], $0x1000  }
0x3a: {  	[sflag:s29] =	ssyncset.done $0x0  }
0x3b: {  	[sflag:s29] =	ssyncadd.s32 $0xFFFFF000  }
0x3c: {  	_ =	swait.ge [sflag:s29], $0x1000  }
0x3d: {  	[sflag:s29] =	ssyncset.done $0x0  }
0x3e: {  	[sflag:s29] =	ssyncadd.s32 $0xFFFFF000  }
0x3f: {  	_ =	swait.ge [sflag:s29], $0x1000  }
0x40: {  	[sflag:s29] =	ssyncset.done $0x0  }
0x41: {  	[sflag:s29] =	ssyncadd.s32 $0xFFFFF000  }
0x42: {  	_ =	swait.ge [sflag:s29], $0x1000  }
0x43: {  	[sflag:s29] =	ssyncset.done $0x0  }
0x44: {  	[sflag:s29] =	ssyncadd.s32 $0xFFFFF000  }
0x45: {  	_ =	swait.ge [sflag:s29], $0x1000  }
0x46: {  	[sflag:s29] =	ssyncset.done $0x0  }
0x47: {  	[sflag:s29] =	ssyncadd.s32 $0xFFFFF000  }
0x48: {  	_ =	swait.ge [sflag:s29], $0x1000  }
0x49: {  	[sflag:s29] =	ssyncset.done $0x0  }
0x4a: {  	s7 =	simm.s32 $0x640;
	[sflag:s29] =	ssyncadd.s32 $0xFFFFF000  }
0x4b: {  	v0 =	vld [tilespmem:s7+$0xFFFFFEF0]  }
0x4c: {  	v1 =	vld [tilespmem:s7+$0xFFFFFEC0]  }
0x4d: {  	v2 =	vld [tilespmem:s7+$0xFFFFFEE0]  }
0x4e: {  	v3 =	vld [tilespmem:s7+$0xFFFFFED0]  }
0x4f: {  	v4 =	vld [tilespmem:s7+$0xFFFFFF00]  }
0x50: {  	v5 =	vld [tilespmem:s7+$0xFFFFFF10]  }
0x51: {  	v6 =	vld [tilespmem:s7+$0xFFFFFF20]  }
0x52: {  	v7 =	vld [tilespmem:s7+$0xFFFFFF40];
	v1 =	vadd.f32 v2, v1  }
0x53: {  	v2 =	vld [tilespmem:s7+$0xFFFFFF30]  }
0x54: {  	v44 =	vld [tilespmem:s7+$0xFFFFFF60];
	v0 =	vadd.f32 v0, v3;
	v1 =	vadd.f32 v4, v1  }
0x55: {  	v3 =	vld [tilespmem:s7+$0xFFFFFF50]  }
0x56: {  	v45 =	vld [tilespmem:s7+$0xFFFFFF70];
	v0 =	vadd.f32 v5, v0;
	v1 =	vadd.f32 v6, v1  }
0x57: {  	v46 =	vld [tilespmem:s7+$0xFFFFFF80]  }
0x58: {  	v47 =	vld [tilespmem:s7+$0xFFFFFFA0];
	v0 =	vadd.f32 v2, v0;
	v1 =	vadd.f32 v7, v1  }
0x59: {  	v2 =	vld [tilespmem:s7+$0xFFFFFF90]  }
0x5a: {  	v48 =	vld [tilespmem:s7+$0xFFFFFFC0];
	v0 =	vadd.f32 v3, v0;
	v1 =	vadd.f32 v44, v1  }
0x5b: {  	v3 =	vld [tilespmem:s7+$0xFFFFFFB0]  }
0x5c: {  	v49 =	vld [tilespmem:s7+$0xFFFFFFD0];
	v0 =	vadd.f32 v45, v0;
	v1 =	vadd.f32 v46, v1  }
0x5d: {  	v50 =	vld [tilespmem:s7+$0xFFFFFFE0]  }
0x5e: {  	v51 =	vld [tilespmem:s7+$0x0];
	v0 =	vadd.f32 v2, v0;
	v1 =	vadd.f32 v47, v1  }
0x5f: {  	v2 =	vld [tilespmem:s7+$0xFFFFFFF0]  }
0x60: {  	v52 =	vld [tilespmem:s7+$0x20];
	v0 =	vadd.f32 v3, v0;
	v1 =	vadd.f32 v48, v1  }
0x61: {  	v3 =	vld [tilespmem:s7+$0x10]  }
0x62: {  	v53 =	vld [tilespmem:s7+$0x30];
	v0 =	vadd.f32 v49, v0;
	v1 =	vadd.f32 v50, v1  }
0x63: {  	v54 =	vld [tilespmem:s7+$0x40]  }
0x64: {  	v55 =	vld [tilespmem:s7+$0x60];
	v0 =	vadd.f32 v2, v0;
	v1 =	vadd.f32 v51, v1  }
0x65: {  	v2 =	vld [tilespmem:s7+$0x50]  }
0x66: {  	v56 =	vld [tilespmem:s7+$0x80];
	v0 =	vadd.f32 v3, v0;
	v1 =	vadd.f32 v52, v1  }
0x67: {  	v3 =	vld [tilespmem:s7+$0x70]  }
0x68: {  	v57 =	vld [tilespmem:s7+$0x90];
	v0 =	vadd.f32 v53, v0;
	v1 =	vadd.f32 v54, v1  }
0x69: {  	v58 =	vld [tilespmem:s7+$0xA0]  }
0x6a: {  	v59 =	vld [tilespmem:s7+$0xC0];
	v0 =	vadd.f32 v2, v0;
	v1 =	vadd.f32 v55, v1  }
0x6b: {  	v2 =	vld [tilespmem:s7+$0xB0]  }
0x6c: {  	v60 =	vld [tilespmem:s7+$0xE0];
	v0 =	vadd.f32 v3, v0;
	v1 =	vadd.f32 v56, v1  }
0x6d: {  	v3 =	vld [tilespmem:s7+$0xD0]  }
0x6e: {  	v61 =	vld [tilespmem:s7+$0xF0];
	v0 =	vadd.f32 v57, v0;
	v1 =	vadd.f32 v58, v1  }
0x6f: {  	v62 =	vld [tilespmem:s7+$0x100]  }
0x70: {  	v63 =	vld [tilespmem:s7+$0x120];
	v0 =	vadd.f32 v2, v0;
	v1 =	vadd.f32 v59, v1  }
0x71: {  	v2 =	vld [tilespmem:s7+$0x110]  }
0x72: {  	v0 =	vadd.f32 v3, v0;
	v1 =	vadd.f32 v60, v1  }
0x73: {  	v3 =	vld [tilespmem:s7+$0x130]  }
0x74: {  	v0 =	vadd.f32 v61, v0;
	v1 =	vadd.f32 v62, v1;
	_ =	sdelay $0x1  }
0x75: {  	v0 =	vadd.f32 v2, v0;
	v1 =	vadd.f32 v63, v1  }
0x76: {  	s1 =	simm.s32 $0x0  }
0x77: {  	s31 =	simm.s32 $0x80;
	v0 =	vadd.f32 v3, v0;
	[tilespmem:s1+$0xA500] =	vst v1  }
.LBB2_3:
0x78: {  	p0 =	sne.s32 s31, $0x1F80  }
0x79: {  	[tilespmem:s1+$0xA510] =	vst v0;
	s7 =	sadd.s32 $0x280, s7;
	s1 =	smov.u32 s31;
	s31 =	sadd.s32 $0x80, s31  }
0x7a: {  	v0 =	vld [tilespmem:s7+$0xFFFFFEF0]  }
0x7b: {  	v1 =	vld [tilespmem:s7+$0xFFFFFEC0]  }
0x7c: {  	v2 =	vld [tilespmem:s7+$0xFFFFFEE0]  }
0x7d: {  	v3 =	vld [tilespmem:s7+$0xFFFFFED0]  }
0x7e: {  	v4 =	vld [tilespmem:s7+$0xFFFFFF00]  }
0x7f: {  	v5 =	vld [tilespmem:s7+$0xFFFFFF10]  }
0x80: {  	v6 =	vld [tilespmem:s7+$0xFFFFFF20]  }
0x81: {  	v1 =	vadd.f32 v2, v1;
	v2 =	vld [tilespmem:s7+$0xFFFFFF30]  }
0x82: {  	v0 =	vadd.f32 v0, v3;
	v3 =	vld [tilespmem:s7+$0xFFFFFF40]  }
0x83: {  	v1 =	vadd.f32 v4, v1;
	v4 =	vld [tilespmem:s7+$0xFFFFFF50]  }
0x84: {  	v0 =	vadd.f32 v5, v0;
	v5 =	vld [tilespmem:s7+$0xFFFFFF60]  }
0x85: {  	v1 =	vadd.f32 v6, v1;
	v6 =	vld [tilespmem:s7+$0xFFFFFF70]  }
0x86: {  	v0 =	vadd.f32 v2, v0;
	v2 =	vld [tilespmem:s7+$0xFFFFFF80]  }
0x87: {  	v1 =	vadd.f32 v3, v1;
	v3 =	vld [tilespmem:s7+$0xFFFFFF90]  }
0x88: {  	v0 =	vadd.f32 v4, v0;
	v4 =	vld [tilespmem:s7+$0xFFFFFFA0]  }
0x89: {  	v1 =	vadd.f32 v5, v1;
	v5 =	vld [tilespmem:s7+$0xFFFFFFB0]  }
0x8a: {  	v0 =	vadd.f32 v6, v0;
	v6 =	vld [tilespmem:s7+$0xFFFFFFC0]  }
0x8b: {  	v1 =	vadd.f32 v2, v1;
	v2 =	vld [tilespmem:s7+$0xFFFFFFD0]  }
0x8c: {  	v0 =	vadd.f32 v3, v0;
	v3 =	vld [tilespmem:s7+$0xFFFFFFE0]  }
0x8d: {  	v1 =	vadd.f32 v4, v1;
	v4 =	vld [tilespmem:s7+$0xFFFFFFF0]  }
0x8e: {  	v0 =	vadd.f32 v5, v0;
	v5 =	vld [tilespmem:s7+$0x0]  }
0x8f: {  	v1 =	vadd.f32 v6, v1;
	v6 =	vld [tilespmem:s7+$0x10]  }
0x90: {  	v0 =	vadd.f32 v2, v0;
	v2 =	vld [tilespmem:s7+$0x20]  }
0x91: {  	v1 =	vadd.f32 v3, v1;
	v3 =	vld [tilespmem:s7+$0x30]  }
0x92: {  	v0 =	vadd.f32 v4, v0;
	v4 =	vld [tilespmem:s7+$0x40]  }
0x93: {  	v1 =	vadd.f32 v5, v1;
	v5 =	vld [tilespmem:s7+$0x50]  }
0x94: {  	v0 =	vadd.f32 v6, v0;
	v6 =	vld [tilespmem:s7+$0x60]  }
0x95: {  	v1 =	vadd.f32 v2, v1;
	v2 =	vld [tilespmem:s7+$0x70]  }
0x96: {  	v0 =	vadd.f32 v3, v0;
	v3 =	vld [tilespmem:s7+$0x80]  }
0x97: {  	v1 =	vadd.f32 v4, v1;
	v4 =	vld [tilespmem:s7+$0x90]  }
0x98: {  	v0 =	vadd.f32 v5, v0;
	v5 =	vld [tilespmem:s7+$0xA0]  }
0x99: {  	v1 =	vadd.f32 v6, v1;
	v6 =	vld [tilespmem:s7+$0xB0]  }
0x9a: {  	v0 =	vadd.f32 v2, v0;
	v2 =	vld [tilespmem:s7+$0xC0]  }
0x9b: {  	v1 =	vadd.f32 v3, v1;
	v3 =	vld [tilespmem:s7+$0xD0]  }
0x9c: {  	v0 =	vadd.f32 v4, v0;
	v4 =	vld [tilespmem:s7+$0xE0]  }
0x9d: {  	v1 =	vadd.f32 v5, v1;
	v5 =	vld [tilespmem:s7+$0xF0]  }
0x9e: {  	v0 =	vadd.f32 v6, v0;
	v6 =	vld [tilespmem:s7+$0x100]  }
0x9f: {  	v1 =	vadd.f32 v2, v1;
	v2 =	vld [tilespmem:s7+$0x110]  }
0xa0: {  	v0 =	vadd.f32 v3, v0;
	v3 =	vld [tilespmem:s7+$0x120]  }
0xa1: {  	v1 =	vadd.f32 v4, v1;
	v4 =	vld [tilespmem:s7+$0x130]  }
0xa2: {  	v0 =	vadd.f32 v5, v0  }
.Ltmp0:
0xa3: {  	v1 =	vadd.f32 v6, v1;
	(pc) =	sbr.rel @p0 .LBB2_3-.Ltmp0, $4  }
0xa4: {  	v0 =	vadd.f32 v2, v0  }
0xa5: {  	v1 =	vadd.f32 v3, v1  }
0xa6: {  	s1 =	sshra.s32 s1, $0x2;
	v0 =	vadd.f32 v4, v0  }
0xa7: {  	[tilespmem:s1+$0xA500] =	vst v1  }
0xa8: {  	s0 =	sadd.s32 $0x1, s0  }
0xa9: {  	s2 =	sshll.u32 s2, $0x8;
	p0 =	sne.s32 s0, $0xE  }
.Ltmp1:
0xaa: {  	[tilespmem:s1+$0xA510] =	vst v0;
	s31 =	sadd.s32 s5, s2;
	(pc) =	sbr.rel @p0 .LBB2_2-.Ltmp1, $4  }
0xab: {  	[hbm4b:s31+s3] =	stream.linear.scatter [tilespmem:s30], [sflag:$0x2], $0x800, $0x38;
	[tilespmem:$0xAD00] =	vst v63  }
0xac: {  	_ =	swait.ge [sflag:s8], $0x800  }
0xad: {  	[sflag:s8] =	ssyncset.done $0x0  }
0xae: {  	[sflag:s8] =	ssyncadd.s32 $0xFFFFF800  }
0xaf: {  	s1 =	rddreg [dreg:$0x4]  }
0xb0: {  	s0 =	rddreg [dreg:$0x3];
	s1 =	sadd.s32 $0x1, s1  }
0xb1: {  	p0 =	sne.s32 s1, s0  }
.Ltmp2:
0xb2: {  	_ = 	snop;
	(pc) =	sbr.rel @p0 .LBB2_1-.Ltmp2, $1  }
0xb3: {  	_ =	sdelay $0x3  }
0xb4: {  	_ =	sfence.sel $0x180000  }
0xb5: {  	[bflag:$0x0] =	sbarrier.arrive $0xFFFF  }
0xb6: {  	_ =	strace $0x9000004A  }
0xb7: {  	s0 =	stileid.u32;
	[bflag:$0x2] =	sbarrier.arrive $0xFFFF  }
0xb8: {  	p0 =	sne.s32 s0, $0x0;
	s0 =	rddreg [dreg:$0x2]  }
0xb9: {  	s0 =	sadd.s32 @!p0 $0x100000, s0  }
0xba: {  	[sflag:s0] =	ssyncadd.tile.s32 @!p0 $0x1;
	_ =	shalt  }
.Lfunc_end2:
_tile_overlayer_lowered:
.L_overlay_start_2:
0xbb: {  	(tag) =	ssettag $0x2  }
0xbc: {  	s0 =	rddreg [dreg:$0x0];
	s2 =	stileid.u32  }
0xbd: {  	s1 =	rddreg [dreg:$0x1];
	p0 =	sne.s32 s2, $0x0  }
0xbe: {  	s3 =	rddreg [dreg:$0x2];
	[bflag:$0x3] =	sbarrier.arrive $0xFFFF;
	s2 =	simm.s32 @!p0 $0x1C02  }
0xbf: {  	[timem:s3], [sflag:s2] =	dma.local @!p0 [hbm:s0], s1  }
0xc0: {  	s0 =	simm.s32 @!p0 $0x2  }
0xc1: {  	_ =	swait.ge @!p0 [sflag:s0], s1  }
0xc2: {  	s1 =	ssub.s32 @!p0 $0x0, s1;
	[sflag:s0] =	ssyncset.done @!p0 $0x0  }
0xc3: {  	[sflag:s0] =	ssyncadd.s32 @!p0 s1  }
0xc4: {  	[bflag:$0x3] =	sbarrier.arrive $0xFFFF  }
0xc5: {  	_ =	shalt  }

// kernel: kernel.17.cloned.1.call-start
scs
__scs_entry_jumppad:
0x0: {  	(pc) =	sbr.rel $0x88, $3  }
0x1: {  	(tag) =	ssettag $0x0;
	lr =	simm.s32 $0x1  }
0x2: {  	[smem:$0x3F9F] =	sst lr;
	_ =	strace $0xD0000000  }
0x3: {  	_ = 	snop  }
0x4: {  	_ = 	snop  }
0x5: {  	_ = 	snop  }
0x6: {  	_ = 	snop  }
0x7: {  	_ = 	snop  }
__scs_overlays_trampoline_lowered:
0x8: {  	[smem:$0x3FAE] =	sst s0  }
0x9: {  	[smem:$0x3FAF] =	sst s1  }
0xa: {  	[smem:$0x3FB0] =	sst s2  }
0xb: {  	[smem:$0x3FB1] =	sst s3  }
0xc: {  	[smem:$0x3FB2] =	sst s4  }
0xd: {  	[smem:$0x3FB3] =	sst s5  }
0xe: {  	[smem:$0x3FB4] =	sst s6  }
0xf: {  	[smem:$0x3FB5] =	sst s7  }
0x10: {  	[smem:$0x3FB6] =	sst s8  }
0x11: {  	[smem:$0x3FB7] =	sst s9;
	s0 =	simm.s32 @!p0 $0x0  }
0x12: {  	s1 =	sld [smem:$0x3F9D];
	s0 =	simm.s32 @p0 $0x1  }
0x13: {  	[smem:$0x3FB8] =	sst s0;
	s0 =	simm.s32 @!p1 $0x0  }
0x14: {  	s2 =	sld [smem:$0x3F9C];
	s0 =	simm.s32 @p1 $0x1  }
0x15: {  	[smem:$0x3FB9] =	sst s0;
	s0 =	simm.s32 @!p2 $0x0  }
0x16: {  	s3 =	sld [smem:$0x3FDB];
	s0 =	simm.s32 @p2 $0x1  }
0x17: {  	s4 =	simm.s32 $0x1BF5;
	[smem:$0x3FBB] =	sst s0  }
0x18: {  	s0 =	sld [smem:$0x3F9E];
	_ =	swait.ge [sflag:s4], $0x0  }
0x19: {  	s7 =	sld [smem:$0x3F9F]  }
0x1a: {  	s8 =	sadd.s32 $0xFFFFE003, lr  }
0x1b: {  	s9 =	sadd.s32 $0xFFFFFEF7, lr;
	s5 =	simm.s32 $0xFFFFFFFF;
	p2 =	slt.u32 s8, $0xFFFFF086  }
0x1c: {  	p1 =	slt.u32 s9, $0xF7A;
	s5 =	simm.s32 @!p2 $0x0  }
0x1d: {  	s5 =	simm.s32 @p1 $0x1;
	p0 =	seq.s32 s7, s2  }
0x1e: {  	s7 =	smul.u32 @!p0 $0xF7A, s2;
	p2 =	seq.s32 @!p0 s5, $0x0  }
0x1f: {  	s9 =	smul.u32 $0xF7A, s1;
	s8 =	simm.s32 @!p0 $0x1BF5;
	p2 =	por !p2, p0  }
0x20: {  	[sflag:s8] =	ssyncset.s32 @!p0 $0xFFFFF086;
	s6 =	sadd.s32 @!p0 s3, s7;
	s7 =	simm.s32 @!p0 $0x108  }
0x21: {  	s3 =	sadd.s32 s3, s9;
	s6 =	sadd.s32 @!p0 $0x88, s6;
	s7 =	simm.s32 @p2 $0x1082  }
0x22: {  	[simem:s7], [sflag:s8] =	dma.local @!p0 [hbm:s6], $0xF7A  }
0x23: {  	s9 =	sor.u32 $0xD0000000, s2;
	s6 =	simm.s32 $0x108;
	_ =	swait.ge @!p0 [sflag:s8], $0x0  }
0x24: {  	s3 =	sadd.s32 $0x88, s3;
	s6 =	simm.s32 @!p1 $0x1082;
	[sflag:s4] =	ssyncset.s32 $0xFFFFF086  }
0x25: {  	[simem:s6], [sflag:s4] =	dma.local [hbm:s3], $0xF7A  }
0x26: {  	[smem:$0x3F9F] =	sst s1;
	(tag) =	ssettag s2;
	_ =	strace s9  }
0x27: {  	s1 =	sld [smem:$0x3FAF]  }
0x28: {  	s2 =	sld [smem:$0x3FB0]  }
0x29: {  	s4 =	sld [smem:$0x3FB2]  }
0x2a: {  	p0 =	seq.s32 s5, $0x0;
	s5 =	sld [smem:$0x3FB3]  }
0x2b: {  	s6 =	sld [smem:$0x3FB4]  }
0x2c: {  	s7 =	sld [smem:$0x3FB5]  }
0x2d: {  	s3 =	simm.s32 $0x108;
	s8 =	sld [smem:$0x3FB6]  }
0x2e: {  	s3 =	simm.s32 @!p0 $0x1082;
	s9 =	sld [smem:$0x3FB7]  }
0x2f: {  	lr =	sadd.s32 s0, s3;
	s0 =	sld [smem:$0x3FAE]  }
0x30: {  	s3 =	sld [smem:$0x3FB1]  }
0x31: {  	[smem:$0x3FBA] =	sst s10  }
0x32: {  	s10 =	sld [smem:$0x3FB8];
	_ =	sdelay $0x3  }
0x33: {  	p0 =	seq.s32 s10, $0x1;
	s10 =	sld [smem:$0x3FBA];
	_ =	sdelay $0x3  }
0x34: {  	[smem:$0x3FBA] =	sst s10  }
0x35: {  	s10 =	sld [smem:$0x3FB9];
	_ =	sdelay $0x3  }
0x36: {  	p1 =	seq.s32 s10, $0x1;
	s10 =	sld [smem:$0x3FBA];
	_ =	sdelay $0x3  }
0x37: {  	[smem:$0x3FBA] =	sst s10  }
0x38: {  	s10 =	sld [smem:$0x3FBB]  }
0x39: {  	_ = 	snop;
	(pc) =	sbr.ind lr, $3  }
0x3a: {  	_ = 	snop  }
0x3b: {  	_ = 	snop  }
0x3c: {  	p2 =	seq.s32 s10, $0x1;
	s10 =	sld [smem:$0x3FBA]  }
0x3d: {  	_ =	shalt  }
0x3e: {  	_ =	shalt  }
0x3f: {  	_ =	shalt  }
0x40: {  	_ =	shalt  }
0x41: {  	_ =	shalt  }
0x42: {  	_ =	shalt  }
0x43: {  	_ =	shalt  }
0x44: {  	_ =	shalt  }
0x45: {  	_ =	shalt  }
0x46: {  	_ =	shalt  }
0x47: {  	_ =	shalt  }
0x48: {  	_ =	shalt  }
0x49: {  	_ =	shalt  }
0x4a: {  	_ =	shalt  }
0x4b: {  	_ =	shalt  }
0x4c: {  	_ =	shalt  }
0x4d: {  	_ =	shalt  }
0x4e: {  	_ =	shalt  }
0x4f: {  	_ =	shalt  }
0x50: {  	_ =	shalt  }
0x51: {  	_ =	shalt  }
0x52: {  	_ =	shalt  }
0x53: {  	_ =	shalt  }
0x54: {  	_ =	shalt  }
0x55: {  	_ =	shalt  }
0x56: {  	_ =	shalt  }
0x57: {  	_ =	shalt  }
0x58: {  	_ =	shalt  }
0x59: {  	_ =	shalt  }
0x5a: {  	_ =	shalt  }
0x5b: {  	_ =	shalt  }
0x5c: {  	_ =	shalt  }
0x5d: {  	_ =	shalt  }
0x5e: {  	_ =	shalt  }
0x5f: {  	_ =	shalt  }
0x60: {  	_ =	shalt  }
0x61: {  	_ =	shalt  }
0x62: {  	_ =	shalt  }
0x63: {  	_ =	shalt  }
0x64: {  	_ =	shalt  }
0x65: {  	_ =	shalt  }
0x66: {  	_ =	shalt  }
0x67: {  	_ =	shalt  }
0x68: {  	_ =	shalt  }
0x69: {  	_ =	shalt  }
0x6a: {  	_ =	shalt  }
0x6b: {  	_ =	shalt  }
0x6c: {  	_ =	shalt  }
0x6d: {  	_ =	shalt  }
0x6e: {  	_ =	shalt  }
0x6f: {  	_ =	shalt  }
0x70: {  	_ =	shalt  }
0x71: {  	_ =	shalt  }
0x72: {  	_ =	shalt  }
0x73: {  	_ =	shalt  }
0x74: {  	_ =	shalt  }
0x75: {  	_ =	shalt  }
0x76: {  	_ =	shalt  }
0x77: {  	_ =	shalt  }
0x78: {  	_ =	shalt  }
0x79: {  	_ =	shalt  }
0x7a: {  	_ =	shalt  }
0x7b: {  	_ =	shalt  }
0x7c: {  	_ =	shalt  }
0x7d: {  	_ =	shalt  }
0x7e: {  	_ =	shalt  }
0x7f: {  	_ =	shalt  }
0x80: {  	_ =	shalt  }
0x81: {  	_ =	shalt  }
0x82: {  	_ =	shalt  }
0x83: {  	_ =	shalt  }
0x84: {  	_ =	shalt  }
0x85: {  	_ =	shalt  }
0x86: {  	_ =	shalt  }
0x87: {  	_ =	shalt  }
.Lfunc_end0:
.L_simem_size_0:
called_computation.2_lowered:
.L_overlay_start_0:
0x88: {  	s2 =	sld [smem:$0x3FD9]  }
0x89: {  	s3 =	sld [smem:$0x3FFE];
	_ =	sdelay $0x1  }
0x8a: {  	s1 =	srdreg.scid  }
0x8b: {  	s0 =	sand.u32 $0x1, s1  }
0x8c: {  	s17 =	sshll.u32 s0, $0xA;
	s2 =	sadd.s32 s3, s2  }
0x8d: {  	s2 =	sadd.s32 s2, s17  }
0x8e: {  	[smem:$0x3FC6] =	sst s2  }
0x8f: {  	_ = 	snop  }
0x90: {  	s18 =	sld [smem:$0x3FD0];
	(tm) =	ssettm $0x1  }
0x91: {  	s19 =	sld [smem:$0x3FFB];
	_ =	sdelay $0x3  }
0x92: {  	_ =	strace s19  }
0x93: {  	s2 =	sld [smem:$0x3FFC];
	_ =	sdelay $0x3  }
0x94: {  	_ =	strace s2  }
0x95: {  	s2 =	sld [smem:$0x3FFD];
	_ =	sdelay $0x3  }
0x96: {  	_ =	strace s2  }
0x97: {  	_ =	strace $0x8FFFFFFF  }
0x98: {  	s20 =	sld [smem:$0x3FDB];
	_ =	sdelay $0x1  }
0x99: {  	s4 =	simm.s32 $_scs_section_size  }
0x9a: {  	s5 =	simm.s32 $_size__tile_overlayer_lowered;
	s6 =	simm.s32 $_tile_overlayer_lowered  }
0x9b: {  	s7 =	simm.s32 $0x1BFF;
	s21 =	sshll.u32 s6, $0x1;
	s4 =	sadd.s32 s4, s20  }
0x9c: {  	s22 =	simm.s32 $0x0;
	s5 =	sshll.u32 s5, $0x1;
	s6 =	sadd.s32 s21, s4  }
0x9d: {  	[timem:s22], [sflag:s7] =	dma.local [hbm:s6], s5  }
0x9e: {  	_ =	swait.ge [sflag:s7], s5  }
0x9f: {  	s5 =	ssub.s32 $0x0, s5;
	[sflag:s7] =	ssyncset.done $0x0  }
0xa0: {  	[sflag:s7] =	ssyncadd.s32 s5;
	_ =	sdelay $0x1  }
0xa1: {  	s23 =	simm.s32 $0x1B8B  }
0xa2: {  	_ =	swait.ge [sflag:s23], $0x1  }
0xa3: {  	[sflag:s23] =	ssyncset.done $0x0  }
0xa4: {  	[sflag:s23] =	ssyncadd.s32 $0xFFFFFFFF  }
0xa5: {  	s5 =	sld [smem:$0x0]  }
0xa6: {  	s6 =	sand.u32 $0xFFFFFFFE, s1  }
0xa7: {  	p0 =	sne.s32 s1, s6  }
0xa8: {  	s6 =	sshll.u32 @p0 s6, $0xE  }
0xa9: {  	s6 =	sadd.s32 @p0 $0x11B8D, s6;
	s7 =	sshll.u32 @p0 s5, $0x11  }
0xaa: {  	s6 =	sor.u32 @p0 s7, s6  }
0xab: {  	[sflag:s6] =	ssyncadd.remote.s32 @p0 $0x1;
	_ =	sdelay $0x1  }
0xac: {  	s6 =	simm.s32 @p0 $0x1B8D  }
0xad: {  	_ =	swait.eq @p0 [sflag:s6], $0x1  }
0xae: {  	[sflag:s6] =	ssyncadd.s32 @p0 $0xFFFFFFFF  }
0xaf: {  	s7 =	sshll.u32 @!p0 s1, $0xE  }
0xb0: {  	s7 =	sor.u32 @!p0 $0x4000, s7;
	s6 =	simm.s32 @!p0 $0x1B8D  }
0xb1: {  	s5 =	sshll.u32 @!p0 s5, $0x11;
	s7 =	sadd.s32 @!p0 $0x11B8D, s7;
	_ =	swait.eq @!p0 [sflag:s6], $0x1  }
0xb2: {  	s5 =	sor.u32 @!p0 s5, s7;
	[sflag:s6] =	ssyncadd.s32 @!p0 $0xFFFFFFFF  }
0xb3: {  	s25 =	simm.s32 $0x1B8E;
	s24 =	sld [smem:$0x3FFE];
	[sflag:s5] =	ssyncadd.remote.s32 @!p0 $0x1  }
0xb4: {  	s26 =	simm.s32 $execute0_lowered;
	[smem:$0x3FD2] =	sst s25  }
0xb5: {  	s6 =	sshll.u32 s26, $0x1;
	_ =	strace $0x8000004C;
	[dreg:$0x1] =	wrdreg $0xFFFFFFFF  }
0xb6: {  	s28 =	simm.s32 $_size_execute0_lowered;
	s4 =	sadd.s32 s4, s6;
	[dreg:$0x0] =	wrdreg $0x0  }
0xb7: {  	s6 =	sshll.u32 s28, $0x1;
	[dreg:$0x2] =	wrdreg s4  }
0xb8: {  	[dreg:$0x3] =	wrdreg s6  }
0xb9: {  	[dreg:$0x4] =	wrdreg $0xC0  }
0xba: {  	_ =	task [dreg:s22], $0x5FFFF  }
0xbb: {  	[dreg:$0x1] =	wrdreg $0xFFFFFFFF  }
0xbc: {  	[dreg:$0x0] =	wrdreg $0x60  }
0xbd: {  	[dreg:$0x2] =	wrdreg s18  }
0xbe: {  	[dreg:$0x3] =	wrdreg s24  }
0xbf: {  	[dreg:$0x4] =	wrdreg $0xB  }
0xc0: {  	_ =	task.clear_ibuf [dreg:s22], $0x5FFFF;
	_ =	strace $0x9000004C  }
0xc1: {  	s29 =	simm.s32 $0xB;
	_ =	strace $0x8000004E  }
0xc2: {  	_ =	swait.ge [sflag:s29], $0x1  }
0xc3: {  	[sflag:s29] =	ssyncadd.s32 $0xFFFFFFFF  }
0xc4: {  	_ =	strace $0x9000004E  }
0xc5: {  	_ =	sfence  }
0xc6: {  	s30 =	sld [smem:$0x0];
	_ =	sdelay $0x2  }
0xc7: {  	s31 =	sshll.u32 s1, $0xD;
	s1 =	sshrl.u32 s1, $0x2  }
0xc8: {  	s4 =	sand.u32 $0x4000, s31;
	s1 =	sadd.s32 s1, s30  }
0xc9: {  	s0 =	sor.u32 s4, s0;
	s1 =	sshll.u32 s1, $0x11  }
0xca: {  	s0 =	sor.u32 s1, s0  }
0xcb: {  	s0 =	sadd.s32 $0x8F2B, s0  }
0xcc: {  	[sflag:s0] =	ssyncadd.remote.s32 $0x1  }
0xcd: {  	_ =	sfence.sel $0xFFFF  }
0xce: {  	[dreg:$0x0] =	wrdreg $0xFFFFFFFF;
	(pc) =	sbr.abs _section_cstart, $3  }
0xcf: {  	[dreg:$0x1] =	wrdreg $0xFFFFFFFF  }
0xd0: {  	_ =	task.clear_ibuf [dreg:s22], $0x2FFFF;
	_ =	strace $0x9FFFFFFF  }
0xd1: {  	(tm) =	ssettm $0x7FFFFFFF  }
tec
execute0_lowered:
.L_overlay_start_1:
0x0: {  	(tag) =	ssettag $0x1  }
0x1: {  	s0 =	rddreg [dreg:$0x1]  }
0x2: {  	s3 =	simm.s32 $0x0;
	s1 =	srdreg.scid;
	s4 =	stileid.u32  }
0x3: {  	s8 =	simm.s32 $0x2;
	s9 =	simm.s32 $0x80;
	s10 =	simm.s32 $0x500  }
0x4: {  	s11 =	simm.s32 $0x1500;
	s12 =	simm.s32 $0x100;
	s13 =	simm.s32 $0x2500  }
0x5: {  	s14 =	simm.s32 $0x180;
	s15 =	simm.s32 $0x3500;
	s16 =	simm.s32 $0x200  }
0x6: {  	s17 =	simm.s32 $0x4500;
	s18 =	simm.s32 $0x280;
	s19 =	simm.s32 $0x5500  }
0x7: {  	s20 =	simm.s32 $0x300;
	s21 =	simm.s32 $0x6500;
	s22 =	simm.s32 $0x380  }
0x8: {  	s23 =	simm.s32 $0x7500;
	s24 =	simm.s32 $0x400;
	s25 =	simm.s32 $0x8500  }
0x9: {  	s26 =	simm.s32 $0x480;
	s28 =	simm.s32 $0x9500;
	s1 =	sand.u32 $0x1, s1  }
0xa: {  	s29 =	simm.s32 $0x1;
	s30 =	simm.s32 $0xA500;
	s2 =	ssub.s32 $0x2, s1  }
0xb: {  	[smem:$0x7FF] =	sst s3;
	s5 =	sshll.u32 s4, $0x1;
	s6 =	sshrl.u32 s2, $0x1  }
0xc: {  	s4 =	sadd.s32 $0xB22E00, s0;
	_ =	strace $0x8000004D;
	s31 =	ssub.s32 s2, s6  }
0xd: {  	s1 =	sor.u32 s1, s5;
	s5 =	sadd.s32 $0x2A00, s0;
	s0 =	smax.u32 s31, $0x1  }
0xe: {  	s6 =	smul.u32 $0xC, s1;
	s1 =	simm.s32 $0x0;
	[dreg:$0x3] =	wrdreg s0  }
.LBB2_1:
0xf: {  	[dreg:$0x4] =	wrdreg s1;
	s0 =	simm.s32 $0x0  }
.LBB2_2:
0x10: {  	s2 =	sadd.s32 s6, s0  }
0x11: {  	s1 =	smul.u32 $0x500, s2;
	_ =	sdelay $0x1  }
0x12: {  	s7 =	rddreg [dreg:$0x0];
	s1 =	sshrl.u32 s1, $0x3  }
0x13: {  	s1 =	sadd.s32 s7, s1  }
0x14: {  	s7 =	simm.s32 $0x0;
	s1 =	sadd.s32 $0x23000, s1  }
0x15: {  	[tilespmem:s7], [sflag:$0x2] =	stream.linear.gather [hbm4b:s1+s7], $0x500, $0x38;
	[tilespmem:$0xAD00] =	vst v63  }
0x16: {  	s1 =	sshrl.u32 s2, $0x6  }
0x17: {  	_ =	swait.ge [sflag:s8], $0x500;
	s1 =	smul.u32 $0xC3800, s1  }
0x18: {  	[sflag:s8] =	ssyncset.done $0x0  }
0x19: {  	[sflag:s8] =	ssyncadd.s32 $0xFFFFFB00;
	s1 =	sadd.s32 s4, s1  }
0x1a: {  	[tilespmem:s10], [sflag:$0x1] =	stream.indirect.gather [hbm4b:s1+s9], $0x20, s7, s9, $0xb8;
	[tilespmem:$0xAD00] =	vst v63  }
0x1b: {  	_ = 	snop  }
0x1c: {  	[tilespmem:s11], [sflag:$0x1] =	stream.indirect.gather [hbm4b:s1+s9], $0x20, s9, s9, $0xb8;
	[tilespmem:$0xAD00] =	vst v63  }
0x1d: {  	_ = 	snop  }
0x1e: {  	[tilespmem:s13], [sflag:$0x1] =	stream.indirect.gather [hbm4b:s1+s9], $0x20, s12, s9, $0xb8;
	[tilespmem:$0xAD00] =	vst v63  }
0x1f: {  	_ = 	snop  }
0x20: {  	[tilespmem:s15], [sflag:$0x1] =	stream.indirect.gather [hbm4b:s1+s9], $0x20, s14, s9, $0xb8;
	[tilespmem:$0xAD00] =	vst v63  }
0x21: {  	_ = 	snop  }
0x22: {  	[tilespmem:s17], [sflag:$0x1] =	stream.indirect.gather [hbm4b:s1+s9], $0x20, s16, s9, $0xb8;
	[tilespmem:$0xAD00] =	vst v63  }
0x23: {  	_ = 	snop  }
0x24: {  	[tilespmem:s19], [sflag:$0x1] =	stream.indirect.gather [hbm4b:s1+s9], $0x20, s18, s9, $0xb8;
	[tilespmem:$0xAD00] =	vst v63  }
0x25: {  	_ = 	snop  }
0x26: {  	[tilespmem:s21], [sflag:$0x1] =	stream.indirect.gather [hbm4b:s1+s9], $0x20, s20, s9, $0xb8;
	[tilespmem:$0xAD00] =	vst v63  }
0x27: {  	_ = 	snop  }
0x28: {  	[tilespmem:s23], [sflag:$0x1] =	stream.indirect.gather [hbm4b:s1+s9], $0x20, s22, s9, $0xb8;
	[tilespmem:$0xAD00] =	vst v63  }
0x29: {  	_ = 	snop  }
0x2a: {  	[tilespmem:s25], [sflag:$0x1] =	stream.indirect.gather [hbm4b:s1+s9], $0x20, s24, s9, $0xb8;
	[tilespmem:$0xAD00] =	vst v63  }
0x2b: {  	_ = 	snop  }
0x2c: {  	[tilespmem:s28], [sflag:$0x1] =	stream.indirect.gather [hbm4b:s1+s9], $0x20, s26, s9, $0xb8;
	[tilespmem:$0xAD00] =	vst v63  }
0x2d: {  	_ =	swait.ge [sflag:s29], $0x1000  }
0x2e: {  	[sflag:s29] =	ssyncset.done $0x0  }
0x2f: {  	[sflag:s29] =	ssyncadd.s32 $0xFFFFF000  }
0x30: {  	_ =	swait.ge [sflag:s29], $0x1000  }
0x31: {  	[sflag:s29] =	ssyncset.done $0x0  }
0x32: {  	[sflag:s29] =	ssyncadd.s32 $0xFFFFF000  }
0x33: {  	_ =	swait.ge [sflag:s29], $0x1000  }
0x34: {  	[sflag:s29] =	ssyncset.done $0x0  }
0x35: {  	[sflag:s29] =	ssyncadd.s32 $0xFFFFF000  }
0x36: {  	_ =	swait.ge [sflag:s29], $0x1000  }
0x37: {  	[sflag:s29] =	ssyncset.done $0x0  }
0x38: {  	[sflag:s29] =	ssyncadd.s32 $0xFFFFF000  }
0x39: {  	_ =	swait.ge [sflag:s29], $0x1000  }
0x3a: {  	[sflag:s29] =	ssyncset.done $0x0  }
0x3b: {  	[sflag:s29] =	ssyncadd.s32 $0xFFFFF000  }
0x3c: {  	_ =	swait.ge [sflag:s29], $0x1000  }
0x3d: {  	[sflag:s29] =	ssyncset.done $0x0  }
0x3e: {  	[sflag:s29] =	ssyncadd.s32 $0xFFFFF000  }
0x3f: {  	_ =	swait.ge [sflag:s29], $0x1000  }
0x40: {  	[sflag:s29] =	ssyncset.done $0x0  }
0x41: {  	[sflag:s29] =	ssyncadd.s32 $0xFFFFF000  }
0x42: {  	_ =	swait.ge [sflag:s29], $0x1000  }
0x43: {  	[sflag:s29] =	ssyncset.done $0x0  }
0x44: {  	[sflag:s29] =	ssyncadd.s32 $0xFFFFF000  }
0x45: {  	_ =	swait.ge [sflag:s29], $0x1000  }
0x46: {  	[sflag:s29] =	ssyncset.done $0x0  }
0x47: {  	[sflag:s29] =	ssyncadd.s32 $0xFFFFF000  }
0x48: {  	_ =	swait.ge [sflag:s29], $0x1000  }
0x49: {  	[sflag:s29] =	ssyncset.done $0x0  }
0x4a: {  	s7 =	simm.s32 $0x640;
	[sflag:s29] =	ssyncadd.s32 $0xFFFFF000  }
0x4b: {  	v0 =	vld [tilespmem:s7+$0xFFFFFEF0]  }
0x4c: {  	v1 =	vld [tilespmem:s7+$0xFFFFFEC0]  }
0x4d: {  	v2 =	vld [tilespmem:s7+$0xFFFFFEE0]  }
0x4e: {  	v3 =	vld [tilespmem:s7+$0xFFFFFED0]  }
0x4f: {  	v4 =	vld [tilespmem:s7+$0xFFFFFF00]  }
0x50: {  	v5 =	vld [tilespmem:s7+$0xFFFFFF10]  }
0x51: {  	v6 =	vld [tilespmem:s7+$0xFFFFFF20]  }
0x52: {  	v7 =	vld [tilespmem:s7+$0xFFFFFF40];
	v1 =	vadd.f32 v2, v1  }
0x53: {  	v2 =	vld [tilespmem:s7+$0xFFFFFF30]  }
0x54: {  	v44 =	vld [tilespmem:s7+$0xFFFFFF60];
	v0 =	vadd.f32 v0, v3;
	v1 =	vadd.f32 v4, v1  }
0x55: {  	v3 =	vld [tilespmem:s7+$0xFFFFFF50]  }
0x56: {  	v45 =	vld [tilespmem:s7+$0xFFFFFF70];
	v0 =	vadd.f32 v5, v0;
	v1 =	vadd.f32 v6, v1  }
0x57: {  	v46 =	vld [tilespmem:s7+$0xFFFFFF80]  }
0x58: {  	v47 =	vld [tilespmem:s7+$0xFFFFFFA0];
	v0 =	vadd.f32 v2, v0;
	v1 =	vadd.f32 v7, v1  }
0x59: {  	v2 =	vld [tilespmem:s7+$0xFFFFFF90]  }
0x5a: {  	v48 =	vld [tilespmem:s7+$0xFFFFFFC0];
	v0 =	vadd.f32 v3, v0;
	v1 =	vadd.f32 v44, v1  }
0x5b: {  	v3 =	vld [tilespmem:s7+$0xFFFFFFB0]  }
0x5c: {  	v49 =	vld [tilespmem:s7+$0xFFFFFFD0];
	v0 =	vadd.f32 v45, v0;
	v1 =	vadd.f32 v46, v1  }
0x5d: {  	v50 =	vld [tilespmem:s7+$0xFFFFFFE0]  }
0x5e: {  	v51 =	vld [tilespmem:s7+$0x0];
	v0 =	vadd.f32 v2, v0;
	v1 =	vadd.f32 v47, v1  }
0x5f: {  	v2 =	vld [tilespmem:s7+$0xFFFFFFF0]  }
0x60: {  	v52 =	vld [tilespmem:s7+$0x20];
	v0 =	vadd.f32 v3, v0;
	v1 =	vadd.f32 v48, v1  }
0x61: {  	v3 =	vld [tilespmem:s7+$0x10]  }
0x62: {  	v53 =	vld [tilespmem:s7+$0x30];
	v0 =	vadd.f32 v49, v0;
	v1 =	vadd.f32 v50, v1  }
0x63: {  	v54 =	vld [tilespmem:s7+$0x40]  }
0x64: {  	v55 =	vld [tilespmem:s7+$0x60];
	v0 =	vadd.f32 v2, v0;
	v1 =	vadd.f32 v51, v1  }
0x65: {  	v2 =	vld [tilespmem:s7+$0x50]  }
0x66: {  	v56 =	vld [tilespmem:s7+$0x80];
	v0 =	vadd.f32 v3, v0;
	v1 =	vadd.f32 v52, v1  }
0x67: {  	v3 =	vld [tilespmem:s7+$0x70]  }
0x68: {  	v57 =	vld [tilespmem:s7+$0x90];
	v0 =	vadd.f32 v53, v0;
	v1 =	vadd.f32 v54, v1  }
0x69: {  	v58 =	vld [tilespmem:s7+$0xA0]  }
0x6a: {  	v59 =	vld [tilespmem:s7+$0xC0];
	v0 =	vadd.f32 v2, v0;
	v1 =	vadd.f32 v55, v1  }
0x6b: {  	v2 =	vld [tilespmem:s7+$0xB0]  }
0x6c: {  	v60 =	vld [tilespmem:s7+$0xE0];
	v0 =	vadd.f32 v3, v0;
	v1 =	vadd.f32 v56, v1  }
0x6d: {  	v3 =	vld [tilespmem:s7+$0xD0]  }
0x6e: {  	v61 =	vld [tilespmem:s7+$0xF0];
	v0 =	vadd.f32 v57, v0;
	v1 =	vadd.f32 v58, v1  }
0x6f: {  	v62 =	vld [tilespmem:s7+$0x100]  }
0x70: {  	v63 =	vld [tilespmem:s7+$0x120];
	v0 =	vadd.f32 v2, v0;
	v1 =	vadd.f32 v59, v1  }
0x71: {  	v2 =	vld [tilespmem:s7+$0x110]  }
0x72: {  	v0 =	vadd.f32 v3, v0;
	v1 =	vadd.f32 v60, v1  }
0x73: {  	v3 =	vld [tilespmem:s7+$0x130]  }
0x74: {  	v0 =	vadd.f32 v61, v0;
	v1 =	vadd.f32 v62, v1;
	_ =	sdelay $0x1  }
0x75: {  	v0 =	vadd.f32 v2, v0;
	v1 =	vadd.f32 v63, v1  }
0x76: {  	s1 =	simm.s32 $0x0  }
0x77: {  	s31 =	simm.s32 $0x80;
	v0 =	vadd.f32 v3, v0;
	[tilespmem:s1+$0xA500] =	vst v1  }
.LBB2_3:
0x78: {  	p0 =	sne.s32 s31, $0x1F80  }
0x79: {  	[tilespmem:s1+$0xA510] =	vst v0;
	s7 =	sadd.s32 $0x280, s7;
	s1 =	smov.u32 s31;
	s31 =	sadd.s32 $0x80, s31  }
0x7a: {  	v0 =	vld [tilespmem:s7+$0xFFFFFEF0]  }
0x7b: {  	v1 =	vld [tilespmem:s7+$0xFFFFFEC0]  }
0x7c: {  	v2 =	vld [tilespmem:s7+$0xFFFFFEE0]  }
0x7d: {  	v3 =	vld [tilespmem:s7+$0xFFFFFED0]  }
0x7e: {  	v4 =	vld [tilespmem:s7+$0xFFFFFF00]  }
0x7f: {  	v5 =	vld [tilespmem:s7+$0xFFFFFF10]  }
0x80: {  	v6 =	vld [tilespmem:s7+$0xFFFFFF20]  }
0x81: {  	v1 =	vadd.f32 v2, v1;
	v2 =	vld [tilespmem:s7+$0xFFFFFF30]  }
0x82: {  	v0 =	vadd.f32 v0, v3;
	v3 =	vld [tilespmem:s7+$0xFFFFFF40]  }
0x83: {  	v1 =	vadd.f32 v4, v1;
	v4 =	vld [tilespmem:s7+$0xFFFFFF50]  }
0x84: {  	v0 =	vadd.f32 v5, v0;
	v5 =	vld [tilespmem:s7+$0xFFFFFF60]  }
0x85: {  	v1 =	vadd.f32 v6, v1;
	v6 =	vld [tilespmem:s7+$0xFFFFFF70]  }
0x86: {  	v0 =	vadd.f32 v2, v0;
	v2 =	vld [tilespmem:s7+$0xFFFFFF80]  }
0x87: {  	v1 =	vadd.f32 v3, v1;
	v3 =	vld [tilespmem:s7+$0xFFFFFF90]  }
0x88: {  	v0 =	vadd.f32 v4, v0;
	v4 =	vld [tilespmem:s7+$0xFFFFFFA0]  }
0x89: {  	v1 =	vadd.f32 v5, v1;
	v5 =	vld [tilespmem:s7+$0xFFFFFFB0]  }
0x8a: {  	v0 =	vadd.f32 v6, v0;
	v6 =	vld [tilespmem:s7+$0xFFFFFFC0]  }
0x8b: {  	v1 =	vadd.f32 v2, v1;
	v2 =	vld [tilespmem:s7+$0xFFFFFFD0]  }
0x8c: {  	v0 =	vadd.f32 v3, v0;
	v3 =	vld [tilespmem:s7+$0xFFFFFFE0]  }
0x8d: {  	v1 =	vadd.f32 v4, v1;
	v4 =	vld [tilespmem:s7+$0xFFFFFFF0]  }
0x8e: {  	v0 =	vadd.f32 v5, v0;
	v5 =	vld [tilespmem:s7+$0x0]  }
0x8f: {  	v1 =	vadd.f32 v6, v1;
	v6 =	vld [tilespmem:s7+$0x10]  }
0x90: {  	v0 =	vadd.f32 v2, v0;
	v2 =	vld [tilespmem:s7+$0x20]  }
0x91: {  	v1 =	vadd.f32 v3, v1;
	v3 =	vld [tilespmem:s7+$0x30]  }
0x92: {  	v0 =	vadd.f32 v4, v0;
	v4 =	vld [tilespmem:s7+$0x40]  }
0x93: {  	v1 =	vadd.f32 v5, v1;
	v5 =	vld [tilespmem:s7+$0x50]  }
0x94: {  	v0 =	vadd.f32 v6, v0;
	v6 =	vld [tilespmem:s7+$0x60]  }
0x95: {  	v1 =	vadd.f32 v2, v1;
	v2 =	vld [tilespmem:s7+$0x70]  }
0x96: {  	v0 =	vadd.f32 v3, v0;
	v3 =	vld [tilespmem:s7+$0x80]  }
0x97: {  	v1 =	vadd.f32 v4, v1;
	v4 =	vld [tilespmem:s7+$0x90]  }
0x98: {  	v0 =	vadd.f32 v5, v0;
	v5 =	vld [tilespmem:s7+$0xA0]  }
0x99: {  	v1 =	vadd.f32 v6, v1;
	v6 =	vld [tilespmem:s7+$0xB0]  }
0x9a: {  	v0 =	vadd.f32 v2, v0;
	v2 =	vld [tilespmem:s7+$0xC0]  }
0x9b: {  	v1 =	vadd.f32 v3, v1;
	v3 =	vld [tilespmem:s7+$0xD0]  }
0x9c: {  	v0 =	vadd.f32 v4, v0;
	v4 =	vld [tilespmem:s7+$0xE0]  }
0x9d: {  	v1 =	vadd.f32 v5, v1;
	v5 =	vld [tilespmem:s7+$0xF0]  }
0x9e: {  	v0 =	vadd.f32 v6, v0;
	v6 =	vld [tilespmem:s7+$0x100]  }
0x9f: {  	v1 =	vadd.f32 v2, v1;
	v2 =	vld [tilespmem:s7+$0x110]  }
0xa0: {  	v0 =	vadd.f32 v3, v0;
	v3 =	vld [tilespmem:s7+$0x120]  }
0xa1: {  	v1 =	vadd.f32 v4, v1;
	v4 =	vld [tilespmem:s7+$0x130]  }
0xa2: {  	v0 =	vadd.f32 v5, v0  }
.Ltmp0:
0xa3: {  	v1 =	vadd.f32 v6, v1;
	(pc) =	sbr.rel @p0 .LBB2_3-.Ltmp0, $4  }
0xa4: {  	v0 =	vadd.f32 v2, v0  }
0xa5: {  	v1 =	vadd.f32 v3, v1  }
0xa6: {  	s1 =	sshra.s32 s1, $0x2;
	v0 =	vadd.f32 v4, v0  }
0xa7: {  	[tilespmem:s1+$0xA500] =	vst v1  }
0xa8: {  	s0 =	sadd.s32 $0x1, s0  }
0xa9: {  	s2 =	sshll.u32 s2, $0x8;
	p0 =	sne.s32 s0, $0xC  }
.Ltmp1:
0xaa: {  	[tilespmem:s1+$0xA510] =	vst v0;
	s31 =	sadd.s32 s5, s2;
	(pc) =	sbr.rel @p0 .LBB2_2-.Ltmp1, $4  }
0xab: {  	[hbm4b:s31+s3] =	stream.linear.scatter [tilespmem:s30], [sflag:$0x2], $0x800, $0x38;
	[tilespmem:$0xAD00] =	vst v63  }
0xac: {  	_ =	swait.ge [sflag:s8], $0x800  }
0xad: {  	[sflag:s8] =	ssyncset.done $0x0  }
0xae: {  	[sflag:s8] =	ssyncadd.s32 $0xFFFFF800  }
0xaf: {  	s1 =	rddreg [dreg:$0x4]  }
0xb0: {  	s0 =	rddreg [dreg:$0x3];
	s1 =	sadd.s32 $0x1, s1  }
0xb1: {  	p0 =	sne.s32 s1, s0  }
.Ltmp2:
0xb2: {  	_ = 	snop;
	(pc) =	sbr.rel @p0 .LBB2_1-.Ltmp2, $1  }
0xb3: {  	_ =	sdelay $0x3  }
0xb4: {  	_ =	sfence.sel $0x180000  }
0xb5: {  	[bflag:$0x0] =	sbarrier.arrive $0xFFFF  }
0xb6: {  	_ =	strace $0x9000004D  }
0xb7: {  	s0 =	stileid.u32;
	[bflag:$0x2] =	sbarrier.arrive $0xFFFF  }
0xb8: {  	p0 =	sne.s32 s0, $0x0;
	s0 =	rddreg [dreg:$0x2]  }
0xb9: {  	s0 =	sadd.s32 @!p0 $0x100000, s0  }
0xba: {  	[sflag:s0] =	ssyncadd.tile.s32 @!p0 $0x1;
	_ =	shalt  }
.Lfunc_end2:
_tile_overlayer_lowered:
.L_overlay_start_2:
0xbb: {  	(tag) =	ssettag $0x2  }
0xbc: {  	s0 =	rddreg [dreg:$0x0];
	s2 =	stileid.u32  }
0xbd: {  	s1 =	rddreg [dreg:$0x1];
	p0 =	sne.s32 s2, $0x0  }
0xbe: {  	s3 =	rddreg [dreg:$0x2];
	[bflag:$0x3] =	sbarrier.arrive $0xFFFF;
	s2 =	simm.s32 @!p0 $0x1C02  }
0xbf: {  	[timem:s3], [sflag:s2] =	dma.local @!p0 [hbm:s0], s1  }
0xc0: {  	s0 =	simm.s32 @!p0 $0x2  }
0xc1: {  	_ =	swait.ge @!p0 [sflag:s0], s1  }
0xc2: {  	s1 =	ssub.s32 @!p0 $0x0, s1;
	[sflag:s0] =	ssyncset.done @!p0 $0x0  }
0xc3: {  	[sflag:s0] =	ssyncadd.s32 @!p0 s1  }
0xc4: {  	[bflag:$0x3] =	sbarrier.arrive $0xFFFF  }
0xc5: {  	_ =	shalt  }

// kernel: kernel.20.cloned.1.call-start
scs
__scs_entry_jumppad:
0x0: {  	(pc) =	sbr.rel $0x88, $3  }
0x1: {  	(tag) =	ssettag $0x0;
	lr =	simm.s32 $0x1  }
0x2: {  	[smem:$0x3F9F] =	sst lr;
	_ =	strace $0xD0000000  }
0x3: {  	_ = 	snop  }
0x4: {  	_ = 	snop  }
0x5: {  	_ = 	snop  }
0x6: {  	_ = 	snop  }
0x7: {  	_ = 	snop  }
__scs_overlays_trampoline_lowered:
0x8: {  	[smem:$0x3FAE] =	sst s0  }
0x9: {  	[smem:$0x3FAF] =	sst s1  }
0xa: {  	[smem:$0x3FB0] =	sst s2  }
0xb: {  	[smem:$0x3FB1] =	sst s3  }
0xc: {  	[smem:$0x3FB2] =	sst s4  }
0xd: {  	[smem:$0x3FB3] =	sst s5  }
0xe: {  	[smem:$0x3FB4] =	sst s6  }
0xf: {  	[smem:$0x3FB5] =	sst s7  }
0x10: {  	[smem:$0x3FB6] =	sst s8  }
0x11: {  	[smem:$0x3FB7] =	sst s9;
	s0 =	simm.s32 @!p0 $0x0  }
0x12: {  	s1 =	sld [smem:$0x3F9D];
	s0 =	simm.s32 @p0 $0x1  }
0x13: {  	[smem:$0x3FB8] =	sst s0;
	s0 =	simm.s32 @!p1 $0x0  }
0x14: {  	s2 =	sld [smem:$0x3F9C];
	s0 =	simm.s32 @p1 $0x1  }
0x15: {  	[smem:$0x3FB9] =	sst s0;
	s0 =	simm.s32 @!p2 $0x0  }
0x16: {  	s3 =	sld [smem:$0x3FDB];
	s0 =	simm.s32 @p2 $0x1  }
0x17: {  	s4 =	simm.s32 $0x1BF5;
	[smem:$0x3FBB] =	sst s0  }
0x18: {  	s0 =	sld [smem:$0x3F9E];
	_ =	swait.ge [sflag:s4], $0x0  }
0x19: {  	s7 =	sld [smem:$0x3F9F]  }
0x1a: {  	s8 =	sadd.s32 $0xFFFFE003, lr  }
0x1b: {  	s9 =	sadd.s32 $0xFFFFFEF7, lr;
	s5 =	simm.s32 $0xFFFFFFFF;
	p2 =	slt.u32 s8, $0xFFFFF086  }
0x1c: {  	p1 =	slt.u32 s9, $0xF7A;
	s5 =	simm.s32 @!p2 $0x0  }
0x1d: {  	s5 =	simm.s32 @p1 $0x1;
	p0 =	seq.s32 s7, s2  }
0x1e: {  	s7 =	smul.u32 @!p0 $0xF7A, s2;
	p2 =	seq.s32 @!p0 s5, $0x0  }
0x1f: {  	s9 =	smul.u32 $0xF7A, s1;
	s8 =	simm.s32 @!p0 $0x1BF5;
	p2 =	por !p2, p0  }
0x20: {  	[sflag:s8] =	ssyncset.s32 @!p0 $0xFFFFF086;
	s6 =	sadd.s32 @!p0 s3, s7;
	s7 =	simm.s32 @!p0 $0x108  }
0x21: {  	s3 =	sadd.s32 s3, s9;
	s6 =	sadd.s32 @!p0 $0x88, s6;
	s7 =	simm.s32 @p2 $0x1082  }
0x22: {  	[simem:s7], [sflag:s8] =	dma.local @!p0 [hbm:s6], $0xF7A  }
0x23: {  	s9 =	sor.u32 $0xD0000000, s2;
	s6 =	simm.s32 $0x108;
	_ =	swait.ge @!p0 [sflag:s8], $0x0  }
0x24: {  	s3 =	sadd.s32 $0x88, s3;
	s6 =	simm.s32 @!p1 $0x1082;
	[sflag:s4] =	ssyncset.s32 $0xFFFFF086  }
0x25: {  	[simem:s6], [sflag:s4] =	dma.local [hbm:s3], $0xF7A  }
0x26: {  	[smem:$0x3F9F] =	sst s1;
	(tag) =	ssettag s2;
	_ =	strace s9  }
0x27: {  	s1 =	sld [smem:$0x3FAF]  }
0x28: {  	s2 =	sld [smem:$0x3FB0]  }
0x29: {  	s4 =	sld [smem:$0x3FB2]  }
0x2a: {  	p0 =	seq.s32 s5, $0x0;
	s5 =	sld [smem:$0x3FB3]  }
0x2b: {  	s6 =	sld [smem:$0x3FB4]  }
0x2c: {  	s7 =	sld [smem:$0x3FB5]  }
0x2d: {  	s3 =	simm.s32 $0x108;
	s8 =	sld [smem:$0x3FB6]  }
0x2e: {  	s3 =	simm.s32 @!p0 $0x1082;
	s9 =	sld [smem:$0x3FB7]  }
0x2f: {  	lr =	sadd.s32 s0, s3;
	s0 =	sld [smem:$0x3FAE]  }
0x30: {  	s3 =	sld [smem:$0x3FB1]  }
0x31: {  	[smem:$0x3FBA] =	sst s10  }
0x32: {  	s10 =	sld [smem:$0x3FB8];
	_ =	sdelay $0x3  }
0x33: {  	p0 =	seq.s32 s10, $0x1;
	s10 =	sld [smem:$0x3FBA];
	_ =	sdelay $0x3  }
0x34: {  	[smem:$0x3FBA] =	sst s10  }
0x35: {  	s10 =	sld [smem:$0x3FB9];
	_ =	sdelay $0x3  }
0x36: {  	p1 =	seq.s32 s10, $0x1;
	s10 =	sld [smem:$0x3FBA];
	_ =	sdelay $0x3  }
0x37: {  	[smem:$0x3FBA] =	sst s10  }
0x38: {  	s10 =	sld [smem:$0x3FBB]  }
0x39: {  	_ = 	snop;
	(pc) =	sbr.ind lr, $3  }
0x3a: {  	_ = 	snop  }
0x3b: {  	_ = 	snop  }
0x3c: {  	p2 =	seq.s32 s10, $0x1;
	s10 =	sld [smem:$0x3FBA]  }
0x3d: {  	_ =	shalt  }
0x3e: {  	_ =	shalt  }
0x3f: {  	_ =	shalt  }
0x40: {  	_ =	shalt  }
0x41: {  	_ =	shalt  }
0x42: {  	_ =	shalt  }
0x43: {  	_ =	shalt  }
0x44: {  	_ =	shalt  }
0x45: {  	_ =	shalt  }
0x46: {  	_ =	shalt  }
0x47: {  	_ =	shalt  }
0x48: {  	_ =	shalt  }
0x49: {  	_ =	shalt  }
0x4a: {  	_ =	shalt  }
0x4b: {  	_ =	shalt  }
0x4c: {  	_ =	shalt  }
0x4d: {  	_ =	shalt  }
0x4e: {  	_ =	shalt  }
0x4f: {  	_ =	shalt  }
0x50: {  	_ =	shalt  }
0x51: {  	_ =	shalt  }
0x52: {  	_ =	shalt  }
0x53: {  	_ =	shalt  }
0x54: {  	_ =	shalt  }
0x55: {  	_ =	shalt  }
0x56: {  	_ =	shalt  }
0x57: {  	_ =	shalt  }
0x58: {  	_ =	shalt  }
0x59: {  	_ =	shalt  }
0x5a: {  	_ =	shalt  }
0x5b: {  	_ =	shalt  }
0x5c: {  	_ =	shalt  }
0x5d: {  	_ =	shalt  }
0x5e: {  	_ =	shalt  }
0x5f: {  	_ =	shalt  }
0x60: {  	_ =	shalt  }
0x61: {  	_ =	shalt  }
0x62: {  	_ =	shalt  }
0x63: {  	_ =	shalt  }
0x64: {  	_ =	shalt  }
0x65: {  	_ =	shalt  }
0x66: {  	_ =	shalt  }
0x67: {  	_ =	shalt  }
0x68: {  	_ =	shalt  }
0x69: {  	_ =	shalt  }
0x6a: {  	_ =	shalt  }
0x6b: {  	_ =	shalt  }
0x6c: {  	_ =	shalt  }
0x6d: {  	_ =	shalt  }
0x6e: {  	_ =	shalt  }
0x6f: {  	_ =	shalt  }
0x70: {  	_ =	shalt  }
0x71: {  	_ =	shalt  }
0x72: {  	_ =	shalt  }
0x73: {  	_ =	shalt  }
0x74: {  	_ =	shalt  }
0x75: {  	_ =	shalt  }
0x76: {  	_ =	shalt  }
0x77: {  	_ =	shalt  }
0x78: {  	_ =	shalt  }
0x79: {  	_ =	shalt  }
0x7a: {  	_ =	shalt  }
0x7b: {  	_ =	shalt  }
0x7c: {  	_ =	shalt  }
0x7d: {  	_ =	shalt  }
0x7e: {  	_ =	shalt  }
0x7f: {  	_ =	shalt  }
0x80: {  	_ =	shalt  }
0x81: {  	_ =	shalt  }
0x82: {  	_ =	shalt  }
0x83: {  	_ =	shalt  }
0x84: {  	_ =	shalt  }
0x85: {  	_ =	shalt  }
0x86: {  	_ =	shalt  }
0x87: {  	_ =	shalt  }
.Lfunc_end0:
.L_simem_size_0:
called_computation.3_lowered:
.L_overlay_start_0:
0x88: {  	s2 =	sld [smem:$0x3FD9]  }
0x89: {  	s3 =	sld [smem:$0x3FFE];
	_ =	sdelay $0x1  }
0x8a: {  	s1 =	srdreg.scid  }
0x8b: {  	s0 =	sand.u32 $0x1, s1  }
0x8c: {  	s17 =	sshll.u32 s0, $0xA;
	s2 =	sadd.s32 s3, s2  }
0x8d: {  	s2 =	sadd.s32 s2, s17  }
0x8e: {  	[smem:$0x3FC6] =	sst s2  }
0x8f: {  	_ = 	snop  }
0x90: {  	s18 =	sld [smem:$0x3FD0];
	(tm) =	ssettm $0x1  }
0x91: {  	s19 =	sld [smem:$0x3FFB];
	_ =	sdelay $0x3  }
0x92: {  	_ =	strace s19  }
0x93: {  	s2 =	sld [smem:$0x3FFC];
	_ =	sdelay $0x3  }
0x94: {  	_ =	strace s2  }
0x95: {  	s2 =	sld [smem:$0x3FFD];
	_ =	sdelay $0x3  }
0x96: {  	_ =	strace s2  }
0x97: {  	_ =	strace $0x8FFFFFFF  }
0x98: {  	s20 =	sld [smem:$0x3FDB];
	_ =	sdelay $0x1  }
0x99: {  	s4 =	simm.s32 $_scs_section_size  }
0x9a: {  	s5 =	simm.s32 $_size__tile_overlayer_lowered;
	s6 =	simm.s32 $_tile_overlayer_lowered  }
0x9b: {  	s7 =	simm.s32 $0x1BFF;
	s21 =	sshll.u32 s6, $0x1;
	s4 =	sadd.s32 s4, s20  }
0x9c: {  	s22 =	simm.s32 $0x0;
	s5 =	sshll.u32 s5, $0x1;
	s6 =	sadd.s32 s21, s4  }
0x9d: {  	[timem:s22], [sflag:s7] =	dma.local [hbm:s6], s5  }
0x9e: {  	_ =	swait.ge [sflag:s7], s5  }
0x9f: {  	s5 =	ssub.s32 $0x0, s5;
	[sflag:s7] =	ssyncset.done $0x0  }
0xa0: {  	[sflag:s7] =	ssyncadd.s32 s5;
	_ =	sdelay $0x1  }
0xa1: {  	s23 =	simm.s32 $0x1B8B  }
0xa2: {  	_ =	swait.ge [sflag:s23], $0x1  }
0xa3: {  	[sflag:s23] =	ssyncset.done $0x0  }
0xa4: {  	[sflag:s23] =	ssyncadd.s32 $0xFFFFFFFF  }
0xa5: {  	s5 =	sld [smem:$0x0]  }
0xa6: {  	s6 =	sand.u32 $0xFFFFFFFE, s1  }
0xa7: {  	p0 =	sne.s32 s1, s6  }
0xa8: {  	s6 =	sshll.u32 @p0 s6, $0xE  }
0xa9: {  	s6 =	sadd.s32 @p0 $0x11B8D, s6;
	s7 =	sshll.u32 @p0 s5, $0x11  }
0xaa: {  	s6 =	sor.u32 @p0 s7, s6  }
0xab: {  	[sflag:s6] =	ssyncadd.remote.s32 @p0 $0x1;
	_ =	sdelay $0x1  }
0xac: {  	s6 =	simm.s32 @p0 $0x1B8D  }
0xad: {  	_ =	swait.eq @p0 [sflag:s6], $0x1  }
0xae: {  	[sflag:s6] =	ssyncadd.s32 @p0 $0xFFFFFFFF  }
0xaf: {  	s7 =	sshll.u32 @!p0 s1, $0xE  }
0xb0: {  	s7 =	sor.u32 @!p0 $0x4000, s7;
	s6 =	simm.s32 @!p0 $0x1B8D  }
0xb1: {  	s5 =	sshll.u32 @!p0 s5, $0x11;
	s7 =	sadd.s32 @!p0 $0x11B8D, s7;
	_ =	swait.eq @!p0 [sflag:s6], $0x1  }
0xb2: {  	s5 =	sor.u32 @!p0 s5, s7;
	[sflag:s6] =	ssyncadd.s32 @!p0 $0xFFFFFFFF  }
0xb3: {  	s25 =	simm.s32 $0x1B8E;
	s24 =	sld [smem:$0x3FFE];
	[sflag:s5] =	ssyncadd.remote.s32 @!p0 $0x1  }
0xb4: {  	s26 =	simm.s32 $execute0_lowered;
	[smem:$0x3FD2] =	sst s25  }
0xb5: {  	s6 =	sshll.u32 s26, $0x1;
	_ =	strace $0x8000004F;
	[dreg:$0x1] =	wrdreg $0xFFFFFFFF  }
0xb6: {  	s28 =	simm.s32 $_size_execute0_lowered;
	s4 =	sadd.s32 s4, s6;
	[dreg:$0x0] =	wrdreg $0x0  }
0xb7: {  	s6 =	sshll.u32 s28, $0x1;
	[dreg:$0x2] =	wrdreg s4  }
0xb8: {  	[dreg:$0x3] =	wrdreg s6  }
0xb9: {  	[dreg:$0x4] =	wrdreg $0xC0  }
0xba: {  	_ =	task [dreg:s22], $0x5FFFF  }
0xbb: {  	[dreg:$0x1] =	wrdreg $0xFFFFFFFF  }
0xbc: {  	[dreg:$0x0] =	wrdreg $0x60  }
0xbd: {  	[dreg:$0x2] =	wrdreg s18  }
0xbe: {  	[dreg:$0x3] =	wrdreg s24  }
0xbf: {  	[dreg:$0x4] =	wrdreg $0xC  }
0xc0: {  	_ =	task.clear_ibuf [dreg:s22], $0x5FFFF;
	_ =	strace $0x9000004F  }
0xc1: {  	s29 =	simm.s32 $0xC;
	_ =	strace $0x80000051  }
0xc2: {  	_ =	swait.ge [sflag:s29], $0x1  }
0xc3: {  	[sflag:s29] =	ssyncadd.s32 $0xFFFFFFFF  }
0xc4: {  	_ =	strace $0x90000051  }
0xc5: {  	_ =	sfence  }
0xc6: {  	s30 =	sld [smem:$0x0];
	_ =	sdelay $0x2  }
0xc7: {  	s31 =	sshll.u32 s1, $0xD;
	s1 =	sshrl.u32 s1, $0x2  }
0xc8: {  	s4 =	sand.u32 $0x4000, s31;
	s1 =	sadd.s32 s1, s30  }
0xc9: {  	s0 =	sor.u32 s4, s0;
	s1 =	sshll.u32 s1, $0x11  }
0xca: {  	s0 =	sor.u32 s1, s0  }
0xcb: {  	s0 =	sadd.s32 $0x8F2B, s0  }
0xcc: {  	[sflag:s0] =	ssyncadd.remote.s32 $0x1  }
0xcd: {  	_ =	sfence.sel $0xFFFF  }
0xce: {  	[dreg:$0x0] =	wrdreg $0xFFFFFFFF;
	(pc) =	sbr.abs _section_cstart, $3  }
0xcf: {  	[dreg:$0x1] =	wrdreg $0xFFFFFFFF  }
0xd0: {  	_ =	task.clear_ibuf [dreg:s22], $0x2FFFF;
	_ =	strace $0x9FFFFFFF  }
0xd1: {  	(tm) =	ssettm $0x7FFFFFFF  }
tec
execute0_lowered:
.L_overlay_start_1:
0x0: {  	(tag) =	ssettag $0x1  }
0x1: {  	s0 =	rddreg [dreg:$0x1]  }
0x2: {  	s3 =	simm.s32 $0x0;
	s1 =	srdreg.scid;
	s4 =	stileid.u32  }
0x3: {  	s8 =	simm.s32 $0x2;
	s9 =	simm.s32 $0x80;
	s10 =	simm.s32 $0x500  }
0x4: {  	s11 =	simm.s32 $0x1500;
	s12 =	simm.s32 $0x100;
	s13 =	simm.s32 $0x2500  }
0x5: {  	s14 =	simm.s32 $0x180;
	s15 =	simm.s32 $0x3500;
	s16 =	simm.s32 $0x200  }
0x6: {  	s17 =	simm.s32 $0x4500;
	s18 =	simm.s32 $0x280;
	s19 =	simm.s32 $0x5500  }
0x7: {  	s20 =	simm.s32 $0x300;
	s21 =	simm.s32 $0x6500;
	s22 =	simm.s32 $0x380  }
0x8: {  	s23 =	simm.s32 $0x7500;
	s24 =	simm.s32 $0x400;
	s25 =	simm.s32 $0x8500  }
0x9: {  	s26 =	simm.s32 $0x480;
	s28 =	simm.s32 $0x9500;
	s1 =	sand.u32 $0x1, s1  }
0xa: {  	s29 =	simm.s32 $0x1;
	s30 =	simm.s32 $0xA500;
	s2 =	ssub.s32 $0x2, s1  }
0xb: {  	[smem:$0x7FF] =	sst s3;
	s5 =	sshll.u32 s4, $0x1;
	s6 =	sshrl.u32 s2, $0x1  }
0xc: {  	s4 =	sadd.s32 $0xFB7E00, s0;
	_ =	strace $0x80000050;
	s31 =	ssub.s32 s2, s6  }
0xd: {  	s1 =	sor.u32 s1, s5;
	s5 =	sadd.s32 $0x1AA00, s0;
	s0 =	smax.u32 s31, $0x1  }
0xe: {  	s6 =	smul.u32 $0xC, s1;
	s1 =	simm.s32 $0x0;
	[dreg:$0x3] =	wrdreg s0  }
.LBB2_1:
0xf: {  	[dreg:$0x4] =	wrdreg s1;
	s0 =	simm.s32 $0x0  }
.LBB2_2:
0x10: {  	s2 =	sadd.s32 s6, s0  }
0x11: {  	s1 =	smul.u32 $0x500, s2;
	_ =	sdelay $0x1  }
0x12: {  	s7 =	rddreg [dreg:$0x0];
	s1 =	sshrl.u32 s1, $0x3  }
0x13: {  	s1 =	sadd.s32 s7, s1  }
0x14: {  	s7 =	simm.s32 $0x0;
	s1 =	sadd.s32 $0x32000, s1  }
0x15: {  	[tilespmem:s7], [sflag:$0x2] =	stream.linear.gather [hbm4b:s1+s7], $0x500, $0x38;
	[tilespmem:$0xAD00] =	vst v63  }
0x16: {  	s1 =	sshrl.u32 s2, $0x6  }
0x17: {  	_ =	swait.ge [sflag:s8], $0x500;
	s1 =	smul.u32 $0xC3800, s1  }
0x18: {  	[sflag:s8] =	ssyncset.done $0x0  }
0x19: {  	[sflag:s8] =	ssyncadd.s32 $0xFFFFFB00;
	s1 =	sadd.s32 s4, s1  }
0x1a: {  	[tilespmem:s10], [sflag:$0x1] =	stream.indirect.gather [hbm4b:s1+s9], $0x20, s7, s9, $0xb8;
	[tilespmem:$0xAD00] =	vst v63  }
0x1b: {  	_ = 	snop  }
0x1c: {  	[tilespmem:s11], [sflag:$0x1] =	stream.indirect.gather [hbm4b:s1+s9], $0x20, s9, s9, $0xb8;
	[tilespmem:$0xAD00] =	vst v63  }
0x1d: {  	_ = 	snop  }
0x1e: {  	[tilespmem:s13], [sflag:$0x1] =	stream.indirect.gather [hbm4b:s1+s9], $0x20, s12, s9, $0xb8;
	[tilespmem:$0xAD00] =	vst v63  }
0x1f: {  	_ = 	snop  }
0x20: {  	[tilespmem:s15], [sflag:$0x1] =	stream.indirect.gather [hbm4b:s1+s9], $0x20, s14, s9, $0xb8;
	[tilespmem:$0xAD00] =	vst v63  }
0x21: {  	_ = 	snop  }
0x22: {  	[tilespmem:s17], [sflag:$0x1] =	stream.indirect.gather [hbm4b:s1+s9], $0x20, s16, s9, $0xb8;
	[tilespmem:$0xAD00] =	vst v63  }
0x23: {  	_ = 	snop  }
0x24: {  	[tilespmem:s19], [sflag:$0x1] =	stream.indirect.gather [hbm4b:s1+s9], $0x20, s18, s9, $0xb8;
	[tilespmem:$0xAD00] =	vst v63  }
0x25: {  	_ = 	snop  }
0x26: {  	[tilespmem:s21], [sflag:$0x1] =	stream.indirect.gather [hbm4b:s1+s9], $0x20, s20, s9, $0xb8;
	[tilespmem:$0xAD00] =	vst v63  }
0x27: {  	_ = 	snop  }
0x28: {  	[tilespmem:s23], [sflag:$0x1] =	stream.indirect.gather [hbm4b:s1+s9], $0x20, s22, s9, $0xb8;
	[tilespmem:$0xAD00] =	vst v63  }
0x29: {  	_ = 	snop  }
0x2a: {  	[tilespmem:s25], [sflag:$0x1] =	stream.indirect.gather [hbm4b:s1+s9], $0x20, s24, s9, $0xb8;
	[tilespmem:$0xAD00] =	vst v63  }
0x2b: {  	_ = 	snop  }
0x2c: {  	[tilespmem:s28], [sflag:$0x1] =	stream.indirect.gather [hbm4b:s1+s9], $0x20, s26, s9, $0xb8;
	[tilespmem:$0xAD00] =	vst v63  }
0x2d: {  	_ =	swait.ge [sflag:s29], $0x1000  }
0x2e: {  	[sflag:s29] =	ssyncset.done $0x0  }
0x2f: {  	[sflag:s29] =	ssyncadd.s32 $0xFFFFF000  }
0x30: {  	_ =	swait.ge [sflag:s29], $0x1000  }
0x31: {  	[sflag:s29] =	ssyncset.done $0x0  }
0x32: {  	[sflag:s29] =	ssyncadd.s32 $0xFFFFF000  }
0x33: {  	_ =	swait.ge [sflag:s29], $0x1000  }
0x34: {  	[sflag:s29] =	ssyncset.done $0x0  }
0x35: {  	[sflag:s29] =	ssyncadd.s32 $0xFFFFF000  }
0x36: {  	_ =	swait.ge [sflag:s29], $0x1000  }
0x37: {  	[sflag:s29] =	ssyncset.done $0x0  }
0x38: {  	[sflag:s29] =	ssyncadd.s32 $0xFFFFF000  }
0x39: {  	_ =	swait.ge [sflag:s29], $0x1000  }
0x3a: {  	[sflag:s29] =	ssyncset.done $0x0  }
0x3b: {  	[sflag:s29] =	ssyncadd.s32 $0xFFFFF000  }
0x3c: {  	_ =	swait.ge [sflag:s29], $0x1000  }
0x3d: {  	[sflag:s29] =	ssyncset.done $0x0  }
0x3e: {  	[sflag:s29] =	ssyncadd.s32 $0xFFFFF000  }
0x3f: {  	_ =	swait.ge [sflag:s29], $0x1000  }
0x40: {  	[sflag:s29] =	ssyncset.done $0x0  }
0x41: {  	[sflag:s29] =	ssyncadd.s32 $0xFFFFF000  }
0x42: {  	_ =	swait.ge [sflag:s29], $0x1000  }
0x43: {  	[sflag:s29] =	ssyncset.done $0x0  }
0x44: {  	[sflag:s29] =	ssyncadd.s32 $0xFFFFF000  }
0x45: {  	_ =	swait.ge [sflag:s29], $0x1000  }
0x46: {  	[sflag:s29] =	ssyncset.done $0x0  }
0x47: {  	[sflag:s29] =	ssyncadd.s32 $0xFFFFF000  }
0x48: {  	_ =	swait.ge [sflag:s29], $0x1000  }
0x49: {  	[sflag:s29] =	ssyncset.done $0x0  }
0x4a: {  	s7 =	simm.s32 $0x640;
	[sflag:s29] =	ssyncadd.s32 $0xFFFFF000  }
0x4b: {  	v0 =	vld [tilespmem:s7+$0xFFFFFEF0]  }
0x4c: {  	v1 =	vld [tilespmem:s7+$0xFFFFFEC0]  }
0x4d: {  	v2 =	vld [tilespmem:s7+$0xFFFFFEE0]  }
0x4e: {  	v3 =	vld [tilespmem:s7+$0xFFFFFED0]  }
0x4f: {  	v4 =	vld [tilespmem:s7+$0xFFFFFF00]  }
0x50: {  	v5 =	vld [tilespmem:s7+$0xFFFFFF10]  }
0x51: {  	v6 =	vld [tilespmem:s7+$0xFFFFFF20]  }
0x52: {  	v7 =	vld [tilespmem:s7+$0xFFFFFF40];
	v1 =	vadd.f32 v2, v1  }
0x53: {  	v2 =	vld [tilespmem:s7+$0xFFFFFF30]  }
0x54: {  	v44 =	vld [tilespmem:s7+$0xFFFFFF60];
	v0 =	vadd.f32 v0, v3;
	v1 =	vadd.f32 v4, v1  }
0x55: {  	v3 =	vld [tilespmem:s7+$0xFFFFFF50]  }
0x56: {  	v45 =	vld [tilespmem:s7+$0xFFFFFF70];
	v0 =	vadd.f32 v5, v0;
	v1 =	vadd.f32 v6, v1  }
0x57: {  	v46 =	vld [tilespmem:s7+$0xFFFFFF80]  }
0x58: {  	v47 =	vld [tilespmem:s7+$0xFFFFFFA0];
	v0 =	vadd.f32 v2, v0;
	v1 =	vadd.f32 v7, v1  }
0x59: {  	v2 =	vld [tilespmem:s7+$0xFFFFFF90]  }
0x5a: {  	v48 =	vld [tilespmem:s7+$0xFFFFFFC0];
	v0 =	vadd.f32 v3, v0;
	v1 =	vadd.f32 v44, v1  }
0x5b: {  	v3 =	vld [tilespmem:s7+$0xFFFFFFB0]  }
0x5c: {  	v49 =	vld [tilespmem:s7+$0xFFFFFFD0];
	v0 =	vadd.f32 v45, v0;
	v1 =	vadd.f32 v46, v1  }
0x5d: {  	v50 =	vld [tilespmem:s7+$0xFFFFFFE0]  }
0x5e: {  	v51 =	vld [tilespmem:s7+$0x0];
	v0 =	vadd.f32 v2, v0;
	v1 =	vadd.f32 v47, v1  }
0x5f: {  	v2 =	vld [tilespmem:s7+$0xFFFFFFF0]  }
0x60: {  	v52 =	vld [tilespmem:s7+$0x20];
	v0 =	vadd.f32 v3, v0;
	v1 =	vadd.f32 v48, v1  }
0x61: {  	v3 =	vld [tilespmem:s7+$0x10]  }
0x62: {  	v53 =	vld [tilespmem:s7+$0x30];
	v0 =	vadd.f32 v49, v0;
	v1 =	vadd.f32 v50, v1  }
0x63: {  	v54 =	vld [tilespmem:s7+$0x40]  }
0x64: {  	v55 =	vld [tilespmem:s7+$0x60];
	v0 =	vadd.f32 v2, v0;
	v1 =	vadd.f32 v51, v1  }
0x65: {  	v2 =	vld [tilespmem:s7+$0x50]  }
0x66: {  	v56 =	vld [tilespmem:s7+$0x80];
	v0 =	vadd.f32 v3, v0;
	v1 =	vadd.f32 v52, v1  }
0x67: {  	v3 =	vld [tilespmem:s7+$0x70]  }
0x68: {  	v57 =	vld [tilespmem:s7+$0x90];
	v0 =	vadd.f32 v53, v0;
	v1 =	vadd.f32 v54, v1  }
0x69: {  	v58 =	vld [tilespmem:s7+$0xA0]  }
0x6a: {  	v59 =	vld [tilespmem:s7+$0xC0];
	v0 =	vadd.f32 v2, v0;
	v1 =	vadd.f32 v55, v1  }
0x6b: {  	v2 =	vld [tilespmem:s7+$0xB0]  }
0x6c: {  	v60 =	vld [tilespmem:s7+$0xE0];
	v0 =	vadd.f32 v3, v0;
	v1 =	vadd.f32 v56, v1  }
0x6d: {  	v3 =	vld [tilespmem:s7+$0xD0]  }
0x6e: {  	v61 =	vld [tilespmem:s7+$0xF0];
	v0 =	vadd.f32 v57, v0;
	v1 =	vadd.f32 v58, v1  }
0x6f: {  	v62 =	vld [tilespmem:s7+$0x100]  }
0x70: {  	v63 =	vld [tilespmem:s7+$0x120];
	v0 =	vadd.f32 v2, v0;
	v1 =	vadd.f32 v59, v1  }
0x71: {  	v2 =	vld [tilespmem:s7+$0x110]  }
0x72: {  	v0 =	vadd.f32 v3, v0;
	v1 =	vadd.f32 v60, v1  }
0x73: {  	v3 =	vld [tilespmem:s7+$0x130]  }
0x74: {  	v0 =	vadd.f32 v61, v0;
	v1 =	vadd.f32 v62, v1;
	_ =	sdelay $0x1  }
0x75: {  	v0 =	vadd.f32 v2, v0;
	v1 =	vadd.f32 v63, v1  }
0x76: {  	s1 =	simm.s32 $0x0  }
0x77: {  	s31 =	simm.s32 $0x80;
	v0 =	vadd.f32 v3, v0;
	[tilespmem:s1+$0xA500] =	vst v1  }
.LBB2_3:
0x78: {  	p0 =	sne.s32 s31, $0x1F80  }
0x79: {  	[tilespmem:s1+$0xA510] =	vst v0;
	s7 =	sadd.s32 $0x280, s7;
	s1 =	smov.u32 s31;
	s31 =	sadd.s32 $0x80, s31  }
0x7a: {  	v0 =	vld [tilespmem:s7+$0xFFFFFEF0]  }
0x7b: {  	v1 =	vld [tilespmem:s7+$0xFFFFFEC0]  }
0x7c: {  	v2 =	vld [tilespmem:s7+$0xFFFFFEE0]  }
0x7d: {  	v3 =	vld [tilespmem:s7+$0xFFFFFED0]  }
0x7e: {  	v4 =	vld [tilespmem:s7+$0xFFFFFF00]  }
0x7f: {  	v5 =	vld [tilespmem:s7+$0xFFFFFF10]  }
0x80: {  	v6 =	vld [tilespmem:s7+$0xFFFFFF20]  }
0x81: {  	v1 =	vadd.f32 v2, v1;
	v2 =	vld [tilespmem:s7+$0xFFFFFF30]  }
0x82: {  	v0 =	vadd.f32 v0, v3;
	v3 =	vld [tilespmem:s7+$0xFFFFFF40]  }
0x83: {  	v1 =	vadd.f32 v4, v1;
	v4 =	vld [tilespmem:s7+$0xFFFFFF50]  }
0x84: {  	v0 =	vadd.f32 v5, v0;
	v5 =	vld [tilespmem:s7+$0xFFFFFF60]  }
0x85: {  	v1 =	vadd.f32 v6, v1;
	v6 =	vld [tilespmem:s7+$0xFFFFFF70]  }
0x86: {  	v0 =	vadd.f32 v2, v0;
	v2 =	vld [tilespmem:s7+$0xFFFFFF80]  }
0x87: {  	v1 =	vadd.f32 v3, v1;
	v3 =	vld [tilespmem:s7+$0xFFFFFF90]  }
0x88: {  	v0 =	vadd.f32 v4, v0;
	v4 =	vld [tilespmem:s7+$0xFFFFFFA0]  }
0x89: {  	v1 =	vadd.f32 v5, v1;
	v5 =	vld [tilespmem:s7+$0xFFFFFFB0]  }
0x8a: {  	v0 =	vadd.f32 v6, v0;
	v6 =	vld [tilespmem:s7+$0xFFFFFFC0]  }
0x8b: {  	v1 =	vadd.f32 v2, v1;
	v2 =	vld [tilespmem:s7+$0xFFFFFFD0]  }
0x8c: {  	v0 =	vadd.f32 v3, v0;
	v3 =	vld [tilespmem:s7+$0xFFFFFFE0]  }
0x8d: {  	v1 =	vadd.f32 v4, v1;
	v4 =	vld [tilespmem:s7+$0xFFFFFFF0]  }
0x8e: {  	v0 =	vadd.f32 v5, v0;
	v5 =	vld [tilespmem:s7+$0x0]  }
0x8f: {  	v1 =	vadd.f32 v6, v1;
	v6 =	vld [tilespmem:s7+$0x10]  }
0x90: {  	v0 =	vadd.f32 v2, v0;
	v2 =	vld [tilespmem:s7+$0x20]  }
0x91: {  	v1 =	vadd.f32 v3, v1;
	v3 =	vld [tilespmem:s7+$0x30]  }
0x92: {  	v0 =	vadd.f32 v4, v0;
	v4 =	vld [tilespmem:s7+$0x40]  }
0x93: {  	v1 =	vadd.f32 v5, v1;
	v5 =	vld [tilespmem:s7+$0x50]  }
0x94: {  	v0 =	vadd.f32 v6, v0;
	v6 =	vld [tilespmem:s7+$0x60]  }
0x95: {  	v1 =	vadd.f32 v2, v1;
	v2 =	vld [tilespmem:s7+$0x70]  }
0x96: {  	v0 =	vadd.f32 v3, v0;
	v3 =	vld [tilespmem:s7+$0x80]  }
0x97: {  	v1 =	vadd.f32 v4, v1;
	v4 =	vld [tilespmem:s7+$0x90]  }
0x98: {  	v0 =	vadd.f32 v5, v0;
	v5 =	vld [tilespmem:s7+$0xA0]  }
0x99: {  	v1 =	vadd.f32 v6, v1;
	v6 =	vld [tilespmem:s7+$0xB0]  }
0x9a: {  	v0 =	vadd.f32 v2, v0;
	v2 =	vld [tilespmem:s7+$0xC0]  }
0x9b: {  	v1 =	vadd.f32 v3, v1;
	v3 =	vld [tilespmem:s7+$0xD0]  }
0x9c: {  	v0 =	vadd.f32 v4, v0;
	v4 =	vld [tilespmem:s7+$0xE0]  }
0x9d: {  	v1 =	vadd.f32 v5, v1;
	v5 =	vld [tilespmem:s7+$0xF0]  }
0x9e: {  	v0 =	vadd.f32 v6, v0;
	v6 =	vld [tilespmem:s7+$0x100]  }
0x9f: {  	v1 =	vadd.f32 v2, v1;
	v2 =	vld [tilespmem:s7+$0x110]  }
0xa0: {  	v0 =	vadd.f32 v3, v0;
	v3 =	vld [tilespmem:s7+$0x120]  }
0xa1: {  	v1 =	vadd.f32 v4, v1;
	v4 =	vld [tilespmem:s7+$0x130]  }
0xa2: {  	v0 =	vadd.f32 v5, v0  }
.Ltmp0:
0xa3: {  	v1 =	vadd.f32 v6, v1;
	(pc) =	sbr.rel @p0 .LBB2_3-.Ltmp0, $4  }
0xa4: {  	v0 =	vadd.f32 v2, v0  }
0xa5: {  	v1 =	vadd.f32 v3, v1  }
0xa6: {  	s1 =	sshra.s32 s1, $0x2;
	v0 =	vadd.f32 v4, v0  }
0xa7: {  	[tilespmem:s1+$0xA500] =	vst v1  }
0xa8: {  	s0 =	sadd.s32 $0x1, s0  }
0xa9: {  	s2 =	sshll.u32 s2, $0x8;
	p0 =	sne.s32 s0, $0xC  }
.Ltmp1:
0xaa: {  	[tilespmem:s1+$0xA510] =	vst v0;
	s31 =	sadd.s32 s5, s2;
	(pc) =	sbr.rel @p0 .LBB2_2-.Ltmp1, $4  }
0xab: {  	[hbm4b:s31+s3] =	stream.linear.scatter [tilespmem:s30], [sflag:$0x2], $0x800, $0x38;
	[tilespmem:$0xAD00] =	vst v63  }
0xac: {  	_ =	swait.ge [sflag:s8], $0x800  }
0xad: {  	[sflag:s8] =	ssyncset.done $0x0  }
0xae: {  	[sflag:s8] =	ssyncadd.s32 $0xFFFFF800  }
0xaf: {  	s1 =	rddreg [dreg:$0x4]  }
0xb0: {  	s0 =	rddreg [dreg:$0x3];
	s1 =	sadd.s32 $0x1, s1  }
0xb1: {  	p0 =	sne.s32 s1, s0  }
.Ltmp2:
0xb2: {  	_ = 	snop;
	(pc) =	sbr.rel @p0 .LBB2_1-.Ltmp2, $1  }
0xb3: {  	_ =	sdelay $0x3  }
0xb4: {  	_ =	sfence.sel $0x180000  }
0xb5: {  	[bflag:$0x0] =	sbarrier.arrive $0xFFFF  }
0xb6: {  	_ =	strace $0x90000050  }
0xb7: {  	s0 =	stileid.u32;
	[bflag:$0x2] =	sbarrier.arrive $0xFFFF  }
0xb8: {  	p0 =	sne.s32 s0, $0x0;
	s0 =	rddreg [dreg:$0x2]  }
0xb9: {  	s0 =	sadd.s32 @!p0 $0x100000, s0  }
0xba: {  	[sflag:s0] =	ssyncadd.tile.s32 @!p0 $0x1;
	_ =	shalt  }
.Lfunc_end2:
_tile_overlayer_lowered:
.L_overlay_start_2:
0xbb: {  	(tag) =	ssettag $0x2  }
0xbc: {  	s0 =	rddreg [dreg:$0x0];
	s2 =	stileid.u32  }
0xbd: {  	s1 =	rddreg [dreg:$0x1];
	p0 =	sne.s32 s2, $0x0  }
0xbe: {  	s3 =	rddreg [dreg:$0x2];
	[bflag:$0x3] =	sbarrier.arrive $0xFFFF;
	s2 =	simm.s32 @!p0 $0x1C02  }
0xbf: {  	[timem:s3], [sflag:s2] =	dma.local @!p0 [hbm:s0], s1  }
0xc0: {  	s0 =	simm.s32 @!p0 $0x2  }
0xc1: {  	_ =	swait.ge @!p0 [sflag:s0], s1  }
0xc2: {  	s1 =	ssub.s32 @!p0 $0x0, s1;
	[sflag:s0] =	ssyncset.done @!p0 $0x0  }
0xc3: {  	[sflag:s0] =	ssyncadd.s32 @!p0 s1  }
0xc4: {  	[bflag:$0x3] =	sbarrier.arrive $0xFFFF  }
0xc5: {  	_ =	shalt  }

</sc_bundles>
